<compile_context>
chip_gen: v7x
topology: tpu7x:2x2x1
jax: 0.10.2.dev20260603
libtpu: 0.0.44.dev20260713+nightly
codegen_flags: <defaults>
</compile_context>

<pallas_src>
import jax
import jax.numpy as jnp
from jax.experimental import pallas as pl

_T = 3
_H = 4
_C = 256
_S = 4
_HID = 128
_BLK = 1024


def _proj_kernel(x_ref, wq_ref, bq_ref, wk_ref, bk_ref, wv_ref, bv_ref,
                 ws_ref, bs_ref, q_ref, k_ref, v_ref, s_ref):
    x = x_ref[...]
    q_ref[0, :, :] = jnp.dot(x, wq_ref[0], preferred_element_type=jnp.float32) + bq_ref[0]
    k_ref[0, :, :] = jnp.dot(x, wk_ref[0], preferred_element_type=jnp.float32) + bk_ref[0]
    v_ref[0, :, :] = jnp.dot(x, wv_ref[0], preferred_element_type=jnp.float32) + bv_ref[0]
    s_ref[0, :, :] = jnp.dot(x, ws_ref[0], preferred_element_type=jnp.float32) + bs_ref[0]


def _gate_sem_kernel(u_ref, x_ref, wg_ref, bg_ref, w1_ref, b1_ref, w2_ref,
                     z_ref, w_ref):
    x = x_ref[...]
    in_dim = x.shape[1]
    zs = []
    for t in range(_T):
        u_t = u_ref[:, t * _C:(t + 1) * _C]
        a = jax.nn.sigmoid(
            jnp.dot(u_t, wg_ref[:_C, :], preferred_element_type=jnp.float32)
            + jnp.dot(x, wg_ref[_C:, :], preferred_element_type=jnp.float32)
            + bg_ref[0])
        z_t = jnp.tanh(u_t) * a + x * (1.0 - a)
        zs.append(z_t)
        z_ref[:, t * _C:(t + 1) * _C] = z_t
    cols = []
    for h in range(_S):
        for t in range(_T):
            t1 = jnp.tanh(
                jnp.dot(zs[t], w1_ref[h], preferred_element_type=jnp.float32)
                + b1_ref[h])
            cols.append(jnp.sum(t1 * w2_ref[h], axis=1, keepdims=True))
    w_ref[...] = jnp.concatenate(cols, axis=1)


def _combine_kernel(z_ref, c_ref, o_ref):
    prod = z_ref[...] * c_ref[0]
    o_ref[...] = prod[:, :_C] + prod[:, _C:2 * _C] + prod[:, 2 * _C:]


def kernel(features, edge_index, edge_type, Wq, bq, Wk, bk, Wv, bv, Ws, bs,
           Wg, bg, W1, b1, W2):
    n, in_dim = features.shape
    e = edge_type.shape[0]
    hc = Wq.shape[-1]
    nb = -(-n // _BLK)
    npad = nb * _BLK
    f32 = jnp.float32
    xp = jnp.pad(features, ((0, npad - n), (0, 0)))

    q, k, v, s = pl.pallas_call(
        _proj_kernel,
        grid=(_T, nb),
        in_specs=[
            pl.BlockSpec((_BLK, in_dim), lambda t, i: (i, 0)),
            pl.BlockSpec((1, in_dim, hc), lambda t, i: (t, 0, 0)),
            pl.BlockSpec((1, 1, hc), lambda t, i: (t, 0, 0)),
            pl.BlockSpec((1, in_dim, hc), lambda t, i: (t, 0, 0)),
            pl.BlockSpec((1, 1, hc), lambda t, i: (t, 0, 0)),
            pl.BlockSpec((1, in_dim, hc), lambda t, i: (t, 0, 0)),
            pl.BlockSpec((1, 1, hc), lambda t, i: (t, 0, 0)),
            pl.BlockSpec((1, in_dim, _C), lambda t, i: (t, 0, 0)),
            pl.BlockSpec((1, 1, _C), lambda t, i: (t, 0, 0)),
        ],
        out_specs=[
            pl.BlockSpec((1, _BLK, hc), lambda t, i: (t, i, 0)),
            pl.BlockSpec((1, _BLK, hc), lambda t, i: (t, i, 0)),
            pl.BlockSpec((1, _BLK, hc), lambda t, i: (t, i, 0)),
            pl.BlockSpec((1, _BLK, _C), lambda t, i: (t, i, 0)),
        ],
        out_shape=[
            jax.ShapeDtypeStruct((_T, npad, hc), f32),
            jax.ShapeDtypeStruct((_T, npad, hc), f32),
            jax.ShapeDtypeStruct((_T, npad, hc), f32),
            jax.ShapeDtypeStruct((_T, npad, _C), f32),
        ],
    )(xp, Wq, bq.reshape(_T, 1, hc), Wk, bk.reshape(_T, 1, hc),
      Wv, bv.reshape(_T, 1, hc), Ws, bs.reshape(_T, 1, _C))

    src = edge_index[0]
    dst = edge_index[1]
    et = edge_type
    qd = q[et, dst].reshape(e, _H, _C)
    ks = k[et, src].reshape(e, _H, _C)
    vs = v[et, src].reshape(e, _H, _C)
    alpha = jnp.sum(qd * ks, axis=-1) * (1.0 / 16.0)
    seg = dst * _T + et
    nseg = n * _T
    amax = jax.ops.segment_max(alpha, seg, num_segments=nseg)
    amax = jnp.where(jnp.isfinite(amax), amax, 0.0)
    ex = jnp.exp(alpha - amax[seg])
    den = jax.ops.segment_sum(ex, seg, num_segments=nseg)
    att = ex / (den[seg] + 1e-16)
    m = jax.ops.segment_sum(vs * att[:, :, None], seg, num_segments=nseg)
    u = m.reshape(n, _T, _H, _C).mean(axis=2)
    u = u + s[:, :n].transpose(1, 0, 2)
    up = jnp.pad(u.reshape(n, _T * _C), ((0, npad - n), (0, 0)))

    z, wps = pl.pallas_call(
        _gate_sem_kernel,
        grid=(nb,),
        in_specs=[
            pl.BlockSpec((_BLK, _T * _C), lambda i: (i, 0)),
            pl.BlockSpec((_BLK, in_dim), lambda i: (i, 0)),
            pl.BlockSpec(Wg.shape, lambda i: (0, 0)),
            pl.BlockSpec((1, in_dim), lambda i: (0, 0)),
            pl.BlockSpec((_S, _C, _HID), lambda i: (0, 0, 0)),
            pl.BlockSpec((_S, 1, _HID), lambda i: (0, 0, 0)),
            pl.BlockSpec((_S, 1, _HID), lambda i: (0, 0, 0)),
        ],
        out_specs=[
            pl.BlockSpec((_BLK, _T * _C), lambda i: (i, 0)),
            pl.BlockSpec((_BLK, _S * _T), lambda i: (i, 0)),
        ],
        out_shape=[
            jax.ShapeDtypeStruct((npad, _T * _C), f32),
            jax.ShapeDtypeStruct((npad, _S * _T), f32),
        ],
    )(up, xp, Wg, bg.reshape(1, in_dim), W1, b1.reshape(_S, 1, _HID),
      W2.transpose(0, 2, 1))

    w = wps[:n].mean(axis=0).reshape(_S, _T)
    beta = jax.nn.softmax(w, axis=1)
    coef = beta.mean(axis=0)
    coef_row = jnp.repeat(coef, _C)[None, :]

    out = pl.pallas_call(
        _combine_kernel,
        grid=(nb,),
        in_specs=[
            pl.BlockSpec((_BLK, _T * _C), lambda i: (i, 0)),
            pl.BlockSpec((1, _T * _C), lambda i: (0, 0)),
        ],
        out_specs=pl.BlockSpec((_BLK, _C), lambda i: (i, 0)),
        out_shape=jax.ShapeDtypeStruct((npad, _C), f32),
    )(z, coef_row)
    return out[:n]

# --- scband reference (transcript-rebuilt; emitter-appended) ---
"""Pipeline reference for scband-rgtlayer-84189948936410 (READ-ONLY COPY).

The authoritative reference and input builder live on the scoring server;
editing this copy changes nothing except your own understanding.
"""

import jax, jax.numpy as jnp
import numpy as np

T = 3      # num_edge_type
H = 4      # trans_heads
C = 256    # out_channels
IN = 256   # in_channels
S = 4      # semantic heads
HID = 128  # semantic attention hidden size
N = 10000
E = 160000


def setup_inputs(seed: int = 0) -> dict:
    key = jax.random.key(seed)
    k = jax.random.split(key, 12)
    inp = {}
    inp['features'] = jax.random.normal(k[0], (N, IN), dtype=jnp.float32)
    inp['edge_index'] = jax.random.randint(k[1], (2, E), 0, N, dtype=jnp.int32)
    inp['edge_type'] = jax.random.randint(k[2], (E,), 0, T, dtype=jnp.int32)
    s_in = 1.0 / np.sqrt(IN)
    inp['Wq'] = jax.random.normal(k[3], (T, IN, H * C), dtype=jnp.float32) * s_in
    inp['bq'] = jnp.zeros((T, H * C), dtype=jnp.float32)
    inp['Wk'] = jax.random.normal(k[4], (T, IN, H * C), dtype=jnp.float32) * s_in
    inp['bk'] = jnp.zeros((T, H * C), dtype=jnp.float32)
    inp['Wv'] = jax.random.normal(k[5], (T, IN, H * C), dtype=jnp.float32) * s_in
    inp['bv'] = jnp.zeros((T, H * C), dtype=jnp.float32)
    inp['Ws'] = jax.random.normal(k[6], (T, IN, C), dtype=jnp.float32) * s_in
    inp['bs'] = jnp.zeros((T, C), dtype=jnp.float32)
    inp['Wg'] = jax.random.normal(k[7], (IN + C, IN), dtype=jnp.float32) * (1.0 / np.sqrt(IN + C))
    inp['bg'] = jnp.zeros((IN,), dtype=jnp.float32)
    inp['W1'] = jax.random.normal(k[8], (S, C, HID), dtype=jnp.float32) * (1.0 / np.sqrt(C))
    inp['b1'] = jnp.zeros((S, HID), dtype=jnp.float32)
    inp['W2'] = jax.random.normal(k[9], (S, HID, 1), dtype=jnp.float32) * (1.0 / np.sqrt(HID))
    return inp


def _transformer_conv(x, src, dst, mask, Wq, bq, Wk, bk, Wv, bv, Ws, bs):
    # PyG TransformerConv, heads=H, concat=False, root_weight=True, dropout=0
    n = x.shape[0]
    q = (x @ Wq + bq).reshape(n, H, C)
    kk = (x @ Wk + bk).reshape(n, H, C)
    v = (x @ Wv + bv).reshape(n, H, C)
    alpha = (q[dst] * kk[src]).sum(-1) / jnp.sqrt(float(C))  # [e, H]
    alpha = jnp.where(mask[:, None], alpha, -jnp.inf)
    amax = jax.ops.segment_max(alpha, dst, num_segments=n)
    amax = jnp.where(jnp.isfinite(amax), amax, 0.0)
    ex = jnp.exp(alpha - amax[dst])
    den = jax.ops.segment_sum(ex, dst, num_segments=n)
    att = ex / (den[dst] + 1e-16)
    out = jax.ops.segment_sum(v[src] * att[:, :, None], dst, num_segments=n)  # [n, H, C]
    out = out.mean(axis=1)  # concat=False -> mean over heads
    return out + x @ Ws + bs  # root/skip connection


def reference(features, edge_index, edge_type, Wq, bq, Wk, bk, Wv, bv, Ws, bs, Wg, bg, W1, b1, W2):
    src_all = jnp.asarray(edge_index[0])
    dst_all = jnp.asarray(edge_index[1])
    embs = []
    for i in range(T):
        mask = edge_type == i
        u = _transformer_conv(features, src_all, dst_all, mask, Wq[i], bq[i], Wk[i], bk[i], Wv[i], bv[i], Ws[i], bs[i])
        a = jax.nn.sigmoid(jnp.concatenate([u, features], axis=1) @ Wg + bg)
        embs.append(jnp.tanh(u) * a + features * (1.0 - a))
    z = jnp.stack(embs, axis=1)  # [N, T, C]
    out = jnp.zeros((z.shape[0], C), dtype=z.dtype)
    for h in range(S):
        w = (jnp.tanh(z @ W1[h] + b1[h]) @ W2[h]).mean(0)  # [T, 1]
        beta = jax.nn.softmax(w, axis=0)                   # [T, 1]
        out = out + (beta[None, :, :] * z).sum(1)
    return out / float(S)

if __name__ == "__main__":
    import jax
    _d = setup_inputs()
    print(jax.jit(kernel)(*tuple(_d.values())))

</pallas_src>

<mosaic_0001>
module attributes {stable_mosaic.version = 14 : i64} {
  func.func @_proj_kernel(%arg0: i32, %arg1: i32, %arg2: memref<1024x256xf32, #tpu.memory_space<vmem>>, %arg3: memref<1x256x1024xf32, #tpu.memory_space<vmem>>, %arg4: memref<1x1x1024xf32, #tpu.memory_space<vmem>>, %arg5: memref<1x256x1024xf32, #tpu.memory_space<vmem>>, %arg6: memref<1x1x1024xf32, #tpu.memory_space<vmem>>, %arg7: memref<1x256x1024xf32, #tpu.memory_space<vmem>>, %arg8: memref<1x1x1024xf32, #tpu.memory_space<vmem>>, %arg9: memref<1x256x256xf32, #tpu.memory_space<vmem>>, %arg10: memref<1x1x256xf32, #tpu.memory_space<vmem>>, %arg11: memref<1x1024x1024xf32, #tpu.memory_space<vmem>>, %arg12: memref<1x1024x1024xf32, #tpu.memory_space<vmem>>, %arg13: memref<1x1024x1024xf32, #tpu.memory_space<vmem>>, %arg14: memref<1x1024x256xf32, #tpu.memory_space<vmem>>) attributes {dimension_semantics = [#tpu.dimension_semantics<arbitrary>, #tpu.dimension_semantics<arbitrary>], iteration_bounds = array<i64: 3, 10>, scalar_prefetch = 0 : i64, scratch_operands = 0 : i64, tpu.core_type = #tpu.core_type<tc>, window_params = [{transform_indices = @transform_0, window_bounds = array<i64: 1024, 256>}, {transform_indices = @transform_1, window_bounds = array<i64: 1, 256, 1024>}, {transform_indices = @transform_2, window_bounds = array<i64: 1, 1, 1024>}, {transform_indices = @transform_3, window_bounds = array<i64: 1, 256, 1024>}, {transform_indices = @transform_4, window_bounds = array<i64: 1, 1, 1024>}, {transform_indices = @transform_5, window_bounds = array<i64: 1, 256, 1024>}, {transform_indices = @transform_6, window_bounds = array<i64: 1, 1, 1024>}, {transform_indices = @transform_7, window_bounds = array<i64: 1, 256, 256>}, {transform_indices = @transform_8, window_bounds = array<i64: 1, 1, 256>}, {transform_indices = @transform_9, window_bounds = array<i64: 1, 1024, 1024>}, {transform_indices = @transform_10, window_bounds = array<i64: 1, 1024, 1024>}, {transform_indices = @transform_11, window_bounds = array<i64: 1, 1024, 1024>}, {transform_indices = @transform_12, window_bounds = array<i64: 1, 1024, 256>}]} {
    %get3A = arith.constant 0 : index
    %get3A_0 = arith.constant 0 : index
    %get3A_1 = vector.load %arg2[%get3A, %get3A_0] : memref<1024x256xf32, #tpu.memory_space<vmem>>, vector<1024x256xf32>
    %get3A_2 = arith.constant 0 : index
    %get3A_3 = arith.constant 0 : index
    %get3A_4 = arith.constant 0 : index
    %get3A_5 = vector.load %arg3[%get3A_2, %get3A_3, %get3A_4] : memref<1x256x1024xf32, #tpu.memory_space<vmem>>, vector<1x256x1024xf32>
    %get3A_6 = vector.shape_cast %get3A_5 : vector<1x256x1024xf32> to vector<256x1024xf32>
    %dot_general3A = arith.constant dense<0.000000e+00> : vector<1024x1024xf32>
    %dot_general3A_7 = tpu.matmul %get3A_1, %get3A_6, %dot_general3A {dimension_numbers = #tpu.dot_dimension_numbers<[1], [0], [0], [1], [0, 0, 1, 1], [], []>, transpose_lhs_hint = false} : vector<1024x256xf32>, vector<256x1024xf32>, vector<1024x1024xf32> -> vector<1024x1024xf32>
    %get3A_8 = arith.constant 0 : index
    %get3A_9 = arith.constant 0 : index
    %get3A_10 = arith.constant 0 : index
    %get3A_11 = vector.load %arg4[%get3A_8, %get3A_9, %get3A_10] : memref<1x1x1024xf32, #tpu.memory_space<vmem>>, vector<1x1x1024xf32>
    %get3A_12 = vector.shape_cast %get3A_11 : vector<1x1x1024xf32> to vector<1x1024xf32>
    %add3A = vector.broadcast %get3A_12 : vector<1x1024xf32> to vector<1024x1024xf32>
    %add3A_13 = arith.addf %dot_general3A_7, %add3A : vector<1024x1024xf32>
    %swap3A = arith.constant 0 : index
    %swap3A_14 = arith.constant 0 : index
    %swap3A_15 = arith.constant 0 : index
    %swap3A_16 = vector.load %arg11[%swap3A, %swap3A_14, %swap3A_15] : memref<1x1024x1024xf32, #tpu.memory_space<vmem>>, vector<1x1024x1024xf32>
    %swap3A_17 = vector.shape_cast %swap3A_16 : vector<1x1024x1024xf32> to vector<1024x1024xf32>
    %swap3A_18 = vector.shape_cast %add3A_13 : vector<1024x1024xf32> to vector<1x1024x1024xf32>
    tpu.vector_store %arg11[%swap3A, %swap3A_14, %swap3A_15], %swap3A_18 {strides = array<i32>} : memref<1x1024x1024xf32, #tpu.memory_space<vmem>>, vector<1x1024x1024xf32>,
    %get3A_19 = arith.constant 0 : index
    %get3A_20 = arith.constant 0 : index
    %get3A_21 = arith.constant 0 : index
    %get3A_22 = vector.load %arg5[%get3A_19, %get3A_20, %get3A_21] : memref<1x256x1024xf32, #tpu.memory_space<vmem>>, vector<1x256x1024xf32>
    %get3A_23 = vector.shape_cast %get3A_22 : vector<1x256x1024xf32> to vector<256x1024xf32>
    %dot_general3A_24 = arith.constant dense<0.000000e+00> : vector<1024x1024xf32>
    %dot_general3A_25 = tpu.matmul %get3A_1, %get3A_23, %dot_general3A_24 {dimension_numbers = #tpu.dot_dimension_numbers<[1], [0], [0], [1], [0, 0, 1, 1], [], []>, transpose_lhs_hint = false} : vector<1024x256xf32>, vector<256x1024xf32>, vector<1024x1024xf32> -> vector<1024x1024xf32>
    %get3A_26 = arith.constant 0 : index
    %get3A_27 = arith.constant 0 : index
    %get3A_28 = arith.constant 0 : index
    %get3A_29 = vector.load %arg6[%get3A_26, %get3A_27, %get3A_28] : memref<1x1x1024xf32, #tpu.memory_space<vmem>>, vector<1x1x1024xf32>
    %get3A_30 = vector.shape_cast %get3A_29 : vector<1x1x1024xf32> to vector<1x1024xf32>
    %add3A_31 = vector.broadcast %get3A_30 : vector<1x1024xf32> to vector<1024x1024xf32>
    %add3A_32 = arith.addf %dot_general3A_25, %add3A_31 : vector<1024x1024xf32>
    %swap3A_33 = arith.constant 0 : index
    %swap3A_34 = arith.constant 0 : index
    %swap3A_35 = arith.constant 0 : index
    %swap3A_36 = vector.load %arg12[%swap3A_33, %swap3A_34, %swap3A_35] : memref<1x1024x1024xf32, #tpu.memory_space<vmem>>, vector<1x1024x1024xf32>
    %swap3A_37 = vector.shape_cast %swap3A_36 : vector<1x1024x1024xf32> to vector<1024x1024xf32>
    %swap3A_38 = vector.shape_cast %add3A_32 : vector<1024x1024xf32> to vector<1x1024x1024xf32>
    tpu.vector_store %arg12[%swap3A_33, %swap3A_34, %swap3A_35], %swap3A_38 {strides = array<i32>} : memref<1x1024x1024xf32, #tpu.memory_space<vmem>>, vector<1x1024x1024xf32>,
    %get3A_39 = arith.constant 0 : index
    %get3A_40 = arith.constant 0 : index
    %get3A_41 = arith.constant 0 : index
    %get3A_42 = vector.load %arg7[%get3A_39, %get3A_40, %get3A_41] : memref<1x256x1024xf32, #tpu.memory_space<vmem>>, vector<1x256x1024xf32>
    %get3A_43 = vector.shape_cast %get3A_42 : vector<1x256x1024xf32> to vector<256x1024xf32>
    %dot_general3A_44 = arith.constant dense<0.000000e+00> : vector<1024x1024xf32>
    %dot_general3A_45 = tpu.matmul %get3A_1, %get3A_43, %dot_general3A_44 {dimension_numbers = #tpu.dot_dimension_numbers<[1], [0], [0], [1], [0, 0, 1, 1], [], []>, transpose_lhs_hint = false} : vector<1024x256xf32>, vector<256x1024xf32>, vector<1024x1024xf32> -> vector<1024x1024xf32>
    %get3A_46 = arith.constant 0 : index
    %get3A_47 = arith.constant 0 : index
    %get3A_48 = arith.constant 0 : index
    %get3A_49 = vector.load %arg8[%get3A_46, %get3A_47, %get3A_48] : memref<1x1x1024xf32, #tpu.memory_space<vmem>>, vector<1x1x1024xf32>
    %get3A_50 = vector.shape_cast %get3A_49 : vector<1x1x1024xf32> to vector<1x1024xf32>
    %add3A_51 = vector.broadcast %get3A_50 : vector<1x1024xf32> to vector<1024x1024xf32>
    %add3A_52 = arith.addf %dot_general3A_45, %add3A_51 : vector<1024x1024xf32>
    %swap3A_53 = arith.constant 0 : index
    %swap3A_54 = arith.constant 0 : index
    %swap3A_55 = arith.constant 0 : index
    %swap3A_56 = vector.load %arg13[%swap3A_53, %swap3A_54, %swap3A_55] : memref<1x1024x1024xf32, #tpu.memory_space<vmem>>, vector<1x1024x1024xf32>
    %swap3A_57 = vector.shape_cast %swap3A_56 : vector<1x1024x1024xf32> to vector<1024x1024xf32>
    %swap3A_58 = vector.shape_cast %add3A_52 : vector<1024x1024xf32> to vector<1x1024x1024xf32>
    tpu.vector_store %arg13[%swap3A_53, %swap3A_54, %swap3A_55], %swap3A_58 {strides = array<i32>} : memref<1x1024x1024xf32, #tpu.memory_space<vmem>>, vector<1x1024x1024xf32>,
    %get3A_59 = arith.constant 0 : index
    %get3A_60 = arith.constant 0 : index
    %get3A_61 = arith.constant 0 : index
    %get3A_62 = vector.load %arg9[%get3A_59, %get3A_60, %get3A_61] : memref<1x256x256xf32, #tpu.memory_space<vmem>>, vector<1x256x256xf32>
    %get3A_63 = vector.shape_cast %get3A_62 : vector<1x256x256xf32> to vector<256x256xf32>
    %dot_general3A_64 = arith.constant dense<0.000000e+00> : vector<1024x256xf32>
    %dot_general3A_65 = tpu.matmul %get3A_1, %get3A_63, %dot_general3A_64 {dimension_numbers = #tpu.dot_dimension_numbers<[1], [0], [0], [1], [0, 0, 1, 1], [], []>, transpose_lhs_hint = false} : vector<1024x256xf32>, vector<256x256xf32>, vector<1024x256xf32> -> vector<1024x256xf32>
    %get3A_66 = arith.constant 0 : index
    %get3A_67 = arith.constant 0 : index
    %get3A_68 = arith.constant 0 : index
    %get3A_69 = vector.load %arg10[%get3A_66, %get3A_67, %get3A_68] : memref<1x1x256xf32, #tpu.memory_space<vmem>>, vector<1x1x256xf32>
    %get3A_70 = vector.shape_cast %get3A_69 : vector<1x1x256xf32> to vector<1x256xf32>
    %add3A_71 = vector.broadcast %get3A_70 : vector<1x256xf32> to vector<1024x256xf32>
    %add3A_72 = arith.addf %dot_general3A_65, %add3A_71 : vector<1024x256xf32>
    %swap3A_73 = arith.constant 0 : index
    %swap3A_74 = arith.constant 0 : index
    %swap3A_75 = arith.constant 0 : index
    %swap3A_76 = vector.load %arg14[%swap3A_73, %swap3A_74, %swap3A_75] : memref<1x1024x256xf32, #tpu.memory_space<vmem>>, vector<1x1024x256xf32>
    %swap3A_77 = vector.shape_cast %swap3A_76 : vector<1x1024x256xf32> to vector<1024x256xf32>
    %swap3A_78 = vector.shape_cast %add3A_72 : vector<1024x256xf32> to vector<1x1024x256xf32>
    tpu.vector_store %arg14[%swap3A_73, %swap3A_74, %swap3A_75], %swap3A_78 {strides = array<i32>} : memref<1x1024x256xf32, #tpu.memory_space<vmem>>, vector<1x1024x256xf32>,
    return
  }
  func.func @transform_0(%arg0: i32, %arg1: i32) -> (i32, i32) {
    %c0_i32 = arith.constant 0 : i32
    %c0_i32_0 = arith.constant 0 : i32
    return %arg1, %c0_i32 : i32, i32
  }
  func.func @transform_1(%arg0: i32, %arg1: i32) -> (i32, i32, i32) {
    %c0_i32 = arith.constant 0 : i32
    %c0_i32_0 = arith.constant 0 : i32
    %c0_i32_1 = arith.constant 0 : i32
    return %arg0, %c0_i32, %c0_i32_0 : i32, i32, i32
  }
  func.func @transform_2(%arg0: i32, %arg1: i32) -> (i32, i32, i32) {
    %c0_i32 = arith.constant 0 : i32
    %c0_i32_0 = arith.constant 0 : i32
    %c0_i32_1 = arith.constant 0 : i32
    return %arg0, %c0_i32, %c0_i32_0 : i32, i32, i32
  }
  func.func @transform_3(%arg0: i32, %arg1: i32) -> (i32, i32, i32) {
    %c0_i32 = arith.constant 0 : i32
    %c0_i32_0 = arith.constant 0 : i32
    %c0_i32_1 = arith.constant 0 : i32
    return %arg0, %c0_i32, %c0_i32_0 : i32, i32, i32
  }
  func.func @transform_4(%arg0: i32, %arg1: i32) -> (i32, i32, i32) {
    %c0_i32 = arith.constant 0 : i32
    %c0_i32_0 = arith.constant 0 : i32
    %c0_i32_1 = arith.constant 0 : i32
    return %arg0, %c0_i32, %c0_i32_0 : i32, i32, i32
  }
  func.func @transform_5(%arg0: i32, %arg1: i32) -> (i32, i32, i32) {
    %c0_i32 = arith.constant 0 : i32
    %c0_i32_0 = arith.constant 0 : i32
    %c0_i32_1 = arith.constant 0 : i32
    return %arg0, %c0_i32, %c0_i32_0 : i32, i32, i32
  }
  func.func @transform_6(%arg0: i32, %arg1: i32) -> (i32, i32, i32) {
    %c0_i32 = arith.constant 0 : i32
    %c0_i32_0 = arith.constant 0 : i32
    %c0_i32_1 = arith.constant 0 : i32
    return %arg0, %c0_i32, %c0_i32_0 : i32, i32, i32
  }
  func.func @transform_7(%arg0: i32, %arg1: i32) -> (i32, i32, i32) {
    %c0_i32 = arith.constant 0 : i32
    %c0_i32_0 = arith.constant 0 : i32
    %c0_i32_1 = arith.constant 0 : i32
    return %arg0, %c0_i32, %c0_i32_0 : i32, i32, i32
  }
  func.func @transform_8(%arg0: i32, %arg1: i32) -> (i32, i32, i32) {
    %c0_i32 = arith.constant 0 : i32
    %c0_i32_0 = arith.constant 0 : i32
    %c0_i32_1 = arith.constant 0 : i32
    return %arg0, %c0_i32, %c0_i32_0 : i32, i32, i32
  }
  func.func @transform_9(%arg0: i32, %arg1: i32) -> (i32, i32, i32) {
    %c0_i32 = arith.constant 0 : i32
    %c0_i32_0 = arith.constant 0 : i32
    return %arg0, %arg1, %c0_i32 : i32, i32, i32
  }
  func.func @transform_10(%arg0: i32, %arg1: i32) -> (i32, i32, i32) {
    %c0_i32 = arith.constant 0 : i32
    %c0_i32_0 = arith.constant 0 : i32
    return %arg0, %arg1, %c0_i32 : i32, i32, i32
  }
  func.func @transform_11(%arg0: i32, %arg1: i32) -> (i32, i32, i32) {
    %c0_i32 = arith.constant 0 : i32
    %c0_i32_0 = arith.constant 0 : i32
    return %arg0, %arg1, %c0_i32 : i32, i32, i32
  }
  func.func @transform_12(%arg0: i32, %arg1: i32) -> (i32, i32, i32) {
    %c0_i32 = arith.constant 0 : i32
    %c0_i32_0 = arith.constant 0 : i32
    return %arg0, %arg1, %c0_i32 : i32, i32, i32
  }
}

module attributes {stable_mosaic.version = 14 : i64} {
  func.func @_gate_sem_kernel(%arg0: i32, %arg1: memref<1024x768xf32, #tpu.memory_space<vmem>>, %arg2: memref<1024x256xf32, #tpu.memory_space<vmem>>, %arg3: memref<512x256xf32, #tpu.memory_space<vmem>>, %arg4: memref<1x256xf32, #tpu.memory_space<vmem>>, %arg5: memref<4x256x128xf32, #tpu.memory_space<vmem>>, %arg6: memref<4x1x128xf32, #tpu.memory_space<vmem>>, %arg7: memref<4x1x128xf32, #tpu.memory_space<vmem>>, %arg8: memref<1024x768xf32, #tpu.memory_space<vmem>>, %arg9: memref<1024x12xf32, #tpu.memory_space<vmem>>) attributes {dimension_semantics = [#tpu.dimension_semantics<arbitrary>], iteration_bounds = array<i64: 10>, scalar_prefetch = 0 : i64, scratch_operands = 0 : i64, tpu.core_type = #tpu.core_type<tc>, window_params = [{transform_indices = @transform_0, window_bounds = array<i64: 1024, 768>}, {transform_indices = @transform_1, window_bounds = array<i64: 1024, 256>}, {pipeline_mode = #tpu.pipeline_mode<synchronous>, transform_indices = @transform_2, window_bounds = array<i64: 512, 256>}, {pipeline_mode = #tpu.pipeline_mode<synchronous>, transform_indices = @transform_3, window_bounds = array<i64: 1, 256>}, {pipeline_mode = #tpu.pipeline_mode<synchronous>, transform_indices = @transform_4, window_bounds = array<i64: 4, 256, 128>}, {pipeline_mode = #tpu.pipeline_mode<synchronous>, transform_indices = @transform_5, window_bounds = array<i64: 4, 1, 128>}, {pipeline_mode = #tpu.pipeline_mode<synchronous>, transform_indices = @transform_6, window_bounds = array<i64: 4, 1, 128>}, {transform_indices = @transform_7, window_bounds = array<i64: 1024, 768>}, {transform_indices = @transform_8, window_bounds = array<i64: 1024, 12>}]} {
    %get3A = arith.constant 0 : index
    %get3A_0 = arith.constant 0 : index
    %get3A_1 = vector.load %arg2[%get3A, %get3A_0] : memref<1024x256xf32, #tpu.memory_space<vmem>>, vector<1024x256xf32>
    %get3A_2 = arith.constant 0 : index
    %get3A_3 = arith.constant 0 : index
    %get3A_4 = vector.load %arg1[%get3A_2, %get3A_3] : memref<1024x768xf32, #tpu.memory_space<vmem>>, vector<1024x256xf32>
    %get3A_5 = arith.constant 0 : index
    %get3A_6 = arith.constant 0 : index
    %get3A_7 = vector.load %arg3[%get3A_5, %get3A_6] : memref<512x256xf32, #tpu.memory_space<vmem>>, vector<256x256xf32>
    %dot_general3A = arith.constant dense<0.000000e+00> : vector<1024x256xf32>
    %dot_general3A_8 = tpu.matmul %get3A_4, %get3A_7, %dot_general3A {dimension_numbers = #tpu.dot_dimension_numbers<[1], [0], [0], [1], [0, 0, 1, 1], [], []>, transpose_lhs_hint = false} : vector<1024x256xf32>, vector<256x256xf32>, vector<1024x256xf32> -> vector<1024x256xf32>
    %get3A_9 = arith.constant 256 : index
    %get3A_10 = arith.constant 0 : index
    %get3A_11 = vector.load %arg3[%get3A_9, %get3A_10] : memref<512x256xf32, #tpu.memory_space<vmem>>, vector<256x256xf32>
    %dot_general3A_12 = arith.constant dense<0.000000e+00> : vector<1024x256xf32>
    %dot_general3A_13 = tpu.matmul %get3A_1, %get3A_11, %dot_general3A_12 {dimension_numbers = #tpu.dot_dimension_numbers<[1], [0], [0], [1], [0, 0, 1, 1], [], []>, transpose_lhs_hint = false} : vector<1024x256xf32>, vector<256x256xf32>, vector<1024x256xf32> -> vector<1024x256xf32>
    %add3A = arith.addf %dot_general3A_8, %dot_general3A_13 : vector<1024x256xf32>
    %get3A_14 = arith.constant 0 : index
    %get3A_15 = arith.constant 0 : index
    %get3A_16 = vector.load %arg4[%get3A_14, %get3A_15] : memref<1x256xf32, #tpu.memory_space<vmem>>, vector<1x256xf32>
    %get3A_17 = vector.shape_cast %get3A_16 : vector<1x256xf32> to vector<256xf32>
    %broadcast_in_dim3A = vector.shape_cast %get3A_17 : vector<256xf32> to vector<1x256xf32>
    %add3A_18 = vector.broadcast %broadcast_in_dim3A : vector<1x256xf32> to vector<1024x256xf32>
    %add3A_19 = arith.addf %add3A, %add3A_18 : vector<1024x256xf32>
    %logistic3A = arith.negf %add3A_19 : vector<1024x256xf32>
    %logistic3A_20 = math.exp %logistic3A : vector<1024x256xf32>
    %logistic3A_21 = arith.constant 1.000000e+00 : f32
    %logistic3A_22 = vector.broadcast %logistic3A_21 : f32 to vector<1024x256xf32>
    %logistic3A_23 = arith.addf %logistic3A_22, %logistic3A_20 : vector<1024x256xf32>
    %logistic3A_24 = arith.divf %logistic3A_22, %logistic3A_23 : vector<1024x256xf32>
    %tanh3A = math.tanh %get3A_4 : vector<1024x256xf32>
    %mul3A = arith.mulf %tanh3A, %logistic3A_24 : vector<1024x256xf32>
    %sub3A = arith.constant 1.000000e+00 : f32
    %sub3A_25 = vector.broadcast %sub3A : f32 to vector<1024x256xf32>
    %sub3A_26 = arith.subf %sub3A_25, %logistic3A_24 : vector<1024x256xf32>
    %mul3A_27 = arith.mulf %get3A_1, %sub3A_26 : vector<1024x256xf32>
    %add3A_28 = arith.addf %mul3A, %mul3A_27 : vector<1024x256xf32>
    %swap3A = arith.constant 0 : index
    %swap3A_29 = arith.constant 0 : index
    %swap3A_30 = vector.load %arg8[%swap3A, %swap3A_29] : memref<1024x768xf32, #tpu.memory_space<vmem>>, vector<1024x256xf32>
    tpu.vector_store %arg8[%swap3A, %swap3A_29], %add3A_28 {strides = array<i32>} : memref<1024x768xf32, #tpu.memory_space<vmem>>, vector<1024x256xf32>,
    %get3A_31 = arith.constant 0 : index
    %get3A_32 = arith.constant 256 : index
    %get3A_33 = vector.load %arg1[%get3A_31, %get3A_32] : memref<1024x768xf32, #tpu.memory_space<vmem>>, vector<1024x256xf32>
    %get3A_34 = arith.constant 0 : index
    %get3A_35 = arith.constant 0 : index
    %get3A_36 = vector.load %arg3[%get3A_34, %get3A_35] : memref<512x256xf32, #tpu.memory_space<vmem>>, vector<256x256xf32>
    %dot_general3A_37 = arith.constant dense<0.000000e+00> : vector<1024x256xf32>
    %dot_general3A_38 = tpu.matmul %get3A_33, %get3A_36, %dot_general3A_37 {dimension_numbers = #tpu.dot_dimension_numbers<[1], [0], [0], [1], [0, 0, 1, 1], [], []>, transpose_lhs_hint = false} : vector<1024x256xf32>, vector<256x256xf32>, vector<1024x256xf32> -> vector<1024x256xf32>
    %get3A_39 = arith.constant 256 : index
    %get3A_40 = arith.constant 0 : index
    %get3A_41 = vector.load %arg3[%get3A_39, %get3A_40] : memref<512x256xf32, #tpu.memory_space<vmem>>, vector<256x256xf32>
    %dot_general3A_42 = arith.constant dense<0.000000e+00> : vector<1024x256xf32>
    %dot_general3A_43 = tpu.matmul %get3A_1, %get3A_41, %dot_general3A_42 {dimension_numbers = #tpu.dot_dimension_numbers<[1], [0], [0], [1], [0, 0, 1, 1], [], []>, transpose_lhs_hint = false} : vector<1024x256xf32>, vector<256x256xf32>, vector<1024x256xf32> -> vector<1024x256xf32>
    %add3A_44 = arith.addf %dot_general3A_38, %dot_general3A_43 : vector<1024x256xf32>
    %get3A_45 = arith.constant 0 : index
    %get3A_46 = arith.constant 0 : index
    %get3A_47 = vector.load %arg4[%get3A_45, %get3A_46] : memref<1x256xf32, #tpu.memory_space<vmem>>, vector<1x256xf32>
    %get3A_48 = vector.shape_cast %get3A_47 : vector<1x256xf32> to vector<256xf32>
    %broadcast_in_dim3A_49 = vector.shape_cast %get3A_48 : vector<256xf32> to vector<1x256xf32>
    %add3A_50 = vector.broadcast %broadcast_in_dim3A_49 : vector<1x256xf32> to vector<1024x256xf32>
    %add3A_51 = arith.addf %add3A_44, %add3A_50 : vector<1024x256xf32>
    %logistic3A_52 = arith.negf %add3A_51 : vector<1024x256xf32>
    %logistic3A_53 = math.exp %logistic3A_52 : vector<1024x256xf32>
    %logistic3A_54 = arith.constant 1.000000e+00 : f32
    %logistic3A_55 = vector.broadcast %logistic3A_54 : f32 to vector<1024x256xf32>
    %logistic3A_56 = arith.addf %logistic3A_55, %logistic3A_53 : vector<1024x256xf32>
    %logistic3A_57 = arith.divf %logistic3A_55, %logistic3A_56 : vector<1024x256xf32>
    %tanh3A_58 = math.tanh %get3A_33 : vector<1024x256xf32>
    %mul3A_59 = arith.mulf %tanh3A_58, %logistic3A_57 : vector<1024x256xf32>
    %sub3A_60 = arith.constant 1.000000e+00 : f32
    %sub3A_61 = vector.broadcast %sub3A_60 : f32 to vector<1024x256xf32>
    %sub3A_62 = arith.subf %sub3A_61, %logistic3A_57 : vector<1024x256xf32>
    %mul3A_63 = arith.mulf %get3A_1, %sub3A_62 : vector<1024x256xf32>
    %add3A_64 = arith.addf %mul3A_59, %mul3A_63 : vector<1024x256xf32>
    %swap3A_65 = arith.constant 0 : index
    %swap3A_66 = arith.constant 256 : index
    %swap3A_67 = vector.load %arg8[%swap3A_65, %swap3A_66] : memref<1024x768xf32, #tpu.memory_space<vmem>>, vector<1024x256xf32>
    tpu.vector_store %arg8[%swap3A_65, %swap3A_66], %add3A_64 {strides = array<i32>} : memref<1024x768xf32, #tpu.memory_space<vmem>>, vector<1024x256xf32>,
    %get3A_68 = arith.constant 0 : index
    %get3A_69 = arith.constant 512 : index
    %get3A_70 = vector.load %arg1[%get3A_68, %get3A_69] : memref<1024x768xf32, #tpu.memory_space<vmem>>, vector<1024x256xf32>
    %get3A_71 = arith.constant 0 : index
    %get3A_72 = arith.constant 0 : index
    %get3A_73 = vector.load %arg3[%get3A_71, %get3A_72] : memref<512x256xf32, #tpu.memory_space<vmem>>, vector<256x256xf32>
    %dot_general3A_74 = arith.constant dense<0.000000e+00> : vector<1024x256xf32>
    %dot_general3A_75 = tpu.matmul %get3A_70, %get3A_73, %dot_general3A_74 {dimension_numbers = #tpu.dot_dimension_numbers<[1], [0], [0], [1], [0, 0, 1, 1], [], []>, transpose_lhs_hint = false} : vector<1024x256xf32>, vector<256x256xf32>, vector<1024x256xf32> -> vector<1024x256xf32>
    %get3A_76 = arith.constant 256 : index
    %get3A_77 = arith.constant 0 : index
    %get3A_78 = vector.load %arg3[%get3A_76, %get3A_77] : memref<512x256xf32, #tpu.memory_space<vmem>>, vector<256x256xf32>
    %dot_general3A_79 = arith.constant dense<0.000000e+00> : vector<1024x256xf32>
    %dot_general3A_80 = tpu.matmul %get3A_1, %get3A_78, %dot_general3A_79 {dimension_numbers = #tpu.dot_dimension_numbers<[1], [0], [0], [1], [0, 0, 1, 1], [], []>, transpose_lhs_hint = false} : vector<1024x256xf32>, vector<256x256xf32>, vector<1024x256xf32> -> vector<1024x256xf32>
    %add3A_81 = arith.addf %dot_general3A_75, %dot_general3A_80 : vector<1024x256xf32>
    %get3A_82 = arith.constant 0 : index
    %get3A_83 = arith.constant 0 : index
    %get3A_84 = vector.load %arg4[%get3A_82, %get3A_83] : memref<1x256xf32, #tpu.memory_space<vmem>>, vector<1x256xf32>
    %get3A_85 = vector.shape_cast %get3A_84 : vector<1x256xf32> to vector<256xf32>
    %broadcast_in_dim3A_86 = vector.shape_cast %get3A_85 : vector<256xf32> to vector<1x256xf32>
    %add3A_87 = vector.broadcast %broadcast_in_dim3A_86 : vector<1x256xf32> to vector<1024x256xf32>
    %add3A_88 = arith.addf %add3A_81, %add3A_87 : vector<1024x256xf32>
    %logistic3A_89 = arith.negf %add3A_88 : vector<1024x256xf32>
    %logistic3A_90 = math.exp %logistic3A_89 : vector<1024x256xf32>
    %logistic3A_91 = arith.constant 1.000000e+00 : f32
    %logistic3A_92 = vector.broadcast %logistic3A_91 : f32 to vector<1024x256xf32>
    %logistic3A_93 = arith.addf %logistic3A_92, %logistic3A_90 : vector<1024x256xf32>
    %logistic3A_94 = arith.divf %logistic3A_92, %logistic3A_93 : vector<1024x256xf32>
    %tanh3A_95 = math.tanh %get3A_70 : vector<1024x256xf32>
    %mul3A_96 = arith.mulf %tanh3A_95, %logistic3A_94 : vector<1024x256xf32>
    %sub3A_97 = arith.constant 1.000000e+00 : f32
    %sub3A_98 = vector.broadcast %sub3A_97 : f32 to vector<1024x256xf32>
    %sub3A_99 = arith.subf %sub3A_98, %logistic3A_94 : vector<1024x256xf32>
    %mul3A_100 = arith.mulf %get3A_1, %sub3A_99 : vector<1024x256xf32>
    %add3A_101 = arith.addf %mul3A_96, %mul3A_100 : vector<1024x256xf32>
    %swap3A_102 = arith.constant 0 : index
    %swap3A_103 = arith.constant 512 : index
    %swap3A_104 = vector.load %arg8[%swap3A_102, %swap3A_103] : memref<1024x768xf32, #tpu.memory_space<vmem>>, vector<1024x256xf32>
    tpu.vector_store %arg8[%swap3A_102, %swap3A_103], %add3A_101 {strides = array<i32>} : memref<1024x768xf32, #tpu.memory_space<vmem>>, vector<1024x256xf32>,
    %get3A_105 = arith.constant 0 : index
    %get3A_106 = arith.constant 0 : index
    %get3A_107 = arith.constant 0 : index
    %get3A_108 = vector.load %arg5[%get3A_105, %get3A_106, %get3A_107] : memref<4x256x128xf32, #tpu.memory_space<vmem>>, vector<1x256x128xf32>
    %get3A_109 = vector.shape_cast %get3A_108 : vector<1x256x128xf32> to vector<256x128xf32>
    %dot_general3A_110 = arith.constant dense<0.000000e+00> : vector<1024x128xf32>
    %dot_general3A_111 = tpu.matmul %add3A_28, %get3A_109, %dot_general3A_110 {dimension_numbers = #tpu.dot_dimension_numbers<[1], [0], [0], [1], [0, 0, 1, 1], [], []>, transpose_lhs_hint = false} : vector<1024x256xf32>, vector<256x128xf32>, vector<1024x128xf32> -> vector<1024x128xf32>
    %get3A_112 = arith.constant 0 : index
    %get3A_113 = arith.constant 0 : index
    %get3A_114 = arith.constant 0 : index
    %get3A_115 = vector.load %arg6[%get3A_112, %get3A_113, %get3A_114] : memref<4x1x128xf32, #tpu.memory_space<vmem>>, vector<1x1x128xf32>
    %get3A_116 = vector.shape_cast %get3A_115 : vector<1x1x128xf32> to vector<1x128xf32>
    %add3A_117 = vector.broadcast %get3A_116 : vector<1x128xf32> to vector<1024x128xf32>
    %add3A_118 = arith.addf %dot_general3A_111, %add3A_117 : vector<1024x128xf32>
    %tanh3A_119 = math.tanh %add3A_118 : vector<1024x128xf32>
    %get3A_120 = arith.constant 0 : index
    %get3A_121 = arith.constant 0 : index
    %get3A_122 = arith.constant 0 : index
    %get3A_123 = vector.load %arg7[%get3A_120, %get3A_121, %get3A_122] : memref<4x1x128xf32, #tpu.memory_space<vmem>>, vector<1x1x128xf32>
    %get3A_124 = vector.shape_cast %get3A_123 : vector<1x1x128xf32> to vector<1x128xf32>
    %mul3A_125 = vector.broadcast %get3A_124 : vector<1x128xf32> to vector<1024x128xf32>
    %mul3A_126 = arith.mulf %tanh3A_119, %mul3A_125 : vector<1024x128xf32>
    %reduce_sum3A = arith.constant dense<0.000000e+00> : vector<1024xf32>
    %reduce_sum3A_127 = vector.multi_reduction <add>, %mul3A_126, %reduce_sum3A [1] : vector<1024x128xf32> to vector<1024xf32>
    %broadcast_in_dim3A_128 = vector.shape_cast %reduce_sum3A_127 : vector<1024xf32> to vector<1024x1xf32>
    %get3A_129 = arith.constant 0 : index
    %get3A_130 = arith.constant 0 : index
    %get3A_131 = arith.constant 0 : index
    %get3A_132 = vector.load %arg5[%get3A_129, %get3A_130, %get3A_131] : memref<4x256x128xf32, #tpu.memory_space<vmem>>, vector<1x256x128xf32>
    %get3A_133 = vector.shape_cast %get3A_132 : vector<1x256x128xf32> to vector<256x128xf32>
    %dot_general3A_134 = arith.constant dense<0.000000e+00> : vector<1024x128xf32>
    %dot_general3A_135 = tpu.matmul %add3A_64, %get3A_133, %dot_general3A_134 {dimension_numbers = #tpu.dot_dimension_numbers<[1], [0], [0], [1], [0, 0, 1, 1], [], []>, transpose_lhs_hint = false} : vector<1024x256xf32>, vector<256x128xf32>, vector<1024x128xf32> -> vector<1024x128xf32>
    %get3A_136 = arith.constant 0 : index
    %get3A_137 = arith.constant 0 : index
    %get3A_138 = arith.constant 0 : index
    %get3A_139 = vector.load %arg6[%get3A_136, %get3A_137, %get3A_138] : memref<4x1x128xf32, #tpu.memory_space<vmem>>, vector<1x1x128xf32>
    %get3A_140 = vector.shape_cast %get3A_139 : vector<1x1x128xf32> to vector<1x128xf32>
    %add3A_141 = vector.broadcast %get3A_140 : vector<1x128xf32> to vector<1024x128xf32>
    %add3A_142 = arith.addf %dot_general3A_135, %add3A_141 : vector<1024x128xf32>
    %tanh3A_143 = math.tanh %add3A_142 : vector<1024x128xf32>
    %get3A_144 = arith.constant 0 : index
    %get3A_145 = arith.constant 0 : index
    %get3A_146 = arith.constant 0 : index
    %get3A_147 = vector.load %arg7[%get3A_144, %get3A_145, %get3A_146] : memref<4x1x128xf32, #tpu.memory_space<vmem>>, vector<1x1x128xf32>
    %get3A_148 = vector.shape_cast %get3A_147 : vector<1x1x128xf32> to vector<1x128xf32>
    %mul3A_149 = vector.broadcast %get3A_148 : vector<1x128xf32> to vector<1024x128xf32>
    %mul3A_150 = arith.mulf %tanh3A_143, %mul3A_149 : vector<1024x128xf32>
    %reduce_sum3A_151 = arith.constant dense<0.000000e+00> : vector<1024xf32>
    %reduce_sum3A_152 = vector.multi_reduction <add>, %mul3A_150, %reduce_sum3A_151 [1] : vector<1024x128xf32> to vector<1024xf32>
    %broadcast_in_dim3A_153 = vector.shape_cast %reduce_sum3A_152 : vector<1024xf32> to vector<1024x1xf32>
    %get3A_154 = arith.constant 0 : index
    %get3A_155 = arith.constant 0 : index
    %get3A_156 = arith.constant 0 : index
    %get3A_157 = vector.load %arg5[%get3A_154, %get3A_155, %get3A_156] : memref<4x256x128xf32, #tpu.memory_space<vmem>>, vector<1x256x128xf32>
    %get3A_158 = vector.shape_cast %get3A_157 : vector<1x256x128xf32> to vector<256x128xf32>
    %dot_general3A_159 = arith.constant dense<0.000000e+00> : vector<1024x128xf32>
    %dot_general3A_160 = tpu.matmul %add3A_101, %get3A_158, %dot_general3A_159 {dimension_numbers = #tpu.dot_dimension_numbers<[1], [0], [0], [1], [0, 0, 1, 1], [], []>, transpose_lhs_hint = false} : vector<1024x256xf32>, vector<256x128xf32>, vector<1024x128xf32> -> vector<1024x128xf32>
    %get3A_161 = arith.constant 0 : index
    %get3A_162 = arith.constant 0 : index
    %get3A_163 = arith.constant 0 : index
    %get3A_164 = vector.load %arg6[%get3A_161, %get3A_162, %get3A_163] : memref<4x1x128xf32, #tpu.memory_space<vmem>>, vector<1x1x128xf32>
    %get3A_165 = vector.shape_cast %get3A_164 : vector<1x1x128xf32> to vector<1x128xf32>
    %add3A_166 = vector.broadcast %get3A_165 : vector<1x128xf32> to vector<1024x128xf32>
    %add3A_167 = arith.addf %dot_general3A_160, %add3A_166 : vector<1024x128xf32>
    %tanh3A_168 = math.tanh %add3A_167 : vector<1024x128xf32>
    %get3A_169 = arith.constant 0 : index
    %get3A_170 = arith.constant 0 : index
    %get3A_171 = arith.constant 0 : index
    %get3A_172 = vector.load %arg7[%get3A_169, %get3A_170, %get3A_171] : memref<4x1x128xf32, #tpu.memory_space<vmem>>, vector<1x1x128xf32>
    %get3A_173 = vector.shape_cast %get3A_172 : vector<1x1x128xf32> to vector<1x128xf32>
    %mul3A_174 = vector.broadcast %get3A_173 : vector<1x128xf32> to vector<1024x128xf32>
    %mul3A_175 = arith.mulf %tanh3A_168, %mul3A_174 : vector<1024x128xf32>
    %reduce_sum3A_176 = arith.constant dense<0.000000e+00> : vector<1024xf32>
    %reduce_sum3A_177 = vector.multi_reduction <add>, %mul3A_175, %reduce_sum3A_176 [1] : vector<1024x128xf32> to vector<1024xf32>
    %broadcast_in_dim3A_178 = vector.shape_cast %reduce_sum3A_177 : vector<1024xf32> to vector<1024x1xf32>
    %get3A_179 = arith.constant 1 : index
    %get3A_180 = arith.constant 0 : index
    %get3A_181 = arith.constant 0 : index
    %get3A_182 = vector.load %arg5[%get3A_179, %get3A_180, %get3A_181] : memref<4x256x128xf32, #tpu.memory_space<vmem>>, vector<1x256x128xf32>
    %get3A_183 = vector.shape_cast %get3A_182 : vector<1x256x128xf32> to vector<256x128xf32>
    %dot_general3A_184 = arith.constant dense<0.000000e+00> : vector<1024x128xf32>
    %dot_general3A_185 = tpu.matmul %add3A_28, %get3A_183, %dot_general3A_184 {dimension_numbers = #tpu.dot_dimension_numbers<[1], [0], [0], [1], [0, 0, 1, 1], [], []>, transpose_lhs_hint = false} : vector<1024x256xf32>, vector<256x128xf32>, vector<1024x128xf32> -> vector<1024x128xf32>
    %get3A_186 = arith.constant 1 : index
    %get3A_187 = arith.constant 0 : index
    %get3A_188 = arith.constant 0 : index
    %get3A_189 = vector.load %arg6[%get3A_186, %get3A_187, %get3A_188] : memref<4x1x128xf32, #tpu.memory_space<vmem>>, vector<1x1x128xf32>
    %get3A_190 = vector.shape_cast %get3A_189 : vector<1x1x128xf32> to vector<1x128xf32>
    %add3A_191 = vector.broadcast %get3A_190 : vector<1x128xf32> to vector<1024x128xf32>
    %add3A_192 = arith.addf %dot_general3A_185, %add3A_191 : vector<1024x128xf32>
    %tanh3A_193 = math.tanh %add3A_192 : vector<1024x128xf32>
    %get3A_194 = arith.constant 1 : index
    %get3A_195 = arith.constant 0 : index
    %get3A_196 = arith.constant 0 : index
    %get3A_197 = vector.load %arg7[%get3A_194, %get3A_195, %get3A_196] : memref<4x1x128xf32, #tpu.memory_space<vmem>>, vector<1x1x128xf32>
    %get3A_198 = vector.shape_cast %get3A_197 : vector<1x1x128xf32> to vector<1x128xf32>
    %mul3A_199 = vector.broadcast %get3A_198 : vector<1x128xf32> to vector<1024x128xf32>
    %mul3A_200 = arith.mulf %tanh3A_193, %mul3A_199 : vector<1024x128xf32>
    %reduce_sum3A_201 = arith.constant dense<0.000000e+00> : vector<1024xf32>
    %reduce_sum3A_202 = vector.multi_reduction <add>, %mul3A_200, %reduce_sum3A_201 [1] : vector<1024x128xf32> to vector<1024xf32>
    %broadcast_in_dim3A_203 = vector.shape_cast %reduce_sum3A_202 : vector<1024xf32> to vector<1024x1xf32>
    %get3A_204 = arith.constant 1 : index
    %get3A_205 = arith.constant 0 : index
    %get3A_206 = arith.constant 0 : index
    %get3A_207 = vector.load %arg5[%get3A_204, %get3A_205, %get3A_206] : memref<4x256x128xf32, #tpu.memory_space<vmem>>, vector<1x256x128xf32>
    %get3A_208 = vector.shape_cast %get3A_207 : vector<1x256x128xf32> to vector<256x128xf32>
    %dot_general3A_209 = arith.constant dense<0.000000e+00> : vector<1024x128xf32>
    %dot_general3A_210 = tpu.matmul %add3A_64, %get3A_208, %dot_general3A_209 {dimension_numbers = #tpu.dot_dimension_numbers<[1], [0], [0], [1], [0, 0, 1, 1], [], []>, transpose_lhs_hint = false} : vector<1024x256xf32>, vector<256x128xf32>, vector<1024x128xf32> -> vector<1024x128xf32>
    %get3A_211 = arith.constant 1 : index
    %get3A_212 = arith.constant 0 : index
    %get3A_213 = arith.constant 0 : index
    %get3A_214 = vector.load %arg6[%get3A_211, %get3A_212, %get3A_213] : memref<4x1x128xf32, #tpu.memory_space<vmem>>, vector<1x1x128xf32>
    %get3A_215 = vector.shape_cast %get3A_214 : vector<1x1x128xf32> to vector<1x128xf32>
    %add3A_216 = vector.broadcast %get3A_215 : vector<1x128xf32> to vector<1024x128xf32>
    %add3A_217 = arith.addf %dot_general3A_210, %add3A_216 : vector<1024x128xf32>
    %tanh3A_218 = math.tanh %add3A_217 : vector<1024x128xf32>
    %get3A_219 = arith.constant 1 : index
    %get3A_220 = arith.constant 0 : index
    %get3A_221 = arith.constant 0 : index
    %get3A_222 = vector.load %arg7[%get3A_219, %get3A_220, %get3A_221] : memref<4x1x128xf32, #tpu.memory_space<vmem>>, vector<1x1x128xf32>
    %get3A_223 = vector.shape_cast %get3A_222 : vector<1x1x128xf32> to vector<1x128xf32>
    %mul3A_224 = vector.broadcast %get3A_223 : vector<1x128xf32> to vector<1024x128xf32>
    %mul3A_225 = arith.mulf %tanh3A_218, %mul3A_224 : vector<1024x128xf32>
    %reduce_sum3A_226 = arith.constant dense<0.000000e+00> : vector<1024xf32>
    %reduce_sum3A_227 = vector.multi_reduction <add>, %mul3A_225, %reduce_sum3A_226 [1] : vector<1024x128xf32> to vector<1024xf32>
    %broadcast_in_dim3A_228 = vector.shape_cast %reduce_sum3A_227 : vector<1024xf32> to vector<1024x1xf32>
    %get3A_229 = arith.constant 1 : index
    %get3A_230 = arith.constant 0 : index
    %get3A_231 = arith.constant 0 : index
    %get3A_232 = vector.load %arg5[%get3A_229, %get3A_230, %get3A_231] : memref<4x256x128xf32, #tpu.memory_space<vmem>>, vector<1x256x128xf32>
    %get3A_233 = vector.shape_cast %get3A_232 : vector<1x256x128xf32> to vector<256x128xf32>
    %dot_general3A_234 = arith.constant dense<0.000000e+00> : vector<1024x128xf32>
    %dot_general3A_235 = tpu.matmul %add3A_101, %get3A_233, %dot_general3A_234 {dimension_numbers = #tpu.dot_dimension_numbers<[1], [0], [0], [1], [0, 0, 1, 1], [], []>, transpose_lhs_hint = false} : vector<1024x256xf32>, vector<256x128xf32>, vector<1024x128xf32> -> vector<1024x128xf32>
    %get3A_236 = arith.constant 1 : index
    %get3A_237 = arith.constant 0 : index
    %get3A_238 = arith.constant 0 : index
    %get3A_239 = vector.load %arg6[%get3A_236, %get3A_237, %get3A_238] : memref<4x1x128xf32, #tpu.memory_space<vmem>>, vector<1x1x128xf32>
    %get3A_240 = vector.shape_cast %get3A_239 : vector<1x1x128xf32> to vector<1x128xf32>
    %add3A_241 = vector.broadcast %get3A_240 : vector<1x128xf32> to vector<1024x128xf32>
    %add3A_242 = arith.addf %dot_general3A_235, %add3A_241 : vector<1024x128xf32>
    %tanh3A_243 = math.tanh %add3A_242 : vector<1024x128xf32>
    %get3A_244 = arith.constant 1 : index
    %get3A_245 = arith.constant 0 : index
    %get3A_246 = arith.constant 0 : index
    %get3A_247 = vector.load %arg7[%get3A_244, %get3A_245, %get3A_246] : memref<4x1x128xf32, #tpu.memory_space<vmem>>, vector<1x1x128xf32>
    %get3A_248 = vector.shape_cast %get3A_247 : vector<1x1x128xf32> to vector<1x128xf32>
    %mul3A_249 = vector.broadcast %get3A_248 : vector<1x128xf32> to vector<1024x128xf32>
    %mul3A_250 = arith.mulf %tanh3A_243, %mul3A_249 : vector<1024x128xf32>
    %reduce_sum3A_251 = arith.constant dense<0.000000e+00> : vector<1024xf32>
    %reduce_sum3A_252 = vector.multi_reduction <add>, %mul3A_250, %reduce_sum3A_251 [1] : vector<1024x128xf32> to vector<1024xf32>
    %broadcast_in_dim3A_253 = vector.shape_cast %reduce_sum3A_252 : vector<1024xf32> to vector<1024x1xf32>
    %get3A_254 = arith.constant 2 : index
    %get3A_255 = arith.constant 0 : index
    %get3A_256 = arith.constant 0 : index
    %get3A_257 = vector.load %arg5[%get3A_254, %get3A_255, %get3A_256] : memref<4x256x128xf32, #tpu.memory_space<vmem>>, vector<1x256x128xf32>
    %get3A_258 = vector.shape_cast %get3A_257 : vector<1x256x128xf32> to vector<256x128xf32>
    %dot_general3A_259 = arith.constant dense<0.000000e+00> : vector<1024x128xf32>
    %dot_general3A_260 = tpu.matmul %add3A_28, %get3A_258, %dot_general3A_259 {dimension_numbers = #tpu.dot_dimension_numbers<[1], [0], [0], [1], [0, 0, 1, 1], [], []>, transpose_lhs_hint = false} : vector<1024x256xf32>, vector<256x128xf32>, vector<1024x128xf32> -> vector<1024x128xf32>
    %get3A_261 = arith.constant 2 : index
    %get3A_262 = arith.constant 0 : index
    %get3A_263 = arith.constant 0 : index
    %get3A_264 = vector.load %arg6[%get3A_261, %get3A_262, %get3A_263] : memref<4x1x128xf32, #tpu.memory_space<vmem>>, vector<1x1x128xf32>
    %get3A_265 = vector.shape_cast %get3A_264 : vector<1x1x128xf32> to vector<1x128xf32>
    %add3A_266 = vector.broadcast %get3A_265 : vector<1x128xf32> to vector<1024x128xf32>
    %add3A_267 = arith.addf %dot_general3A_260, %add3A_266 : vector<1024x128xf32>
    %tanh3A_268 = math.tanh %add3A_267 : vector<1024x128xf32>
    %get3A_269 = arith.constant 2 : index
    %get3A_270 = arith.constant 0 : index
    %get3A_271 = arith.constant 0 : index
    %get3A_272 = vector.load %arg7[%get3A_269, %get3A_270, %get3A_271] : memref<4x1x128xf32, #tpu.memory_space<vmem>>, vector<1x1x128xf32>
    %get3A_273 = vector.shape_cast %get3A_272 : vector<1x1x128xf32> to vector<1x128xf32>
    %mul3A_274 = vector.broadcast %get3A_273 : vector<1x128xf32> to vector<1024x128xf32>
    %mul3A_275 = arith.mulf %tanh3A_268, %mul3A_274 : vector<1024x128xf32>
    %reduce_sum3A_276 = arith.constant dense<0.000000e+00> : vector<1024xf32>
    %reduce_sum3A_277 = vector.multi_reduction <add>, %mul3A_275, %reduce_sum3A_276 [1] : vector<1024x128xf32> to vector<1024xf32>
    %broadcast_in_dim3A_278 = vector.shape_cast %reduce_sum3A_277 : vector<1024xf32> to vector<1024x1xf32>
    %get3A_279 = arith.constant 2 : index
    %get3A_280 = arith.constant 0 : index
    %get3A_281 = arith.constant 0 : index
    %get3A_282 = vector.load %arg5[%get3A_279, %get3A_280, %get3A_281] : memref<4x256x128xf32, #tpu.memory_space<vmem>>, vector<1x256x128xf32>
    %get3A_283 = vector.shape_cast %get3A_282 : vector<1x256x128xf32> to vector<256x128xf32>
    %dot_general3A_284 = arith.constant dense<0.000000e+00> : vector<1024x128xf32>
    %dot_general3A_285 = tpu.matmul %add3A_64, %get3A_283, %dot_general3A_284 {dimension_numbers = #tpu.dot_dimension_numbers<[1], [0], [0], [1], [0, 0, 1, 1], [], []>, transpose_lhs_hint = false} : vector<1024x256xf32>, vector<256x128xf32>, vector<1024x128xf32> -> vector<1024x128xf32>
    %get3A_286 = arith.constant 2 : index
    %get3A_287 = arith.constant 0 : index
    %get3A_288 = arith.constant 0 : index
    %get3A_289 = vector.load %arg6[%get3A_286, %get3A_287, %get3A_288] : memref<4x1x128xf32, #tpu.memory_space<vmem>>, vector<1x1x128xf32>
    %get3A_290 = vector.shape_cast %get3A_289 : vector<1x1x128xf32> to vector<1x128xf32>
    %add3A_291 = vector.broadcast %get3A_290 : vector<1x128xf32> to vector<1024x128xf32>
    %add3A_292 = arith.addf %dot_general3A_285, %add3A_291 : vector<1024x128xf32>
    %tanh3A_293 = math.tanh %add3A_292 : vector<1024x128xf32>
    %get3A_294 = arith.constant 2 : index
    %get3A_295 = arith.constant 0 : index
    %get3A_296 = arith.constant 0 : index
    %get3A_297 = vector.load %arg7[%get3A_294, %get3A_295, %get3A_296] : memref<4x1x128xf32, #tpu.memory_space<vmem>>, vector<1x1x128xf32>
    %get3A_298 = vector.shape_cast %get3A_297 : vector<1x1x128xf32> to vector<1x128xf32>
    %mul3A_299 = vector.broadcast %get3A_298 : vector<1x128xf32> to vector<1024x128xf32>
    %mul3A_300 = arith.mulf %tanh3A_293, %mul3A_299 : vector<1024x128xf32>
    %reduce_sum3A_301 = arith.constant dense<0.000000e+00> : vector<1024xf32>
    %reduce_sum3A_302 = vector.multi_reduction <add>, %mul3A_300, %reduce_sum3A_301 [1] : vector<1024x128xf32> to vector<1024xf32>
    %broadcast_in_dim3A_303 = vector.shape_cast %reduce_sum3A_302 : vector<1024xf32> to vector<1024x1xf32>
    %get3A_304 = arith.constant 2 : index
    %get3A_305 = arith.constant 0 : index
    %get3A_306 = arith.constant 0 : index
    %get3A_307 = vector.load %arg5[%get3A_304, %get3A_305, %get3A_306] : memref<4x256x128xf32, #tpu.memory_space<vmem>>, vector<1x256x128xf32>
    %get3A_308 = vector.shape_cast %get3A_307 : vector<1x256x128xf32> to vector<256x128xf32>
    %dot_general3A_309 = arith.constant dense<0.000000e+00> : vector<1024x128xf32>
    %dot_general3A_310 = tpu.matmul %add3A_101, %get3A_308, %dot_general3A_309 {dimension_numbers = #tpu.dot_dimension_numbers<[1], [0], [0], [1], [0, 0, 1, 1], [], []>, transpose_lhs_hint = false} : vector<1024x256xf32>, vector<256x128xf32>, vector<1024x128xf32> -> vector<1024x128xf32>
    %get3A_311 = arith.constant 2 : index
    %get3A_312 = arith.constant 0 : index
    %get3A_313 = arith.constant 0 : index
    %get3A_314 = vector.load %arg6[%get3A_311, %get3A_312, %get3A_313] : memref<4x1x128xf32, #tpu.memory_space<vmem>>, vector<1x1x128xf32>
    %get3A_315 = vector.shape_cast %get3A_314 : vector<1x1x128xf32> to vector<1x128xf32>
    %add3A_316 = vector.broadcast %get3A_315 : vector<1x128xf32> to vector<1024x128xf32>
    %add3A_317 = arith.addf %dot_general3A_310, %add3A_316 : vector<1024x128xf32>
    %tanh3A_318 = math.tanh %add3A_317 : vector<1024x128xf32>
    %get3A_319 = arith.constant 2 : index
    %get3A_320 = arith.constant 0 : index
    %get3A_321 = arith.constant 0 : index
    %get3A_322 = vector.load %arg7[%get3A_319, %get3A_320, %get3A_321] : memref<4x1x128xf32, #tpu.memory_space<vmem>>, vector<1x1x128xf32>
    %get3A_323 = vector.shape_cast %get3A_322 : vector<1x1x128xf32> to vector<1x128xf32>
    %mul3A_324 = vector.broadcast %get3A_323 : vector<1x128xf32> to vector<1024x128xf32>
    %mul3A_325 = arith.mulf %tanh3A_318, %mul3A_324 : vector<1024x128xf32>
    %reduce_sum3A_326 = arith.constant dense<0.000000e+00> : vector<1024xf32>
    %reduce_sum3A_327 = vector.multi_reduction <add>, %mul3A_325, %reduce_sum3A_326 [1] : vector<1024x128xf32> to vector<1024xf32>
    %broadcast_in_dim3A_328 = vector.shape_cast %reduce_sum3A_327 : vector<1024xf32> to vector<1024x1xf32>
    %get3A_329 = arith.constant 3 : index
    %get3A_330 = arith.constant 0 : index
    %get3A_331 = arith.constant 0 : index
    %get3A_332 = vector.load %arg5[%get3A_329, %get3A_330, %get3A_331] : memref<4x256x128xf32, #tpu.memory_space<vmem>>, vector<1x256x128xf32>
    %get3A_333 = vector.shape_cast %get3A_332 : vector<1x256x128xf32> to vector<256x128xf32>
    %dot_general3A_334 = arith.constant dense<0.000000e+00> : vector<1024x128xf32>
    %dot_general3A_335 = tpu.matmul %add3A_28, %get3A_333, %dot_general3A_334 {dimension_numbers = #tpu.dot_dimension_numbers<[1], [0], [0], [1], [0, 0, 1, 1], [], []>, transpose_lhs_hint = false} : vector<1024x256xf32>, vector<256x128xf32>, vector<1024x128xf32> -> vector<1024x128xf32>
    %get3A_336 = arith.constant 3 : index
    %get3A_337 = arith.constant 0 : index
    %get3A_338 = arith.constant 0 : index
    %get3A_339 = vector.load %arg6[%get3A_336, %get3A_337, %get3A_338] : memref<4x1x128xf32, #tpu.memory_space<vmem>>, vector<1x1x128xf32>
    %get3A_340 = vector.shape_cast %get3A_339 : vector<1x1x128xf32> to vector<1x128xf32>
    %add3A_341 = vector.broadcast %get3A_340 : vector<1x128xf32> to vector<1024x128xf32>
    %add3A_342 = arith.addf %dot_general3A_335, %add3A_341 : vector<1024x128xf32>
    %tanh3A_343 = math.tanh %add3A_342 : vector<1024x128xf32>
    %get3A_344 = arith.constant 3 : index
    %get3A_345 = arith.constant 0 : index
    %get3A_346 = arith.constant 0 : index
    %get3A_347 = vector.load %arg7[%get3A_344, %get3A_345, %get3A_346] : memref<4x1x128xf32, #tpu.memory_space<vmem>>, vector<1x1x128xf32>
    %get3A_348 = vector.shape_cast %get3A_347 : vector<1x1x128xf32> to vector<1x128xf32>
    %mul3A_349 = vector.broadcast %get3A_348 : vector<1x128xf32> to vector<1024x128xf32>
    %mul3A_350 = arith.mulf %tanh3A_343, %mul3A_349 : vector<1024x128xf32>
    %reduce_sum3A_351 = arith.constant dense<0.000000e+00> : vector<1024xf32>
    %reduce_sum3A_352 = vector.multi_reduction <add>, %mul3A_350, %reduce_sum3A_351 [1] : vector<1024x128xf32> to vector<1024xf32>
    %broadcast_in_dim3A_353 = vector.shape_cast %reduce_sum3A_352 : vector<1024xf32> to vector<1024x1xf32>
    %get3A_354 = arith.constant 3 : index
    %get3A_355 = arith.constant 0 : index
    %get3A_356 = arith.constant 0 : index
    %get3A_357 = vector.load %arg5[%get3A_354, %get3A_355, %get3A_356] : memref<4x256x128xf32, #tpu.memory_space<vmem>>, vector<1x256x128xf32>
    %get3A_358 = vector.shape_cast %get3A_357 : vector<1x256x128xf32> to vector<256x128xf32>
    %dot_general3A_359 = arith.constant dense<0.000000e+00> : vector<1024x128xf32>
    %dot_general3A_360 = tpu.matmul %add3A_64, %get3A_358, %dot_general3A_359 {dimension_numbers = #tpu.dot_dimension_numbers<[1], [0], [0], [1], [0, 0, 1, 1], [], []>, transpose_lhs_hint = false} : vector<1024x256xf32>, vector<256x128xf32>, vector<1024x128xf32> -> vector<1024x128xf32>
    %get3A_361 = arith.constant 3 : index
    %get3A_362 = arith.constant 0 : index
    %get3A_363 = arith.constant 0 : index
    %get3A_364 = vector.load %arg6[%get3A_361, %get3A_362, %get3A_363] : memref<4x1x128xf32, #tpu.memory_space<vmem>>, vector<1x1x128xf32>
    %get3A_365 = vector.shape_cast %get3A_364 : vector<1x1x128xf32> to vector<1x128xf32>
    %add3A_366 = vector.broadcast %get3A_365 : vector<1x128xf32> to vector<1024x128xf32>
    %add3A_367 = arith.addf %dot_general3A_360, %add3A_366 : vector<1024x128xf32>
    %tanh3A_368 = math.tanh %add3A_367 : vector<1024x128xf32>
    %get3A_369 = arith.constant 3 : index
    %get3A_370 = arith.constant 0 : index
    %get3A_371 = arith.constant 0 : index
    %get3A_372 = vector.load %arg7[%get3A_369, %get3A_370, %get3A_371] : memref<4x1x128xf32, #tpu.memory_space<vmem>>, vector<1x1x128xf32>
    %get3A_373 = vector.shape_cast %get3A_372 : vector<1x1x128xf32> to vector<1x128xf32>
    %mul3A_374 = vector.broadcast %get3A_373 : vector<1x128xf32> to vector<1024x128xf32>
    %mul3A_375 = arith.mulf %tanh3A_368, %mul3A_374 : vector<1024x128xf32>
    %reduce_sum3A_376 = arith.constant dense<0.000000e+00> : vector<1024xf32>
    %reduce_sum3A_377 = vector.multi_reduction <add>, %mul3A_375, %reduce_sum3A_376 [1] : vector<1024x128xf32> to vector<1024xf32>
    %broadcast_in_dim3A_378 = vector.shape_cast %reduce_sum3A_377 : vector<1024xf32> to vector<1024x1xf32>
    %get3A_379 = arith.constant 3 : index
    %get3A_380 = arith.constant 0 : index
    %get3A_381 = arith.constant 0 : index
    %get3A_382 = vector.load %arg5[%get3A_379, %get3A_380, %get3A_381] : memref<4x256x128xf32, #tpu.memory_space<vmem>>, vector<1x256x128xf32>
    %get3A_383 = vector.shape_cast %get3A_382 : vector<1x256x128xf32> to vector<256x128xf32>
    %dot_general3A_384 = arith.constant dense<0.000000e+00> : vector<1024x128xf32>
    %dot_general3A_385 = tpu.matmul %add3A_101, %get3A_383, %dot_general3A_384 {dimension_numbers = #tpu.dot_dimension_numbers<[1], [0], [0], [1], [0, 0, 1, 1], [], []>, transpose_lhs_hint = false} : vector<1024x256xf32>, vector<256x128xf32>, vector<1024x128xf32> -> vector<1024x128xf32>
    %get3A_386 = arith.constant 3 : index
    %get3A_387 = arith.constant 0 : index
    %get3A_388 = arith.constant 0 : index
    %get3A_389 = vector.load %arg6[%get3A_386, %get3A_387, %get3A_388] : memref<4x1x128xf32, #tpu.memory_space<vmem>>, vector<1x1x128xf32>
    %get3A_390 = vector.shape_cast %get3A_389 : vector<1x1x128xf32> to vector<1x128xf32>
    %add3A_391 = vector.broadcast %get3A_390 : vector<1x128xf32> to vector<1024x128xf32>
    %add3A_392 = arith.addf %dot_general3A_385, %add3A_391 : vector<1024x128xf32>
    %tanh3A_393 = math.tanh %add3A_392 : vector<1024x128xf32>
    %get3A_394 = arith.constant 3 : index
    %get3A_395 = arith.constant 0 : index
    %get3A_396 = arith.constant 0 : index
    %get3A_397 = vector.load %arg7[%get3A_394, %get3A_395, %get3A_396] : memref<4x1x128xf32, #tpu.memory_space<vmem>>, vector<1x1x128xf32>
    %get3A_398 = vector.shape_cast %get3A_397 : vector<1x1x128xf32> to vector<1x128xf32>
    %mul3A_399 = vector.broadcast %get3A_398 : vector<1x128xf32> to vector<1024x128xf32>
    %mul3A_400 = arith.mulf %tanh3A_393, %mul3A_399 : vector<1024x128xf32>
    %reduce_sum3A_401 = arith.constant dense<0.000000e+00> : vector<1024xf32>
    %reduce_sum3A_402 = vector.multi_reduction <add>, %mul3A_400, %reduce_sum3A_401 [1] : vector<1024x128xf32> to vector<1024xf32>
    %broadcast_in_dim3A_403 = vector.shape_cast %reduce_sum3A_402 : vector<1024xf32> to vector<1024x1xf32>
    %concatenate3A = tpu.concatenate %broadcast_in_dim3A_128, %broadcast_in_dim3A_153, %broadcast_in_dim3A_178, %broadcast_in_dim3A_203, %broadcast_in_dim3A_228, %broadcast_in_dim3A_253, %broadcast_in_dim3A_278, %broadcast_in_dim3A_303, %broadcast_in_dim3A_328, %broadcast_in_dim3A_353, %broadcast_in_dim3A_378, %broadcast_in_dim3A_403 in 1 : vector<1024x1xf32>, vector<1024x1xf32>, vector<1024x1xf32>, vector<1024x1xf32>, vector<1024x1xf32>, vector<1024x1xf32>, vector<1024x1xf32>, vector<1024x1xf32>, vector<1024x1xf32>, vector<1024x1xf32>, vector<1024x1xf32>, vector<1024x1xf32> -> vector<1024x12xf32>
    %swap3A_404 = arith.constant 0 : index
    %swap3A_405 = arith.constant 0 : index
    %swap3A_406 = vector.load %arg9[%swap3A_404, %swap3A_405] : memref<1024x12xf32, #tpu.memory_space<vmem>>, vector<1024x12xf32>
    tpu.vector_store %arg9[%swap3A_404, %swap3A_405], %concatenate3A {strides = array<i32>} : memref<1024x12xf32, #tpu.memory_space<vmem>>, vector<1024x12xf32>,
    return
  }
  func.func @transform_0(%arg0: i32) -> (i32, i32) {
    %c0_i32 = arith.constant 0 : i32
    %c0_i32_0 = arith.constant 0 : i32
    return %arg0, %c0_i32 : i32, i32
  }
  func.func @transform_1(%arg0: i32) -> (i32, i32) {
    %c0_i32 = arith.constant 0 : i32
    %c0_i32_0 = arith.constant 0 : i32
    return %arg0, %c0_i32 : i32, i32
  }
  func.func @transform_2(%arg0: i32) -> (i32, i32) {
    %c0_i32 = arith.constant 0 : i32
    %c0_i32_0 = arith.constant 0 : i32
    %c0_i32_1 = arith.constant 0 : i32
    return %c0_i32, %c0_i32_0 : i32, i32
  }
  func.func @transform_3(%arg0: i32) -> (i32, i32) {
    %c0_i32 = arith.constant 0 : i32
    %c0_i32_0 = arith.constant 0 : i32
    %c0_i32_1 = arith.constant 0 : i32
    return %c0_i32, %c0_i32_0 : i32, i32
  }
  func.func @transform_4(%arg0: i32) -> (i32, i32, i32) {
    %c0_i32 = arith.constant 0 : i32
    %c0_i32_0 = arith.constant 0 : i32
    %c0_i32_1 = arith.constant 0 : i32
    %c0_i32_2 = arith.constant 0 : i32
    return %c0_i32, %c0_i32_0, %c0_i32_1 : i32, i32, i32
  }
  func.func @transform_5(%arg0: i32) -> (i32, i32, i32) {
    %c0_i32 = arith.constant 0 : i32
    %c0_i32_0 = arith.constant 0 : i32
    %c0_i32_1 = arith.constant 0 : i32
    %c0_i32_2 = arith.constant 0 : i32
    return %c0_i32, %c0_i32_0, %c0_i32_1 : i32, i32, i32
  }
  func.func @transform_6(%arg0: i32) -> (i32, i32, i32) {
    %c0_i32 = arith.constant 0 : i32
    %c0_i32_0 = arith.constant 0 : i32
    %c0_i32_1 = arith.constant 0 : i32
    %c0_i32_2 = arith.constant 0 : i32
    return %c0_i32, %c0_i32_0, %c0_i32_1 : i32, i32, i32
  }
  func.func @transform_7(%arg0: i32) -> (i32, i32) {
    %c0_i32 = arith.constant 0 : i32
    %c0_i32_0 = arith.constant 0 : i32
    return %arg0, %c0_i32 : i32, i32
  }
  func.func @transform_8(%arg0: i32) -> (i32, i32) {
    %c0_i32 = arith.constant 0 : i32
    %c0_i32_0 = arith.constant 0 : i32
    return %arg0, %c0_i32 : i32, i32
  }
}

module attributes {stable_mosaic.version = 14 : i64} {
  func.func @_combine_kernel(%arg0: i32, %arg1: memref<1024x768xf32, #tpu.memory_space<vmem>>, %arg2: memref<1x768xf32, #tpu.memory_space<vmem>>, %arg3: memref<1024x256xf32, #tpu.memory_space<vmem>>) attributes {dimension_semantics = [#tpu.dimension_semantics<arbitrary>], iteration_bounds = array<i64: 10>, scalar_prefetch = 0 : i64, scratch_operands = 0 : i64, tpu.core_type = #tpu.core_type<tc>, window_params = [{transform_indices = @transform_0, window_bounds = array<i64: 1024, 768>}, {pipeline_mode = #tpu.pipeline_mode<synchronous>, transform_indices = @transform_1, window_bounds = array<i64: 1, 768>}, {transform_indices = @transform_2, window_bounds = array<i64: 1024, 256>}]} {
    %get3A = arith.constant 0 : index
    %get3A_0 = arith.constant 0 : index
    %get3A_1 = vector.load %arg1[%get3A, %get3A_0] : memref<1024x768xf32, #tpu.memory_space<vmem>>, vector<1024x768xf32>
    %get3A_2 = arith.constant 0 : index
    %get3A_3 = arith.constant 0 : index
    %get3A_4 = vector.load %arg2[%get3A_2, %get3A_3] : memref<1x768xf32, #tpu.memory_space<vmem>>, vector<1x768xf32>
    %get3A_5 = vector.shape_cast %get3A_4 : vector<1x768xf32> to vector<768xf32>
    %broadcast_in_dim3A = vector.shape_cast %get3A_5 : vector<768xf32> to vector<1x768xf32>
    %mul3A = vector.broadcast %broadcast_in_dim3A : vector<1x768xf32> to vector<1024x768xf32>
    %mul3A_6 = arith.mulf %get3A_1, %mul3A : vector<1024x768xf32>
    %slice3A = vector.extract_strided_slice %mul3A_6 {offsets = [0, 0], sizes = [1024, 256], strides = [1, 1]} : vector<1024x768xf32> to vector<1024x256xf32>
    %slice3A_7 = vector.extract_strided_slice %mul3A_6 {offsets = [0, 256], sizes = [1024, 256], strides = [1, 1]} : vector<1024x768xf32> to vector<1024x256xf32>
    %add3A = arith.addf %slice3A, %slice3A_7 : vector<1024x256xf32>
    %slice3A_8 = vector.extract_strided_slice %mul3A_6 {offsets = [0, 512], sizes = [1024, 256], strides = [1, 1]} : vector<1024x768xf32> to vector<1024x256xf32>
    %add3A_9 = arith.addf %add3A, %slice3A_8 : vector<1024x256xf32>
    %swap3A = arith.constant 0 : index
    %swap3A_10 = arith.constant 0 : index
    %swap3A_11 = vector.load %arg3[%swap3A, %swap3A_10] : memref<1024x256xf32, #tpu.memory_space<vmem>>, vector<1024x256xf32>
    tpu.vector_store %arg3[%swap3A, %swap3A_10], %add3A_9 {strides = array<i32>} : memref<1024x256xf32, #tpu.memory_space<vmem>>, vector<1024x256xf32>,
    return
  }
  func.func @transform_0(%arg0: i32) -> (i32, i32) {
    %c0_i32 = arith.constant 0 : i32
    %c0_i32_0 = arith.constant 0 : i32
    return %arg0, %c0_i32 : i32, i32
  }
  func.func @transform_1(%arg0: i32) -> (i32, i32) {
    %c0_i32 = arith.constant 0 : i32
    %c0_i32_0 = arith.constant 0 : i32
    %c0_i32_1 = arith.constant 0 : i32
    return %c0_i32, %c0_i32_0 : i32, i32
  }
  func.func @transform_2(%arg0: i32) -> (i32, i32) {
    %c0_i32 = arith.constant 0 : i32
    %c0_i32_0 = arith.constant 0 : i32
    return %arg0, %c0_i32 : i32, i32
  }
}

</mosaic_0001>

<sc_bundles>
// kernel: gather_offload_async_start.1
scs
__scs_entry_jumppad:
0x0: {  	(pc) =	sbr.rel $0x88, $3  }
0x1: {  	(tag) =	ssettag $0x0;
	lr =	simm.s32 $0x1  }
0x2: {  	[smem:$0x3F91] =	sst lr;
	_ =	strace $0xD0000000  }
0x3: {  	_ = 	snop  }
0x4: {  	_ = 	snop  }
0x5: {  	_ = 	snop  }
0x6: {  	_ = 	snop  }
0x7: {  	_ = 	snop  }
__scs_overlays_trampoline_lowered:
0x8: {  	[smem:$0x3FA0] =	sst s0  }
0x9: {  	[smem:$0x3FA1] =	sst s1  }
0xa: {  	[smem:$0x3FA2] =	sst s2  }
0xb: {  	[smem:$0x3FA3] =	sst s3  }
0xc: {  	[smem:$0x3FA4] =	sst s4  }
0xd: {  	[smem:$0x3FA5] =	sst s5  }
0xe: {  	[smem:$0x3FA6] =	sst s6  }
0xf: {  	[smem:$0x3FA7] =	sst s7  }
0x10: {  	[smem:$0x3FA8] =	sst s8  }
0x11: {  	[smem:$0x3FA9] =	sst s9;
	s0 =	simm.s32 @!p0 $0x0  }
0x12: {  	s1 =	sld [smem:$0x3F8F];
	s0 =	simm.s32 @p0 $0x1  }
0x13: {  	[smem:$0x3FAA] =	sst s0;
	s0 =	simm.s32 @!p1 $0x0  }
0x14: {  	s2 =	sld [smem:$0x3F8E];
	s0 =	simm.s32 @p1 $0x1  }
0x15: {  	[smem:$0x3FAB] =	sst s0;
	s0 =	simm.s32 @!p2 $0x0  }
0x16: {  	s3 =	sld [smem:$0x3FDB];
	s0 =	simm.s32 @p2 $0x1  }
0x17: {  	s4 =	simm.s32 $0x1BF5;
	[smem:$0x3FAD] =	sst s0  }
0x18: {  	s0 =	sld [smem:$0x3F90];
	_ =	swait.ge [sflag:s4], $0x0  }
0x19: {  	s7 =	sld [smem:$0x3F91]  }
0x1a: {  	s8 =	sadd.s32 $0xFFFFE003, lr  }
0x1b: {  	s9 =	sadd.s32 $0xFFFFFEF7, lr;
	s5 =	simm.s32 $0xFFFFFFFF;
	p2 =	slt.u32 s8, $0xFFFFF086  }
0x1c: {  	p1 =	slt.u32 s9, $0xF7A;
	s5 =	simm.s32 @!p2 $0x0  }
0x1d: {  	s5 =	simm.s32 @p1 $0x1;
	p0 =	seq.s32 s7, s2  }
0x1e: {  	s7 =	smul.u32 @!p0 $0xF7A, s2;
	p2 =	seq.s32 @!p0 s5, $0x0  }
0x1f: {  	s9 =	smul.u32 $0xF7A, s1;
	s8 =	simm.s32 @!p0 $0x1BF5;
	p2 =	por !p2, p0  }
0x20: {  	[sflag:s8] =	ssyncset.s32 @!p0 $0xFFFFF086;
	s6 =	sadd.s32 @!p0 s3, s7;
	s7 =	simm.s32 @!p0 $0x108  }
0x21: {  	s3 =	sadd.s32 s3, s9;
	s6 =	sadd.s32 @!p0 $0x88, s6;
	s7 =	simm.s32 @p2 $0x1082  }
0x22: {  	[simem:s7], [sflag:s8] =	dma.local @!p0 [hbm:s6], $0xF7A  }
0x23: {  	s9 =	sor.u32 $0xD0000000, s2;
	s6 =	simm.s32 $0x108;
	_ =	swait.ge @!p0 [sflag:s8], $0x0  }
0x24: {  	s3 =	sadd.s32 $0x88, s3;
	s6 =	simm.s32 @!p1 $0x1082;
	[sflag:s4] =	ssyncset.s32 $0xFFFFF086  }
0x25: {  	[simem:s6], [sflag:s4] =	dma.local [hbm:s3], $0xF7A  }
0x26: {  	[smem:$0x3F91] =	sst s1;
	(tag) =	ssettag s2;
	_ =	strace s9  }
0x27: {  	s1 =	sld [smem:$0x3FA1]  }
0x28: {  	s2 =	sld [smem:$0x3FA2]  }
0x29: {  	s4 =	sld [smem:$0x3FA4]  }
0x2a: {  	p0 =	seq.s32 s5, $0x0;
	s5 =	sld [smem:$0x3FA5]  }
0x2b: {  	s6 =	sld [smem:$0x3FA6]  }
0x2c: {  	s7 =	sld [smem:$0x3FA7]  }
0x2d: {  	s3 =	simm.s32 $0x108;
	s8 =	sld [smem:$0x3FA8]  }
0x2e: {  	s3 =	simm.s32 @!p0 $0x1082;
	s9 =	sld [smem:$0x3FA9]  }
0x2f: {  	lr =	sadd.s32 s0, s3;
	s0 =	sld [smem:$0x3FA0]  }
0x30: {  	s3 =	sld [smem:$0x3FA3]  }
0x31: {  	[smem:$0x3FAC] =	sst s10  }
0x32: {  	s10 =	sld [smem:$0x3FAA];
	_ =	sdelay $0x3  }
0x33: {  	p0 =	seq.s32 s10, $0x1;
	s10 =	sld [smem:$0x3FAC];
	_ =	sdelay $0x3  }
0x34: {  	[smem:$0x3FAC] =	sst s10  }
0x35: {  	s10 =	sld [smem:$0x3FAB];
	_ =	sdelay $0x3  }
0x36: {  	p1 =	seq.s32 s10, $0x1;
	s10 =	sld [smem:$0x3FAC];
	_ =	sdelay $0x3  }
0x37: {  	[smem:$0x3FAC] =	sst s10  }
0x38: {  	s10 =	sld [smem:$0x3FAD]  }
0x39: {  	_ = 	snop;
	(pc) =	sbr.ind lr, $3  }
0x3a: {  	_ = 	snop  }
0x3b: {  	_ = 	snop  }
0x3c: {  	p2 =	seq.s32 s10, $0x1;
	s10 =	sld [smem:$0x3FAC]  }
0x3d: {  	_ =	shalt  }
0x3e: {  	_ =	shalt  }
0x3f: {  	_ =	shalt  }
0x40: {  	_ =	shalt  }
0x41: {  	_ =	shalt  }
0x42: {  	_ =	shalt  }
0x43: {  	_ =	shalt  }
0x44: {  	_ =	shalt  }
0x45: {  	_ =	shalt  }
0x46: {  	_ =	shalt  }
0x47: {  	_ =	shalt  }
0x48: {  	_ =	shalt  }
0x49: {  	_ =	shalt  }
0x4a: {  	_ =	shalt  }
0x4b: {  	_ =	shalt  }
0x4c: {  	_ =	shalt  }
0x4d: {  	_ =	shalt  }
0x4e: {  	_ =	shalt  }
0x4f: {  	_ =	shalt  }
0x50: {  	_ =	shalt  }
0x51: {  	_ =	shalt  }
0x52: {  	_ =	shalt  }
0x53: {  	_ =	shalt  }
0x54: {  	_ =	shalt  }
0x55: {  	_ =	shalt  }
0x56: {  	_ =	shalt  }
0x57: {  	_ =	shalt  }
0x58: {  	_ =	shalt  }
0x59: {  	_ =	shalt  }
0x5a: {  	_ =	shalt  }
0x5b: {  	_ =	shalt  }
0x5c: {  	_ =	shalt  }
0x5d: {  	_ =	shalt  }
0x5e: {  	_ =	shalt  }
0x5f: {  	_ =	shalt  }
0x60: {  	_ =	shalt  }
0x61: {  	_ =	shalt  }
0x62: {  	_ =	shalt  }
0x63: {  	_ =	shalt  }
0x64: {  	_ =	shalt  }
0x65: {  	_ =	shalt  }
0x66: {  	_ =	shalt  }
0x67: {  	_ =	shalt  }
0x68: {  	_ =	shalt  }
0x69: {  	_ =	shalt  }
0x6a: {  	_ =	shalt  }
0x6b: {  	_ =	shalt  }
0x6c: {  	_ =	shalt  }
0x6d: {  	_ =	shalt  }
0x6e: {  	_ =	shalt  }
0x6f: {  	_ =	shalt  }
0x70: {  	_ =	shalt  }
0x71: {  	_ =	shalt  }
0x72: {  	_ =	shalt  }
0x73: {  	_ =	shalt  }
0x74: {  	_ =	shalt  }
0x75: {  	_ =	shalt  }
0x76: {  	_ =	shalt  }
0x77: {  	_ =	shalt  }
0x78: {  	_ =	shalt  }
0x79: {  	_ =	shalt  }
0x7a: {  	_ =	shalt  }
0x7b: {  	_ =	shalt  }
0x7c: {  	_ =	shalt  }
0x7d: {  	_ =	shalt  }
0x7e: {  	_ =	shalt  }
0x7f: {  	_ =	shalt  }
0x80: {  	_ =	shalt  }
0x81: {  	_ =	shalt  }
0x82: {  	_ =	shalt  }
0x83: {  	_ =	shalt  }
0x84: {  	_ =	shalt  }
0x85: {  	_ =	shalt  }
0x86: {  	_ =	shalt  }
0x87: {  	_ =	shalt  }
.Lfunc_end0:
.L_simem_size_0:
called_computation.3_lowered:
.L_overlay_start_0:
0x88: {  	s2 =	sld [smem:$0x3FD9]  }
0x89: {  	s3 =	sld [smem:$0x3FFE];
	_ =	sdelay $0x1  }
0x8a: {  	s1 =	srdreg.scid  }
0x8b: {  	s0 =	sand.u32 $0x1, s1  }
0x8c: {  	s16 =	sshll.u32 s0, $0xA;
	s2 =	sadd.s32 s3, s2  }
0x8d: {  	s2 =	sadd.s32 s2, s16  }
0x8e: {  	[smem:$0x3FB8] =	sst s2  }
0x8f: {  	_ = 	snop  }
0x90: {  	(tm) =	ssettm $0x1  }
0x91: {  	s17 =	sld [smem:$0x3FFB];
	_ =	sdelay $0x3  }
0x92: {  	_ =	strace s17  }
0x93: {  	s2 =	sld [smem:$0x3FFC];
	_ =	sdelay $0x3  }
0x94: {  	_ =	strace s2  }
0x95: {  	s2 =	sld [smem:$0x3FFD];
	_ =	sdelay $0x3  }
0x96: {  	_ =	strace s2  }
0x97: {  	_ =	strace $0x8FFFFFFF  }
0x98: {  	s18 =	sld [smem:$0x3FDB];
	_ =	sdelay $0x1  }
0x99: {  	s19 =	simm.s32 $_scs_section_size  }
0x9a: {  	s4 =	simm.s32 $_size__tile_overlayer_lowered;
	s5 =	simm.s32 $_tile_overlayer_lowered  }
0x9b: {  	s22 =	simm.s32 $0x1BFF;
	s21 =	sshll.u32 s5, $0x1;
	s2 =	sadd.s32 s19, s18  }
0x9c: {  	s6 =	simm.s32 $0x0;
	s20 =	sshll.u32 s4, $0x1;
	s4 =	sadd.s32 s21, s2  }
0x9d: {  	[timem:s6], [sflag:s22] =	dma.local [hbm:s4], s20  }
0x9e: {  	_ =	swait.ge [sflag:s22], s20  }
0x9f: {  	s3 =	ssub.s32 $0x0, s20;
	[sflag:s22] =	ssyncset.done $0x0  }
0xa0: {  	[sflag:s22] =	ssyncadd.s32 s3;
	_ =	sdelay $0x1  }
0xa1: {  	s23 =	simm.s32 $0x1B8B  }
0xa2: {  	_ =	swait.ge [sflag:s23], $0x1  }
0xa3: {  	[sflag:s23] =	ssyncset.done $0x0  }
0xa4: {  	s25 =	simm.s32 $0x1B8E;
	s24 =	sld [smem:$0x3FFE];
	[sflag:s23] =	ssyncadd.s32 $0xFFFFFFFF  }
0xa5: {  	s26 =	simm.s32 $execute0_lowered;
	[smem:$0x3FD2] =	sst s25  }
0xa6: {  	s4 =	sshll.u32 s26, $0x1;
	_ =	strace $0x80000046;
	[dreg:$0x1] =	wrdreg $0xFFFFFFFF  }
0xa7: {  	s28 =	simm.s32 $_size_execute0_lowered;
	s2 =	sadd.s32 s2, s4;
	[dreg:$0x0] =	wrdreg $0x0  }
0xa8: {  	s4 =	sshll.u32 s28, $0x1;
	[dreg:$0x2] =	wrdreg s2  }
0xa9: {  	[dreg:$0x3] =	wrdreg s4  }
0xaa: {  	[dreg:$0x4] =	wrdreg $0xC0  }
0xab: {  	_ =	task [dreg:s6], $0x5FFFF  }
0xac: {  	[dreg:$0x1] =	wrdreg $0xFFFFFFFF  }
0xad: {  	[dreg:$0x0] =	wrdreg $0x60  }
0xae: {  	[dreg:$0x2] =	wrdreg s24  }
0xaf: {  	[dreg:$0x3] =	wrdreg $0xA  }
0xb0: {  	_ =	task.clear_ibuf [dreg:s6], $0x4FFFF;
	_ =	strace $0x90000046  }
0xb1: {  	s29 =	simm.s32 $0xA;
	_ =	strace $0x80000048  }
0xb2: {  	_ =	swait.ge [sflag:s29], $0x1  }
0xb3: {  	[sflag:s29] =	ssyncadd.s32 $0xFFFFFFFF  }
0xb4: {  	_ =	strace $0x90000048  }
0xb5: {  	_ =	sfence  }
0xb6: {  	s30 =	sld [smem:$0x0];
	_ =	sdelay $0x2  }
0xb7: {  	s31 =	sshll.u32 s1, $0xD;
	s1 =	sshrl.u32 s1, $0x2  }
0xb8: {  	s3 =	sand.u32 $0x4000, s31;
	s1 =	sadd.s32 s1, s30  }
0xb9: {  	s0 =	sor.u32 s3, s0;
	s1 =	sshll.u32 s1, $0x11  }
0xba: {  	s0 =	sor.u32 s1, s0  }
0xbb: {  	s0 =	sadd.s32 $0x8F2B, s0  }
0xbc: {  	[sflag:s0] =	ssyncadd.remote.s32 $0x1  }
0xbd: {  	_ =	sfence.sel $0xFFFF  }
0xbe: {  	[dreg:$0x0] =	wrdreg $0xFFFFFFFF;
	(pc) =	sbr.abs _section_cstart, $3  }
0xbf: {  	[dreg:$0x1] =	wrdreg $0xFFFFFFFF  }
0xc0: {  	_ =	task.clear_ibuf [dreg:s6], $0x2FFFF;
	_ =	strace $0x9FFFFFFF  }
0xc1: {  	(tm) =	ssettm $0x7FFFFFFF  }
tec
execute0_lowered:
.L_overlay_start_1:
0x0: {  	(tag) =	ssettag $0x1  }
0x1: {  	s8 =	rddreg [dreg:$0x0]  }
0x2: {  	s0 =	rddreg [dreg:$0x1];
	s1 =	srdreg.scid;
	_ =	strace $0x80000047  }
0x3: {  	s4 =	simm.s32 $0x1;
	s6 =	simm.s32 $0x2;
	s10 =	simm.s32 $0x3  }
0x4: {  	p3 =	por $0x0, $0x0;
	s11 =	simm.s32 $0x80;
	s3 =	sshll.u32 s1, $0x4  }
.Ltmp0:
0x5: {  	s1 =	stileid.u32;
	s5 =	sand.u32 $0x10, s3;
	(pc) =	sbr.rel .LBB2_1-.Ltmp0, $4  }
0x6: {  	s2 =	sadd.s32 $0x69000, s8;
	[sflag:s4] =	ssyncpa.u1 $0x0;
	s5 =	sor.u32 s1, s5  }
0x7: {  	s7 =	sadd.s32 $0xC99000, s8;
	[sflag:s6] =	ssyncpa.u1 $0x0;
	s5 =	smul.u32 $0x1388, s5  }
0x8: {  	s3 =	sadd.s32 $0xF000, s8;
	s8 =	sadd.s32 $0x14000, s8;
	[sflag:s10] =	ssyncpa.u1 $0x0  }
0x9: {  	v0 =	vlaneseq.u32;
	s10 =	simm.s32 $0x0;
	s9 =	sadd.s32 $0x1388, s5;
	s12 =	smov.u32 s5  }
.LBB2_6:
0xa: {  	s15 =	sadd.s32 s17, s15  }
0xb: {  	v2 =	vld.msk [tilespmem:s15+$0x0 ss:$0x1], $0x1;
	_ =	sdelay $0x2  }
0xc: {  	(v2sf) =	vpush v1, $0x1  }
0xd: {  	(v2sf) =	vpush v1, $0x0  }
0xe: {  	(v2sf) =	vpush v2, $0x0;
	_ =	sdelay $0xc  }
0xf: {  	p1 =	seq.s32 s18, $0x9C;
	s15 =	simm.s32 $0x1;
	s18 =	spop (v2sf)  }
0x10: {  	s15 =	simm.s32 @!p1 $0x2;
	s18 =	simm.s32 @p0 $0xFFFFFFFF;
	s19 =	spop (v2sf)  }
0x11: {  	v1 =	vmov s15;
	p0 =	sne.s32 s19, s18;
	s18 =	simm.s32 $0x1;
	s28 =	spop (v2sf)  }
0x12: {  	vm0 =	vgt.u32 v1, v0;
	s18 =	simm.s32 @!p0 $0x0;
	s29 =	sshll.u32 s28, $0xA;
	s15 =	sshll.u32 s28, $0x7  }
0x13: {  	s16 =	sadd.s32 s18, s16;
	s19 =	sand.u32 $0xFFFFE000, s29;
	s15 =	sand.u32 $0x380, s15  }
0x14: {  	s16 =	sshll.u32 s16, $0xC;
	s15 =	sor.u32 s15, s19  }
0x15: {  	s16 =	sshra.s32 s16, $0x2;
	s15 =	sshrl.u32 s15, $0x3  }
0x16: {  	s13 =	sadd.s32 s17, s13;
	s14 =	sadd.s32 s16, s14;
	s15 =	sadd.s32 s7, s15  }
0x17: {  	[hbm:s15] =	stream.strided.scatter [tilespmem:s14], [sflag:$0x3], $0x400, s11, s11, $0x38;
	[tilespmem:$0x140A0] =	vst v63  }
0x18: {  	v1 =	vld.msk [tilespmem:s13+$0x0 ss:$0x1], vm0;
	_ =	sdelay $0x4  }
0x19: {  	(v2sf) =	vpush v1, $0x1  }
0x1a: {  	(v2sf) =	vpush v1, $0x0;
	_ =	sdelay $0xb  }
0x1b: {  	s13 =	sld [smem:$0x7FB];
	_ =	sdelay $0x1  }
0x1c: {  	s30 =	spop (v2sf)  }
0x1d: {  	p3 =	seq.s32 s13, $0x1;
	s31 =	spop (v2sf)  }
.LBB2_7:
0x1e: {  	p0 =	slt.u32 s10, $0x2;
	s10 =	sadd.s32 $0x1, s10  }
0x1f: {  	p2 =	sne.s32 s10, $0x7F  }
.Ltmp1:
0x20: {  	_ = 	snop;
	(pc) =	sbr.rel @!p2 .LBB2_8-.Ltmp1, $4  }
0x21: {  	s13 =	simm.s32 @!p0 $0x3  }
0x22: {  	s14 =	sadd.s32 $0x28, s12;
	_ =	swait.ge @!p0 [sflag:s13], $0xA000  }
0x23: {  	s12 =	smov.u32 s5;
	p1 =	slt.s32 s14, s9;
	[sflag:s13] =	ssyncset.done @!p0 $0x0  }
0x24: {  	p3 =	por !p3, !p3;
	s12 =	smov.u32 @p1 s14;
	[sflag:s13] =	ssyncadd.s32 @!p0 $0xFFFF6000  }
.LBB2_1:
0x25: {  	p0 =	sgt.u32 s10, $0x7C  }
0x26: {  	s13 =	sxor.u32 @!p0 $0xFFFFFFFF, s10  }
0x27: {  	s13 =	sand.u32 @!p0 $0x1, s13  }
0x28: {  	s14 =	sshrl.u32 @!p0 s12, $0x3;
	s13 =	smul.u32 @!p0 $0x28, s13  }
0x29: {  	s16 =	sand.u32 @!p0 $0x7, s12;
	s15 =	sadd.s32 @!p0 s3, s14  }
0x2a: {  	[tilespmem:s13], [sflag:$0x2] =	stream.linear.gather @!p0 [hbm4b:s15+s16], $0x28, $0x38;
	[tilespmem:$0x140A0] =	vst v63  }
0x2b: {  	s31 =	sadd.s32 $0xFFFFFFFF, s10;
	s14 =	sadd.s32 @!p0 s8, s14;
	s13 =	sadd.s32 @!p0 $0x50, s13  }
0x2c: {  	[tilespmem:s13], [sflag:$0x2] =	stream.linear.gather @!p0 [hbm4b:s14+s16], $0x28, $0x38;
	[tilespmem:$0x140A0] =	vst v63  }
0x2d: {  	p0 =	sgt.u32 s31, $0x7C  }
.Ltmp2:
0x2e: {  	_ = 	snop;
	(pc) =	sbr.rel @p0 .LBB2_7-.Ltmp2, $1  }
0x2f: {  	_ =	sdelay $0x3  }
0x30: {  	p0 =	por $0x0, $0x0;
	s13 =	simm.s32 $0x1  }
0x31: {  	s13 =	simm.s32 @!p0 $0x2  }
0x32: {  	v1 =	vmov s13  }
0x33: {  	s14 =	simm.s32 @!p3 $0x0;
	s13 =	simm.s32 $0x1;
	vm0 =	vgt.u32 v1, v0  }
0x34: {  	s14 =	simm.s32 @p3 $0x1;
	s13 =	simm.s32 @!p3 $0x0  }
0x35: {  	[smem:$0x7FB] =	sst s14;
	s13 =	smul.u32 $0xA0, s13  }
0x36: {  	_ =	swait.ge [sflag:s6], $0x50  }
0x37: {  	[sflag:s6] =	ssyncset.done $0x0;
	s13 =	sshrl.u32 s13, $0x2  }
0x38: {  	[sflag:s6] =	ssyncadd.s32 $0xFFFFFFB0;
	s25 =	sadd.s32 $0x0, s13  }
0x39: {  	v1 =	vld.msk [tilespmem:s25+$0x0 ss:$0x1], vm0;
	_ =	sdelay $0x3  }
0x3a: {  	p1 =	por $0x0, $0x0;
	s14 =	simm.s32 $0x1  }
0x3b: {  	s14 =	simm.s32 @!p1 $0x2;
	(v2sf) =	vpush v1, $0x1  }
0x3c: {  	v2 =	vmov s14;
	(v2sf) =	vpush v1, $0x0  }
0x3d: {  	vm0 =	vgt.u32 v2, v0;
	_ =	sdelay $0x4  }
0x3e: {  	s15 =	sadd.s32 $0x1, s13  }
0x3f: {  	p2 =	por $0x0, $0x0;
	s14 =	simm.s32 $0x1;
	v2 =	vld.msk [tilespmem:s15+$0x0 ss:$0x1], vm0  }
0x40: {  	s14 =	simm.s32 @!p2 $0x2  }
0x41: {  	v3 =	vmov s14  }
0x42: {  	vm0 =	vgt.u32 v3, v0;
	_ =	sdelay $0x1  }
0x43: {  	p0 =	por p0, p0;
	(v2sf) =	vpush v2, $0x1  }
0x44: {  	p0 =	por p0, p0  }
0x45: {  	p0 =	por p0, p0;
	s14 =	spop (v2sf)  }
0x46: {  	s26 =	sadd.s32 $0x2, s13;
	s14 =	simm.s32 @p0 $0xFFFFFFFF;
	s16 =	spop (v2sf)  }
0x47: {  	v3 =	vld.msk [tilespmem:s26+$0x0 ss:$0x1], vm0;
	(v2sf) =	vpush v2, $0x0;
	p0 =	seq.s32 s16, s14  }
0x48: {  	v4 =	vshrl.u32 @!p0 v1, $0x2  }
0x49: {  	vm0 =	veq.s32 @!p0 v1, $0x80000000;
	v4 =	vand.u32 @!p0 $0x3FFF, v4  }
0x4a: {  	v1 =	vand.u32 @!p0 $0x3, v1;
	v4 =	vsel @!p0 vm0, $0xFFFFFFFF, v4  }
0x4b: {  	s28 =	sand.u32 $0x1, s10;
	p4 =	por $0x0, $0x0;
	s18 =	simm.s32 $0x0;
	v1 =	vmul.u32 @!p0 $0xA00000, v1;
	(v2sf) =	vpush @!p0 v4, $0x0  }
0x4c: {  	s22 =	simm.s32 $0x14;
	p5 =	por $0x0, $0x0;
	p1 =	por p1, p1;
	(v2sf) =	vpush v3, $0x1  }
0x4d: {  	s23 =	simm.s32 $0x18;
	p1 =	por p1, p1;
	p2 =	por p2, p2;
	v1 =	vsel @!p0 vm0, $0xFF600000, v1;
	(v2sf) =	vpush v3, $0x0  }
0x4e: {  	p1 =	por p1, p1;
	p3 =	por p2, p2;
	s16 =	simm.s32 $0x1;
	(v2sf) =	vpush @!p0 v1, $0x0  }
0x4f: {  	s30 =	sadd.s32 $0x3, s13;
	s31 =	sadd.s32 $0x4, s13;
	s16 =	simm.s32 @!p4 $0x2  }
0x50: {  	s15 =	sadd.s32 $0x50, s13;
	s14 =	smul.u32 $0x28000, s28;
	s17 =	simm.s32 @!p0 $0x0;
	v1 =	vmov s16  }
0x51: {  	s21 =	simm.s32 @!p0 $0x1;
	p2 =	por p0, p0;
	p4 =	por p4, p4;
	vm0 =	vgt.u32 v1, v0  }
0x52: {  	s20 =	simm.s32 @!p0 $0x80;
	s14 =	sshrl.u32 s14, $0x2;
	s16 =	spop (v2sf)  }
0x53: {  	s16 =	simm.s32 @p1 $0xFFFFFFFF;
	p1 =	por p3, p3;
	p3 =	por p4, p4  }
0x54: {  	s21 =	smov.u32 @p2 s18;
	s18 =	simm.s32 $0x1;
	s24 =	simm.s32 @!p3 $0x0  }
0x55: {  	s14 =	sor.u32 $0xA0, s14;
	s18 =	simm.s32 @!p5 $0x2;
	s24 =	simm.s32 @p3 $0x1  }
0x56: {  	p3 =	por p5, p5;
	p5 =	por p2, p2;
	s29 =	spop (v2sf)  }
0x57: {  	p6 =	seq.s32 s29, s16;
	v1 =	vld.msk [tilespmem:s30+$0x0 ss:$0x1], vm0;
	[smem:$0x7FC] =	sst s24;
	s24 =	simm.s32 @!p3 $0x0  }
0x58: {  	s19 =	sshll.u32 @!p6 s21, $0xC;
	s16 =	sadd.s32 @!p6 $0x1, s21;
	v4 =	vshrl.u32 @!p6 v2, $0x2;
	s24 =	simm.s32 @p3 $0x1  }
0x59: {  	v5 =	vmov s18;
	vm0 =	veq.s32 @!p6 v2, $0x80000000;
	s18 =	simm.s32 @!p6 $0x80;
	p3 =	por p6, p6;
	s19 =	sshra.s32 @!p6 s19, $0x2;
	v4 =	vand.u32 @!p6 $0x3FFF, v4  }
0x5a: {  	vm1 =	vgt.u32 v5, v0;
	v2 =	vand.u32 @!p6 $0x3, v2;
	[smem:$0x7FD] =	sst s24;
	s16 =	smov.u32 @p3 s21;
	v4 =	vsel @!p6 vm0, $0xFFFFFFFF, v4;
	s24 =	spop @!p0 (v2sf)  }
0x5b: {  	v2 =	vmul.u32 @!p6 $0xA00000, v2;
	(v2sf) =	vpush @!p6 v4, $0x0;
	s21 =	spop (v2sf);
	s25 =	sshll.u32 @!p5 s24, $0xA;
	s24 =	sshll.u32 @!p5 s24, $0x7  }
0x5c: {  	(v2sf) =	vpush v1, $0x1;
	s21 =	simm.s32 @p1 $0xFFFFFFFF;
	s26 =	spop (v2sf);
	s25 =	sand.u32 @!p5 $0xFFFFE000, s25  }
0x5d: {  	v2 =	vsel @!p6 vm0, $0xFF600000, v2;
	(v2sf) =	vpush v1, $0x0;
	s24 =	sand.u32 @!p5 $0x380, s24;
	p4 =	seq.s32 s26, s21;
	s26 =	spop @!p0 (v2sf)  }
0x5e: {  	(v2sf) =	vpush @!p6 v2, $0x0;
	p0 =	por $0x0, $0x0;
	v2 =	vshrl.u32 @!p4 v3, $0x2;
	s25 =	sadd.s32 @!p5 s26, s25;
	s26 =	simm.s32 $0x1  }
0x5f: {  	vm0 =	veq.s32 @!p4 v3, $0x80000000;
	v3 =	vand.u32 @!p4 $0x3, v3;
	s26 =	simm.s32 @!p0 $0x2;
	v5 =	vand.u32 @!p4 $0x3FFF, v2;
	s25 =	sor.u32 @!p5 s24, s25;
	s24 =	sshll.u32 @!p4 s16, $0xC  }
0x60: {  	s21 =	sadd.s32 @!p4 $0x1, s16;
	v2 =	vld.msk [tilespmem:s31+$0x0 ss:$0x1], vm1;
	v3 =	vmul.u32 @!p4 $0xA00000, v3;
	v4 =	vmov s26;
	v5 =	vsel @!p4 vm0, $0xFFFFFFFF, v5;
	s24 =	sshra.s32 @!p4 s24, $0x2;
	s25 =	sshrl.u32 @!p5 s25, $0x3  }
.LBB2_3:
0x61: {  	s26 =	simm.s32 @!p6 $0x0;
	s28 =	smov.u32 s22;
	s30 =	sld [smem:$0x7FC]  }
0x62: {  	s22 =	smov.u32 s23;
	s23 =	sadd.s32 $0x4, s23;
	s31 =	sld [smem:$0x7FD]  }
0x63: {  	p1 =	por p3, p3;
	s26 =	simm.s32 @p6 $0x1;
	p6 =	por p4, p4  }
0x64: {  	s29 =	sshra.s32 s28, $0x2;
	[smem:$0x7FA] =	sst s26;
	s26 =	smov.u32 s16  }
0x65: {  	s16 =	sadd.s32 @!p5 s2, s25;
	s25 =	sadd.s32 @!p5 s17, s14;
	s17 =	smov.u32 s19  }
0x66: {  	[tilespmem:s25], [sflag:$0x1] =	stream.strided.gather @!p5 [hbm:s16], $0x400, s20, s20, $0x38;
	[tilespmem:$0x140A0] =	vst v63  }
0x67: {  	p2 =	seq.s32 s30, $0x1;
	s20 =	smov.u32 s18;
	s30 =	sld [smem:$0x7FA]  }
0x68: {  	(v2sf) =	vpush @!p4 v5, $0x0;
	s18 =	simm.s32 @!p6 $0x80;
	p4 =	por p2, p2;
	p2 =	seq.s32 s31, $0x1  }
0x69: {  	p5 =	por p1, p1;
	s16 =	smov.u32 s21;
	p3 =	por p2, p2  }
0x6a: {  	p2 =	por p0, p0;
	s19 =	simm.s32 @!p3 $0x0;
	p0 =	seq.s32 s30, $0x1  }
0x6b: {  	s19 =	simm.s32 @p3 $0x1;
	p3 =	por p6, p6;
	s21 =	spop @!p0 (v2sf)  }
0x6c: {  	vm1 =	vgt.u32 v4, v0;
	[smem:$0x7FC] =	sst s19;
	s19 =	simm.s32 @!p2 $0x0;
	s16 =	smov.u32 @p3 s26  }
0x6d: {  	s26 =	sshll.u32 @!p5 s21, $0xA;
	s21 =	sshll.u32 @!p5 s21, $0x7;
	s19 =	simm.s32 @p2 $0x1  }
0x6e: {  	p2 =	sne.s32 s23, $0xA0;
	s26 =	sand.u32 @!p5 $0xFFFFE000, s26;
	s21 =	sand.u32 @!p5 $0x380, s21  }
0x6f: {  	[smem:$0x7FD] =	sst s19;
	s19 =	smov.u32 s24;
	s25 =	spop (v2sf)  }
.Ltmp3:
0x70: {  	(v2sf) =	vpush v2, $0x1;
	v4 =	vmov v2;
	s25 =	simm.s32 @p4 $0xFFFFFFFF;
	s31 =	spop (v2sf);
	(pc) =	sbr.rel @p2 .LBB2_3-.Ltmp3, $4  }
0x71: {  	v3 =	vsel @!p6 vm0, $0xFF600000, v3;
	(v2sf) =	vpush v4, $0x0;
	s24 =	sadd.s32 s29, s13;
	s28 =	spop @!p0 (v2sf);
	p4 =	seq.s32 s31, s25  }
0x72: {  	(v2sf) =	vpush @!p6 v3, $0x0;
	v2 =	vld.msk [tilespmem:s24+$0x0 ss:$0x1], vm1;
	p0 =	seq.s32 s22, $0x9C;
	s25 =	simm.s32 $0x1;
	v5 =	vshrl.u32 @!p4 v1, $0x2;
	s24 =	sadd.s32 @!p5 s28, s26  }
0x73: {  	vm0 =	veq.s32 @!p4 v1, $0x80000000;
	v3 =	vand.u32 @!p4 $0x3, v1;
	s25 =	simm.s32 @!p0 $0x2;
	s26 =	sshll.u32 @!p4 s16, $0xC;
	v5 =	vand.u32 @!p4 $0x3FFF, v5;
	s28 =	sor.u32 @!p5 s21, s24  }
0x74: {  	v1 =	vmovc v4;
	v3 =	vmul.u32 @!p4 $0xA00000, v3;
	v4 =	vmov s25;
	s24 =	sshra.s32 @!p4 s26, $0x2;
	s21 =	sadd.s32 @!p4 $0x1, s16;
	v5 =	vsel @!p4 vm0, $0xFFFFFFFF, v5;
	s25 =	sshrl.u32 @!p5 s28, $0x3  }
0x75: {  	_ =	sdelay $0x5  }
0x76: {  	vm1 =	vgt.u32 v4, v0;
	s26 =	sld [smem:$0x7FC];
	_ =	sdelay $0x1  }
0x77: {  	(v2sf) =	vpush @!p4 v5, $0x0  }
0x78: {  	(v2sf) =	vpush v2, $0x1;
	s23 =	spop @!p6 (v2sf);
	p2 =	seq.s32 s26, $0x1  }
0x79: {  	s22 =	sshra.s32 s22, $0x2;
	(v2sf) =	vpush v2, $0x0;
	p2 =	por p2, p2;
	s26 =	spop (v2sf)  }
0x7a: {  	s22 =	sadd.s32 s22, s13;
	s26 =	simm.s32 @p2 $0xFFFFFFFF;
	s28 =	spop (v2sf)  }
0x7b: {  	v4 =	vld.msk [tilespmem:s22+$0x0 ss:$0x1], vm1;
	p1 =	seq.s32 s28, s26  }
0x7c: {  	v5 =	vshrl.u32 @!p1 v1, $0x2  }
0x7d: {  	v3 =	vsel @!p4 vm0, $0xFF600000, v3;
	vm0 =	veq.s32 @!p1 v1, $0x80000000;
	v5 =	vand.u32 @!p1 $0x3FFF, v5  }
0x7e: {  	(v2sf) =	vpush @!p4 v3, $0x0;
	v3 =	vsel @!p1 vm0, $0xFFFFFFFF, v5  }
0x7f: {  	s17 =	sadd.s32 @!p5 s17, s14;
	s22 =	sadd.s32 @!p5 s2, s25;
	(v2sf) =	vpush @!p1 v3, $0x0  }
0x80: {  	[tilespmem:s17], [sflag:$0x1] =	stream.strided.gather @!p5 [hbm:s22], $0x400, s20, s20, $0x38;
	(v2sf) =	vpush v4, $0x1;
	[tilespmem:$0x140A0] =	vst v63  }
0x81: {  	s17 =	sld [smem:$0x7FD];
	(v2sf) =	vpush v4, $0x0  }
0x82: {  	p3 =	por p3, p3  }
0x83: {  	s20 =	sshll.u32 @!p3 s23, $0x7;
	v1 =	vand.u32 @!p1 $0x3, v1  }
0x84: {  	s20 =	sand.u32 @!p3 $0x380, s20;
	p5 =	seq.s32 s17, $0x1;
	s17 =	sshll.u32 @!p3 s23, $0xA;
	v1 =	vmul.u32 @!p1 $0xA00000, v1  }
0x85: {  	p5 =	por p5, p5;
	s17 =	sand.u32 @!p3 $0xFFFFE000, s17;
	s22 =	spop @!p6 (v2sf)  }
0x86: {  	s17 =	sadd.s32 @!p3 s22, s17;
	p6 =	por p1, p1;
	s22 =	spop @!p4 (v2sf);
	v1 =	vsel @!p1 vm0, $0xFF600000, v1  }
0x87: {  	s17 =	sor.u32 @!p3 s20, s17;
	p1 =	por p5, p5;
	s20 =	spop (v2sf);
	(v2sf) =	vpush @!p6 v1, $0x0  }
0x88: {  	s20 =	simm.s32 @p1 $0xFFFFFFFF;
	s31 =	spop (v2sf)  }
0x89: {  	p2 =	por p4, p4;
	s17 =	sshrl.u32 @!p3 s17, $0x3;
	p1 =	seq.s32 s31, s20  }
0x8a: {  	s19 =	sadd.s32 @!p3 s19, s14;
	s17 =	sadd.s32 @!p3 s2, s17;
	p5 =	por p2, p2;
	v1 =	vshrl.u32 @!p1 v2, $0x2  }
0x8b: {  	[tilespmem:s19], [sflag:$0x1] =	stream.strided.gather @!p3 [hbm:s17], $0x400, s18, s18, $0x38;
	vm0 =	veq.s32 @!p1 v2, $0x80000000;
	v2 =	vand.u32 @!p1 $0x3, v2;
	v1 =	vand.u32 @!p1 $0x3FFF, v1;
	[tilespmem:$0x140A0] =	vst v63  }
0x8c: {  	s17 =	sshll.u32 @!p5 s22, $0xA;
	v2 =	vmul.u32 @!p1 $0xA00000, v2;
	v1 =	vsel @!p1 vm0, $0xFFFFFFFF, v1  }
0x8d: {  	p0 =	por p0, p0;
	s17 =	sand.u32 @!p5 $0xFFFFE000, s17;
	(v2sf) =	vpush @!p1 v1, $0x0;
	s18 =	spop @!p4 (v2sf)  }
0x8e: {  	p0 =	por p0, p0;
	v1 =	vsel @!p1 vm0, $0xFF600000, v2;
	s17 =	sadd.s32 @!p5 s18, s17;
	s18 =	spop @!p6 (v2sf)  }
0x8f: {  	p0 =	por p0, p0;
	s19 =	sshll.u32 @!p5 s22, $0x7;
	(v2sf) =	vpush @!p1 v1, $0x0;
	s20 =	spop (v2sf)  }
0x90: {  	s19 =	sand.u32 @!p5 $0x380, s19;
	s20 =	simm.s32 @p0 $0xFFFFFFFF;
	s23 =	spop (v2sf)  }
0x91: {  	s17 =	sor.u32 @!p5 s19, s17;
	p0 =	seq.s32 s23, s20  }
0x92: {  	s22 =	simm.s32 @!p4 $0x80;
	p3 =	por p6, p6;
	s17 =	sshrl.u32 @!p5 s17, $0x3;
	v1 =	vshrl.u32 @!p0 v4, $0x2  }
0x93: {  	p4 =	por p3, p3;
	s19 =	sadd.s32 @!p5 s24, s14;
	s17 =	sadd.s32 @!p5 s2, s17;
	vm0 =	veq.s32 @!p0 v4, $0x80000000;
	v2 =	vand.u32 @!p0 $0x3, v4;
	v1 =	vand.u32 @!p0 $0x3FFF, v1  }
0x94: {  	[tilespmem:s19], [sflag:$0x1] =	stream.strided.gather @!p5 [hbm:s17], $0x400, s22, s22, $0x38;
	v2 =	vmul.u32 @!p0 $0xA00000, v2;
	v1 =	vsel @!p0 vm0, $0xFFFFFFFF, v1;
	[tilespmem:$0x140A0] =	vst v63  }
0x95: {  	s17 =	sshll.u32 @!p4 s18, $0xA;
	(v2sf) =	vpush @!p0 v1, $0x0  }
0x96: {  	s18 =	sshll.u32 @!p4 s18, $0x7;
	s17 =	sand.u32 @!p4 $0xFFFFE000, s17;
	s19 =	spop @!p6 (v2sf);
	v1 =	vsel @!p0 vm0, $0xFF600000, v2  }
0x97: {  	s21 =	smov.u32 @p2 s16;
	s16 =	sadd.s32 @!p4 s19, s17;
	s17 =	sand.u32 @!p4 $0x380, s18;
	(v2sf) =	vpush @!p0 v1, $0x0  }
0x98: {  	s18 =	sshll.u32 @!p6 s21, $0xC;
	s16 =	sor.u32 @!p4 s17, s16  }
0x99: {  	p2 =	por p1, p1;
	s17 =	sshra.s32 @!p6 s18, $0x2;
	s16 =	sshrl.u32 @!p4 s16, $0x3  }
0x9a: {  	s18 =	simm.s32 @!p6 $0x80;
	s17 =	sadd.s32 @!p4 s17, s14;
	s16 =	sadd.s32 @!p4 s2, s16  }
0x9b: {  	[tilespmem:s17], [sflag:$0x1] =	stream.strided.gather @!p4 [hbm:s16], $0x400, s18, s18, $0x38;
	[tilespmem:$0x140A0] =	vst v63  }
0x9c: {  	p4 =	por p2, p2;
	s16 =	spop @!p1 (v2sf)  }
0x9d: {  	s17 =	sadd.s32 @!p6 $0x1, s21;
	s18 =	sshll.u32 @!p4 s16, $0xA  }
0x9e: {  	s16 =	sshll.u32 @!p4 s16, $0x7;
	s19 =	spop @!p1 (v2sf);
	s18 =	sand.u32 @!p4 $0xFFFFE000, s18  }
0x9f: {  	s17 =	smov.u32 @p3 s21;
	s16 =	sand.u32 @!p4 $0x380, s16;
	s18 =	sadd.s32 @!p4 s19, s18  }
0xa0: {  	s19 =	sshll.u32 @!p1 s17, $0xC;
	s16 =	sor.u32 @!p4 s16, s18  }
0xa1: {  	p3 =	por p0, p0;
	s18 =	sshra.s32 @!p1 s19, $0x2;
	s16 =	sshrl.u32 @!p4 s16, $0x3  }
0xa2: {  	s19 =	simm.s32 @!p1 $0x80;
	s18 =	sadd.s32 @!p4 s18, s14;
	s16 =	sadd.s32 @!p4 s2, s16  }
0xa3: {  	[tilespmem:s18], [sflag:$0x1] =	stream.strided.gather @!p4 [hbm:s16], $0x400, s19, s19, $0x38;
	[tilespmem:$0x140A0] =	vst v63  }
0xa4: {  	s16 =	sadd.s32 @!p1 $0x1, s17;
	p1 =	por p3, p3;
	s18 =	spop @!p0 (v2sf)  }
0xa5: {  	s16 =	smov.u32 @p2 s17;
	s17 =	sshll.u32 @!p1 s18, $0xA  }
0xa6: {  	s18 =	sshll.u32 @!p1 s18, $0x7;
	s19 =	spop @!p0 (v2sf);
	s17 =	sand.u32 @!p1 $0xFFFFE000, s17  }
0xa7: {  	s20 =	sshll.u32 @!p0 s16, $0xC;
	s18 =	sand.u32 @!p1 $0x380, s18;
	s17 =	sadd.s32 @!p1 s19, s17  }
0xa8: {  	s19 =	sshra.s32 @!p0 s20, $0x2;
	s17 =	sor.u32 @!p1 s18, s17;
	s18 =	sadd.s32 @!p0 $0x1, s16  }
0xa9: {  	s20 =	simm.s32 @!p0 $0x80;
	s17 =	sshrl.u32 @!p1 s17, $0x3;
	s18 =	smov.u32 @p3 s16  }
0xaa: {  	s16 =	sadd.s32 @!p1 s2, s17;
	s17 =	sadd.s32 @!p1 s19, s14;
	s25 =	sshll.u32 s18, $0xA  }
0xab: {  	[tilespmem:s17], [sflag:$0x1] =	stream.strided.gather @!p1 [hbm:s16], $0x400, s20, s20, $0x38;
	[tilespmem:$0x140A0] =	vst v63  }
0xac: {  	s16 =	sand.u32 $0x3FFFFC00, s25  }
0xad: {  	_ =	swait.ge [sflag:s4], s16  }
0xae: {  	s16 =	ssub.s32 $0x0, s16;
	[sflag:s4] =	ssyncset.done $0x0  }
0xaf: {  	s26 =	sadd.s32 $0x0, s15;
	[sflag:s4] =	ssyncadd.s32 s16  }
0xb0: {  	v1 =	vld.msk [tilespmem:s26+$0x0 ss:$0x1], $0x1;
	_ =	sdelay $0x4  }
0xb1: {  	(v2sf) =	vpush v1, $0x0;
	_ =	sdelay $0xc  }
0xb2: {  	p0 =	por $0x0, $0x0;
	s16 =	simm.s32 $0x1  }
0xb3: {  	s16 =	simm.s32 @!p0 $0x2  }
0xb4: {  	v1 =	vmov s16;
	s28 =	spop (v2sf)  }
0xb5: {  	vm15 =	vgt.u32 v1, v0;
	s29 =	sshll.u32 s28, $0xA;
	s17 =	sshll.u32 s28, $0x7  }
0xb6: {  	s16 =	sand.u32 $0xFFFFE000, s29;
	s17 =	sand.u32 $0x380, s17  }
0xb7: {  	s16 =	sor.u32 s17, s16  }
0xb8: {  	s30 =	sadd.s32 $0x0, s14;
	s31 =	sadd.s32 $0x0, s13;
	s16 =	sshrl.u32 s16, $0x3  }
0xb9: {  	s18 =	simm.s32 $0x4;
	s19 =	simm.s32 $0x8;
	s16 =	sadd.s32 s7, s16  }
0xba: {  	[hbm:s16] =	stream.strided.scatter [tilespmem:s30], [sflag:$0x3], $0x400, s11, s11, $0x38;
	[tilespmem:$0x140A0] =	vst v63  }
0xbb: {  	p0 =	por p0, p0;
	s17 =	simm.s32 $0x1;
	s16 =	simm.s32 $0x0;
	v1 =	vld.msk [tilespmem:s31+$0x0 ss:$0x1], vm15  }
.LBB2_5:
0xbc: {  	p1 =	sne.s32 s19, $0x9C;
	s20 =	sadd.s32 s17, s15  }
0xbd: {  	v2 =	vld.msk [tilespmem:s20+$0x0 ss:$0x1], $0x1;
	_ =	sdelay $0x3  }
0xbe: {  	(v2sf) =	vpush v1, $0x1  }
0xbf: {  	(v2sf) =	vpush v1, $0x0  }
0xc0: {  	(v2sf) =	vpush v2, $0x0;
	_ =	sdelay $0xb  }
0xc1: {  	p2 =	seq.s32 s18, $0x9C;
	s18 =	smov.u32 s19;
	s20 =	simm.s32 $0x1  }
0xc2: {  	s20 =	simm.s32 @!p2 $0x2;
	s21 =	spop (v2sf)  }
0xc3: {  	s21 =	simm.s32 @p0 $0xFFFFFFFF;
	s22 =	spop (v2sf);
	p0 =	por p2, p2  }
0xc4: {  	v1 =	vmov s20;
	s20 =	spop (v2sf);
	p2 =	sne.s32 s22, s21;
	s22 =	simm.s32 $0x1  }
0xc5: {  	vm0 =	vgt.u32 v1, v0;
	s21 =	sshll.u32 s20, $0xA;
	s20 =	sshll.u32 s20, $0x7;
	s22 =	simm.s32 @!p2 $0x0  }
0xc6: {  	s21 =	sand.u32 $0xFFFFE000, s21;
	s20 =	sand.u32 $0x380, s20;
	s16 =	sadd.s32 s22, s16  }
.Ltmp4:
0xc7: {  	s20 =	sor.u32 s20, s21;
	s21 =	sshll.u32 s16, $0xC;
	(pc) =	sbr.rel @p1 .LBB2_5-.Ltmp4, $4  }
0xc8: {  	s20 =	sshrl.u32 s20, $0x3;
	s21 =	sshra.s32 s21, $0x2  }
0xc9: {  	s22 =	sadd.s32 s17, s13;
	s21 =	sadd.s32 s21, s14;
	s20 =	sadd.s32 s7, s20  }
0xca: {  	[hbm:s20] =	stream.strided.scatter [tilespmem:s21], [sflag:$0x3], $0x400, s11, s11, $0x38;
	[tilespmem:$0x140A0] =	vst v63  }
0xcb: {  	s19 =	sadd.s32 $0x4, s19;
	s17 =	sshra.s32 s18, $0x2;
	v1 =	vld.msk [tilespmem:s22+$0x0 ss:$0x1], vm0  }
.Ltmp5:
0xcc: {  	_ = 	snop;
	(pc) =	sbr.rel .LBB2_6-.Ltmp5, $1  }
0xcd: {  	_ =	sdelay $0x3  }
.LBB2_8:
0xce: {  	_ =	sfence.sel $0x180000  }
0xcf: {  	s2 =	simm.s32 $0x2;
	[bflag:$0x0] =	sbarrier.arrive $0xFFFF  }
0xd0: {  	s30 =	simm.s32 $0x3;
	[sflag:s2] =	ssyncpa.u1 $0x1  }
0xd1: {  	s31 =	simm.s32 $0x1;
	[sflag:s30] =	ssyncpa.u1 $0x1  }
0xd2: {  	[sflag:s31] =	ssyncpa.u1 $0x1  }
0xd3: {  	p0 =	sne.s32 s1, $0x0;
	_ =	strace $0x90000047  }
0xd4: {  	s0 =	sadd.s32 @!p0 $0x100000, s0;
	[bflag:$0x2] =	sbarrier.arrive $0xFFFF  }
0xd5: {  	[sflag:s0] =	ssyncadd.tile.s32 @!p0 $0x1;
	_ =	shalt  }
.Lfunc_end2:
_tile_overlayer_lowered:
.L_overlay_start_2:
0xd6: {  	(tag) =	ssettag $0x2  }
0xd7: {  	s0 =	rddreg [dreg:$0x0];
	s2 =	stileid.u32  }
0xd8: {  	s1 =	rddreg [dreg:$0x1];
	p0 =	sne.s32 s2, $0x0  }
0xd9: {  	s3 =	rddreg [dreg:$0x2];
	[bflag:$0x3] =	sbarrier.arrive $0xFFFF;
	s2 =	simm.s32 @!p0 $0x1C01  }
0xda: {  	[timem:s3], [sflag:s2] =	dma.local @!p0 [hbm:s0], s1  }
0xdb: {  	s0 =	simm.s32 @!p0 $0x1  }
0xdc: {  	_ =	swait.ge @!p0 [sflag:s0], s1  }
0xdd: {  	s1 =	ssub.s32 @!p0 $0x0, s1;
	[sflag:s0] =	ssyncset.done @!p0 $0x0  }
0xde: {  	[sflag:s0] =	ssyncadd.s32 @!p0 s1  }
0xdf: {  	[bflag:$0x3] =	sbarrier.arrive $0xFFFF  }
0xe0: {  	_ =	shalt  }

// kernel: gather_offload_async_start.2
scs
__scs_entry_jumppad:
0x0: {  	(pc) =	sbr.rel $0x88, $3  }
0x1: {  	(tag) =	ssettag $0x0;
	lr =	simm.s32 $0x1  }
0x2: {  	[smem:$0x3F91] =	sst lr;
	_ =	strace $0xD0000000  }
0x3: {  	_ = 	snop  }
0x4: {  	_ = 	snop  }
0x5: {  	_ = 	snop  }
0x6: {  	_ = 	snop  }
0x7: {  	_ = 	snop  }
__scs_overlays_trampoline_lowered:
0x8: {  	[smem:$0x3FA0] =	sst s0  }
0x9: {  	[smem:$0x3FA1] =	sst s1  }
0xa: {  	[smem:$0x3FA2] =	sst s2  }
0xb: {  	[smem:$0x3FA3] =	sst s3  }
0xc: {  	[smem:$0x3FA4] =	sst s4  }
0xd: {  	[smem:$0x3FA5] =	sst s5  }
0xe: {  	[smem:$0x3FA6] =	sst s6  }
0xf: {  	[smem:$0x3FA7] =	sst s7  }
0x10: {  	[smem:$0x3FA8] =	sst s8  }
0x11: {  	[smem:$0x3FA9] =	sst s9;
	s0 =	simm.s32 @!p0 $0x0  }
0x12: {  	s1 =	sld [smem:$0x3F8F];
	s0 =	simm.s32 @p0 $0x1  }
0x13: {  	[smem:$0x3FAA] =	sst s0;
	s0 =	simm.s32 @!p1 $0x0  }
0x14: {  	s2 =	sld [smem:$0x3F8E];
	s0 =	simm.s32 @p1 $0x1  }
0x15: {  	[smem:$0x3FAB] =	sst s0;
	s0 =	simm.s32 @!p2 $0x0  }
0x16: {  	s3 =	sld [smem:$0x3FDB];
	s0 =	simm.s32 @p2 $0x1  }
0x17: {  	s4 =	simm.s32 $0x1BF5;
	[smem:$0x3FAD] =	sst s0  }
0x18: {  	s0 =	sld [smem:$0x3F90];
	_ =	swait.ge [sflag:s4], $0x0  }
0x19: {  	s7 =	sld [smem:$0x3F91]  }
0x1a: {  	s8 =	sadd.s32 $0xFFFFE003, lr  }
0x1b: {  	s9 =	sadd.s32 $0xFFFFFEF7, lr;
	s5 =	simm.s32 $0xFFFFFFFF;
	p2 =	slt.u32 s8, $0xFFFFF086  }
0x1c: {  	p1 =	slt.u32 s9, $0xF7A;
	s5 =	simm.s32 @!p2 $0x0  }
0x1d: {  	s5 =	simm.s32 @p1 $0x1;
	p0 =	seq.s32 s7, s2  }
0x1e: {  	s7 =	smul.u32 @!p0 $0xF7A, s2;
	p2 =	seq.s32 @!p0 s5, $0x0  }
0x1f: {  	s9 =	smul.u32 $0xF7A, s1;
	s8 =	simm.s32 @!p0 $0x1BF5;
	p2 =	por !p2, p0  }
0x20: {  	[sflag:s8] =	ssyncset.s32 @!p0 $0xFFFFF086;
	s6 =	sadd.s32 @!p0 s3, s7;
	s7 =	simm.s32 @!p0 $0x108  }
0x21: {  	s3 =	sadd.s32 s3, s9;
	s6 =	sadd.s32 @!p0 $0x88, s6;
	s7 =	simm.s32 @p2 $0x1082  }
0x22: {  	[simem:s7], [sflag:s8] =	dma.local @!p0 [hbm:s6], $0xF7A  }
0x23: {  	s9 =	sor.u32 $0xD0000000, s2;
	s6 =	simm.s32 $0x108;
	_ =	swait.ge @!p0 [sflag:s8], $0x0  }
0x24: {  	s3 =	sadd.s32 $0x88, s3;
	s6 =	simm.s32 @!p1 $0x1082;
	[sflag:s4] =	ssyncset.s32 $0xFFFFF086  }
0x25: {  	[simem:s6], [sflag:s4] =	dma.local [hbm:s3], $0xF7A  }
0x26: {  	[smem:$0x3F91] =	sst s1;
	(tag) =	ssettag s2;
	_ =	strace s9  }
0x27: {  	s1 =	sld [smem:$0x3FA1]  }
0x28: {  	s2 =	sld [smem:$0x3FA2]  }
0x29: {  	s4 =	sld [smem:$0x3FA4]  }
0x2a: {  	p0 =	seq.s32 s5, $0x0;
	s5 =	sld [smem:$0x3FA5]  }
0x2b: {  	s6 =	sld [smem:$0x3FA6]  }
0x2c: {  	s7 =	sld [smem:$0x3FA7]  }
0x2d: {  	s3 =	simm.s32 $0x108;
	s8 =	sld [smem:$0x3FA8]  }
0x2e: {  	s3 =	simm.s32 @!p0 $0x1082;
	s9 =	sld [smem:$0x3FA9]  }
0x2f: {  	lr =	sadd.s32 s0, s3;
	s0 =	sld [smem:$0x3FA0]  }
0x30: {  	s3 =	sld [smem:$0x3FA3]  }
0x31: {  	[smem:$0x3FAC] =	sst s10  }
0x32: {  	s10 =	sld [smem:$0x3FAA];
	_ =	sdelay $0x3  }
0x33: {  	p0 =	seq.s32 s10, $0x1;
	s10 =	sld [smem:$0x3FAC];
	_ =	sdelay $0x3  }
0x34: {  	[smem:$0x3FAC] =	sst s10  }
0x35: {  	s10 =	sld [smem:$0x3FAB];
	_ =	sdelay $0x3  }
0x36: {  	p1 =	seq.s32 s10, $0x1;
	s10 =	sld [smem:$0x3FAC];
	_ =	sdelay $0x3  }
0x37: {  	[smem:$0x3FAC] =	sst s10  }
0x38: {  	s10 =	sld [smem:$0x3FAD]  }
0x39: {  	_ = 	snop;
	(pc) =	sbr.ind lr, $3  }
0x3a: {  	_ = 	snop  }
0x3b: {  	_ = 	snop  }
0x3c: {  	p2 =	seq.s32 s10, $0x1;
	s10 =	sld [smem:$0x3FAC]  }
0x3d: {  	_ =	shalt  }
0x3e: {  	_ =	shalt  }
0x3f: {  	_ =	shalt  }
0x40: {  	_ =	shalt  }
0x41: {  	_ =	shalt  }
0x42: {  	_ =	shalt  }
0x43: {  	_ =	shalt  }
0x44: {  	_ =	shalt  }
0x45: {  	_ =	shalt  }
0x46: {  	_ =	shalt  }
0x47: {  	_ =	shalt  }
0x48: {  	_ =	shalt  }
0x49: {  	_ =	shalt  }
0x4a: {  	_ =	shalt  }
0x4b: {  	_ =	shalt  }
0x4c: {  	_ =	shalt  }
0x4d: {  	_ =	shalt  }
0x4e: {  	_ =	shalt  }
0x4f: {  	_ =	shalt  }
0x50: {  	_ =	shalt  }
0x51: {  	_ =	shalt  }
0x52: {  	_ =	shalt  }
0x53: {  	_ =	shalt  }
0x54: {  	_ =	shalt  }
0x55: {  	_ =	shalt  }
0x56: {  	_ =	shalt  }
0x57: {  	_ =	shalt  }
0x58: {  	_ =	shalt  }
0x59: {  	_ =	shalt  }
0x5a: {  	_ =	shalt  }
0x5b: {  	_ =	shalt  }
0x5c: {  	_ =	shalt  }
0x5d: {  	_ =	shalt  }
0x5e: {  	_ =	shalt  }
0x5f: {  	_ =	shalt  }
0x60: {  	_ =	shalt  }
0x61: {  	_ =	shalt  }
0x62: {  	_ =	shalt  }
0x63: {  	_ =	shalt  }
0x64: {  	_ =	shalt  }
0x65: {  	_ =	shalt  }
0x66: {  	_ =	shalt  }
0x67: {  	_ =	shalt  }
0x68: {  	_ =	shalt  }
0x69: {  	_ =	shalt  }
0x6a: {  	_ =	shalt  }
0x6b: {  	_ =	shalt  }
0x6c: {  	_ =	shalt  }
0x6d: {  	_ =	shalt  }
0x6e: {  	_ =	shalt  }
0x6f: {  	_ =	shalt  }
0x70: {  	_ =	shalt  }
0x71: {  	_ =	shalt  }
0x72: {  	_ =	shalt  }
0x73: {  	_ =	shalt  }
0x74: {  	_ =	shalt  }
0x75: {  	_ =	shalt  }
0x76: {  	_ =	shalt  }
0x77: {  	_ =	shalt  }
0x78: {  	_ =	shalt  }
0x79: {  	_ =	shalt  }
0x7a: {  	_ =	shalt  }
0x7b: {  	_ =	shalt  }
0x7c: {  	_ =	shalt  }
0x7d: {  	_ =	shalt  }
0x7e: {  	_ =	shalt  }
0x7f: {  	_ =	shalt  }
0x80: {  	_ =	shalt  }
0x81: {  	_ =	shalt  }
0x82: {  	_ =	shalt  }
0x83: {  	_ =	shalt  }
0x84: {  	_ =	shalt  }
0x85: {  	_ =	shalt  }
0x86: {  	_ =	shalt  }
0x87: {  	_ =	shalt  }
.Lfunc_end0:
.L_simem_size_0:
called_computation.4_lowered:
.L_overlay_start_0:
0x88: {  	s2 =	sld [smem:$0x3FD9]  }
0x89: {  	s3 =	sld [smem:$0x3FFE];
	_ =	sdelay $0x1  }
0x8a: {  	s1 =	srdreg.scid  }
0x8b: {  	s0 =	sand.u32 $0x1, s1  }
0x8c: {  	s17 =	sshll.u32 s0, $0xA;
	s2 =	sadd.s32 s3, s2  }
0x8d: {  	s2 =	sadd.s32 s2, s17  }
0x8e: {  	[smem:$0x3FB8] =	sst s2  }
0x8f: {  	_ = 	snop  }
0x90: {  	(tm) =	ssettm $0x1  }
0x91: {  	s18 =	sld [smem:$0x3FFB];
	_ =	sdelay $0x3  }
0x92: {  	_ =	strace s18  }
0x93: {  	s2 =	sld [smem:$0x3FFC];
	_ =	sdelay $0x3  }
0x94: {  	_ =	strace s2  }
0x95: {  	s2 =	sld [smem:$0x3FFD];
	_ =	sdelay $0x3  }
0x96: {  	_ =	strace s2  }
0x97: {  	_ =	strace $0x8FFFFFFF  }
0x98: {  	s19 =	sld [smem:$0x3FDB];
	_ =	sdelay $0x1  }
0x99: {  	s20 =	simm.s32 $_scs_section_size  }
0x9a: {  	s4 =	simm.s32 $_size__tile_overlayer_lowered;
	s5 =	simm.s32 $_tile_overlayer_lowered  }
0x9b: {  	s6 =	simm.s32 $0x1BFF;
	s21 =	sshll.u32 s5, $0x1;
	s3 =	sadd.s32 s20, s19  }
0x9c: {  	s22 =	simm.s32 $0x0;
	s4 =	sshll.u32 s4, $0x1;
	s5 =	sadd.s32 s21, s3  }
0x9d: {  	[timem:s22], [sflag:s6] =	dma.local [hbm:s5], s4  }
0x9e: {  	_ =	swait.ge [sflag:s6], s4  }
0x9f: {  	s4 =	ssub.s32 $0x0, s4;
	[sflag:s6] =	ssyncset.done $0x0  }
0xa0: {  	[sflag:s6] =	ssyncadd.s32 s4;
	_ =	sdelay $0x1  }
0xa1: {  	s23 =	simm.s32 $0x1B8B  }
0xa2: {  	_ =	swait.ge [sflag:s23], $0x1  }
0xa3: {  	[sflag:s23] =	ssyncset.done $0x0  }
0xa4: {  	[sflag:s23] =	ssyncadd.s32 $0xFFFFFFFF  }
0xa5: {  	s4 =	sld [smem:$0x0]  }
0xa6: {  	s5 =	sand.u32 $0xFFFFFFFE, s1  }
0xa7: {  	p0 =	sne.s32 s1, s5  }
0xa8: {  	s5 =	sshll.u32 @p0 s5, $0xE  }
0xa9: {  	s5 =	sadd.s32 @p0 $0x11B8D, s5;
	s6 =	sshll.u32 @p0 s4, $0x11  }
0xaa: {  	s5 =	sor.u32 @p0 s6, s5  }
0xab: {  	[sflag:s5] =	ssyncadd.remote.s32 @p0 $0x1;
	_ =	sdelay $0x1  }
0xac: {  	s5 =	simm.s32 @p0 $0x1B8D  }
0xad: {  	_ =	swait.eq @p0 [sflag:s5], $0x1  }
0xae: {  	[sflag:s5] =	ssyncadd.s32 @p0 $0xFFFFFFFF  }
0xaf: {  	s6 =	sshll.u32 @!p0 s1, $0xE  }
0xb0: {  	s6 =	sor.u32 @!p0 $0x4000, s6;
	s5 =	simm.s32 @!p0 $0x1B8D  }
0xb1: {  	s4 =	sshll.u32 @!p0 s4, $0x11;
	s6 =	sadd.s32 @!p0 $0x11B8D, s6;
	_ =	swait.eq @!p0 [sflag:s5], $0x1  }
0xb2: {  	s4 =	sor.u32 @!p0 s4, s6;
	[sflag:s5] =	ssyncadd.s32 @!p0 $0xFFFFFFFF  }
0xb3: {  	s25 =	simm.s32 $0x1B8E;
	s24 =	sld [smem:$0x3FFE];
	[sflag:s4] =	ssyncadd.remote.s32 @!p0 $0x1  }
0xb4: {  	s26 =	simm.s32 $execute0_lowered;
	[smem:$0x3FD2] =	sst s25  }
0xb5: {  	s5 =	sshll.u32 s26, $0x1;
	_ =	strace $0x8000004F;
	[dreg:$0x1] =	wrdreg $0xFFFFFFFF  }
0xb6: {  	s28 =	simm.s32 $_size_execute0_lowered;
	s3 =	sadd.s32 s3, s5;
	[dreg:$0x0] =	wrdreg $0x0  }
0xb7: {  	s5 =	sshll.u32 s28, $0x1;
	[dreg:$0x2] =	wrdreg s3  }
0xb8: {  	[dreg:$0x3] =	wrdreg s5  }
0xb9: {  	[dreg:$0x4] =	wrdreg $0xC0  }
0xba: {  	_ =	task [dreg:s22], $0x5FFFF  }
0xbb: {  	[dreg:$0x1] =	wrdreg $0xFFFFFFFF  }
0xbc: {  	[dreg:$0x0] =	wrdreg $0x60  }
0xbd: {  	[dreg:$0x2] =	wrdreg s24  }
0xbe: {  	[dreg:$0x3] =	wrdreg $0x9  }
0xbf: {  	_ =	task.clear_ibuf [dreg:s22], $0x4FFFF;
	_ =	strace $0x9000004F  }
0xc0: {  	s29 =	simm.s32 $0x9;
	_ =	strace $0x80000051  }
0xc1: {  	_ =	swait.ge [sflag:s29], $0x1  }
0xc2: {  	[sflag:s29] =	ssyncadd.s32 $0xFFFFFFFF  }
0xc3: {  	_ =	strace $0x90000051  }
0xc4: {  	_ =	sfence  }
0xc5: {  	s30 =	sld [smem:$0x0];
	_ =	sdelay $0x2  }
0xc6: {  	s31 =	sshll.u32 s1, $0xD;
	s1 =	sshrl.u32 s1, $0x2  }
0xc7: {  	s4 =	sand.u32 $0x4000, s31;
	s1 =	sadd.s32 s1, s30  }
0xc8: {  	s0 =	sor.u32 s4, s0;
	s1 =	sshll.u32 s1, $0x11  }
0xc9: {  	s0 =	sor.u32 s1, s0  }
0xca: {  	s0 =	sadd.s32 $0x8F2B, s0  }
0xcb: {  	[sflag:s0] =	ssyncadd.remote.s32 $0x1  }
0xcc: {  	_ =	sfence.sel $0xFFFF  }
0xcd: {  	[dreg:$0x0] =	wrdreg $0xFFFFFFFF;
	(pc) =	sbr.abs _section_cstart, $3  }
0xce: {  	[dreg:$0x1] =	wrdreg $0xFFFFFFFF  }
0xcf: {  	_ =	task.clear_ibuf [dreg:s22], $0x2FFFF;
	_ =	strace $0x9FFFFFFF  }
0xd0: {  	(tm) =	ssettm $0x7FFFFFFF  }
0xd1: {  	_ =	shalt  }
tec
execute0_lowered:
.L_overlay_start_1:
0x0: {  	(tag) =	ssettag $0x1  }
0x1: {  	s8 =	rddreg [dreg:$0x0]  }
0x2: {  	s0 =	rddreg [dreg:$0x1];
	s1 =	srdreg.scid;
	_ =	strace $0x80000050  }
0x3: {  	s4 =	simm.s32 $0x1;
	s6 =	simm.s32 $0x2;
	s10 =	simm.s32 $0x3  }
0x4: {  	p3 =	por $0x0, $0x0;
	s11 =	simm.s32 $0x80;
	s3 =	sshll.u32 s1, $0x4  }
.Ltmp0:
0x5: {  	s1 =	stileid.u32;
	s5 =	sand.u32 $0x10, s3;
	(pc) =	sbr.rel .LBB2_1-.Ltmp0, $4  }
0x6: {  	s2 =	sadd.s32 $0x7E9000, s8;
	[sflag:s4] =	ssyncpa.u1 $0x0;
	s5 =	sor.u32 s1, s5  }
0x7: {  	s7 =	sadd.s32 $0xC99000, s8;
	[sflag:s6] =	ssyncpa.u1 $0x0;
	s5 =	smul.u32 $0x1388, s5  }
0x8: {  	s3 =	sadd.s32 $0x5000, s8;
	s8 =	sadd.s32 $0xA000, s8;
	[sflag:s10] =	ssyncpa.u1 $0x0  }
0x9: {  	v0 =	vlaneseq.u32;
	s10 =	simm.s32 $0x0;
	s9 =	sadd.s32 $0x1388, s5;
	s12 =	smov.u32 s5  }
.LBB2_6:
0xa: {  	s15 =	sadd.s32 s17, s15  }
0xb: {  	v2 =	vld.msk [tilespmem:s15+$0x0 ss:$0x1], $0x1;
	_ =	sdelay $0x2  }
0xc: {  	(v2sf) =	vpush v1, $0x1  }
0xd: {  	(v2sf) =	vpush v1, $0x0  }
0xe: {  	(v2sf) =	vpush v2, $0x0;
	_ =	sdelay $0xc  }
0xf: {  	p1 =	seq.s32 s18, $0x9C;
	s15 =	simm.s32 $0x1;
	s18 =	spop (v2sf)  }
0x10: {  	s15 =	simm.s32 @!p1 $0x2;
	s18 =	simm.s32 @p0 $0xFFFFFFFF;
	s19 =	spop (v2sf)  }
0x11: {  	v1 =	vmov s15;
	p0 =	sne.s32 s19, s18;
	s18 =	simm.s32 $0x1;
	s28 =	spop (v2sf)  }
0x12: {  	vm0 =	vgt.u32 v1, v0;
	s18 =	simm.s32 @!p0 $0x0;
	s29 =	sshll.u32 s28, $0xA;
	s15 =	sshll.u32 s28, $0x7  }
0x13: {  	s16 =	sadd.s32 s18, s16;
	s19 =	sand.u32 $0xFFFFE000, s29;
	s15 =	sand.u32 $0x380, s15  }
0x14: {  	s16 =	sshll.u32 s16, $0xC;
	s15 =	sor.u32 s15, s19  }
0x15: {  	s16 =	sshra.s32 s16, $0x2;
	s15 =	sshrl.u32 s15, $0x3  }
0x16: {  	s13 =	sadd.s32 s17, s13;
	s14 =	sadd.s32 s16, s14;
	s15 =	sadd.s32 s7, s15  }
0x17: {  	[hbm:s15] =	stream.strided.scatter [tilespmem:s14], [sflag:$0x3], $0x400, s11, s11, $0x38;
	[tilespmem:$0x140A0] =	vst v63  }
0x18: {  	v1 =	vld.msk [tilespmem:s13+$0x0 ss:$0x1], vm0;
	_ =	sdelay $0x4  }
0x19: {  	(v2sf) =	vpush v1, $0x1  }
0x1a: {  	(v2sf) =	vpush v1, $0x0;
	_ =	sdelay $0xb  }
0x1b: {  	s13 =	sld [smem:$0x7FB];
	_ =	sdelay $0x1  }
0x1c: {  	s30 =	spop (v2sf)  }
0x1d: {  	p3 =	seq.s32 s13, $0x1;
	s31 =	spop (v2sf)  }
.LBB2_7:
0x1e: {  	p0 =	slt.u32 s10, $0x2;
	s10 =	sadd.s32 $0x1, s10  }
0x1f: {  	p2 =	sne.s32 s10, $0x7F  }
.Ltmp1:
0x20: {  	_ = 	snop;
	(pc) =	sbr.rel @!p2 .LBB2_8-.Ltmp1, $4  }
0x21: {  	s13 =	simm.s32 @!p0 $0x3  }
0x22: {  	s14 =	sadd.s32 $0x28, s12;
	_ =	swait.ge @!p0 [sflag:s13], $0xA000  }
0x23: {  	s12 =	smov.u32 s5;
	p1 =	slt.s32 s14, s9;
	[sflag:s13] =	ssyncset.done @!p0 $0x0  }
0x24: {  	p3 =	por !p3, !p3;
	s12 =	smov.u32 @p1 s14;
	[sflag:s13] =	ssyncadd.s32 @!p0 $0xFFFF6000  }
.LBB2_1:
0x25: {  	p0 =	sgt.u32 s10, $0x7C  }
0x26: {  	s13 =	sxor.u32 @!p0 $0xFFFFFFFF, s10  }
0x27: {  	s13 =	sand.u32 @!p0 $0x1, s13  }
0x28: {  	s14 =	sshrl.u32 @!p0 s12, $0x3;
	s13 =	smul.u32 @!p0 $0x28, s13  }
0x29: {  	s16 =	sand.u32 @!p0 $0x7, s12;
	s15 =	sadd.s32 @!p0 s3, s14  }
0x2a: {  	[tilespmem:s13], [sflag:$0x2] =	stream.linear.gather @!p0 [hbm4b:s15+s16], $0x28, $0x38;
	[tilespmem:$0x140A0] =	vst v63  }
0x2b: {  	s31 =	sadd.s32 $0xFFFFFFFF, s10;
	s14 =	sadd.s32 @!p0 s8, s14;
	s13 =	sadd.s32 @!p0 $0x50, s13  }
0x2c: {  	[tilespmem:s13], [sflag:$0x2] =	stream.linear.gather @!p0 [hbm4b:s14+s16], $0x28, $0x38;
	[tilespmem:$0x140A0] =	vst v63  }
0x2d: {  	p0 =	sgt.u32 s31, $0x7C  }
.Ltmp2:
0x2e: {  	_ = 	snop;
	(pc) =	sbr.rel @p0 .LBB2_7-.Ltmp2, $1  }
0x2f: {  	_ =	sdelay $0x3  }
0x30: {  	p0 =	por $0x0, $0x0;
	s13 =	simm.s32 $0x1  }
0x31: {  	s13 =	simm.s32 @!p0 $0x2  }
0x32: {  	v1 =	vmov s13  }
0x33: {  	s14 =	simm.s32 @!p3 $0x0;
	s13 =	simm.s32 $0x1;
	vm0 =	vgt.u32 v1, v0  }
0x34: {  	s14 =	simm.s32 @p3 $0x1;
	s13 =	simm.s32 @!p3 $0x0  }
0x35: {  	[smem:$0x7FB] =	sst s14;
	s13 =	smul.u32 $0xA0, s13  }
0x36: {  	_ =	swait.ge [sflag:s6], $0x50  }
0x37: {  	[sflag:s6] =	ssyncset.done $0x0;
	s13 =	sshrl.u32 s13, $0x2  }
0x38: {  	[sflag:s6] =	ssyncadd.s32 $0xFFFFFFB0;
	s25 =	sadd.s32 $0x0, s13  }
0x39: {  	v1 =	vld.msk [tilespmem:s25+$0x0 ss:$0x1], vm0;
	_ =	sdelay $0x3  }
0x3a: {  	p1 =	por $0x0, $0x0;
	s14 =	simm.s32 $0x1  }
0x3b: {  	s14 =	simm.s32 @!p1 $0x2;
	(v2sf) =	vpush v1, $0x1  }
0x3c: {  	v2 =	vmov s14;
	(v2sf) =	vpush v1, $0x0  }
0x3d: {  	vm0 =	vgt.u32 v2, v0;
	_ =	sdelay $0x4  }
0x3e: {  	s15 =	sadd.s32 $0x1, s13  }
0x3f: {  	p2 =	por $0x0, $0x0;
	s14 =	simm.s32 $0x1;
	v2 =	vld.msk [tilespmem:s15+$0x0 ss:$0x1], vm0  }
0x40: {  	s14 =	simm.s32 @!p2 $0x2  }
0x41: {  	v3 =	vmov s14  }
0x42: {  	vm0 =	vgt.u32 v3, v0;
	_ =	sdelay $0x1  }
0x43: {  	p0 =	por p0, p0;
	(v2sf) =	vpush v2, $0x1  }
0x44: {  	p0 =	por p0, p0  }
0x45: {  	p0 =	por p0, p0;
	s14 =	spop (v2sf)  }
0x46: {  	s26 =	sadd.s32 $0x2, s13;
	s14 =	simm.s32 @p0 $0xFFFFFFFF;
	s16 =	spop (v2sf)  }
0x47: {  	v3 =	vld.msk [tilespmem:s26+$0x0 ss:$0x1], vm0;
	(v2sf) =	vpush v2, $0x0;
	p0 =	seq.s32 s16, s14  }
0x48: {  	v4 =	vshrl.u32 @!p0 v1, $0x2  }
0x49: {  	vm0 =	veq.s32 @!p0 v1, $0x80000000;
	v4 =	vand.u32 @!p0 $0x3FFF, v4  }
0x4a: {  	v1 =	vand.u32 @!p0 $0x3, v1;
	v4 =	vsel @!p0 vm0, $0xFFFFFFFF, v4  }
0x4b: {  	s28 =	sand.u32 $0x1, s10;
	p4 =	por $0x0, $0x0;
	s18 =	simm.s32 $0x0;
	v1 =	vmul.u32 @!p0 $0xA00000, v1;
	(v2sf) =	vpush @!p0 v4, $0x0  }
0x4c: {  	s22 =	simm.s32 $0x14;
	p5 =	por $0x0, $0x0;
	p1 =	por p1, p1;
	(v2sf) =	vpush v3, $0x1  }
0x4d: {  	s23 =	simm.s32 $0x18;
	p1 =	por p1, p1;
	p2 =	por p2, p2;
	v1 =	vsel @!p0 vm0, $0xFF600000, v1;
	(v2sf) =	vpush v3, $0x0  }
0x4e: {  	p1 =	por p1, p1;
	p3 =	por p2, p2;
	s16 =	simm.s32 $0x1;
	(v2sf) =	vpush @!p0 v1, $0x0  }
0x4f: {  	s30 =	sadd.s32 $0x3, s13;
	s31 =	sadd.s32 $0x4, s13;
	s16 =	simm.s32 @!p4 $0x2  }
0x50: {  	s15 =	sadd.s32 $0x50, s13;
	s14 =	smul.u32 $0x28000, s28;
	s17 =	simm.s32 @!p0 $0x0;
	v1 =	vmov s16  }
0x51: {  	s21 =	simm.s32 @!p0 $0x1;
	p2 =	por p0, p0;
	p4 =	por p4, p4;
	vm0 =	vgt.u32 v1, v0  }
0x52: {  	s20 =	simm.s32 @!p0 $0x80;
	s14 =	sshrl.u32 s14, $0x2;
	s16 =	spop (v2sf)  }
0x53: {  	s16 =	simm.s32 @p1 $0xFFFFFFFF;
	p1 =	por p3, p3;
	p3 =	por p4, p4  }
0x54: {  	s21 =	smov.u32 @p2 s18;
	s18 =	simm.s32 $0x1;
	s24 =	simm.s32 @!p3 $0x0  }
0x55: {  	s14 =	sor.u32 $0xA0, s14;
	s18 =	simm.s32 @!p5 $0x2;
	s24 =	simm.s32 @p3 $0x1  }
0x56: {  	p3 =	por p5, p5;
	p5 =	por p2, p2;
	s29 =	spop (v2sf)  }
0x57: {  	p6 =	seq.s32 s29, s16;
	v1 =	vld.msk [tilespmem:s30+$0x0 ss:$0x1], vm0;
	[smem:$0x7FC] =	sst s24;
	s24 =	simm.s32 @!p3 $0x0  }
0x58: {  	s19 =	sshll.u32 @!p6 s21, $0xC;
	s16 =	sadd.s32 @!p6 $0x1, s21;
	v4 =	vshrl.u32 @!p6 v2, $0x2;
	s24 =	simm.s32 @p3 $0x1  }
0x59: {  	v5 =	vmov s18;
	vm0 =	veq.s32 @!p6 v2, $0x80000000;
	s18 =	simm.s32 @!p6 $0x80;
	p3 =	por p6, p6;
	s19 =	sshra.s32 @!p6 s19, $0x2;
	v4 =	vand.u32 @!p6 $0x3FFF, v4  }
0x5a: {  	vm1 =	vgt.u32 v5, v0;
	v2 =	vand.u32 @!p6 $0x3, v2;
	[smem:$0x7FD] =	sst s24;
	s16 =	smov.u32 @p3 s21;
	v4 =	vsel @!p6 vm0, $0xFFFFFFFF, v4;
	s24 =	spop @!p0 (v2sf)  }
0x5b: {  	v2 =	vmul.u32 @!p6 $0xA00000, v2;
	(v2sf) =	vpush @!p6 v4, $0x0;
	s21 =	spop (v2sf);
	s25 =	sshll.u32 @!p5 s24, $0xA;
	s24 =	sshll.u32 @!p5 s24, $0x7  }
0x5c: {  	(v2sf) =	vpush v1, $0x1;
	s21 =	simm.s32 @p1 $0xFFFFFFFF;
	s26 =	spop (v2sf);
	s25 =	sand.u32 @!p5 $0xFFFFE000, s25  }
0x5d: {  	v2 =	vsel @!p6 vm0, $0xFF600000, v2;
	(v2sf) =	vpush v1, $0x0;
	s24 =	sand.u32 @!p5 $0x380, s24;
	p4 =	seq.s32 s26, s21;
	s26 =	spop @!p0 (v2sf)  }
0x5e: {  	(v2sf) =	vpush @!p6 v2, $0x0;
	p0 =	por $0x0, $0x0;
	v2 =	vshrl.u32 @!p4 v3, $0x2;
	s25 =	sadd.s32 @!p5 s26, s25;
	s26 =	simm.s32 $0x1  }
0x5f: {  	vm0 =	veq.s32 @!p4 v3, $0x80000000;
	v3 =	vand.u32 @!p4 $0x3, v3;
	s26 =	simm.s32 @!p0 $0x2;
	v5 =	vand.u32 @!p4 $0x3FFF, v2;
	s25 =	sor.u32 @!p5 s24, s25;
	s24 =	sshll.u32 @!p4 s16, $0xC  }
0x60: {  	s21 =	sadd.s32 @!p4 $0x1, s16;
	v2 =	vld.msk [tilespmem:s31+$0x0 ss:$0x1], vm1;
	v3 =	vmul.u32 @!p4 $0xA00000, v3;
	v4 =	vmov s26;
	v5 =	vsel @!p4 vm0, $0xFFFFFFFF, v5;
	s24 =	sshra.s32 @!p4 s24, $0x2;
	s25 =	sshrl.u32 @!p5 s25, $0x3  }
.LBB2_3:
0x61: {  	s26 =	simm.s32 @!p6 $0x0;
	s28 =	smov.u32 s22;
	s30 =	sld [smem:$0x7FC]  }
0x62: {  	s22 =	smov.u32 s23;
	s23 =	sadd.s32 $0x4, s23;
	s31 =	sld [smem:$0x7FD]  }
0x63: {  	p1 =	por p3, p3;
	s26 =	simm.s32 @p6 $0x1;
	p6 =	por p4, p4  }
0x64: {  	s29 =	sshra.s32 s28, $0x2;
	[smem:$0x7FA] =	sst s26;
	s26 =	smov.u32 s16  }
0x65: {  	s16 =	sadd.s32 @!p5 s2, s25;
	s25 =	sadd.s32 @!p5 s17, s14;
	s17 =	smov.u32 s19  }
0x66: {  	[tilespmem:s25], [sflag:$0x1] =	stream.strided.gather @!p5 [hbm:s16], $0x400, s20, s20, $0x38;
	[tilespmem:$0x140A0] =	vst v63  }
0x67: {  	p2 =	seq.s32 s30, $0x1;
	s20 =	smov.u32 s18;
	s30 =	sld [smem:$0x7FA]  }
0x68: {  	(v2sf) =	vpush @!p4 v5, $0x0;
	s18 =	simm.s32 @!p6 $0x80;
	p4 =	por p2, p2;
	p2 =	seq.s32 s31, $0x1  }
0x69: {  	p5 =	por p1, p1;
	s16 =	smov.u32 s21;
	p3 =	por p2, p2  }
0x6a: {  	p2 =	por p0, p0;
	s19 =	simm.s32 @!p3 $0x0;
	p0 =	seq.s32 s30, $0x1  }
0x6b: {  	s19 =	simm.s32 @p3 $0x1;
	p3 =	por p6, p6;
	s21 =	spop @!p0 (v2sf)  }
0x6c: {  	vm1 =	vgt.u32 v4, v0;
	[smem:$0x7FC] =	sst s19;
	s19 =	simm.s32 @!p2 $0x0;
	s16 =	smov.u32 @p3 s26  }
0x6d: {  	s26 =	sshll.u32 @!p5 s21, $0xA;
	s21 =	sshll.u32 @!p5 s21, $0x7;
	s19 =	simm.s32 @p2 $0x1  }
0x6e: {  	p2 =	sne.s32 s23, $0xA0;
	s26 =	sand.u32 @!p5 $0xFFFFE000, s26;
	s21 =	sand.u32 @!p5 $0x380, s21  }
0x6f: {  	[smem:$0x7FD] =	sst s19;
	s19 =	smov.u32 s24;
	s25 =	spop (v2sf)  }
.Ltmp3:
0x70: {  	(v2sf) =	vpush v2, $0x1;
	v4 =	vmov v2;
	s25 =	simm.s32 @p4 $0xFFFFFFFF;
	s31 =	spop (v2sf);
	(pc) =	sbr.rel @p2 .LBB2_3-.Ltmp3, $4  }
0x71: {  	v3 =	vsel @!p6 vm0, $0xFF600000, v3;
	(v2sf) =	vpush v4, $0x0;
	s24 =	sadd.s32 s29, s13;
	s28 =	spop @!p0 (v2sf);
	p4 =	seq.s32 s31, s25  }
0x72: {  	(v2sf) =	vpush @!p6 v3, $0x0;
	v2 =	vld.msk [tilespmem:s24+$0x0 ss:$0x1], vm1;
	p0 =	seq.s32 s22, $0x9C;
	s25 =	simm.s32 $0x1;
	v5 =	vshrl.u32 @!p4 v1, $0x2;
	s24 =	sadd.s32 @!p5 s28, s26  }
0x73: {  	vm0 =	veq.s32 @!p4 v1, $0x80000000;
	v3 =	vand.u32 @!p4 $0x3, v1;
	s25 =	simm.s32 @!p0 $0x2;
	s26 =	sshll.u32 @!p4 s16, $0xC;
	v5 =	vand.u32 @!p4 $0x3FFF, v5;
	s28 =	sor.u32 @!p5 s21, s24  }
0x74: {  	v1 =	vmovc v4;
	v3 =	vmul.u32 @!p4 $0xA00000, v3;
	v4 =	vmov s25;
	s24 =	sshra.s32 @!p4 s26, $0x2;
	s21 =	sadd.s32 @!p4 $0x1, s16;
	v5 =	vsel @!p4 vm0, $0xFFFFFFFF, v5;
	s25 =	sshrl.u32 @!p5 s28, $0x3  }
0x75: {  	_ =	sdelay $0x5  }
0x76: {  	vm1 =	vgt.u32 v4, v0;
	s26 =	sld [smem:$0x7FC];
	_ =	sdelay $0x1  }
0x77: {  	(v2sf) =	vpush @!p4 v5, $0x0  }
0x78: {  	(v2sf) =	vpush v2, $0x1;
	s23 =	spop @!p6 (v2sf);
	p2 =	seq.s32 s26, $0x1  }
0x79: {  	s22 =	sshra.s32 s22, $0x2;
	(v2sf) =	vpush v2, $0x0;
	p2 =	por p2, p2;
	s26 =	spop (v2sf)  }
0x7a: {  	s22 =	sadd.s32 s22, s13;
	s26 =	simm.s32 @p2 $0xFFFFFFFF;
	s28 =	spop (v2sf)  }
0x7b: {  	v4 =	vld.msk [tilespmem:s22+$0x0 ss:$0x1], vm1;
	p1 =	seq.s32 s28, s26  }
0x7c: {  	v5 =	vshrl.u32 @!p1 v1, $0x2  }
0x7d: {  	v3 =	vsel @!p4 vm0, $0xFF600000, v3;
	vm0 =	veq.s32 @!p1 v1, $0x80000000;
	v5 =	vand.u32 @!p1 $0x3FFF, v5  }
0x7e: {  	(v2sf) =	vpush @!p4 v3, $0x0;
	v3 =	vsel @!p1 vm0, $0xFFFFFFFF, v5  }
0x7f: {  	s17 =	sadd.s32 @!p5 s17, s14;
	s22 =	sadd.s32 @!p5 s2, s25;
	(v2sf) =	vpush @!p1 v3, $0x0  }
0x80: {  	[tilespmem:s17], [sflag:$0x1] =	stream.strided.gather @!p5 [hbm:s22], $0x400, s20, s20, $0x38;
	(v2sf) =	vpush v4, $0x1;
	[tilespmem:$0x140A0] =	vst v63  }
0x81: {  	s17 =	sld [smem:$0x7FD];
	(v2sf) =	vpush v4, $0x0  }
0x82: {  	p3 =	por p3, p3  }
0x83: {  	s20 =	sshll.u32 @!p3 s23, $0x7;
	v1 =	vand.u32 @!p1 $0x3, v1  }
0x84: {  	s20 =	sand.u32 @!p3 $0x380, s20;
	p5 =	seq.s32 s17, $0x1;
	s17 =	sshll.u32 @!p3 s23, $0xA;
	v1 =	vmul.u32 @!p1 $0xA00000, v1  }
0x85: {  	p5 =	por p5, p5;
	s17 =	sand.u32 @!p3 $0xFFFFE000, s17;
	s22 =	spop @!p6 (v2sf)  }
0x86: {  	s17 =	sadd.s32 @!p3 s22, s17;
	p6 =	por p1, p1;
	s22 =	spop @!p4 (v2sf);
	v1 =	vsel @!p1 vm0, $0xFF600000, v1  }
0x87: {  	s17 =	sor.u32 @!p3 s20, s17;
	p1 =	por p5, p5;
	s20 =	spop (v2sf);
	(v2sf) =	vpush @!p6 v1, $0x0  }
0x88: {  	s20 =	simm.s32 @p1 $0xFFFFFFFF;
	s31 =	spop (v2sf)  }
0x89: {  	p2 =	por p4, p4;
	s17 =	sshrl.u32 @!p3 s17, $0x3;
	p1 =	seq.s32 s31, s20  }
0x8a: {  	s19 =	sadd.s32 @!p3 s19, s14;
	s17 =	sadd.s32 @!p3 s2, s17;
	p5 =	por p2, p2;
	v1 =	vshrl.u32 @!p1 v2, $0x2  }
0x8b: {  	[tilespmem:s19], [sflag:$0x1] =	stream.strided.gather @!p3 [hbm:s17], $0x400, s18, s18, $0x38;
	vm0 =	veq.s32 @!p1 v2, $0x80000000;
	v2 =	vand.u32 @!p1 $0x3, v2;
	v1 =	vand.u32 @!p1 $0x3FFF, v1;
	[tilespmem:$0x140A0] =	vst v63  }
0x8c: {  	s17 =	sshll.u32 @!p5 s22, $0xA;
	v2 =	vmul.u32 @!p1 $0xA00000, v2;
	v1 =	vsel @!p1 vm0, $0xFFFFFFFF, v1  }
0x8d: {  	p0 =	por p0, p0;
	s17 =	sand.u32 @!p5 $0xFFFFE000, s17;
	(v2sf) =	vpush @!p1 v1, $0x0;
	s18 =	spop @!p4 (v2sf)  }
0x8e: {  	p0 =	por p0, p0;
	v1 =	vsel @!p1 vm0, $0xFF600000, v2;
	s17 =	sadd.s32 @!p5 s18, s17;
	s18 =	spop @!p6 (v2sf)  }
0x8f: {  	p0 =	por p0, p0;
	s19 =	sshll.u32 @!p5 s22, $0x7;
	(v2sf) =	vpush @!p1 v1, $0x0;
	s20 =	spop (v2sf)  }
0x90: {  	s19 =	sand.u32 @!p5 $0x380, s19;
	s20 =	simm.s32 @p0 $0xFFFFFFFF;
	s23 =	spop (v2sf)  }
0x91: {  	s17 =	sor.u32 @!p5 s19, s17;
	p0 =	seq.s32 s23, s20  }
0x92: {  	s22 =	simm.s32 @!p4 $0x80;
	p3 =	por p6, p6;
	s17 =	sshrl.u32 @!p5 s17, $0x3;
	v1 =	vshrl.u32 @!p0 v4, $0x2  }
0x93: {  	p4 =	por p3, p3;
	s19 =	sadd.s32 @!p5 s24, s14;
	s17 =	sadd.s32 @!p5 s2, s17;
	vm0 =	veq.s32 @!p0 v4, $0x80000000;
	v2 =	vand.u32 @!p0 $0x3, v4;
	v1 =	vand.u32 @!p0 $0x3FFF, v1  }
0x94: {  	[tilespmem:s19], [sflag:$0x1] =	stream.strided.gather @!p5 [hbm:s17], $0x400, s22, s22, $0x38;
	v2 =	vmul.u32 @!p0 $0xA00000, v2;
	v1 =	vsel @!p0 vm0, $0xFFFFFFFF, v1;
	[tilespmem:$0x140A0] =	vst v63  }
0x95: {  	s17 =	sshll.u32 @!p4 s18, $0xA;
	(v2sf) =	vpush @!p0 v1, $0x0  }
0x96: {  	s18 =	sshll.u32 @!p4 s18, $0x7;
	s17 =	sand.u32 @!p4 $0xFFFFE000, s17;
	s19 =	spop @!p6 (v2sf);
	v1 =	vsel @!p0 vm0, $0xFF600000, v2  }
0x97: {  	s21 =	smov.u32 @p2 s16;
	s16 =	sadd.s32 @!p4 s19, s17;
	s17 =	sand.u32 @!p4 $0x380, s18;
	(v2sf) =	vpush @!p0 v1, $0x0  }
0x98: {  	s18 =	sshll.u32 @!p6 s21, $0xC;
	s16 =	sor.u32 @!p4 s17, s16  }
0x99: {  	p2 =	por p1, p1;
	s17 =	sshra.s32 @!p6 s18, $0x2;
	s16 =	sshrl.u32 @!p4 s16, $0x3  }
0x9a: {  	s18 =	simm.s32 @!p6 $0x80;
	s17 =	sadd.s32 @!p4 s17, s14;
	s16 =	sadd.s32 @!p4 s2, s16  }
0x9b: {  	[tilespmem:s17], [sflag:$0x1] =	stream.strided.gather @!p4 [hbm:s16], $0x400, s18, s18, $0x38;
	[tilespmem:$0x140A0] =	vst v63  }
0x9c: {  	p4 =	por p2, p2;
	s16 =	spop @!p1 (v2sf)  }
0x9d: {  	s17 =	sadd.s32 @!p6 $0x1, s21;
	s18 =	sshll.u32 @!p4 s16, $0xA  }
0x9e: {  	s16 =	sshll.u32 @!p4 s16, $0x7;
	s19 =	spop @!p1 (v2sf);
	s18 =	sand.u32 @!p4 $0xFFFFE000, s18  }
0x9f: {  	s17 =	smov.u32 @p3 s21;
	s16 =	sand.u32 @!p4 $0x380, s16;
	s18 =	sadd.s32 @!p4 s19, s18  }
0xa0: {  	s19 =	sshll.u32 @!p1 s17, $0xC;
	s16 =	sor.u32 @!p4 s16, s18  }
0xa1: {  	p3 =	por p0, p0;
	s18 =	sshra.s32 @!p1 s19, $0x2;
	s16 =	sshrl.u32 @!p4 s16, $0x3  }
0xa2: {  	s19 =	simm.s32 @!p1 $0x80;
	s18 =	sadd.s32 @!p4 s18, s14;
	s16 =	sadd.s32 @!p4 s2, s16  }
0xa3: {  	[tilespmem:s18], [sflag:$0x1] =	stream.strided.gather @!p4 [hbm:s16], $0x400, s19, s19, $0x38;
	[tilespmem:$0x140A0] =	vst v63  }
0xa4: {  	s16 =	sadd.s32 @!p1 $0x1, s17;
	p1 =	por p3, p3;
	s18 =	spop @!p0 (v2sf)  }
0xa5: {  	s16 =	smov.u32 @p2 s17;
	s17 =	sshll.u32 @!p1 s18, $0xA  }
0xa6: {  	s18 =	sshll.u32 @!p1 s18, $0x7;
	s19 =	spop @!p0 (v2sf);
	s17 =	sand.u32 @!p1 $0xFFFFE000, s17  }
0xa7: {  	s20 =	sshll.u32 @!p0 s16, $0xC;
	s18 =	sand.u32 @!p1 $0x380, s18;
	s17 =	sadd.s32 @!p1 s19, s17  }
0xa8: {  	s19 =	sshra.s32 @!p0 s20, $0x2;
	s17 =	sor.u32 @!p1 s18, s17;
	s18 =	sadd.s32 @!p0 $0x1, s16  }
0xa9: {  	s20 =	simm.s32 @!p0 $0x80;
	s17 =	sshrl.u32 @!p1 s17, $0x3;
	s18 =	smov.u32 @p3 s16  }
0xaa: {  	s16 =	sadd.s32 @!p1 s2, s17;
	s17 =	sadd.s32 @!p1 s19, s14;
	s25 =	sshll.u32 s18, $0xA  }
0xab: {  	[tilespmem:s17], [sflag:$0x1] =	stream.strided.gather @!p1 [hbm:s16], $0x400, s20, s20, $0x38;
	[tilespmem:$0x140A0] =	vst v63  }
0xac: {  	s16 =	sand.u32 $0x3FFFFC00, s25  }
0xad: {  	_ =	swait.ge [sflag:s4], s16  }
0xae: {  	s16 =	ssub.s32 $0x0, s16;
	[sflag:s4] =	ssyncset.done $0x0  }
0xaf: {  	s26 =	sadd.s32 $0x0, s15;
	[sflag:s4] =	ssyncadd.s32 s16  }
0xb0: {  	v1 =	vld.msk [tilespmem:s26+$0x0 ss:$0x1], $0x1;
	_ =	sdelay $0x4  }
0xb1: {  	(v2sf) =	vpush v1, $0x0;
	_ =	sdelay $0xc  }
0xb2: {  	p0 =	por $0x0, $0x0;
	s16 =	simm.s32 $0x1  }
0xb3: {  	s16 =	simm.s32 @!p0 $0x2  }
0xb4: {  	v1 =	vmov s16;
	s28 =	spop (v2sf)  }
0xb5: {  	vm15 =	vgt.u32 v1, v0;
	s29 =	sshll.u32 s28, $0xA;
	s17 =	sshll.u32 s28, $0x7  }
0xb6: {  	s16 =	sand.u32 $0xFFFFE000, s29;
	s17 =	sand.u32 $0x380, s17  }
0xb7: {  	s16 =	sor.u32 s17, s16  }
0xb8: {  	s30 =	sadd.s32 $0x0, s14;
	s31 =	sadd.s32 $0x0, s13;
	s16 =	sshrl.u32 s16, $0x3  }
0xb9: {  	s18 =	simm.s32 $0x4;
	s19 =	simm.s32 $0x8;
	s16 =	sadd.s32 s7, s16  }
0xba: {  	[hbm:s16] =	stream.strided.scatter [tilespmem:s30], [sflag:$0x3], $0x400, s11, s11, $0x38;
	[tilespmem:$0x140A0] =	vst v63  }
0xbb: {  	p0 =	por p0, p0;
	s17 =	simm.s32 $0x1;
	s16 =	simm.s32 $0x0;
	v1 =	vld.msk [tilespmem:s31+$0x0 ss:$0x1], vm15  }
.LBB2_5:
0xbc: {  	p1 =	sne.s32 s19, $0x9C;
	s20 =	sadd.s32 s17, s15  }
0xbd: {  	v2 =	vld.msk [tilespmem:s20+$0x0 ss:$0x1], $0x1;
	_ =	sdelay $0x3  }
0xbe: {  	(v2sf) =	vpush v1, $0x1  }
0xbf: {  	(v2sf) =	vpush v1, $0x0  }
0xc0: {  	(v2sf) =	vpush v2, $0x0;
	_ =	sdelay $0xb  }
0xc1: {  	p2 =	seq.s32 s18, $0x9C;
	s18 =	smov.u32 s19;
	s20 =	simm.s32 $0x1  }
0xc2: {  	s20 =	simm.s32 @!p2 $0x2;
	s21 =	spop (v2sf)  }
0xc3: {  	s21 =	simm.s32 @p0 $0xFFFFFFFF;
	s22 =	spop (v2sf);
	p0 =	por p2, p2  }
0xc4: {  	v1 =	vmov s20;
	s20 =	spop (v2sf);
	p2 =	sne.s32 s22, s21;
	s22 =	simm.s32 $0x1  }
0xc5: {  	vm0 =	vgt.u32 v1, v0;
	s21 =	sshll.u32 s20, $0xA;
	s20 =	sshll.u32 s20, $0x7;
	s22 =	simm.s32 @!p2 $0x0  }
0xc6: {  	s21 =	sand.u32 $0xFFFFE000, s21;
	s20 =	sand.u32 $0x380, s20;
	s16 =	sadd.s32 s22, s16  }
.Ltmp4:
0xc7: {  	s20 =	sor.u32 s20, s21;
	s21 =	sshll.u32 s16, $0xC;
	(pc) =	sbr.rel @p1 .LBB2_5-.Ltmp4, $4  }
0xc8: {  	s20 =	sshrl.u32 s20, $0x3;
	s21 =	sshra.s32 s21, $0x2  }
0xc9: {  	s22 =	sadd.s32 s17, s13;
	s21 =	sadd.s32 s21, s14;
	s20 =	sadd.s32 s7, s20  }
0xca: {  	[hbm:s20] =	stream.strided.scatter [tilespmem:s21], [sflag:$0x3], $0x400, s11, s11, $0x38;
	[tilespmem:$0x140A0] =	vst v63  }
0xcb: {  	s19 =	sadd.s32 $0x4, s19;
	s17 =	sshra.s32 s18, $0x2;
	v1 =	vld.msk [tilespmem:s22+$0x0 ss:$0x1], vm0  }
.Ltmp5:
0xcc: {  	_ = 	snop;
	(pc) =	sbr.rel .LBB2_6-.Ltmp5, $1  }
0xcd: {  	_ =	sdelay $0x3  }
.LBB2_8:
0xce: {  	_ =	sfence.sel $0x180000  }
0xcf: {  	s2 =	simm.s32 $0x2;
	[bflag:$0x0] =	sbarrier.arrive $0xFFFF  }
0xd0: {  	s30 =	simm.s32 $0x3;
	[sflag:s2] =	ssyncpa.u1 $0x1  }
0xd1: {  	s31 =	simm.s32 $0x1;
	[sflag:s30] =	ssyncpa.u1 $0x1  }
0xd2: {  	[sflag:s31] =	ssyncpa.u1 $0x1  }
0xd3: {  	p0 =	sne.s32 s1, $0x0;
	_ =	strace $0x90000050  }
0xd4: {  	s0 =	sadd.s32 @!p0 $0x100000, s0;
	[bflag:$0x2] =	sbarrier.arrive $0xFFFF  }
0xd5: {  	[sflag:s0] =	ssyncadd.tile.s32 @!p0 $0x1;
	_ =	shalt  }
.Lfunc_end2:
_tile_overlayer_lowered:
.L_overlay_start_2:
0xd6: {  	(tag) =	ssettag $0x2  }
0xd7: {  	s0 =	rddreg [dreg:$0x0];
	s2 =	stileid.u32  }
0xd8: {  	s1 =	rddreg [dreg:$0x1];
	p0 =	sne.s32 s2, $0x0  }
0xd9: {  	s3 =	rddreg [dreg:$0x2];
	[bflag:$0x3] =	sbarrier.arrive $0xFFFF;
	s2 =	simm.s32 @!p0 $0x1C01  }
0xda: {  	[timem:s3], [sflag:s2] =	dma.local @!p0 [hbm:s0], s1  }
0xdb: {  	s0 =	simm.s32 @!p0 $0x1  }
0xdc: {  	_ =	swait.ge @!p0 [sflag:s0], s1  }
0xdd: {  	s1 =	ssub.s32 @!p0 $0x0, s1;
	[sflag:s0] =	ssyncset.done @!p0 $0x0  }
0xde: {  	[sflag:s0] =	ssyncadd.s32 @!p0 s1  }
0xdf: {  	[bflag:$0x3] =	sbarrier.arrive $0xFFFF  }
0xe0: {  	_ =	shalt  }

// kernel: gather_offload_async_start
scs
__scs_entry_jumppad:
0x0: {  	(pc) =	sbr.rel $0x88, $3  }
0x1: {  	(tag) =	ssettag $0x0;
	lr =	simm.s32 $0x1  }
0x2: {  	[smem:$0x3F91] =	sst lr;
	_ =	strace $0xD0000000  }
0x3: {  	_ = 	snop  }
0x4: {  	_ = 	snop  }
0x5: {  	_ = 	snop  }
0x6: {  	_ = 	snop  }
0x7: {  	_ = 	snop  }
__scs_overlays_trampoline_lowered:
0x8: {  	[smem:$0x3FA0] =	sst s0  }
0x9: {  	[smem:$0x3FA1] =	sst s1  }
0xa: {  	[smem:$0x3FA2] =	sst s2  }
0xb: {  	[smem:$0x3FA3] =	sst s3  }
0xc: {  	[smem:$0x3FA4] =	sst s4  }
0xd: {  	[smem:$0x3FA5] =	sst s5  }
0xe: {  	[smem:$0x3FA6] =	sst s6  }
0xf: {  	[smem:$0x3FA7] =	sst s7  }
0x10: {  	[smem:$0x3FA8] =	sst s8  }
0x11: {  	[smem:$0x3FA9] =	sst s9;
	s0 =	simm.s32 @!p0 $0x0  }
0x12: {  	s1 =	sld [smem:$0x3F8F];
	s0 =	simm.s32 @p0 $0x1  }
0x13: {  	[smem:$0x3FAA] =	sst s0;
	s0 =	simm.s32 @!p1 $0x0  }
0x14: {  	s2 =	sld [smem:$0x3F8E];
	s0 =	simm.s32 @p1 $0x1  }
0x15: {  	[smem:$0x3FAB] =	sst s0;
	s0 =	simm.s32 @!p2 $0x0  }
0x16: {  	s3 =	sld [smem:$0x3FDB];
	s0 =	simm.s32 @p2 $0x1  }
0x17: {  	s4 =	simm.s32 $0x1BF5;
	[smem:$0x3FAD] =	sst s0  }
0x18: {  	s0 =	sld [smem:$0x3F90];
	_ =	swait.ge [sflag:s4], $0x0  }
0x19: {  	s7 =	sld [smem:$0x3F91]  }
0x1a: {  	s8 =	sadd.s32 $0xFFFFE003, lr  }
0x1b: {  	s9 =	sadd.s32 $0xFFFFFEF7, lr;
	s5 =	simm.s32 $0xFFFFFFFF;
	p2 =	slt.u32 s8, $0xFFFFF086  }
0x1c: {  	p1 =	slt.u32 s9, $0xF7A;
	s5 =	simm.s32 @!p2 $0x0  }
0x1d: {  	s5 =	simm.s32 @p1 $0x1;
	p0 =	seq.s32 s7, s2  }
0x1e: {  	s7 =	smul.u32 @!p0 $0xF7A, s2;
	p2 =	seq.s32 @!p0 s5, $0x0  }
0x1f: {  	s9 =	smul.u32 $0xF7A, s1;
	s8 =	simm.s32 @!p0 $0x1BF5;
	p2 =	por !p2, p0  }
0x20: {  	[sflag:s8] =	ssyncset.s32 @!p0 $0xFFFFF086;
	s6 =	sadd.s32 @!p0 s3, s7;
	s7 =	simm.s32 @!p0 $0x108  }
0x21: {  	s3 =	sadd.s32 s3, s9;
	s6 =	sadd.s32 @!p0 $0x88, s6;
	s7 =	simm.s32 @p2 $0x1082  }
0x22: {  	[simem:s7], [sflag:s8] =	dma.local @!p0 [hbm:s6], $0xF7A  }
0x23: {  	s9 =	sor.u32 $0xD0000000, s2;
	s6 =	simm.s32 $0x108;
	_ =	swait.ge @!p0 [sflag:s8], $0x0  }
0x24: {  	s3 =	sadd.s32 $0x88, s3;
	s6 =	simm.s32 @!p1 $0x1082;
	[sflag:s4] =	ssyncset.s32 $0xFFFFF086  }
0x25: {  	[simem:s6], [sflag:s4] =	dma.local [hbm:s3], $0xF7A  }
0x26: {  	[smem:$0x3F91] =	sst s1;
	(tag) =	ssettag s2;
	_ =	strace s9  }
0x27: {  	s1 =	sld [smem:$0x3FA1]  }
0x28: {  	s2 =	sld [smem:$0x3FA2]  }
0x29: {  	s4 =	sld [smem:$0x3FA4]  }
0x2a: {  	p0 =	seq.s32 s5, $0x0;
	s5 =	sld [smem:$0x3FA5]  }
0x2b: {  	s6 =	sld [smem:$0x3FA6]  }
0x2c: {  	s7 =	sld [smem:$0x3FA7]  }
0x2d: {  	s3 =	simm.s32 $0x108;
	s8 =	sld [smem:$0x3FA8]  }
0x2e: {  	s3 =	simm.s32 @!p0 $0x1082;
	s9 =	sld [smem:$0x3FA9]  }
0x2f: {  	lr =	sadd.s32 s0, s3;
	s0 =	sld [smem:$0x3FA0]  }
0x30: {  	s3 =	sld [smem:$0x3FA3]  }
0x31: {  	[smem:$0x3FAC] =	sst s10  }
0x32: {  	s10 =	sld [smem:$0x3FAA];
	_ =	sdelay $0x3  }
0x33: {  	p0 =	seq.s32 s10, $0x1;
	s10 =	sld [smem:$0x3FAC];
	_ =	sdelay $0x3  }
0x34: {  	[smem:$0x3FAC] =	sst s10  }
0x35: {  	s10 =	sld [smem:$0x3FAB];
	_ =	sdelay $0x3  }
0x36: {  	p1 =	seq.s32 s10, $0x1;
	s10 =	sld [smem:$0x3FAC];
	_ =	sdelay $0x3  }
0x37: {  	[smem:$0x3FAC] =	sst s10  }
0x38: {  	s10 =	sld [smem:$0x3FAD]  }
0x39: {  	_ = 	snop;
	(pc) =	sbr.ind lr, $3  }
0x3a: {  	_ = 	snop  }
0x3b: {  	_ = 	snop  }
0x3c: {  	p2 =	seq.s32 s10, $0x1;
	s10 =	sld [smem:$0x3FAC]  }
0x3d: {  	_ =	shalt  }
0x3e: {  	_ =	shalt  }
0x3f: {  	_ =	shalt  }
0x40: {  	_ =	shalt  }
0x41: {  	_ =	shalt  }
0x42: {  	_ =	shalt  }
0x43: {  	_ =	shalt  }
0x44: {  	_ =	shalt  }
0x45: {  	_ =	shalt  }
0x46: {  	_ =	shalt  }
0x47: {  	_ =	shalt  }
0x48: {  	_ =	shalt  }
0x49: {  	_ =	shalt  }
0x4a: {  	_ =	shalt  }
0x4b: {  	_ =	shalt  }
0x4c: {  	_ =	shalt  }
0x4d: {  	_ =	shalt  }
0x4e: {  	_ =	shalt  }
0x4f: {  	_ =	shalt  }
0x50: {  	_ =	shalt  }
0x51: {  	_ =	shalt  }
0x52: {  	_ =	shalt  }
0x53: {  	_ =	shalt  }
0x54: {  	_ =	shalt  }
0x55: {  	_ =	shalt  }
0x56: {  	_ =	shalt  }
0x57: {  	_ =	shalt  }
0x58: {  	_ =	shalt  }
0x59: {  	_ =	shalt  }
0x5a: {  	_ =	shalt  }
0x5b: {  	_ =	shalt  }
0x5c: {  	_ =	shalt  }
0x5d: {  	_ =	shalt  }
0x5e: {  	_ =	shalt  }
0x5f: {  	_ =	shalt  }
0x60: {  	_ =	shalt  }
0x61: {  	_ =	shalt  }
0x62: {  	_ =	shalt  }
0x63: {  	_ =	shalt  }
0x64: {  	_ =	shalt  }
0x65: {  	_ =	shalt  }
0x66: {  	_ =	shalt  }
0x67: {  	_ =	shalt  }
0x68: {  	_ =	shalt  }
0x69: {  	_ =	shalt  }
0x6a: {  	_ =	shalt  }
0x6b: {  	_ =	shalt  }
0x6c: {  	_ =	shalt  }
0x6d: {  	_ =	shalt  }
0x6e: {  	_ =	shalt  }
0x6f: {  	_ =	shalt  }
0x70: {  	_ =	shalt  }
0x71: {  	_ =	shalt  }
0x72: {  	_ =	shalt  }
0x73: {  	_ =	shalt  }
0x74: {  	_ =	shalt  }
0x75: {  	_ =	shalt  }
0x76: {  	_ =	shalt  }
0x77: {  	_ =	shalt  }
0x78: {  	_ =	shalt  }
0x79: {  	_ =	shalt  }
0x7a: {  	_ =	shalt  }
0x7b: {  	_ =	shalt  }
0x7c: {  	_ =	shalt  }
0x7d: {  	_ =	shalt  }
0x7e: {  	_ =	shalt  }
0x7f: {  	_ =	shalt  }
0x80: {  	_ =	shalt  }
0x81: {  	_ =	shalt  }
0x82: {  	_ =	shalt  }
0x83: {  	_ =	shalt  }
0x84: {  	_ =	shalt  }
0x85: {  	_ =	shalt  }
0x86: {  	_ =	shalt  }
0x87: {  	_ =	shalt  }
.Lfunc_end0:
.L_simem_size_0:
called_computation.2_lowered:
.L_overlay_start_0:
0x88: {  	s2 =	sld [smem:$0x3FD9]  }
0x89: {  	s3 =	sld [smem:$0x3FFE];
	_ =	sdelay $0x1  }
0x8a: {  	s1 =	srdreg.scid  }
0x8b: {  	s0 =	sand.u32 $0x1, s1  }
0x8c: {  	s17 =	sshll.u32 s0, $0xA;
	s2 =	sadd.s32 s3, s2  }
0x8d: {  	s2 =	sadd.s32 s2, s17  }
0x8e: {  	[smem:$0x3FB8] =	sst s2  }
0x8f: {  	_ = 	snop  }
0x90: {  	(tm) =	ssettm $0x1  }
0x91: {  	s18 =	sld [smem:$0x3FFB];
	_ =	sdelay $0x3  }
0x92: {  	_ =	strace s18  }
0x93: {  	s2 =	sld [smem:$0x3FFC];
	_ =	sdelay $0x3  }
0x94: {  	_ =	strace s2  }
0x95: {  	s2 =	sld [smem:$0x3FFD];
	_ =	sdelay $0x3  }
0x96: {  	_ =	strace s2  }
0x97: {  	_ =	strace $0x8FFFFFFF  }
0x98: {  	s19 =	sld [smem:$0x3FDB];
	_ =	sdelay $0x1  }
0x99: {  	s20 =	simm.s32 $_scs_section_size  }
0x9a: {  	s4 =	simm.s32 $_size__tile_overlayer_lowered;
	s5 =	simm.s32 $_tile_overlayer_lowered  }
0x9b: {  	s6 =	simm.s32 $0x1BFF;
	s21 =	sshll.u32 s5, $0x1;
	s3 =	sadd.s32 s20, s19  }
0x9c: {  	s22 =	simm.s32 $0x0;
	s4 =	sshll.u32 s4, $0x1;
	s5 =	sadd.s32 s21, s3  }
0x9d: {  	[timem:s22], [sflag:s6] =	dma.local [hbm:s5], s4  }
0x9e: {  	_ =	swait.ge [sflag:s6], s4  }
0x9f: {  	s4 =	ssub.s32 $0x0, s4;
	[sflag:s6] =	ssyncset.done $0x0  }
0xa0: {  	[sflag:s6] =	ssyncadd.s32 s4;
	_ =	sdelay $0x1  }
0xa1: {  	s23 =	simm.s32 $0x1B8B  }
0xa2: {  	_ =	swait.ge [sflag:s23], $0x1  }
0xa3: {  	[sflag:s23] =	ssyncset.done $0x0  }
0xa4: {  	[sflag:s23] =	ssyncadd.s32 $0xFFFFFFFF  }
0xa5: {  	s4 =	sld [smem:$0x0]  }
0xa6: {  	s5 =	sand.u32 $0xFFFFFFFE, s1  }
0xa7: {  	p0 =	sne.s32 s1, s5  }
0xa8: {  	s5 =	sshll.u32 @p0 s5, $0xE  }
0xa9: {  	s5 =	sadd.s32 @p0 $0x11B8D, s5;
	s6 =	sshll.u32 @p0 s4, $0x11  }
0xaa: {  	s5 =	sor.u32 @p0 s6, s5  }
0xab: {  	[sflag:s5] =	ssyncadd.remote.s32 @p0 $0x1;
	_ =	sdelay $0x1  }
0xac: {  	s5 =	simm.s32 @p0 $0x1B8D  }
0xad: {  	_ =	swait.eq @p0 [sflag:s5], $0x1  }
0xae: {  	[sflag:s5] =	ssyncadd.s32 @p0 $0xFFFFFFFF  }
0xaf: {  	s6 =	sshll.u32 @!p0 s1, $0xE  }
0xb0: {  	s6 =	sor.u32 @!p0 $0x4000, s6;
	s5 =	simm.s32 @!p0 $0x1B8D  }
0xb1: {  	s4 =	sshll.u32 @!p0 s4, $0x11;
	s6 =	sadd.s32 @!p0 $0x11B8D, s6;
	_ =	swait.eq @!p0 [sflag:s5], $0x1  }
0xb2: {  	s4 =	sor.u32 @!p0 s4, s6;
	[sflag:s5] =	ssyncadd.s32 @!p0 $0xFFFFFFFF  }
0xb3: {  	s25 =	simm.s32 $0x1B8E;
	s24 =	sld [smem:$0x3FFE];
	[sflag:s4] =	ssyncadd.remote.s32 @!p0 $0x1  }
0xb4: {  	s26 =	simm.s32 $execute0_lowered;
	[smem:$0x3FD2] =	sst s25  }
0xb5: {  	s5 =	sshll.u32 s26, $0x1;
	_ =	strace $0x80000049;
	[dreg:$0x1] =	wrdreg $0xFFFFFFFF  }
0xb6: {  	s28 =	simm.s32 $_size_execute0_lowered;
	s3 =	sadd.s32 s3, s5;
	[dreg:$0x0] =	wrdreg $0x0  }
0xb7: {  	s5 =	sshll.u32 s28, $0x1;
	[dreg:$0x2] =	wrdreg s3  }
0xb8: {  	[dreg:$0x3] =	wrdreg s5  }
0xb9: {  	[dreg:$0x4] =	wrdreg $0xC0  }
0xba: {  	_ =	task [dreg:s22], $0x5FFFF  }
0xbb: {  	[dreg:$0x1] =	wrdreg $0xFFFFFFFF  }
0xbc: {  	[dreg:$0x0] =	wrdreg $0x60  }
0xbd: {  	[dreg:$0x2] =	wrdreg s24  }
0xbe: {  	[dreg:$0x3] =	wrdreg $0x9  }
0xbf: {  	_ =	task.clear_ibuf [dreg:s22], $0x4FFFF;
	_ =	strace $0x90000049  }
0xc0: {  	s29 =	simm.s32 $0x9;
	_ =	strace $0x8000004B  }
0xc1: {  	_ =	swait.ge [sflag:s29], $0x1  }
0xc2: {  	[sflag:s29] =	ssyncadd.s32 $0xFFFFFFFF  }
0xc3: {  	_ =	strace $0x9000004B  }
0xc4: {  	_ =	sfence  }
0xc5: {  	s30 =	sld [smem:$0x0];
	_ =	sdelay $0x2  }
0xc6: {  	s31 =	sshll.u32 s1, $0xD;
	s1 =	sshrl.u32 s1, $0x2  }
0xc7: {  	s4 =	sand.u32 $0x4000, s31;
	s1 =	sadd.s32 s1, s30  }
0xc8: {  	s0 =	sor.u32 s4, s0;
	s1 =	sshll.u32 s1, $0x11  }
0xc9: {  	s0 =	sor.u32 s1, s0  }
0xca: {  	s0 =	sadd.s32 $0x8F2B, s0  }
0xcb: {  	[sflag:s0] =	ssyncadd.remote.s32 $0x1  }
0xcc: {  	_ =	sfence.sel $0xFFFF  }
0xcd: {  	[dreg:$0x0] =	wrdreg $0xFFFFFFFF;
	(pc) =	sbr.abs _section_cstart, $3  }
0xce: {  	[dreg:$0x1] =	wrdreg $0xFFFFFFFF  }
0xcf: {  	_ =	task.clear_ibuf [dreg:s22], $0x2FFFF;
	_ =	strace $0x9FFFFFFF  }
0xd0: {  	(tm) =	ssettm $0x7FFFFFFF  }
0xd1: {  	_ =	shalt  }
tec
execute0_lowered:
.L_overlay_start_1:
0x0: {  	(tag) =	ssettag $0x1  }
0x1: {  	s8 =	rddreg [dreg:$0x0]  }
0x2: {  	s0 =	rddreg [dreg:$0x1];
	s1 =	srdreg.scid;
	_ =	strace $0x8000004A  }
0x3: {  	s4 =	simm.s32 $0x1;
	s6 =	simm.s32 $0x2;
	s10 =	simm.s32 $0x3  }
0x4: {  	p3 =	por $0x0, $0x0;
	s11 =	simm.s32 $0x80;
	s3 =	sshll.u32 s1, $0x4  }
.Ltmp0:
0x5: {  	s1 =	stileid.u32;
	s5 =	sand.u32 $0x10, s3;
	(pc) =	sbr.rel .LBB2_1-.Ltmp0, $4  }
0x6: {  	s2 =	sadd.s32 $0x429000, s8;
	[sflag:s4] =	ssyncpa.u1 $0x0;
	s5 =	sor.u32 s1, s5  }
0x7: {  	s7 =	sadd.s32 $0x2026000, s8;
	[sflag:s6] =	ssyncpa.u1 $0x0;
	s5 =	smul.u32 $0x1388, s5  }
0x8: {  	s3 =	sadd.s32 $0x5000, s8;
	s8 =	sadd.s32 $0x2021000, s8;
	[sflag:s10] =	ssyncpa.u1 $0x0  }
0x9: {  	v0 =	vlaneseq.u32;
	s10 =	simm.s32 $0x0;
	s9 =	sadd.s32 $0x1388, s5;
	s12 =	smov.u32 s5  }
.LBB2_6:
0xa: {  	s15 =	sadd.s32 s17, s15  }
0xb: {  	v2 =	vld.msk [tilespmem:s15+$0x0 ss:$0x1], $0x1;
	_ =	sdelay $0x2  }
0xc: {  	(v2sf) =	vpush v1, $0x1  }
0xd: {  	(v2sf) =	vpush v1, $0x0  }
0xe: {  	(v2sf) =	vpush v2, $0x0;
	_ =	sdelay $0xc  }
0xf: {  	p1 =	seq.s32 s18, $0x9C;
	s15 =	simm.s32 $0x1;
	s18 =	spop (v2sf)  }
0x10: {  	s15 =	simm.s32 @!p1 $0x2;
	s18 =	simm.s32 @p0 $0xFFFFFFFF;
	s19 =	spop (v2sf)  }
0x11: {  	v1 =	vmov s15;
	p0 =	sne.s32 s19, s18;
	s18 =	simm.s32 $0x1;
	s28 =	spop (v2sf)  }
0x12: {  	vm0 =	vgt.u32 v1, v0;
	s18 =	simm.s32 @!p0 $0x0;
	s29 =	sshll.u32 s28, $0xA;
	s15 =	sshll.u32 s28, $0x7  }
0x13: {  	s16 =	sadd.s32 s18, s16;
	s19 =	sand.u32 $0xFFFFE000, s29;
	s15 =	sand.u32 $0x380, s15  }
0x14: {  	s16 =	sshll.u32 s16, $0xC;
	s15 =	sor.u32 s15, s19  }
0x15: {  	s16 =	sshra.s32 s16, $0x2;
	s15 =	sshrl.u32 s15, $0x3  }
0x16: {  	s13 =	sadd.s32 s17, s13;
	s14 =	sadd.s32 s16, s14;
	s15 =	sadd.s32 s7, s15  }
0x17: {  	[hbm:s15] =	stream.strided.scatter [tilespmem:s14], [sflag:$0x3], $0x400, s11, s11, $0x38;
	[tilespmem:$0x140A0] =	vst v63  }
0x18: {  	v1 =	vld.msk [tilespmem:s13+$0x0 ss:$0x1], vm0;
	_ =	sdelay $0x4  }
0x19: {  	(v2sf) =	vpush v1, $0x1  }
0x1a: {  	(v2sf) =	vpush v1, $0x0;
	_ =	sdelay $0xb  }
0x1b: {  	s13 =	sld [smem:$0x7FB];
	_ =	sdelay $0x1  }
0x1c: {  	s30 =	spop (v2sf)  }
0x1d: {  	p3 =	seq.s32 s13, $0x1;
	s31 =	spop (v2sf)  }
.LBB2_7:
0x1e: {  	p0 =	slt.u32 s10, $0x2;
	s10 =	sadd.s32 $0x1, s10  }
0x1f: {  	p2 =	sne.s32 s10, $0x7F  }
.Ltmp1:
0x20: {  	_ = 	snop;
	(pc) =	sbr.rel @!p2 .LBB2_8-.Ltmp1, $4  }
0x21: {  	s13 =	simm.s32 @!p0 $0x3  }
0x22: {  	s14 =	sadd.s32 $0x28, s12;
	_ =	swait.ge @!p0 [sflag:s13], $0xA000  }
0x23: {  	s12 =	smov.u32 s5;
	p1 =	slt.s32 s14, s9;
	[sflag:s13] =	ssyncset.done @!p0 $0x0  }
0x24: {  	p3 =	por !p3, !p3;
	s12 =	smov.u32 @p1 s14;
	[sflag:s13] =	ssyncadd.s32 @!p0 $0xFFFF6000  }
.LBB2_1:
0x25: {  	p0 =	sgt.u32 s10, $0x7C  }
0x26: {  	s13 =	sxor.u32 @!p0 $0xFFFFFFFF, s10  }
0x27: {  	s13 =	sand.u32 @!p0 $0x1, s13  }
0x28: {  	s14 =	sshrl.u32 @!p0 s12, $0x3;
	s13 =	smul.u32 @!p0 $0x28, s13  }
0x29: {  	s16 =	sand.u32 @!p0 $0x7, s12;
	s15 =	sadd.s32 @!p0 s3, s14  }
0x2a: {  	[tilespmem:s13], [sflag:$0x2] =	stream.linear.gather @!p0 [hbm4b:s15+s16], $0x28, $0x38;
	[tilespmem:$0x140A0] =	vst v63  }
0x2b: {  	s31 =	sadd.s32 $0xFFFFFFFF, s10;
	s14 =	sadd.s32 @!p0 s8, s14;
	s13 =	sadd.s32 @!p0 $0x50, s13  }
0x2c: {  	[tilespmem:s13], [sflag:$0x2] =	stream.linear.gather @!p0 [hbm4b:s14+s16], $0x28, $0x38;
	[tilespmem:$0x140A0] =	vst v63  }
0x2d: {  	p0 =	sgt.u32 s31, $0x7C  }
.Ltmp2:
0x2e: {  	_ = 	snop;
	(pc) =	sbr.rel @p0 .LBB2_7-.Ltmp2, $1  }
0x2f: {  	_ =	sdelay $0x3  }
0x30: {  	p0 =	por $0x0, $0x0;
	s13 =	simm.s32 $0x1  }
0x31: {  	s13 =	simm.s32 @!p0 $0x2  }
0x32: {  	v1 =	vmov s13  }
0x33: {  	s14 =	simm.s32 @!p3 $0x0;
	s13 =	simm.s32 $0x1;
	vm0 =	vgt.u32 v1, v0  }
0x34: {  	s14 =	simm.s32 @p3 $0x1;
	s13 =	simm.s32 @!p3 $0x0  }
0x35: {  	[smem:$0x7FB] =	sst s14;
	s13 =	smul.u32 $0xA0, s13  }
0x36: {  	_ =	swait.ge [sflag:s6], $0x50  }
0x37: {  	[sflag:s6] =	ssyncset.done $0x0;
	s13 =	sshrl.u32 s13, $0x2  }
0x38: {  	[sflag:s6] =	ssyncadd.s32 $0xFFFFFFB0;
	s25 =	sadd.s32 $0x0, s13  }
0x39: {  	v1 =	vld.msk [tilespmem:s25+$0x0 ss:$0x1], vm0;
	_ =	sdelay $0x3  }
0x3a: {  	p1 =	por $0x0, $0x0;
	s14 =	simm.s32 $0x1  }
0x3b: {  	s14 =	simm.s32 @!p1 $0x2;
	(v2sf) =	vpush v1, $0x1  }
0x3c: {  	v2 =	vmov s14;
	(v2sf) =	vpush v1, $0x0  }
0x3d: {  	vm0 =	vgt.u32 v2, v0;
	_ =	sdelay $0x4  }
0x3e: {  	s15 =	sadd.s32 $0x1, s13  }
0x3f: {  	p2 =	por $0x0, $0x0;
	s14 =	simm.s32 $0x1;
	v2 =	vld.msk [tilespmem:s15+$0x0 ss:$0x1], vm0  }
0x40: {  	s14 =	simm.s32 @!p2 $0x2  }
0x41: {  	v3 =	vmov s14  }
0x42: {  	vm0 =	vgt.u32 v3, v0;
	_ =	sdelay $0x1  }
0x43: {  	p0 =	por p0, p0;
	(v2sf) =	vpush v2, $0x1  }
0x44: {  	p0 =	por p0, p0  }
0x45: {  	p0 =	por p0, p0;
	s14 =	spop (v2sf)  }
0x46: {  	s26 =	sadd.s32 $0x2, s13;
	s14 =	simm.s32 @p0 $0xFFFFFFFF;
	s16 =	spop (v2sf)  }
0x47: {  	v3 =	vld.msk [tilespmem:s26+$0x0 ss:$0x1], vm0;
	(v2sf) =	vpush v2, $0x0;
	p0 =	seq.s32 s16, s14  }
0x48: {  	v4 =	vshrl.u32 @!p0 v1, $0x2  }
0x49: {  	vm0 =	veq.s32 @!p0 v1, $0x80000000;
	v4 =	vand.u32 @!p0 $0x3FFF, v4  }
0x4a: {  	v1 =	vand.u32 @!p0 $0x3, v1;
	v4 =	vsel @!p0 vm0, $0xFFFFFFFF, v4  }
0x4b: {  	s28 =	sand.u32 $0x1, s10;
	p4 =	por $0x0, $0x0;
	s18 =	simm.s32 $0x0;
	v1 =	vmul.u32 @!p0 $0xA00000, v1;
	(v2sf) =	vpush @!p0 v4, $0x0  }
0x4c: {  	s22 =	simm.s32 $0x14;
	p5 =	por $0x0, $0x0;
	p1 =	por p1, p1;
	(v2sf) =	vpush v3, $0x1  }
0x4d: {  	s23 =	simm.s32 $0x18;
	p1 =	por p1, p1;
	p2 =	por p2, p2;
	v1 =	vsel @!p0 vm0, $0xFF600000, v1;
	(v2sf) =	vpush v3, $0x0  }
0x4e: {  	p1 =	por p1, p1;
	p3 =	por p2, p2;
	s16 =	simm.s32 $0x1;
	(v2sf) =	vpush @!p0 v1, $0x0  }
0x4f: {  	s30 =	sadd.s32 $0x3, s13;
	s31 =	sadd.s32 $0x4, s13;
	s16 =	simm.s32 @!p4 $0x2  }
0x50: {  	s15 =	sadd.s32 $0x50, s13;
	s14 =	smul.u32 $0x28000, s28;
	s17 =	simm.s32 @!p0 $0x0;
	v1 =	vmov s16  }
0x51: {  	s21 =	simm.s32 @!p0 $0x1;
	p2 =	por p0, p0;
	p4 =	por p4, p4;
	vm0 =	vgt.u32 v1, v0  }
0x52: {  	s20 =	simm.s32 @!p0 $0x80;
	s14 =	sshrl.u32 s14, $0x2;
	s16 =	spop (v2sf)  }
0x53: {  	s16 =	simm.s32 @p1 $0xFFFFFFFF;
	p1 =	por p3, p3;
	p3 =	por p4, p4  }
0x54: {  	s21 =	smov.u32 @p2 s18;
	s18 =	simm.s32 $0x1;
	s24 =	simm.s32 @!p3 $0x0  }
0x55: {  	s14 =	sor.u32 $0xA0, s14;
	s18 =	simm.s32 @!p5 $0x2;
	s24 =	simm.s32 @p3 $0x1  }
0x56: {  	p3 =	por p5, p5;
	p5 =	por p2, p2;
	s29 =	spop (v2sf)  }
0x57: {  	p6 =	seq.s32 s29, s16;
	v1 =	vld.msk [tilespmem:s30+$0x0 ss:$0x1], vm0;
	[smem:$0x7FC] =	sst s24;
	s24 =	simm.s32 @!p3 $0x0  }
0x58: {  	s19 =	sshll.u32 @!p6 s21, $0xC;
	s16 =	sadd.s32 @!p6 $0x1, s21;
	v4 =	vshrl.u32 @!p6 v2, $0x2;
	s24 =	simm.s32 @p3 $0x1  }
0x59: {  	v5 =	vmov s18;
	vm0 =	veq.s32 @!p6 v2, $0x80000000;
	s18 =	simm.s32 @!p6 $0x80;
	p3 =	por p6, p6;
	s19 =	sshra.s32 @!p6 s19, $0x2;
	v4 =	vand.u32 @!p6 $0x3FFF, v4  }
0x5a: {  	vm1 =	vgt.u32 v5, v0;
	v2 =	vand.u32 @!p6 $0x3, v2;
	[smem:$0x7FD] =	sst s24;
	s16 =	smov.u32 @p3 s21;
	v4 =	vsel @!p6 vm0, $0xFFFFFFFF, v4;
	s24 =	spop @!p0 (v2sf)  }
0x5b: {  	v2 =	vmul.u32 @!p6 $0xA00000, v2;
	(v2sf) =	vpush @!p6 v4, $0x0;
	s21 =	spop (v2sf);
	s25 =	sshll.u32 @!p5 s24, $0xA;
	s24 =	sshll.u32 @!p5 s24, $0x7  }
0x5c: {  	(v2sf) =	vpush v1, $0x1;
	s21 =	simm.s32 @p1 $0xFFFFFFFF;
	s26 =	spop (v2sf);
	s25 =	sand.u32 @!p5 $0xFFFFE000, s25  }
0x5d: {  	v2 =	vsel @!p6 vm0, $0xFF600000, v2;
	(v2sf) =	vpush v1, $0x0;
	s24 =	sand.u32 @!p5 $0x380, s24;
	p4 =	seq.s32 s26, s21;
	s26 =	spop @!p0 (v2sf)  }
0x5e: {  	(v2sf) =	vpush @!p6 v2, $0x0;
	p0 =	por $0x0, $0x0;
	v2 =	vshrl.u32 @!p4 v3, $0x2;
	s25 =	sadd.s32 @!p5 s26, s25;
	s26 =	simm.s32 $0x1  }
0x5f: {  	vm0 =	veq.s32 @!p4 v3, $0x80000000;
	v3 =	vand.u32 @!p4 $0x3, v3;
	s26 =	simm.s32 @!p0 $0x2;
	v5 =	vand.u32 @!p4 $0x3FFF, v2;
	s25 =	sor.u32 @!p5 s24, s25;
	s24 =	sshll.u32 @!p4 s16, $0xC  }
0x60: {  	s21 =	sadd.s32 @!p4 $0x1, s16;
	v2 =	vld.msk [tilespmem:s31+$0x0 ss:$0x1], vm1;
	v3 =	vmul.u32 @!p4 $0xA00000, v3;
	v4 =	vmov s26;
	v5 =	vsel @!p4 vm0, $0xFFFFFFFF, v5;
	s24 =	sshra.s32 @!p4 s24, $0x2;
	s25 =	sshrl.u32 @!p5 s25, $0x3  }
.LBB2_3:
0x61: {  	s26 =	simm.s32 @!p6 $0x0;
	s28 =	smov.u32 s22;
	s30 =	sld [smem:$0x7FC]  }
0x62: {  	s22 =	smov.u32 s23;
	s23 =	sadd.s32 $0x4, s23;
	s31 =	sld [smem:$0x7FD]  }
0x63: {  	p1 =	por p3, p3;
	s26 =	simm.s32 @p6 $0x1;
	p6 =	por p4, p4  }
0x64: {  	s29 =	sshra.s32 s28, $0x2;
	[smem:$0x7FA] =	sst s26;
	s26 =	smov.u32 s16  }
0x65: {  	s16 =	sadd.s32 @!p5 s2, s25;
	s25 =	sadd.s32 @!p5 s17, s14;
	s17 =	smov.u32 s19  }
0x66: {  	[tilespmem:s25], [sflag:$0x1] =	stream.strided.gather @!p5 [hbm:s16], $0x400, s20, s20, $0x38;
	[tilespmem:$0x140A0] =	vst v63  }
0x67: {  	p2 =	seq.s32 s30, $0x1;
	s20 =	smov.u32 s18;
	s30 =	sld [smem:$0x7FA]  }
0x68: {  	(v2sf) =	vpush @!p4 v5, $0x0;
	s18 =	simm.s32 @!p6 $0x80;
	p4 =	por p2, p2;
	p2 =	seq.s32 s31, $0x1  }
0x69: {  	p5 =	por p1, p1;
	s16 =	smov.u32 s21;
	p3 =	por p2, p2  }
0x6a: {  	p2 =	por p0, p0;
	s19 =	simm.s32 @!p3 $0x0;
	p0 =	seq.s32 s30, $0x1  }
0x6b: {  	s19 =	simm.s32 @p3 $0x1;
	p3 =	por p6, p6;
	s21 =	spop @!p0 (v2sf)  }
0x6c: {  	vm1 =	vgt.u32 v4, v0;
	[smem:$0x7FC] =	sst s19;
	s19 =	simm.s32 @!p2 $0x0;
	s16 =	smov.u32 @p3 s26  }
0x6d: {  	s26 =	sshll.u32 @!p5 s21, $0xA;
	s21 =	sshll.u32 @!p5 s21, $0x7;
	s19 =	simm.s32 @p2 $0x1  }
0x6e: {  	p2 =	sne.s32 s23, $0xA0;
	s26 =	sand.u32 @!p5 $0xFFFFE000, s26;
	s21 =	sand.u32 @!p5 $0x380, s21  }
0x6f: {  	[smem:$0x7FD] =	sst s19;
	s19 =	smov.u32 s24;
	s25 =	spop (v2sf)  }
.Ltmp3:
0x70: {  	(v2sf) =	vpush v2, $0x1;
	v4 =	vmov v2;
	s25 =	simm.s32 @p4 $0xFFFFFFFF;
	s31 =	spop (v2sf);
	(pc) =	sbr.rel @p2 .LBB2_3-.Ltmp3, $4  }
0x71: {  	v3 =	vsel @!p6 vm0, $0xFF600000, v3;
	(v2sf) =	vpush v4, $0x0;
	s24 =	sadd.s32 s29, s13;
	s28 =	spop @!p0 (v2sf);
	p4 =	seq.s32 s31, s25  }
0x72: {  	(v2sf) =	vpush @!p6 v3, $0x0;
	v2 =	vld.msk [tilespmem:s24+$0x0 ss:$0x1], vm1;
	p0 =	seq.s32 s22, $0x9C;
	s25 =	simm.s32 $0x1;
	v5 =	vshrl.u32 @!p4 v1, $0x2;
	s24 =	sadd.s32 @!p5 s28, s26  }
0x73: {  	vm0 =	veq.s32 @!p4 v1, $0x80000000;
	v3 =	vand.u32 @!p4 $0x3, v1;
	s25 =	simm.s32 @!p0 $0x2;
	s26 =	sshll.u32 @!p4 s16, $0xC;
	v5 =	vand.u32 @!p4 $0x3FFF, v5;
	s28 =	sor.u32 @!p5 s21, s24  }
0x74: {  	v1 =	vmovc v4;
	v3 =	vmul.u32 @!p4 $0xA00000, v3;
	v4 =	vmov s25;
	s24 =	sshra.s32 @!p4 s26, $0x2;
	s21 =	sadd.s32 @!p4 $0x1, s16;
	v5 =	vsel @!p4 vm0, $0xFFFFFFFF, v5;
	s25 =	sshrl.u32 @!p5 s28, $0x3  }
0x75: {  	_ =	sdelay $0x5  }
0x76: {  	vm1 =	vgt.u32 v4, v0;
	s26 =	sld [smem:$0x7FC];
	_ =	sdelay $0x1  }
0x77: {  	(v2sf) =	vpush @!p4 v5, $0x0  }
0x78: {  	(v2sf) =	vpush v2, $0x1;
	s23 =	spop @!p6 (v2sf);
	p2 =	seq.s32 s26, $0x1  }
0x79: {  	s22 =	sshra.s32 s22, $0x2;
	(v2sf) =	vpush v2, $0x0;
	p2 =	por p2, p2;
	s26 =	spop (v2sf)  }
0x7a: {  	s22 =	sadd.s32 s22, s13;
	s26 =	simm.s32 @p2 $0xFFFFFFFF;
	s28 =	spop (v2sf)  }
0x7b: {  	v4 =	vld.msk [tilespmem:s22+$0x0 ss:$0x1], vm1;
	p1 =	seq.s32 s28, s26  }
0x7c: {  	v5 =	vshrl.u32 @!p1 v1, $0x2  }
0x7d: {  	v3 =	vsel @!p4 vm0, $0xFF600000, v3;
	vm0 =	veq.s32 @!p1 v1, $0x80000000;
	v5 =	vand.u32 @!p1 $0x3FFF, v5  }
0x7e: {  	(v2sf) =	vpush @!p4 v3, $0x0;
	v3 =	vsel @!p1 vm0, $0xFFFFFFFF, v5  }
0x7f: {  	s17 =	sadd.s32 @!p5 s17, s14;
	s22 =	sadd.s32 @!p5 s2, s25;
	(v2sf) =	vpush @!p1 v3, $0x0  }
0x80: {  	[tilespmem:s17], [sflag:$0x1] =	stream.strided.gather @!p5 [hbm:s22], $0x400, s20, s20, $0x38;
	(v2sf) =	vpush v4, $0x1;
	[tilespmem:$0x140A0] =	vst v63  }
0x81: {  	s17 =	sld [smem:$0x7FD];
	(v2sf) =	vpush v4, $0x0  }
0x82: {  	p3 =	por p3, p3  }
0x83: {  	s20 =	sshll.u32 @!p3 s23, $0x7;
	v1 =	vand.u32 @!p1 $0x3, v1  }
0x84: {  	s20 =	sand.u32 @!p3 $0x380, s20;
	p5 =	seq.s32 s17, $0x1;
	s17 =	sshll.u32 @!p3 s23, $0xA;
	v1 =	vmul.u32 @!p1 $0xA00000, v1  }
0x85: {  	p5 =	por p5, p5;
	s17 =	sand.u32 @!p3 $0xFFFFE000, s17;
	s22 =	spop @!p6 (v2sf)  }
0x86: {  	s17 =	sadd.s32 @!p3 s22, s17;
	p6 =	por p1, p1;
	s22 =	spop @!p4 (v2sf);
	v1 =	vsel @!p1 vm0, $0xFF600000, v1  }
0x87: {  	s17 =	sor.u32 @!p3 s20, s17;
	p1 =	por p5, p5;
	s20 =	spop (v2sf);
	(v2sf) =	vpush @!p6 v1, $0x0  }
0x88: {  	s20 =	simm.s32 @p1 $0xFFFFFFFF;
	s31 =	spop (v2sf)  }
0x89: {  	p2 =	por p4, p4;
	s17 =	sshrl.u32 @!p3 s17, $0x3;
	p1 =	seq.s32 s31, s20  }
0x8a: {  	s19 =	sadd.s32 @!p3 s19, s14;
	s17 =	sadd.s32 @!p3 s2, s17;
	p5 =	por p2, p2;
	v1 =	vshrl.u32 @!p1 v2, $0x2  }
0x8b: {  	[tilespmem:s19], [sflag:$0x1] =	stream.strided.gather @!p3 [hbm:s17], $0x400, s18, s18, $0x38;
	vm0 =	veq.s32 @!p1 v2, $0x80000000;
	v2 =	vand.u32 @!p1 $0x3, v2;
	v1 =	vand.u32 @!p1 $0x3FFF, v1;
	[tilespmem:$0x140A0] =	vst v63  }
0x8c: {  	s17 =	sshll.u32 @!p5 s22, $0xA;
	v2 =	vmul.u32 @!p1 $0xA00000, v2;
	v1 =	vsel @!p1 vm0, $0xFFFFFFFF, v1  }
0x8d: {  	p0 =	por p0, p0;
	s17 =	sand.u32 @!p5 $0xFFFFE000, s17;
	(v2sf) =	vpush @!p1 v1, $0x0;
	s18 =	spop @!p4 (v2sf)  }
0x8e: {  	p0 =	por p0, p0;
	v1 =	vsel @!p1 vm0, $0xFF600000, v2;
	s17 =	sadd.s32 @!p5 s18, s17;
	s18 =	spop @!p6 (v2sf)  }
0x8f: {  	p0 =	por p0, p0;
	s19 =	sshll.u32 @!p5 s22, $0x7;
	(v2sf) =	vpush @!p1 v1, $0x0;
	s20 =	spop (v2sf)  }
0x90: {  	s19 =	sand.u32 @!p5 $0x380, s19;
	s20 =	simm.s32 @p0 $0xFFFFFFFF;
	s23 =	spop (v2sf)  }
0x91: {  	s17 =	sor.u32 @!p5 s19, s17;
	p0 =	seq.s32 s23, s20  }
0x92: {  	s22 =	simm.s32 @!p4 $0x80;
	p3 =	por p6, p6;
	s17 =	sshrl.u32 @!p5 s17, $0x3;
	v1 =	vshrl.u32 @!p0 v4, $0x2  }
0x93: {  	p4 =	por p3, p3;
	s19 =	sadd.s32 @!p5 s24, s14;
	s17 =	sadd.s32 @!p5 s2, s17;
	vm0 =	veq.s32 @!p0 v4, $0x80000000;
	v2 =	vand.u32 @!p0 $0x3, v4;
	v1 =	vand.u32 @!p0 $0x3FFF, v1  }
0x94: {  	[tilespmem:s19], [sflag:$0x1] =	stream.strided.gather @!p5 [hbm:s17], $0x400, s22, s22, $0x38;
	v2 =	vmul.u32 @!p0 $0xA00000, v2;
	v1 =	vsel @!p0 vm0, $0xFFFFFFFF, v1;
	[tilespmem:$0x140A0] =	vst v63  }
0x95: {  	s17 =	sshll.u32 @!p4 s18, $0xA;
	(v2sf) =	vpush @!p0 v1, $0x0  }
0x96: {  	s18 =	sshll.u32 @!p4 s18, $0x7;
	s17 =	sand.u32 @!p4 $0xFFFFE000, s17;
	s19 =	spop @!p6 (v2sf);
	v1 =	vsel @!p0 vm0, $0xFF600000, v2  }
0x97: {  	s21 =	smov.u32 @p2 s16;
	s16 =	sadd.s32 @!p4 s19, s17;
	s17 =	sand.u32 @!p4 $0x380, s18;
	(v2sf) =	vpush @!p0 v1, $0x0  }
0x98: {  	s18 =	sshll.u32 @!p6 s21, $0xC;
	s16 =	sor.u32 @!p4 s17, s16  }
0x99: {  	p2 =	por p1, p1;
	s17 =	sshra.s32 @!p6 s18, $0x2;
	s16 =	sshrl.u32 @!p4 s16, $0x3  }
0x9a: {  	s18 =	simm.s32 @!p6 $0x80;
	s17 =	sadd.s32 @!p4 s17, s14;
	s16 =	sadd.s32 @!p4 s2, s16  }
0x9b: {  	[tilespmem:s17], [sflag:$0x1] =	stream.strided.gather @!p4 [hbm:s16], $0x400, s18, s18, $0x38;
	[tilespmem:$0x140A0] =	vst v63  }
0x9c: {  	p4 =	por p2, p2;
	s16 =	spop @!p1 (v2sf)  }
0x9d: {  	s17 =	sadd.s32 @!p6 $0x1, s21;
	s18 =	sshll.u32 @!p4 s16, $0xA  }
0x9e: {  	s16 =	sshll.u32 @!p4 s16, $0x7;
	s19 =	spop @!p1 (v2sf);
	s18 =	sand.u32 @!p4 $0xFFFFE000, s18  }
0x9f: {  	s17 =	smov.u32 @p3 s21;
	s16 =	sand.u32 @!p4 $0x380, s16;
	s18 =	sadd.s32 @!p4 s19, s18  }
0xa0: {  	s19 =	sshll.u32 @!p1 s17, $0xC;
	s16 =	sor.u32 @!p4 s16, s18  }
0xa1: {  	p3 =	por p0, p0;
	s18 =	sshra.s32 @!p1 s19, $0x2;
	s16 =	sshrl.u32 @!p4 s16, $0x3  }
0xa2: {  	s19 =	simm.s32 @!p1 $0x80;
	s18 =	sadd.s32 @!p4 s18, s14;
	s16 =	sadd.s32 @!p4 s2, s16  }
0xa3: {  	[tilespmem:s18], [sflag:$0x1] =	stream.strided.gather @!p4 [hbm:s16], $0x400, s19, s19, $0x38;
	[tilespmem:$0x140A0] =	vst v63  }
0xa4: {  	s16 =	sadd.s32 @!p1 $0x1, s17;
	p1 =	por p3, p3;
	s18 =	spop @!p0 (v2sf)  }
0xa5: {  	s16 =	smov.u32 @p2 s17;
	s17 =	sshll.u32 @!p1 s18, $0xA  }
0xa6: {  	s18 =	sshll.u32 @!p1 s18, $0x7;
	s19 =	spop @!p0 (v2sf);
	s17 =	sand.u32 @!p1 $0xFFFFE000, s17  }
0xa7: {  	s20 =	sshll.u32 @!p0 s16, $0xC;
	s18 =	sand.u32 @!p1 $0x380, s18;
	s17 =	sadd.s32 @!p1 s19, s17  }
0xa8: {  	s19 =	sshra.s32 @!p0 s20, $0x2;
	s17 =	sor.u32 @!p1 s18, s17;
	s18 =	sadd.s32 @!p0 $0x1, s16  }
0xa9: {  	s20 =	simm.s32 @!p0 $0x80;
	s17 =	sshrl.u32 @!p1 s17, $0x3;
	s18 =	smov.u32 @p3 s16  }
0xaa: {  	s16 =	sadd.s32 @!p1 s2, s17;
	s17 =	sadd.s32 @!p1 s19, s14;
	s25 =	sshll.u32 s18, $0xA  }
0xab: {  	[tilespmem:s17], [sflag:$0x1] =	stream.strided.gather @!p1 [hbm:s16], $0x400, s20, s20, $0x38;
	[tilespmem:$0x140A0] =	vst v63  }
0xac: {  	s16 =	sand.u32 $0x3FFFFC00, s25  }
0xad: {  	_ =	swait.ge [sflag:s4], s16  }
0xae: {  	s16 =	ssub.s32 $0x0, s16;
	[sflag:s4] =	ssyncset.done $0x0  }
0xaf: {  	s26 =	sadd.s32 $0x0, s15;
	[sflag:s4] =	ssyncadd.s32 s16  }
0xb0: {  	v1 =	vld.msk [tilespmem:s26+$0x0 ss:$0x1], $0x1;
	_ =	sdelay $0x4  }
0xb1: {  	(v2sf) =	vpush v1, $0x0;
	_ =	sdelay $0xc  }
0xb2: {  	p0 =	por $0x0, $0x0;
	s16 =	simm.s32 $0x1  }
0xb3: {  	s16 =	simm.s32 @!p0 $0x2  }
0xb4: {  	v1 =	vmov s16;
	s28 =	spop (v2sf)  }
0xb5: {  	vm15 =	vgt.u32 v1, v0;
	s29 =	sshll.u32 s28, $0xA;
	s17 =	sshll.u32 s28, $0x7  }
0xb6: {  	s16 =	sand.u32 $0xFFFFE000, s29;
	s17 =	sand.u32 $0x380, s17  }
0xb7: {  	s16 =	sor.u32 s17, s16  }
0xb8: {  	s30 =	sadd.s32 $0x0, s14;
	s31 =	sadd.s32 $0x0, s13;
	s16 =	sshrl.u32 s16, $0x3  }
0xb9: {  	s18 =	simm.s32 $0x4;
	s19 =	simm.s32 $0x8;
	s16 =	sadd.s32 s7, s16  }
0xba: {  	[hbm:s16] =	stream.strided.scatter [tilespmem:s30], [sflag:$0x3], $0x400, s11, s11, $0x38;
	[tilespmem:$0x140A0] =	vst v63  }
0xbb: {  	p0 =	por p0, p0;
	s17 =	simm.s32 $0x1;
	s16 =	simm.s32 $0x0;
	v1 =	vld.msk [tilespmem:s31+$0x0 ss:$0x1], vm15  }
.LBB2_5:
0xbc: {  	p1 =	sne.s32 s19, $0x9C;
	s20 =	sadd.s32 s17, s15  }
0xbd: {  	v2 =	vld.msk [tilespmem:s20+$0x0 ss:$0x1], $0x1;
	_ =	sdelay $0x3  }
0xbe: {  	(v2sf) =	vpush v1, $0x1  }
0xbf: {  	(v2sf) =	vpush v1, $0x0  }
0xc0: {  	(v2sf) =	vpush v2, $0x0;
	_ =	sdelay $0xb  }
0xc1: {  	p2 =	seq.s32 s18, $0x9C;
	s18 =	smov.u32 s19;
	s20 =	simm.s32 $0x1  }
0xc2: {  	s20 =	simm.s32 @!p2 $0x2;
	s21 =	spop (v2sf)  }
0xc3: {  	s21 =	simm.s32 @p0 $0xFFFFFFFF;
	s22 =	spop (v2sf);
	p0 =	por p2, p2  }
0xc4: {  	v1 =	vmov s20;
	s20 =	spop (v2sf);
	p2 =	sne.s32 s22, s21;
	s22 =	simm.s32 $0x1  }
0xc5: {  	vm0 =	vgt.u32 v1, v0;
	s21 =	sshll.u32 s20, $0xA;
	s20 =	sshll.u32 s20, $0x7;
	s22 =	simm.s32 @!p2 $0x0  }
0xc6: {  	s21 =	sand.u32 $0xFFFFE000, s21;
	s20 =	sand.u32 $0x380, s20;
	s16 =	sadd.s32 s22, s16  }
.Ltmp4:
0xc7: {  	s20 =	sor.u32 s20, s21;
	s21 =	sshll.u32 s16, $0xC;
	(pc) =	sbr.rel @p1 .LBB2_5-.Ltmp4, $4  }
0xc8: {  	s20 =	sshrl.u32 s20, $0x3;
	s21 =	sshra.s32 s21, $0x2  }
0xc9: {  	s22 =	sadd.s32 s17, s13;
	s21 =	sadd.s32 s21, s14;
	s20 =	sadd.s32 s7, s20  }
0xca: {  	[hbm:s20] =	stream.strided.scatter [tilespmem:s21], [sflag:$0x3], $0x400, s11, s11, $0x38;
	[tilespmem:$0x140A0] =	vst v63  }
0xcb: {  	s19 =	sadd.s32 $0x4, s19;
	s17 =	sshra.s32 s18, $0x2;
	v1 =	vld.msk [tilespmem:s22+$0x0 ss:$0x1], vm0  }
.Ltmp5:
0xcc: {  	_ = 	snop;
	(pc) =	sbr.rel .LBB2_6-.Ltmp5, $1  }
0xcd: {  	_ =	sdelay $0x3  }
.LBB2_8:
0xce: {  	_ =	sfence.sel $0x180000  }
0xcf: {  	s2 =	simm.s32 $0x2;
	[bflag:$0x0] =	sbarrier.arrive $0xFFFF  }
0xd0: {  	s30 =	simm.s32 $0x3;
	[sflag:s2] =	ssyncpa.u1 $0x1  }
0xd1: {  	s31 =	simm.s32 $0x1;
	[sflag:s30] =	ssyncpa.u1 $0x1  }
0xd2: {  	[sflag:s31] =	ssyncpa.u1 $0x1  }
0xd3: {  	p0 =	sne.s32 s1, $0x0;
	_ =	strace $0x9000004A  }
0xd4: {  	s0 =	sadd.s32 @!p0 $0x100000, s0;
	[bflag:$0x2] =	sbarrier.arrive $0xFFFF  }
0xd5: {  	[sflag:s0] =	ssyncadd.tile.s32 @!p0 $0x1;
	_ =	shalt  }
.Lfunc_end2:
_tile_overlayer_lowered:
.L_overlay_start_2:
0xd6: {  	(tag) =	ssettag $0x2  }
0xd7: {  	s0 =	rddreg [dreg:$0x0];
	s2 =	stileid.u32  }
0xd8: {  	s1 =	rddreg [dreg:$0x1];
	p0 =	sne.s32 s2, $0x0  }
0xd9: {  	s3 =	rddreg [dreg:$0x2];
	[bflag:$0x3] =	sbarrier.arrive $0xFFFF;
	s2 =	simm.s32 @!p0 $0x1C01  }
0xda: {  	[timem:s3], [sflag:s2] =	dma.local @!p0 [hbm:s0], s1  }
0xdb: {  	s0 =	simm.s32 @!p0 $0x1  }
0xdc: {  	_ =	swait.ge @!p0 [sflag:s0], s1  }
0xdd: {  	s1 =	ssub.s32 @!p0 $0x0, s1;
	[sflag:s0] =	ssyncset.done @!p0 $0x0  }
0xde: {  	[sflag:s0] =	ssyncadd.s32 @!p0 s1  }
0xdf: {  	[bflag:$0x3] =	sbarrier.arrive $0xFFFF  }
0xe0: {  	_ =	shalt  }

// kernel: scatter_offload_async_start.1
scs
__scs_entry_jumppad:
0x0: {  	(pc) =	sbr.rel $0x88, $3  }
0x1: {  	(tag) =	ssettag $0x0;
	lr =	simm.s32 $0x1  }
0x2: {  	[smem:$0x3F91] =	sst lr;
	_ =	strace $0xD0000000  }
0x3: {  	_ = 	snop  }
0x4: {  	_ = 	snop  }
0x5: {  	_ = 	snop  }
0x6: {  	_ = 	snop  }
0x7: {  	_ = 	snop  }
__scs_overlays_trampoline_lowered:
0x8: {  	[smem:$0x3FA0] =	sst s0  }
0x9: {  	[smem:$0x3FA1] =	sst s1  }
0xa: {  	[smem:$0x3FA2] =	sst s2  }
0xb: {  	[smem:$0x3FA3] =	sst s3  }
0xc: {  	[smem:$0x3FA4] =	sst s4  }
0xd: {  	[smem:$0x3FA5] =	sst s5  }
0xe: {  	[smem:$0x3FA6] =	sst s6  }
0xf: {  	[smem:$0x3FA7] =	sst s7  }
0x10: {  	[smem:$0x3FA8] =	sst s8  }
0x11: {  	[smem:$0x3FA9] =	sst s9;
	s0 =	simm.s32 @!p0 $0x0  }
0x12: {  	s1 =	sld [smem:$0x3F8F];
	s0 =	simm.s32 @p0 $0x1  }
0x13: {  	[smem:$0x3FAA] =	sst s0;
	s0 =	simm.s32 @!p1 $0x0  }
0x14: {  	s2 =	sld [smem:$0x3F8E];
	s0 =	simm.s32 @p1 $0x1  }
0x15: {  	[smem:$0x3FAB] =	sst s0;
	s0 =	simm.s32 @!p2 $0x0  }
0x16: {  	s3 =	sld [smem:$0x3FDB];
	s0 =	simm.s32 @p2 $0x1  }
0x17: {  	s4 =	simm.s32 $0x1BF5;
	[smem:$0x3FAD] =	sst s0  }
0x18: {  	s0 =	sld [smem:$0x3F90];
	_ =	swait.ge [sflag:s4], $0x0  }
0x19: {  	s7 =	sld [smem:$0x3F91]  }
0x1a: {  	s8 =	sadd.s32 $0xFFFFE003, lr  }
0x1b: {  	s9 =	sadd.s32 $0xFFFFFEF7, lr;
	s5 =	simm.s32 $0xFFFFFFFF;
	p2 =	slt.u32 s8, $0xFFFFF086  }
0x1c: {  	p1 =	slt.u32 s9, $0xF7A;
	s5 =	simm.s32 @!p2 $0x0  }
0x1d: {  	s5 =	simm.s32 @p1 $0x1;
	p0 =	seq.s32 s7, s2  }
0x1e: {  	s7 =	smul.u32 @!p0 $0xF7A, s2;
	p2 =	seq.s32 @!p0 s5, $0x0  }
0x1f: {  	s9 =	smul.u32 $0xF7A, s1;
	s8 =	simm.s32 @!p0 $0x1BF5;
	p2 =	por !p2, p0  }
0x20: {  	[sflag:s8] =	ssyncset.s32 @!p0 $0xFFFFF086;
	s6 =	sadd.s32 @!p0 s3, s7;
	s7 =	simm.s32 @!p0 $0x108  }
0x21: {  	s3 =	sadd.s32 s3, s9;
	s6 =	sadd.s32 @!p0 $0x88, s6;
	s7 =	simm.s32 @p2 $0x1082  }
0x22: {  	[simem:s7], [sflag:s8] =	dma.local @!p0 [hbm:s6], $0xF7A  }
0x23: {  	s9 =	sor.u32 $0xD0000000, s2;
	s6 =	simm.s32 $0x108;
	_ =	swait.ge @!p0 [sflag:s8], $0x0  }
0x24: {  	s3 =	sadd.s32 $0x88, s3;
	s6 =	simm.s32 @!p1 $0x1082;
	[sflag:s4] =	ssyncset.s32 $0xFFFFF086  }
0x25: {  	[simem:s6], [sflag:s4] =	dma.local [hbm:s3], $0xF7A  }
0x26: {  	[smem:$0x3F91] =	sst s1;
	(tag) =	ssettag s2;
	_ =	strace s9  }
0x27: {  	s1 =	sld [smem:$0x3FA1]  }
0x28: {  	s2 =	sld [smem:$0x3FA2]  }
0x29: {  	s4 =	sld [smem:$0x3FA4]  }
0x2a: {  	p0 =	seq.s32 s5, $0x0;
	s5 =	sld [smem:$0x3FA5]  }
0x2b: {  	s6 =	sld [smem:$0x3FA6]  }
0x2c: {  	s7 =	sld [smem:$0x3FA7]  }
0x2d: {  	s3 =	simm.s32 $0x108;
	s8 =	sld [smem:$0x3FA8]  }
0x2e: {  	s3 =	simm.s32 @!p0 $0x1082;
	s9 =	sld [smem:$0x3FA9]  }
0x2f: {  	lr =	sadd.s32 s0, s3;
	s0 =	sld [smem:$0x3FA0]  }
0x30: {  	s3 =	sld [smem:$0x3FA3]  }
0x31: {  	[smem:$0x3FAC] =	sst s10  }
0x32: {  	s10 =	sld [smem:$0x3FAA];
	_ =	sdelay $0x3  }
0x33: {  	p0 =	seq.s32 s10, $0x1;
	s10 =	sld [smem:$0x3FAC];
	_ =	sdelay $0x3  }
0x34: {  	[smem:$0x3FAC] =	sst s10  }
0x35: {  	s10 =	sld [smem:$0x3FAB];
	_ =	sdelay $0x3  }
0x36: {  	p1 =	seq.s32 s10, $0x1;
	s10 =	sld [smem:$0x3FAC];
	_ =	sdelay $0x3  }
0x37: {  	[smem:$0x3FAC] =	sst s10  }
0x38: {  	s10 =	sld [smem:$0x3FAD]  }
0x39: {  	_ = 	snop;
	(pc) =	sbr.ind lr, $3  }
0x3a: {  	_ = 	snop  }
0x3b: {  	_ = 	snop  }
0x3c: {  	p2 =	seq.s32 s10, $0x1;
	s10 =	sld [smem:$0x3FAC]  }
0x3d: {  	_ =	shalt  }
0x3e: {  	_ =	shalt  }
0x3f: {  	_ =	shalt  }
0x40: {  	_ =	shalt  }
0x41: {  	_ =	shalt  }
0x42: {  	_ =	shalt  }
0x43: {  	_ =	shalt  }
0x44: {  	_ =	shalt  }
0x45: {  	_ =	shalt  }
0x46: {  	_ =	shalt  }
0x47: {  	_ =	shalt  }
0x48: {  	_ =	shalt  }
0x49: {  	_ =	shalt  }
0x4a: {  	_ =	shalt  }
0x4b: {  	_ =	shalt  }
0x4c: {  	_ =	shalt  }
0x4d: {  	_ =	shalt  }
0x4e: {  	_ =	shalt  }
0x4f: {  	_ =	shalt  }
0x50: {  	_ =	shalt  }
0x51: {  	_ =	shalt  }
0x52: {  	_ =	shalt  }
0x53: {  	_ =	shalt  }
0x54: {  	_ =	shalt  }
0x55: {  	_ =	shalt  }
0x56: {  	_ =	shalt  }
0x57: {  	_ =	shalt  }
0x58: {  	_ =	shalt  }
0x59: {  	_ =	shalt  }
0x5a: {  	_ =	shalt  }
0x5b: {  	_ =	shalt  }
0x5c: {  	_ =	shalt  }
0x5d: {  	_ =	shalt  }
0x5e: {  	_ =	shalt  }
0x5f: {  	_ =	shalt  }
0x60: {  	_ =	shalt  }
0x61: {  	_ =	shalt  }
0x62: {  	_ =	shalt  }
0x63: {  	_ =	shalt  }
0x64: {  	_ =	shalt  }
0x65: {  	_ =	shalt  }
0x66: {  	_ =	shalt  }
0x67: {  	_ =	shalt  }
0x68: {  	_ =	shalt  }
0x69: {  	_ =	shalt  }
0x6a: {  	_ =	shalt  }
0x6b: {  	_ =	shalt  }
0x6c: {  	_ =	shalt  }
0x6d: {  	_ =	shalt  }
0x6e: {  	_ =	shalt  }
0x6f: {  	_ =	shalt  }
0x70: {  	_ =	shalt  }
0x71: {  	_ =	shalt  }
0x72: {  	_ =	shalt  }
0x73: {  	_ =	shalt  }
0x74: {  	_ =	shalt  }
0x75: {  	_ =	shalt  }
0x76: {  	_ =	shalt  }
0x77: {  	_ =	shalt  }
0x78: {  	_ =	shalt  }
0x79: {  	_ =	shalt  }
0x7a: {  	_ =	shalt  }
0x7b: {  	_ =	shalt  }
0x7c: {  	_ =	shalt  }
0x7d: {  	_ =	shalt  }
0x7e: {  	_ =	shalt  }
0x7f: {  	_ =	shalt  }
0x80: {  	_ =	shalt  }
0x81: {  	_ =	shalt  }
0x82: {  	_ =	shalt  }
0x83: {  	_ =	shalt  }
0x84: {  	_ =	shalt  }
0x85: {  	_ =	shalt  }
0x86: {  	_ =	shalt  }
0x87: {  	_ =	shalt  }
.Lfunc_end0:
.L_simem_size_0:
called_computation.1_lowered:
.L_overlay_start_0:
0x88: {  	s2 =	sld [smem:$0x3FD9]  }
0x89: {  	s3 =	sld [smem:$0x3FFE];
	_ =	sdelay $0x1  }
0x8a: {  	s1 =	srdreg.scid  }
0x8b: {  	s0 =	sand.u32 $0x1, s1  }
0x8c: {  	s17 =	sshll.u32 s0, $0xA;
	s2 =	sadd.s32 s3, s2  }
0x8d: {  	s2 =	sadd.s32 s2, s17  }
0x8e: {  	[smem:$0x3FB8] =	sst s2  }
0x8f: {  	_ = 	snop  }
0x90: {  	(tm) =	ssettm $0x1  }
0x91: {  	s18 =	sld [smem:$0x3FFB];
	_ =	sdelay $0x3  }
0x92: {  	_ =	strace s18  }
0x93: {  	s2 =	sld [smem:$0x3FFC];
	_ =	sdelay $0x3  }
0x94: {  	_ =	strace s2  }
0x95: {  	s2 =	sld [smem:$0x3FFD];
	_ =	sdelay $0x3  }
0x96: {  	_ =	strace s2  }
0x97: {  	_ =	strace $0x8FFFFFFF  }
0x98: {  	s19 =	sld [smem:$0x3FDB];
	_ =	sdelay $0x1  }
0x99: {  	s20 =	simm.s32 $_scs_section_size  }
0x9a: {  	s4 =	simm.s32 $_size__tile_overlayer_lowered;
	s5 =	simm.s32 $_tile_overlayer_lowered  }
0x9b: {  	s6 =	simm.s32 $0x1BFF;
	s21 =	sshll.u32 s5, $0x1;
	s3 =	sadd.s32 s20, s19  }
0x9c: {  	s22 =	simm.s32 $0x0;
	s4 =	sshll.u32 s4, $0x1;
	s5 =	sadd.s32 s21, s3  }
0x9d: {  	[timem:s22], [sflag:s6] =	dma.local [hbm:s5], s4  }
0x9e: {  	_ =	swait.ge [sflag:s6], s4  }
0x9f: {  	s4 =	ssub.s32 $0x0, s4;
	[sflag:s6] =	ssyncset.done $0x0  }
0xa0: {  	[sflag:s6] =	ssyncadd.s32 s4;
	_ =	sdelay $0x1  }
0xa1: {  	s23 =	simm.s32 $0x1B8B  }
0xa2: {  	_ =	swait.ge [sflag:s23], $0x1  }
0xa3: {  	[sflag:s23] =	ssyncset.done $0x0  }
0xa4: {  	[sflag:s23] =	ssyncadd.s32 $0xFFFFFFFF  }
0xa5: {  	s4 =	sld [smem:$0x0]  }
0xa6: {  	s5 =	sand.u32 $0xFFFFFFFE, s1  }
0xa7: {  	p0 =	sne.s32 s1, s5  }
0xa8: {  	s5 =	sshll.u32 @p0 s5, $0xE  }
0xa9: {  	s5 =	sadd.s32 @p0 $0x11B8D, s5;
	s6 =	sshll.u32 @p0 s4, $0x11  }
0xaa: {  	s5 =	sor.u32 @p0 s6, s5  }
0xab: {  	[sflag:s5] =	ssyncadd.remote.s32 @p0 $0x1;
	_ =	sdelay $0x1  }
0xac: {  	s5 =	simm.s32 @p0 $0x1B8D  }
0xad: {  	_ =	swait.eq @p0 [sflag:s5], $0x1  }
0xae: {  	[sflag:s5] =	ssyncadd.s32 @p0 $0xFFFFFFFF  }
0xaf: {  	s6 =	sshll.u32 @!p0 s1, $0xE  }
0xb0: {  	s6 =	sor.u32 @!p0 $0x4000, s6;
	s5 =	simm.s32 @!p0 $0x1B8D  }
0xb1: {  	s7 =	sshll.u32 @!p0 s4, $0x11;
	s6 =	sadd.s32 @!p0 $0x11B8D, s6;
	_ =	swait.eq @!p0 [sflag:s5], $0x1  }
0xb2: {  	[sflag:s5] =	ssyncadd.s32 @!p0 $0xFFFFFFFF;
	s5 =	sor.u32 @!p0 s7, s6  }
0xb3: {  	s25 =	simm.s32 $0x1B8E;
	s24 =	sld [smem:$0x3FFE];
	[sflag:s5] =	ssyncadd.remote.s32 @!p0 $0x1  }
0xb4: {  	s26 =	simm.s32 $execute0_lowered;
	[smem:$0x3FD2] =	sst s25  }
0xb5: {  	s6 =	sshll.u32 s26, $0x1;
	_ =	strace $0x80000052;
	[dreg:$0x1] =	wrdreg $0xFFFFFFFF  }
0xb6: {  	s28 =	simm.s32 $_size_execute0_lowered;
	s3 =	sadd.s32 s3, s6;
	[dreg:$0x0] =	wrdreg $0x0  }
0xb7: {  	s6 =	sshll.u32 s28, $0x1;
	[dreg:$0x2] =	wrdreg s3  }
0xb8: {  	[dreg:$0x3] =	wrdreg s6  }
0xb9: {  	[dreg:$0x4] =	wrdreg $0xC0  }
0xba: {  	_ =	task [dreg:s22], $0x5FFFF  }
0xbb: {  	[dreg:$0x1] =	wrdreg $0xFFFFFFFF  }
0xbc: {  	[dreg:$0x0] =	wrdreg $0x60  }
0xbd: {  	[dreg:$0x2] =	wrdreg s24  }
0xbe: {  	[dreg:$0x3] =	wrdreg s1  }
0xbf: {  	[dreg:$0x4] =	wrdreg s4  }
0xc0: {  	[dreg:$0x5] =	wrdreg $0xA  }
0xc1: {  	_ =	task.clear_ibuf [dreg:s22], $0x6FFFF;
	_ =	strace $0x90000052  }
0xc2: {  	s29 =	simm.s32 $0xA;
	_ =	strace $0x80000054  }
0xc3: {  	_ =	swait.ge [sflag:s29], $0x1  }
0xc4: {  	[sflag:s29] =	ssyncadd.s32 $0xFFFFFFFF  }
0xc5: {  	_ =	strace $0x90000054  }
0xc6: {  	_ =	sfence  }
0xc7: {  	s30 =	sld [smem:$0x0];
	_ =	sdelay $0x2  }
0xc8: {  	s31 =	sshll.u32 s1, $0xD;
	s1 =	sshrl.u32 s1, $0x2  }
0xc9: {  	s4 =	sand.u32 $0x4000, s31;
	s1 =	sadd.s32 s1, s30  }
0xca: {  	s0 =	sor.u32 s4, s0;
	s1 =	sshll.u32 s1, $0x11  }
0xcb: {  	s0 =	sor.u32 s1, s0  }
0xcc: {  	s0 =	sadd.s32 $0x8F2B, s0  }
0xcd: {  	[sflag:s0] =	ssyncadd.remote.s32 $0x1  }
0xce: {  	_ =	sfence.sel $0xFFFF  }
0xcf: {  	[dreg:$0x0] =	wrdreg $0xFFFFFFFF;
	(pc) =	sbr.abs _section_cstart, $3  }
0xd0: {  	[dreg:$0x1] =	wrdreg $0xFFFFFFFF  }
0xd1: {  	_ =	task.clear_ibuf [dreg:s22], $0x2FFFF;
	_ =	strace $0x9FFFFFFF  }
0xd2: {  	(tm) =	ssettm $0x7FFFFFFF  }
0xd3: {  	_ =	shalt  }
tec
execute0_lowered:
.L_overlay_start_1:
0x0: {  	(tag) =	ssettag $0x1  }
0x1: {  	s11 =	rddreg [dreg:$0x0]  }
0x2: {  	s2 =	rddreg [dreg:$0x1];
	_ =	strace $0x80000053;
	s12 =	simm.s32 $0x1  }
0x3: {  	v0 =	vimm.s32 $0x0;
	[sflag:s12] =	ssyncpa.u1 $0x0  }
0x4: {  	[tilespmem:$0x28] =	vst v0  }
0x5: {  	[tilespmem:$0x38] =	vst v0  }
0x6: {  	[tilespmem:$0x48] =	vst v0  }
0x7: {  	[tilespmem:$0x58] =	vst v0  }
0x8: {  	[tilespmem:$0x68] =	vst v0  }
0x9: {  	[tilespmem:$0x78] =	vst v0  }
0xa: {  	[tilespmem:$0x88] =	vst v0  }
0xb: {  	[tilespmem:$0x98] =	vst v0  }
0xc: {  	[tilespmem:$0xA8] =	vst v0  }
0xd: {  	[tilespmem:$0xB8] =	vst v0  }
0xe: {  	[tilespmem:$0xC8] =	vst v0  }
0xf: {  	[tilespmem:$0xD8] =	vst v0  }
0x10: {  	[tilespmem:$0xE8] =	vst v0  }
0x11: {  	[tilespmem:$0xF8] =	vst v0  }
0x12: {  	[tilespmem:$0x108] =	vst v0  }
0x13: {  	[tilespmem:$0x118] =	vst v0  }
0x14: {  	[tilespmem:$0x128] =	vst v0  }
0x15: {  	[tilespmem:$0x138] =	vst v0  }
0x16: {  	[tilespmem:$0x148] =	vst v0  }
0x17: {  	[tilespmem:$0x158] =	vst v0  }
0x18: {  	[tilespmem:$0x168] =	vst v0  }
0x19: {  	[tilespmem:$0x178] =	vst v0  }
0x1a: {  	[tilespmem:$0x188] =	vst v0  }
0x1b: {  	[tilespmem:$0x198] =	vst v0  }
0x1c: {  	[tilespmem:$0x1A8] =	vst v0  }
0x1d: {  	[tilespmem:$0x1B8] =	vst v0  }
0x1e: {  	[tilespmem:$0x1C8] =	vst v0  }
0x1f: {  	[tilespmem:$0x1D8] =	vst v0  }
0x20: {  	[tilespmem:$0x1E8] =	vst v0  }
0x21: {  	[tilespmem:$0x1F8] =	vst v0  }
0x22: {  	[tilespmem:$0x208] =	vst v0  }
0x23: {  	[tilespmem:$0x218] =	vst v0  }
0x24: {  	[tilespmem:$0x228] =	vst v0  }
0x25: {  	[tilespmem:$0x238] =	vst v0  }
0x26: {  	[tilespmem:$0x248] =	vst v0  }
0x27: {  	[tilespmem:$0x258] =	vst v0  }
0x28: {  	[tilespmem:$0x268] =	vst v0  }
0x29: {  	[tilespmem:$0x278] =	vst v0  }
0x2a: {  	[tilespmem:$0x288] =	vst v0  }
0x2b: {  	[tilespmem:$0x298] =	vst v0  }
0x2c: {  	[tilespmem:$0x2A8] =	vst v0  }
0x2d: {  	[tilespmem:$0x2B8] =	vst v0  }
0x2e: {  	[tilespmem:$0x2C8] =	vst v0  }
0x2f: {  	[tilespmem:$0x2D8] =	vst v0  }
0x30: {  	[tilespmem:$0x2E8] =	vst v0  }
0x31: {  	[tilespmem:$0x2F8] =	vst v0  }
0x32: {  	[tilespmem:$0x308] =	vst v0  }
0x33: {  	[tilespmem:$0x318] =	vst v0  }
0x34: {  	[tilespmem:$0x328] =	vst v0  }
0x35: {  	[tilespmem:$0x338] =	vst v0  }
0x36: {  	[tilespmem:$0x348] =	vst v0  }
0x37: {  	[tilespmem:$0x358] =	vst v0  }
0x38: {  	[tilespmem:$0x368] =	vst v0  }
0x39: {  	[tilespmem:$0x378] =	vst v0  }
0x3a: {  	[tilespmem:$0x388] =	vst v0  }
0x3b: {  	[tilespmem:$0x398] =	vst v0  }
0x3c: {  	[tilespmem:$0x3A8] =	vst v0  }
0x3d: {  	[tilespmem:$0x3B8] =	vst v0  }
0x3e: {  	[tilespmem:$0x3C8] =	vst v0  }
0x3f: {  	[tilespmem:$0x3D8] =	vst v0  }
0x40: {  	[tilespmem:$0x3E8] =	vst v0  }
0x41: {  	[tilespmem:$0x3F8] =	vst v0  }
0x42: {  	[tilespmem:$0x408] =	vst v0  }
0x43: {  	[tilespmem:$0x418] =	vst v0  }
0x44: {  	[tilespmem:$0x428] =	vst v0  }
0x45: {  	[tilespmem:$0x438] =	vst v0  }
0x46: {  	[tilespmem:$0x448] =	vst v0  }
0x47: {  	[tilespmem:$0x458] =	vst v0  }
0x48: {  	[tilespmem:$0x468] =	vst v0  }
0x49: {  	[tilespmem:$0x478] =	vst v0  }
0x4a: {  	[tilespmem:$0x488] =	vst v0  }
0x4b: {  	[tilespmem:$0x498] =	vst v0  }
0x4c: {  	[tilespmem:$0x4A8] =	vst v0  }
0x4d: {  	[tilespmem:$0x4B8] =	vst v0  }
0x4e: {  	[tilespmem:$0x4C8] =	vst v0  }
0x4f: {  	[tilespmem:$0x4D8] =	vst v0  }
0x50: {  	[tilespmem:$0x4E8] =	vst v0  }
0x51: {  	[tilespmem:$0x4F8] =	vst v0  }
0x52: {  	[tilespmem:$0x508] =	vst v0  }
0x53: {  	[tilespmem:$0x518] =	vst v0  }
0x54: {  	[tilespmem:$0x528] =	vst v0  }
0x55: {  	[tilespmem:$0x538] =	vst v0  }
0x56: {  	[tilespmem:$0x548] =	vst v0  }
0x57: {  	[tilespmem:$0x558] =	vst v0  }
0x58: {  	[tilespmem:$0x568] =	vst v0  }
0x59: {  	[tilespmem:$0x578] =	vst v0  }
0x5a: {  	[tilespmem:$0x588] =	vst v0  }
0x5b: {  	[tilespmem:$0x598] =	vst v0  }
0x5c: {  	[tilespmem:$0x5A8] =	vst v0  }
0x5d: {  	[tilespmem:$0x5B8] =	vst v0  }
0x5e: {  	[tilespmem:$0x5C8] =	vst v0  }
0x5f: {  	[tilespmem:$0x5D8] =	vst v0  }
0x60: {  	[tilespmem:$0x5E8] =	vst v0  }
0x61: {  	[tilespmem:$0x5F8] =	vst v0  }
0x62: {  	[tilespmem:$0x608] =	vst v0  }
0x63: {  	[tilespmem:$0x618] =	vst v0  }
0x64: {  	[tilespmem:$0x628] =	vst v0  }
0x65: {  	[tilespmem:$0x638] =	vst v0  }
0x66: {  	[tilespmem:$0x648] =	vst v0  }
0x67: {  	[tilespmem:$0x658] =	vst v0  }
0x68: {  	[tilespmem:$0x668] =	vst v0  }
0x69: {  	[tilespmem:$0x678] =	vst v0  }
0x6a: {  	[tilespmem:$0x688] =	vst v0  }
0x6b: {  	[tilespmem:$0x698] =	vst v0  }
0x6c: {  	[tilespmem:$0x6A8] =	vst v0  }
0x6d: {  	[tilespmem:$0x6B8] =	vst v0  }
0x6e: {  	[tilespmem:$0x6C8] =	vst v0  }
0x6f: {  	[tilespmem:$0x6D8] =	vst v0  }
0x70: {  	[tilespmem:$0x6E8] =	vst v0  }
0x71: {  	[tilespmem:$0x6F8] =	vst v0  }
0x72: {  	[tilespmem:$0x708] =	vst v0  }
0x73: {  	[tilespmem:$0x718] =	vst v0  }
0x74: {  	[tilespmem:$0x728] =	vst v0  }
0x75: {  	[tilespmem:$0x738] =	vst v0  }
0x76: {  	[tilespmem:$0x748] =	vst v0  }
0x77: {  	[tilespmem:$0x758] =	vst v0  }
0x78: {  	[tilespmem:$0x768] =	vst v0  }
0x79: {  	[tilespmem:$0x778] =	vst v0  }
0x7a: {  	[tilespmem:$0x788] =	vst v0  }
0x7b: {  	[tilespmem:$0x798] =	vst v0  }
0x7c: {  	[tilespmem:$0x7A8] =	vst v0  }
0x7d: {  	[tilespmem:$0x7B8] =	vst v0  }
0x7e: {  	[tilespmem:$0x7C8] =	vst v0  }
0x7f: {  	[tilespmem:$0x7D8] =	vst v0  }
0x80: {  	[tilespmem:$0x7E8] =	vst v0  }
0x81: {  	[tilespmem:$0x7F8] =	vst v0  }
0x82: {  	[tilespmem:$0x808] =	vst v0  }
0x83: {  	[tilespmem:$0x818] =	vst v0  }
0x84: {  	[tilespmem:$0x828] =	vst v0  }
0x85: {  	[tilespmem:$0x838] =	vst v0  }
0x86: {  	[tilespmem:$0x848] =	vst v0  }
0x87: {  	[tilespmem:$0x858] =	vst v0  }
0x88: {  	[tilespmem:$0x868] =	vst v0  }
0x89: {  	[tilespmem:$0x878] =	vst v0  }
0x8a: {  	[tilespmem:$0x888] =	vst v0  }
0x8b: {  	[tilespmem:$0x898] =	vst v0  }
0x8c: {  	[tilespmem:$0x8A8] =	vst v0  }
0x8d: {  	[tilespmem:$0x8B8] =	vst v0  }
0x8e: {  	[tilespmem:$0x8C8] =	vst v0  }
0x8f: {  	[tilespmem:$0x8D8] =	vst v0  }
0x90: {  	[tilespmem:$0x8E8] =	vst v0  }
0x91: {  	[tilespmem:$0x8F8] =	vst v0  }
0x92: {  	[tilespmem:$0x908] =	vst v0  }
0x93: {  	[tilespmem:$0x918] =	vst v0  }
0x94: {  	[tilespmem:$0x928] =	vst v0  }
0x95: {  	[tilespmem:$0x938] =	vst v0  }
0x96: {  	[tilespmem:$0x948] =	vst v0  }
0x97: {  	[tilespmem:$0x958] =	vst v0  }
0x98: {  	[tilespmem:$0x968] =	vst v0  }
0x99: {  	[tilespmem:$0x978] =	vst v0  }
0x9a: {  	[tilespmem:$0x988] =	vst v0  }
0x9b: {  	[tilespmem:$0x998] =	vst v0  }
0x9c: {  	[tilespmem:$0x9A8] =	vst v0  }
0x9d: {  	[tilespmem:$0x9B8] =	vst v0  }
0x9e: {  	[tilespmem:$0x9C8] =	vst v0  }
0x9f: {  	[tilespmem:$0x9D8] =	vst v0  }
0xa0: {  	[tilespmem:$0x9E8] =	vst v0  }
0xa1: {  	[tilespmem:$0x9F8] =	vst v0  }
0xa2: {  	[tilespmem:$0xA08] =	vst v0  }
0xa3: {  	[tilespmem:$0xA18] =	vst v0  }
0xa4: {  	[tilespmem:$0xA28] =	vst v0  }
0xa5: {  	[tilespmem:$0xA38] =	vst v0  }
0xa6: {  	[tilespmem:$0xA48] =	vst v0  }
0xa7: {  	[tilespmem:$0xA58] =	vst v0  }
0xa8: {  	[tilespmem:$0xA68] =	vst v0  }
0xa9: {  	[tilespmem:$0xA78] =	vst v0  }
0xaa: {  	[tilespmem:$0xA88] =	vst v0  }
0xab: {  	[tilespmem:$0xA98] =	vst v0  }
0xac: {  	[tilespmem:$0xAA8] =	vst v0  }
0xad: {  	[tilespmem:$0xAB8] =	vst v0  }
0xae: {  	[tilespmem:$0xAC8] =	vst v0  }
0xaf: {  	[tilespmem:$0xAD8] =	vst v0  }
0xb0: {  	[tilespmem:$0xAE8] =	vst v0  }
0xb1: {  	[tilespmem:$0xAF8] =	vst v0  }
0xb2: {  	[tilespmem:$0xB08] =	vst v0  }
0xb3: {  	[tilespmem:$0xB18] =	vst v0  }
0xb4: {  	[tilespmem:$0xB28] =	vst v0  }
0xb5: {  	[tilespmem:$0xB38] =	vst v0  }
0xb6: {  	[tilespmem:$0xB48] =	vst v0  }
0xb7: {  	[tilespmem:$0xB58] =	vst v0  }
0xb8: {  	[tilespmem:$0xB68] =	vst v0  }
0xb9: {  	[tilespmem:$0xB78] =	vst v0  }
0xba: {  	[tilespmem:$0xB88] =	vst v0  }
0xbb: {  	[tilespmem:$0xB98] =	vst v0  }
0xbc: {  	[tilespmem:$0xBA8] =	vst v0  }
0xbd: {  	[tilespmem:$0xBB8] =	vst v0  }
0xbe: {  	[tilespmem:$0xBC8] =	vst v0  }
0xbf: {  	[tilespmem:$0xBD8] =	vst v0  }
0xc0: {  	[tilespmem:$0xBE8] =	vst v0  }
0xc1: {  	[tilespmem:$0xBF8] =	vst v0  }
0xc2: {  	[tilespmem:$0xC08] =	vst v0  }
0xc3: {  	[tilespmem:$0xC18] =	vst v0  }
0xc4: {  	[tilespmem:$0xC28] =	vst v0  }
0xc5: {  	[tilespmem:$0xC38] =	vst v0  }
0xc6: {  	[tilespmem:$0xC48] =	vst v0  }
0xc7: {  	[tilespmem:$0xC58] =	vst v0  }
0xc8: {  	[tilespmem:$0xC68] =	vst v0  }
0xc9: {  	[tilespmem:$0xC78] =	vst v0  }
0xca: {  	[tilespmem:$0xC88] =	vst v0  }
0xcb: {  	[tilespmem:$0xC98] =	vst v0  }
0xcc: {  	[tilespmem:$0xCA8] =	vst v0  }
0xcd: {  	[tilespmem:$0xCB8] =	vst v0  }
0xce: {  	[tilespmem:$0xCC8] =	vst v0  }
0xcf: {  	[tilespmem:$0xCD8] =	vst v0  }
0xd0: {  	[tilespmem:$0xCE8] =	vst v0  }
0xd1: {  	[tilespmem:$0xCF8] =	vst v0  }
0xd2: {  	[tilespmem:$0xD08] =	vst v0  }
0xd3: {  	[tilespmem:$0xD18] =	vst v0  }
0xd4: {  	[tilespmem:$0xD28] =	vst v0  }
0xd5: {  	[tilespmem:$0xD38] =	vst v0  }
0xd6: {  	[tilespmem:$0xD48] =	vst v0  }
0xd7: {  	[tilespmem:$0xD58] =	vst v0  }
0xd8: {  	[tilespmem:$0xD68] =	vst v0  }
0xd9: {  	[tilespmem:$0xD78] =	vst v0  }
0xda: {  	[tilespmem:$0xD88] =	vst v0  }
0xdb: {  	[tilespmem:$0xD98] =	vst v0  }
0xdc: {  	[tilespmem:$0xDA8] =	vst v0  }
0xdd: {  	[tilespmem:$0xDB8] =	vst v0  }
0xde: {  	[tilespmem:$0xDC8] =	vst v0  }
0xdf: {  	[tilespmem:$0xDD8] =	vst v0  }
0xe0: {  	[tilespmem:$0xDE8] =	vst v0  }
0xe1: {  	[tilespmem:$0xDF8] =	vst v0  }
0xe2: {  	[tilespmem:$0xE08] =	vst v0  }
0xe3: {  	[tilespmem:$0xE18] =	vst v0  }
0xe4: {  	[tilespmem:$0xE28] =	vst v0  }
0xe5: {  	[tilespmem:$0xE38] =	vst v0  }
0xe6: {  	[tilespmem:$0xE48] =	vst v0  }
0xe7: {  	[tilespmem:$0xE58] =	vst v0  }
0xe8: {  	[tilespmem:$0xE68] =	vst v0  }
0xe9: {  	[tilespmem:$0xE78] =	vst v0  }
0xea: {  	[tilespmem:$0xE88] =	vst v0  }
0xeb: {  	[tilespmem:$0xE98] =	vst v0  }
0xec: {  	[tilespmem:$0xEA8] =	vst v0  }
0xed: {  	[tilespmem:$0xEB8] =	vst v0  }
0xee: {  	[tilespmem:$0xEC8] =	vst v0  }
0xef: {  	[tilespmem:$0xED8] =	vst v0  }
0xf0: {  	[tilespmem:$0xEE8] =	vst v0  }
0xf1: {  	[tilespmem:$0xEF8] =	vst v0  }
0xf2: {  	[tilespmem:$0xF08] =	vst v0  }
0xf3: {  	[tilespmem:$0xF18] =	vst v0  }
0xf4: {  	[tilespmem:$0xF28] =	vst v0  }
0xf5: {  	[tilespmem:$0xF38] =	vst v0  }
0xf6: {  	[tilespmem:$0xF48] =	vst v0  }
0xf7: {  	[tilespmem:$0xF58] =	vst v0  }
0xf8: {  	[tilespmem:$0xF68] =	vst v0  }
0xf9: {  	[tilespmem:$0xF78] =	vst v0  }
0xfa: {  	[tilespmem:$0xF88] =	vst v0  }
0xfb: {  	[tilespmem:$0xF98] =	vst v0  }
0xfc: {  	[tilespmem:$0xFA8] =	vst v0  }
0xfd: {  	[tilespmem:$0xFB8] =	vst v0  }
0xfe: {  	[tilespmem:$0xFC8] =	vst v0  }
0xff: {  	[tilespmem:$0xFD8] =	vst v0  }
0x100: {  	[tilespmem:$0xFE8] =	vst v0  }
0x101: {  	[tilespmem:$0xFF8] =	vst v0  }
0x102: {  	[tilespmem:$0x1028] =	vst v0  }
0x103: {  	[tilespmem:$0x10E8] =	vst v0  }
0x104: {  	[tilespmem:$0x1068] =	vst v0  }
0x105: {  	[tilespmem:$0x1B28] =	vst v0  }
0x106: {  	[tilespmem:$0x1B18] =	vst v0  }
0x107: {  	[tilespmem:$0x1B08] =	vst v0  }
0x108: {  	[tilespmem:$0x1AF8] =	vst v0  }
0x109: {  	[tilespmem:$0x1AE8] =	vst v0  }
0x10a: {  	[tilespmem:$0x1AD8] =	vst v0  }
0x10b: {  	[tilespmem:$0x1AC8] =	vst v0  }
0x10c: {  	[tilespmem:$0x1AB8] =	vst v0  }
0x10d: {  	[tilespmem:$0x1AA8] =	vst v0  }
0x10e: {  	[tilespmem:$0x1A98] =	vst v0  }
0x10f: {  	[tilespmem:$0x1A88] =	vst v0  }
0x110: {  	[tilespmem:$0x1A78] =	vst v0  }
0x111: {  	[tilespmem:$0x1A68] =	vst v0  }
0x112: {  	[tilespmem:$0x1A58] =	vst v0  }
0x113: {  	[tilespmem:$0x1A48] =	vst v0  }
0x114: {  	[tilespmem:$0x1A38] =	vst v0  }
0x115: {  	[tilespmem:$0x1A28] =	vst v0  }
0x116: {  	[tilespmem:$0x1A18] =	vst v0  }
0x117: {  	[tilespmem:$0x1A08] =	vst v0  }
0x118: {  	[tilespmem:$0x19F8] =	vst v0  }
0x119: {  	[tilespmem:$0x19E8] =	vst v0  }
0x11a: {  	[tilespmem:$0x19D8] =	vst v0  }
0x11b: {  	[tilespmem:$0x19C8] =	vst v0  }
0x11c: {  	[tilespmem:$0x19B8] =	vst v0  }
0x11d: {  	[tilespmem:$0x19A8] =	vst v0  }
0x11e: {  	[tilespmem:$0x1998] =	vst v0  }
0x11f: {  	[tilespmem:$0x1988] =	vst v0  }
0x120: {  	[tilespmem:$0x1978] =	vst v0  }
0x121: {  	[tilespmem:$0x1968] =	vst v0  }
0x122: {  	[tilespmem:$0x1958] =	vst v0  }
0x123: {  	[tilespmem:$0x1948] =	vst v0  }
0x124: {  	[tilespmem:$0x1938] =	vst v0  }
0x125: {  	[tilespmem:$0x1928] =	vst v0  }
0x126: {  	[tilespmem:$0x1918] =	vst v0  }
0x127: {  	[tilespmem:$0x1908] =	vst v0  }
0x128: {  	[tilespmem:$0x18F8] =	vst v0  }
0x129: {  	[tilespmem:$0x18E8] =	vst v0  }
0x12a: {  	[tilespmem:$0x18D8] =	vst v0  }
0x12b: {  	[tilespmem:$0x18C8] =	vst v0  }
0x12c: {  	[tilespmem:$0x18B8] =	vst v0  }
0x12d: {  	[tilespmem:$0x18A8] =	vst v0  }
0x12e: {  	[tilespmem:$0x1898] =	vst v0  }
0x12f: {  	[tilespmem:$0x1888] =	vst v0  }
0x130: {  	[tilespmem:$0x1878] =	vst v0  }
0x131: {  	[tilespmem:$0x1868] =	vst v0  }
0x132: {  	[tilespmem:$0x1858] =	vst v0  }
0x133: {  	[tilespmem:$0x1848] =	vst v0  }
0x134: {  	[tilespmem:$0x1838] =	vst v0  }
0x135: {  	[tilespmem:$0x1828] =	vst v0  }
0x136: {  	[tilespmem:$0x1818] =	vst v0  }
0x137: {  	[tilespmem:$0x1808] =	vst v0  }
0x138: {  	[tilespmem:$0x17F8] =	vst v0  }
0x139: {  	[tilespmem:$0x17E8] =	vst v0  }
0x13a: {  	[tilespmem:$0x17D8] =	vst v0  }
0x13b: {  	[tilespmem:$0x17C8] =	vst v0  }
0x13c: {  	[tilespmem:$0x17B8] =	vst v0  }
0x13d: {  	[tilespmem:$0x17A8] =	vst v0  }
0x13e: {  	[tilespmem:$0x1798] =	vst v0  }
0x13f: {  	[tilespmem:$0x1788] =	vst v0  }
0x140: {  	[tilespmem:$0x1778] =	vst v0  }
0x141: {  	[tilespmem:$0x1768] =	vst v0  }
0x142: {  	[tilespmem:$0x1758] =	vst v0  }
0x143: {  	[tilespmem:$0x1748] =	vst v0  }
0x144: {  	[tilespmem:$0x1738] =	vst v0  }
0x145: {  	[tilespmem:$0x1728] =	vst v0  }
0x146: {  	[tilespmem:$0x1718] =	vst v0  }
0x147: {  	[tilespmem:$0x1708] =	vst v0  }
0x148: {  	[tilespmem:$0x16F8] =	vst v0  }
0x149: {  	[tilespmem:$0x16E8] =	vst v0  }
0x14a: {  	[tilespmem:$0x16D8] =	vst v0  }
0x14b: {  	[tilespmem:$0x16C8] =	vst v0  }
0x14c: {  	[tilespmem:$0x16B8] =	vst v0  }
0x14d: {  	[tilespmem:$0x16A8] =	vst v0  }
0x14e: {  	[tilespmem:$0x1698] =	vst v0  }
0x14f: {  	[tilespmem:$0x1688] =	vst v0  }
0x150: {  	[tilespmem:$0x1678] =	vst v0  }
0x151: {  	[tilespmem:$0x1668] =	vst v0  }
0x152: {  	[tilespmem:$0x1658] =	vst v0  }
0x153: {  	[tilespmem:$0x1648] =	vst v0  }
0x154: {  	[tilespmem:$0x1638] =	vst v0  }
0x155: {  	[tilespmem:$0x1628] =	vst v0  }
0x156: {  	[tilespmem:$0x1618] =	vst v0  }
0x157: {  	[tilespmem:$0x1608] =	vst v0  }
0x158: {  	[tilespmem:$0x15F8] =	vst v0  }
0x159: {  	[tilespmem:$0x15E8] =	vst v0  }
0x15a: {  	[tilespmem:$0x15D8] =	vst v0  }
0x15b: {  	[tilespmem:$0x15C8] =	vst v0  }
0x15c: {  	[tilespmem:$0x15B8] =	vst v0  }
0x15d: {  	[tilespmem:$0x15A8] =	vst v0  }
0x15e: {  	[tilespmem:$0x1598] =	vst v0  }
0x15f: {  	[tilespmem:$0x1588] =	vst v0  }
0x160: {  	[tilespmem:$0x1578] =	vst v0  }
0x161: {  	[tilespmem:$0x1568] =	vst v0  }
0x162: {  	[tilespmem:$0x1558] =	vst v0  }
0x163: {  	[tilespmem:$0x1548] =	vst v0  }
0x164: {  	[tilespmem:$0x1538] =	vst v0  }
0x165: {  	[tilespmem:$0x1528] =	vst v0  }
0x166: {  	[tilespmem:$0x1518] =	vst v0  }
0x167: {  	[tilespmem:$0x1508] =	vst v0  }
0x168: {  	[tilespmem:$0x14F8] =	vst v0  }
0x169: {  	[tilespmem:$0x14E8] =	vst v0  }
0x16a: {  	[tilespmem:$0x14D8] =	vst v0  }
0x16b: {  	[tilespmem:$0x14C8] =	vst v0  }
0x16c: {  	[tilespmem:$0x14B8] =	vst v0  }
0x16d: {  	[tilespmem:$0x14A8] =	vst v0  }
0x16e: {  	[tilespmem:$0x1498] =	vst v0  }
0x16f: {  	[tilespmem:$0x1488] =	vst v0  }
0x170: {  	[tilespmem:$0x1478] =	vst v0  }
0x171: {  	[tilespmem:$0x1468] =	vst v0  }
0x172: {  	[tilespmem:$0x1458] =	vst v0  }
0x173: {  	[tilespmem:$0x1448] =	vst v0  }
0x174: {  	[tilespmem:$0x1438] =	vst v0  }
0x175: {  	[tilespmem:$0x1428] =	vst v0  }
0x176: {  	[tilespmem:$0x1418] =	vst v0  }
0x177: {  	[tilespmem:$0x1408] =	vst v0  }
0x178: {  	[tilespmem:$0x13F8] =	vst v0  }
0x179: {  	[tilespmem:$0x13E8] =	vst v0  }
0x17a: {  	[tilespmem:$0x13D8] =	vst v0  }
0x17b: {  	[tilespmem:$0x13C8] =	vst v0  }
0x17c: {  	[tilespmem:$0x13B8] =	vst v0  }
0x17d: {  	[tilespmem:$0x13A8] =	vst v0  }
0x17e: {  	[tilespmem:$0x1398] =	vst v0  }
0x17f: {  	[tilespmem:$0x1388] =	vst v0  }
0x180: {  	[tilespmem:$0x1378] =	vst v0  }
0x181: {  	[tilespmem:$0x1368] =	vst v0  }
0x182: {  	[tilespmem:$0x1358] =	vst v0  }
0x183: {  	[tilespmem:$0x1348] =	vst v0  }
0x184: {  	[tilespmem:$0x1338] =	vst v0  }
0x185: {  	[tilespmem:$0x1328] =	vst v0  }
0x186: {  	[tilespmem:$0x1318] =	vst v0  }
0x187: {  	[tilespmem:$0x1308] =	vst v0  }
0x188: {  	[tilespmem:$0x12F8] =	vst v0  }
0x189: {  	[tilespmem:$0x12E8] =	vst v0  }
0x18a: {  	[tilespmem:$0x12D8] =	vst v0  }
0x18b: {  	[tilespmem:$0x12C8] =	vst v0  }
0x18c: {  	[tilespmem:$0x12B8] =	vst v0  }
0x18d: {  	[tilespmem:$0x12A8] =	vst v0  }
0x18e: {  	[tilespmem:$0x1298] =	vst v0  }
0x18f: {  	[tilespmem:$0x1288] =	vst v0  }
0x190: {  	[tilespmem:$0x1278] =	vst v0  }
0x191: {  	[tilespmem:$0x1268] =	vst v0  }
0x192: {  	[tilespmem:$0x1258] =	vst v0  }
0x193: {  	[tilespmem:$0x1248] =	vst v0  }
0x194: {  	[tilespmem:$0x1238] =	vst v0  }
0x195: {  	[tilespmem:$0x1228] =	vst v0  }
0x196: {  	[tilespmem:$0x1218] =	vst v0  }
0x197: {  	[tilespmem:$0x1208] =	vst v0  }
0x198: {  	[tilespmem:$0x11F8] =	vst v0  }
0x199: {  	[tilespmem:$0x11E8] =	vst v0  }
0x19a: {  	[tilespmem:$0x11D8] =	vst v0  }
0x19b: {  	[tilespmem:$0x11C8] =	vst v0  }
0x19c: {  	[tilespmem:$0x11B8] =	vst v0  }
0x19d: {  	[tilespmem:$0x11A8] =	vst v0  }
0x19e: {  	[tilespmem:$0x1198] =	vst v0  }
0x19f: {  	[tilespmem:$0x1188] =	vst v0  }
0x1a0: {  	[tilespmem:$0x1178] =	vst v0  }
0x1a1: {  	[tilespmem:$0x1168] =	vst v0  }
0x1a2: {  	[tilespmem:$0x1158] =	vst v0  }
0x1a3: {  	[tilespmem:$0x1148] =	vst v0  }
0x1a4: {  	[tilespmem:$0x1138] =	vst v0  }
0x1a5: {  	[tilespmem:$0x1128] =	vst v0  }
0x1a6: {  	[tilespmem:$0x1118] =	vst v0  }
0x1a7: {  	s4 =	stileid.u32;
	[tilespmem:$0x1108] =	vst v0  }
0x1a8: {  	s0 =	smul.u32 $0xB, s4;
	[tilespmem:$0x10F8] =	vst v0  }
0x1a9: {  	s1 =	smin.u32 s4, $0xA;
	[tilespmem:$0x10C8] =	vst v0  }
0x1aa: {  	[tilespmem:$0x10D8] =	vst v0;
	s0 =	sadd.s32 s1, s0  }
0x1ab: {  	p0 =	slt.u32 s4, $0xA;
	[tilespmem:$0x10B8] =	vst v0;
	s1 =	simm.s32 $0x1440;
	s6 =	smul.u32 $0x1B0, s0  }
0x1ac: {  	s1 =	simm.s32 @!p0 $0x1290;
	[tilespmem:$0x1038] =	vst v0  }
0x1ad: {  	[tilespmem:$0x10A8] =	vst v0;
	s0 =	sadd.s32 s1, s6  }
0x1ae: {  	s3 =	simm.s32 $0x2;
	s8 =	simm.s32 $0x9;
	[tilespmem:$0x1098] =	vst v0;
	s7 =	smin.u32 s0, $0x13880  }
0x1af: {  	s10 =	simm.s32 $0xA;
	s30 =	simm.s32 $0xB;
	[tilespmem:$0x1088] =	vst v0;
	s0 =	ssub.s32 s7, s6  }
0x1b0: {  	s16 =	simm.s32 $0x0;
	p4 =	por $0x0, $0x0;
	[tilespmem:$0x1078] =	vst v0;
	p0 =	sgt.s32 s0, $0x0  }
0x1b1: {  	s17 =	simm.s32 $0xC;
	s21 =	simm.s32 $0x0;
	[tilespmem:$0x1058] =	vst v0;
	s0 =	simm.s32 @!p0 $0x0  }
0x1b2: {  	s18 =	simm.s32 $0x0;
	s2 =	sand.u32 $0x1, s2;
	[tilespmem:$0x1048] =	vst v0;
	s29 =	smulhi.u32 $0x4BDA12F7, s0  }
0x1b3: {  	s20 =	simm.s32 $0x0;
	s31 =	sshll.u32 s4, $0x5;
	[tilespmem:$0x1018] =	vst v0;
	[dreg:$0x5] =	wrdreg s2  }
0x1b4: {  	s2 =	smul.u32 $0x2710, s2;
	[tilespmem:$0x1008] =	vst v0;
	[sflag:s3] =	ssyncpa.u1 $0x0;
	s1 =	sshrl.u32 s29, $0x7  }
0x1b5: {  	v0 =	vimm.s32 $0xFFFFFFFF;
	s3 =	sadd.s32 $0x69000, s11;
	[dreg:$0x4] =	wrdreg s31;
	s5 =	smul.u32 $0x1B0, s1  }
.Ltmp0:
0x1b6: {  	[tilespmem:$0x3648] =	vst v0;
	[sflag:s8] =	ssyncpa.u1 $0x0;
	s2 =	sadd.s32 s2, s11;
	(pc) =	sbr.rel .LBB2_1-.Ltmp0, $4  }
0x1b7: {  	[sflag:s10] =	ssyncpa.u1 $0x0;
	s11 =	sadd.s32 $0x2DA000, s11;
	p0 =	sne.s32 s0, s5  }
0x1b8: {  	[sflag:s30] =	ssyncpa.u1 $0x0;
	s14 =	sadd.s32 $0x33B3000, s2;
	s12 =	simm.s32 @!p0 $0x0  }
0x1b9: {  	s15 =	sadd.s32 $0x33AE000, s2;
	s19 =	smov.u32 s6;
	s12 =	sadd.s32 s12, s1  }
0x1ba: {  	v0 =	vlaneseq.u32;
	[dreg:$0x6] =	wrdreg s6;
	p0 =	por $0x1, $0x1;
	s4 =	sadd.s32 $0x1, s12  }
.LBB2_18:
0x1bb: {  	s0 =	simm.s32 $0x2  }
0x1bc: {  	_ =	swait.ge [sflag:s0], $0x0  }
0x1bd: {  	[sflag:s0] =	ssyncset.done $0x0;
	s0 =	simm.s32 $0x0  }
.LBB2_19:
0x1be: {  	_ =	swait.ge [sflag:s17], s0  }
0x1bf: {  	s31 =	ssub.s32 $0x0, s0;
	v1 =	vmov s23;
	vm0 =	veq.s32 v0, $0x0;
	[sflag:s17] =	ssyncset.done $0x0  }
0x1c0: {  	vm15 =	veq.s32 v0, $0x2;
	v1 =	vsel vm0, s28, v1;
	[sflag:s17] =	ssyncadd.s32 s31  }
0x1c1: {  	v1 =	vsel vm15, s21, v1;
	[sflag:s17] =	ssyncpa.u1 $0x1  }
0x1c2: {  	[tilespmem:$0x3648] =	vst v1  }
.LBB2_20:
0x1c3: {  	s0 =	sadd.s32 $0x1B0, s19  }
0x1c4: {  	s1 =	smov.u32 s6;
	p1 =	slt.s32 s0, s7  }
0x1c5: {  	s1 =	smov.u32 @p1 s0;
	p1 =	sne.s32 s20, s4  }
.Ltmp1:
0x1c6: {  	_ = 	snop;
	(pc) =	sbr.rel @!p1 .LBB2_21-.Ltmp1, $4  }
0x1c7: {  	_ = 	snop  }
0x1c8: {  	s21 =	smov.u32 s18  }
0x1c9: {  	s31 =	sadd.s32 $0x1, s20;
	s18 =	smov.u32 s19;
	p0 =	por !p0, !p0  }
0x1ca: {  	p4 =	por !p4, !p4;
	s20 =	smov.u32 s31;
	s19 =	smov.u32 s1  }
.LBB2_1:
0x1cb: {  	p2 =	sge.u32 s20, s12  }
0x1cc: {  	s0 =	smulhi.u32 @!p2 $0xAAAAAAAB, s20  }
0x1cd: {  	s1 =	smov.u32 s19;
	p3 =	sgt.s32 @!p2 s19, $0x136D0  }
0x1ce: {  	s2 =	sshra.s32 @!p2 s19, $0x1F;
	p3 =	por !p3, p2;
	s0 =	sshrl.u32 @!p2 s0, $0x1  }
0x1cf: {  	s2 =	sand.u32 @!p2 s2, s19;
	s1 =	simm.s32 @p3 $0x136D0;
	s0 =	smul.u32 @!p2 $0x3, s0  }
0x1d0: {  	s1 =	ssub.s32 @!p2 s1, s2  }
0x1d1: {  	s23 =	sadd.s32 $0xFFFFFFFF, s20;
	s1 =	sadd.s32 @!p2 $0xFFFEC930, s1;
	s0 =	ssub.s32 @!p2 s20, s0  }
0x1d2: {  	s2 =	sshll.u32 @!p2 s1, $0x2;
	p3 =	sgt.s32 @!p2 s1, $0x1AF;
	s0 =	smul.u32 @!p2 $0x6C0, s0  }
0x1d3: {  	s5 =	sand.u32 @!p2 $0x7, s19;
	s1 =	ssub.s32 @!p2 $0x6C0, s2;
	p3 =	por !p3, p2  }
0x1d4: {  	s2 =	sshrl.u32 @!p2 s19, $0x3;
	s1 =	sshrl.u32 @!p2 s1, $0x2;
	s0 =	sshrl.u32 @!p2 s0, $0x2  }
0x1d5: {  	s2 =	sadd.s32 @!p2 s2, s14;
	s1 =	simm.s32 @!p3 $0x0;
	s0 =	sadd.s32 @!p2 $0x3888, s0  }
0x1d6: {  	[tilespmem:s0], [sflag:$0xA] =	stream.linear.gather @!p2 [hbm4b:s2+s5], s1, $0x38;
	[tilespmem:$0x1F0F8] =	vst v63  }
0x1d7: {  	p2 =	sge.u32 s23, s12  }
0x1d8: {  	p3 =	sgt.s32 @!p2 s18, $0x136D0  }
0x1d9: {  	s0 =	smov.u32 s18;
	s1 =	sshra.s32 @!p2 s18, $0x1F;
	p3 =	por !p3, p2  }
0x1da: {  	s1 =	sand.u32 @!p2 s1, s18;
	s0 =	simm.s32 @p3 $0x136D0  }
0x1db: {  	s0 =	ssub.s32 @!p2 s0, s1  }
0x1dc: {  	s0 =	sadd.s32 @!p2 $0xFFFEC930, s0  }
0x1dd: {  	s1 =	sshll.u32 @!p2 s0, $0x2  }
0x1de: {  	p3 =	sgt.s32 @!p2 s0, $0x1AF;
	s0 =	ssub.s32 @!p2 $0x6C0, s1  }
0x1df: {  	s22 =	ssub.s32 @!p2 $0x13880, s18;
	p3 =	por !p3, p2;
	s0 =	sshrl.u32 @!p2 s0, $0x2  }
0x1e0: {  	s1 =	sand.u32 @!p2 $0x1, s23;
	s0 =	simm.s32 @!p3 $0x0;
	p3 =	slt.s32 @!p2 s22, $0x1  }
0x1e1: {  	s2 =	simm.s32 @!p2 $0xA;
	s1 =	smul.u32 @!p2 $0x6C0, s1;
	p3 =	por p2, p3  }
.Ltmp2:
0x1e2: {  	_ =	swait.ge @!p2 [sflag:s2], s0;
	(pc) =	sbr.rel @p3 .LBB2_7-.Ltmp2, $4  }
0x1e3: {  	s5 =	ssub.s32 @!p2 $0x0, s0;
	[sflag:s2] =	ssyncset.done @!p2 $0x0  }
0x1e4: {  	s1 =	sshrl.u32 @!p2 s1, $0x2;
	[sflag:s2] =	ssyncadd.s32 @!p2 s5;
	s2 =	sshrl.u32 @!p2 s18, $0x3  }
0x1e5: {  	s1 =	sadd.s32 @!p2 $0x3D98, s1;
	s5 =	sand.u32 @!p2 $0x7, s18;
	s2 =	sadd.s32 @!p2 s2, s15  }
0x1e6: {  	[tilespmem:s1], [sflag:$0xB] =	stream.linear.gather @!p2 [hbm4b:s2+s5], s0, $0x38;
	[tilespmem:$0x1F0F8] =	vst v63  }
0x1e7: {  	s0 =	smulhi.u32 $0xAAAAAAAB, s23;
	_ =	sdelay $0x1  }
0x1e8: {  	s0 =	sshrl.u32 s0, $0x1  }
0x1e9: {  	s0 =	smul.u32 $0x3, s0;
	_ =	sdelay $0x1  }
0x1ea: {  	s0 =	ssub.s32 s23, s0  }
0x1eb: {  	s1 =	simm.s32 $0x1;
	s0 =	smul.u32 $0x6C0, s0  }
.Ltmp3:
0x1ec: {  	s1 =	simm.s32 @!p0 $0x0;
	(pc) =	sbr.rel .LBB2_4-.Ltmp3, $4  }
0x1ed: {  	s1 =	smul.u32 $0x36000, s1  }
0x1ee: {  	p3 =	slt.s32 @!p2 s22, $0x1B0;
	s0 =	sshrl.u32 s0, $0x2  }
0x1ef: {  	p2 =	por !p3, p2;
	s1 =	sshrl.u32 s1, $0x2;
	s0 =	sadd.s32 $0x3888, s0  }
0x1f0: {  	s24 =	simm.s32 $0x0;
	s22 =	simm.s32 @p2 $0x1B0;
	s23 =	sadd.s32 $0x40F8, s1;
	v1 =	vmov s0  }
.LBB2_3:
0x1f1: {  	p2 =	sge.s32 s24, s22  }
.Ltmp4:
0x1f2: {  	_ = 	snop;
	(pc) =	sbr.rel @p2 .LBB2_7-.Ltmp4, $2  }
0x1f3: {  	_ =	sdelay $0x2  }
0x1f4: {  	s23 =	sadd.s32 $0x800, s23  }
.LBB2_4:
0x1f5: {  	p2 =	sle.s32 s22, s24  }
.Ltmp5:
0x1f6: {  	_ = 	snop;
	(pc) =	sbr.rel @p2 .LBB2_3-.Ltmp5, $2  }
0x1f7: {  	_ =	sdelay $0x2  }
0x1f8: {  	s0 =	smov.u32 s24;
	s24 =	sadd.s32 $0x10, s24  }
0x1f9: {  	s1 =	ssub.s32 s22, s0  }
0x1fa: {  	p2 =	slt.s32 s1, $0x10  }
0x1fb: {  	s1 =	simm.s32 @!p2 $0x10  }
0x1fc: {  	v2 =	vmov s1  }
0x1fd: {  	vm0 =	vgt.s32 v2, v0;
	_ =	sdelay $0x5  }
0x1fe: {  	v2 =	vld.idx.msk [tilespmem:v1+s0+$0x0 ss:$0x1], vm0;
	_ =	sdelay $0x2  }
0x1ff: {  	p2 =	slt.s32 s24, s22;
	s1 =	smov.u32 s22  }
0x200: {  	s2 =	smov.u32 s23;
	s25 =	simm.s32 $0x0;
	s1 =	smov.u32 @p2 s24  }
.LBB2_6:
0x201: {  	(v2sf) =	vpush v2, s25;
	_ =	sdelay $0xc  }
0x202: {  	s25 =	sadd.s32 $0x1, s25  }
0x203: {  	s31 =	sadd.s32 s25, s0  }
0x204: {  	p2 =	slt.s32 s31, s1;
	s5 =	spop (v2sf)  }
.Ltmp6:
0x205: {  	s5 =	sshll.u32 s5, $0x4;
	(pc) =	sbr.rel @p2 .LBB2_6-.Ltmp6, $4  }
0x206: {  	s5 =	sand.u32 $0x1FFFFFF0, s5  }
0x207: {  	s5 =	sadd.s32 s11, s5  }
0x208: {  	[tilespmem:s2], [sflag:$0x9] =	stream.linear.gather [hbm4b:s5+s16], $0x4, $0x38;
	[tilespmem:$0x1F0F8] =	vst v63  }
0x209: {  	s2 =	sadd.s32 $0x80, s2  }
.Ltmp7:
0x20a: {  	_ = 	snop;
	(pc) =	sbr.rel .LBB2_3-.Ltmp7, $1  }
0x20b: {  	_ =	sdelay $0x3  }
.LBB2_7:
0x20c: {  	p2 =	slt.u32 s20, $0x2  }
.Ltmp8:
0x20d: {  	_ = 	snop;
	(pc) =	sbr.rel @p2 .LBB2_20-.Ltmp8, $1  }
0x20e: {  	_ =	sdelay $0x3  }
0x20f: {  	p2 =	sgt.s32 s21, $0x136D0  }
0x210: {  	s0 =	smov.u32 s21;
	s1 =	sshra.s32 s21, $0x1F;
	s2 =	ssub.s32 $0x13880, s21  }
0x211: {  	s0 =	simm.s32 @!p2 $0x136D0;
	s1 =	sand.u32 s1, s21;
	p2 =	slt.s32 s2, $0x1B0  }
0x212: {  	s0 =	ssub.s32 s0, s1;
	s2 =	simm.s32 @!p2 $0x1B0  }
0x213: {  	s0 =	sadd.s32 $0xFFFEC930, s0;
	s24 =	sshll.u32 s2, $0x2  }
0x214: {  	s28 =	simm.s32 $0x9;
	s25 =	sshll.u32 s0, $0x2;
	s1 =	sand.u32 $0x3FFFFFFC, s24  }
0x215: {  	p2 =	sgt.s32 s0, $0x1AF;
	s26 =	ssub.s32 $0x6C0, s25;
	_ =	swait.ge [sflag:s28], s1  }
0x216: {  	s1 =	ssub.s32 $0x0, s1;
	[sflag:s28] =	ssyncset.done $0x0;
	s0 =	sshrl.u32 s26, $0x2  }
0x217: {  	s30 =	simm.s32 $0xB;
	[sflag:s28] =	ssyncadd.s32 s1;
	s0 =	simm.s32 @p2 $0x0  }
0x218: {  	_ =	swait.ge [sflag:s30], s0  }
0x219: {  	s0 =	ssub.s32 $0x0, s0;
	[sflag:s30] =	ssyncset.done $0x0  }
0x21a: {  	[sflag:s30] =	ssyncadd.s32 s0  }
0x21b: {  	v1 =	vld [tilespmem:$0x3648];
	_ =	sdelay $0x4  }
0x21c: {  	(v2sf) =	vpush v1, $0x0  }
0x21d: {  	(v2sf) =	vpush v1, $0x1  }
0x21e: {  	(v2sf) =	vpush v1, $0x2;
	_ =	sdelay $0x3  }
0x21f: {  	s0 =	sadd.s32 $0x1B0, s21  }
0x220: {  	s1 =	ssub.s32 $0x27100, s21;
	p2 =	slt.s32 s7, s0  }
0x221: {  	s0 =	smov.u32 @p2 s7;
	p2 =	sgt.s32 s1, $0x0  }
0x222: {  	s25 =	ssub.s32 s0, s21;
	s1 =	simm.s32 @!p2 $0x0  }
0x223: {  	p2 =	slt.s32 s1, s25  }
0x224: {  	s25 =	smov.u32 @p2 s1  }
0x225: {  	s24 =	simm.s32 $0x1;
	p2 =	slt.s32 s25, $0x1  }
.Ltmp9:
0x226: {  	s24 =	simm.s32 @!p4 $0x0;
	(pc) =	sbr.rel @p2 .LBB2_12-.Ltmp9, $4  }
0x227: {  	s31 =	smul.u32 $0x6C0, s24  }
0x228: {  	s26 =	spop (v2sf)  }
0x229: {  	s0 =	sshrl.u32 s31, $0x2;
	s29 =	spop (v2sf)  }
0x22a: {  	s22 =	sadd.s32 $0x3D98, s0;
	s21 =	spop (v2sf)  }
0x22b: {  	s0 =	smin.u32 s25, $0x10  }
0x22c: {  	v1 =	vmov s0  }
0x22d: {  	p3 =	sgt.s32 s25, $0x10;
	vm1 =	vgt.u32 v1, v0  }
.Ltmp10:
0x22e: {  	_ = 	snop;
	(pc) =	sbr.rel @!p3 .LBB2_11-.Ltmp10, $2  }
0x22f: {  	_ =	sdelay $0x2  }
0x230: {  	s23 =	simm.s32 $0x10;
	s28 =	sadd.s32 $0xFFFFFFF0, s25;
	s0 =	smov.u32 s22;
	vm0 =	vmmov vm1  }
.LBB2_10:
0x231: {  	s1 =	smin.u32 s28, $0x10;
	s23 =	sadd.s32 $0x10, s23;
	v1 =	vld.msk [tilespmem:s0+$0x0 ss:$0x1], vm1  }
0x232: {  	v2 =	vmov s1;
	p3 =	slt.s32 s23, s25  }
0x233: {  	vm1 =	vgt.u32 v2, v0  }
.Ltmp11:
0x234: {  	(pc) =	sbr.rel @p3 .LBB2_10-.Ltmp11, $3  }
0x235: {  	_ =	sdelay $0x1  }
0x236: {  	v1 =	vshll.u32 v1, $0x4  }
0x237: {  	s28 =	sadd.s32 $0xFFFFFFF0, s28;
	[tilespmem:s0+$0x0] =	vst.msk vm0, v1;
	s0 =	sadd.s32 $0x10, s0;
	vm0 =	vmmov vm1  }
.LBB2_11:
0x238: {  	_ =	sdelay $0x4  }
0x239: {  	v1 =	vld.msk [tilespmem:s0+$0x0 ss:$0x1], vm1;
	_ =	sdelay $0x4  }
0x23a: {  	v1 =	vshll.u32 v1, $0x4  }
0x23b: {  	[tilespmem:s0+$0x0] =	vst.msk vm0, v1  }
.LBB2_12:
0x23c: {  	s0 =	sand.u32 $0x1, s20  }
0x23d: {  	s0 =	smul.u32 $0x1B0, s0  }
0x23e: {  	p3 =	sne.s32 s29, $0xFFFFFFFF  }
0x23f: {  	v1 =	vld.msk @!p3 [tilespmem:s0+$0x3D98], $0x1;
	_ =	sdelay $0x4  }
0x240: {  	(v2sf) =	vpush @!p3 v1, $0x0;
	_ =	sdelay $0xc  }
.Ltmp12:
0x241: {  	_ = 	snop;
	(pc) =	sbr.rel @p2 .LBB2_18-.Ltmp12, $4  }
0x242: {  	_ = 	snop  }
0x243: {  	s28 =	spop @!p3 (v2sf)  }
0x244: {  	s21 =	simm.s32 @!p3 $0x0;
	s23 =	smov.u32 s28  }
0x245: {  	[sflag:s17] =	ssyncpa.u1 $0x0;
	s28 =	smov.u32 @p3 s26;
	s23 =	smov.u32 @p3 s29  }
0x246: {  	v1 =	vld.msk [tilespmem:s22+$0x0], $0x1;
	_ =	sdelay $0x4  }
0x247: {  	(v2sf) =	vpush v1, $0x0;
	_ =	sdelay $0xe  }
0x248: {  	s0 =	simm.s32 @!p4 $0x0;
	s26 =	smul.u32 $0x36000, s24;
	s31 =	spop (v2sf)  }
0x249: {  	s29 =	ssub.s32 $0x0, s25;
	s0 =	simm.s32 @p4 $0x1;
	p2 =	seq.s32 s28, s31  }
0x24a: {  	s1 =	smov.u32 s28;
	[smem:$0x7FD] =	sst s0;
	p3 =	sgt.s32 @!p2 s28, $0x0  }
0x24b: {  	s0 =	sshrl.u32 s26, $0x2;
	s26 =	sadd.s32 $0x1, s29;
	p3 =	por !p3, p2  }
0x24c: {  	s1 =	simm.s32 @p3 $0x0;
	p3 =	seq.s32 s26, $0x0  }
.Ltmp13:
0x24d: {  	_ = 	snop;
	(pc) =	sbr.rel @p3 .LBB2_15-.Ltmp13, $4  }
0x24e: {  	s6 =	smov.u32 s4;
	s25 =	simm.s32 $0x0  }
0x24f: {  	s24 =	sadd.s32 $0x40F8, s0;
	s0 =	simm.s32 @!p2 $0x1;
	s2 =	smin.u32 @!p2 s1, $0x752FF  }
0x250: {  	s30 =	sadd.s32 $0x1, s22;
	s0 =	smov.u32 @p2 s25;
	s5 =	sand.u32 @!p2 $0x7FFF8, s2  }
0x251: {  	s1 =	simm.s32 @!p2 $0x1B38;
	s2 =	sand.u32 @!p2 $0x7, s2;
	s5 =	sadd.s32 @!p2 s3, s5  }
.LBB2_14:
0x252: {  	s4 =	smov.u32 s0  }
0x253: {  	[tilespmem:s1], [sflag:$0x2] =	stream.linear.gather @!p2 [hbm4b:s5+s2], $0x4, $0x38;
	[tilespmem:$0x1F0F8] =	vst v63  }
0x254: {  	s26 =	sadd.s32 $0x1, s26;
	s2 =	smov.u32 s31;
	v1 =	vld.msk [tilespmem:s30+$0x0], $0x1  }
0x255: {  	p3 =	seq.s32 s26, $0x0;
	_ =	sdelay $0x3  }
0x256: {  	(v2sf) =	vpush v1, $0x0;
	_ =	sdelay $0xe  }
0x257: {  	s31 =	spop (v2sf)  }
0x258: {  	p2 =	seq.s32 s2, s31  }
0x259: {  	p4 =	sgt.s32 @!p2 s2, $0x0;
	s1 =	sshll.u32 @!p2 s0, $0x6;
	s0 =	sadd.s32 @!p2 $0x1, s0  }
.Ltmp14:
0x25a: {  	p4 =	por !p4, p2;
	s1 =	sshra.s32 @!p2 s1, $0x2;
	(pc) =	sbr.rel @!p3 .LBB2_14-.Ltmp14, $4  }
0x25b: {  	s0 =	smov.u32 @p2 s4;
	s2 =	simm.s32 @p4 $0x0;
	s1 =	sadd.s32 @!p2 $0x1B38, s1  }
0x25c: {  	s2 =	smin.u32 @!p2 s2, $0x752FF  }
0x25d: {  	s4 =	sand.u32 @!p2 $0x7FFF8, s2;
	s2 =	sand.u32 @!p2 $0x7, s2  }
0x25e: {  	s30 =	sadd.s32 $0x1, s30;
	s5 =	sadd.s32 @!p2 s3, s4  }
.LBB2_15:
0x25f: {  	[tilespmem:s1], [sflag:$0x2] =	stream.linear.gather @!p2 [hbm4b:s5+s2], $0x4, $0x38;
	[tilespmem:$0x1F0F8] =	vst v63  }
0x260: {  	s0 =	sshll.u32 s0, $0x2  }
0x261: {  	s31 =	simm.s32 $0x2;
	s0 =	sand.u32 $0x3FFFFFFC, s0  }
0x262: {  	_ =	swait.ge [sflag:s31], s0  }
0x263: {  	s0 =	ssub.s32 $0x0, s0;
	[sflag:s31] =	ssyncset.done $0x0  }
0x264: {  	[sflag:s31] =	ssyncadd.s32 s0  }
0x265: {  	v1 =	vld.msk [tilespmem:s22+$0x0], $0x1;
	_ =	sdelay $0x4  }
0x266: {  	(v2sf) =	vpush v1, $0x0;
	_ =	sdelay $0xe  }
0x267: {  	s26 =	spop (v2sf)  }
0x268: {  	p2 =	sne.s32 s28, s26  }
0x269: {  	p4 =	sne.s32 @p2 s28, s23  }
0x26a: {  	p3 =	por !p4, !p2  }
0x26b: {  	s0 =	simm.s32 @!p3 $0x0  }
0x26c: {  	v1 =	vld.msk @!p3 [tilespmem:s0+$0x1B38], $0xf  }
0x26d: {  	p5 =	sgt.u32 @!p3 s28, $0x752FF  }
0x26e: {  	s1 =	sshll.u32 @!p3 s21, $0x6;
	p6 =	por @p2 p5, !p4  }
0x26f: {  	s1 =	sshra.s32 @!p3 s1, $0x2;
	p1 =	por p6, !p2;
	p6 =	por p4, !p2  }
0x270: {  	s2 =	sadd.s32 @!p3 $0x28, s1;
	s4 =	sand.u32 @!p1 $0x7FFF8, s28;
	s5 =	sshll.u32 @!p6 s21, $0x6  }
0x271: {  	s28 =	sand.u32 @!p1 $0x7, s28;
	[tilespmem:s1+$0x28] =	vst.add.f32.msk @!p3 $0xf, v1;
	s1 =	sadd.s32 @!p1 s3, s4;
	s4 =	sshra.s32 @!p6 s5, $0x2  }
0x272: {  	[hbm4b:s1+s28] =	stream.linear.scatter @!p1 [tilespmem:s2], [sflag:$0xC], $0x4, $0x38;
	[tilespmem:$0x1F0F8] =	vst v63  }
0x273: {  	s0 =	rddreg [dreg:$0x4];
	s1 =	sadd.s32 @!p6 $0x28, s4;
	s2 =	simm.s32 @!p6 $0x1  }
0x274: {  	[spmem:s0] =	stream.linear.scatter @!p6 [tilespmem:s1], [sflag:$0x1], $0x4, $0x38;
	[tilespmem:$0x1F0F8] =	vst v63  }
0x275: {  	s0 =	sadd.s32 @p2 $0x1, s21;
	_ =	swait.ge @!p6 [sflag:s2], $0x4  }
0x276: {  	s1 =	sshrl.u32 @p2 s0, $0x4;
	[sflag:s2] =	ssyncset.done @!p6 $0x0  }
0x277: {  	s1 =	smulhi.u32 @p2 $0x97B425F, s1;
	[sflag:s2] =	ssyncadd.s32 @!p6 $0xFFFFFFFC  }
0x278: {  	s28 =	sadd.s32 $0x1, s29;
	v1 =	vld.msk @p2 [tilespmem:s24+$0x0], $0xf  }
0x279: {  	p1 =	por @p2 !p5, !p4;
	p4 =	seq.s32 s28, $0x0;
	s1 =	smul.u32 @p2 $0x1B0, s1  }
.Ltmp15:
0x27a: {  	p1 =	por !p1, !p2;
	s2 =	simm.s32 @!p3 $0x0;
	(pc) =	sbr.rel @p4 .LBB2_17-.Ltmp15, $4  }
0x27b: {  	s4 =	sshll.u32 @!p2 s21, $0x6;
	s2 =	simm.s32 @!p1 $0x10;
	s0 =	ssub.s32 @p2 s0, s1  }
0x27c: {  	s29 =	simm.s32 $0x0;
	s2 =	sadd.s32 @!p3 $0x0, s2;
	s5 =	sshll.u32 @p2 s0, $0x4  }
0x27d: {  	s30 =	sshra.s32 @!p2 s4, $0x2;
	s1 =	simm.s32 @p2 $0x1;
	s2 =	smov.u32 @p3 s25;
	[tilespmem:s5+$0x28] =	vst.msk @p2 $0xf, v1  }
0x27e: {  	s21 =	smov.u32 @p2 s0;
	s29 =	smov.u32 @p2 s2;
	s25 =	smov.u32 @p2 s1;
	v1 =	vld.msk @!p2 [tilespmem:s24+$0x0], $0xf  }
.LBB2_16:
0x27f: {  	_ =	sdelay $0x3  }
0x280: {  	s22 =	sadd.s32 $0x1, s22;
	[tilespmem:s30+$0x28] =	vst.add.f32.msk @!p2 $0xf, v1  }
0x281: {  	v1 =	vld.msk [tilespmem:s22+$0x0], $0x1;
	_ =	sdelay $0x4  }
0x282: {  	(v2sf) =	vpush v1, $0x0;
	_ =	sdelay $0xe  }
0x283: {  	s0 =	smov.u32 s26;
	s26 =	spop (v2sf)  }
0x284: {  	p2 =	sne.s32 s0, s26  }
0x285: {  	p5 =	sne.s32 @p2 s0, s23  }
0x286: {  	s4 =	sshll.u32 @!p2 s21, $0x6;
	p4 =	por !p5, !p2  }
0x287: {  	s30 =	sshra.s32 @!p2 s4, $0x2;
	s4 =	sshll.u32 @!p4 s25, $0x6  }
0x288: {  	s4 =	sshra.s32 @!p4 s4, $0x2  }
0x289: {  	p1 =	sgt.u32 @!p4 s0, $0x752FF;
	v1 =	vld.msk @!p4 [tilespmem:s4+$0x1B38], $0xf  }
0x28a: {  	s31 =	sshll.u32 @!p4 s21, $0x6;
	p6 =	por @p2 p1, !p5;
	p1 =	por @p2 !p1, !p5  }
0x28b: {  	s8 =	simm.s32 @!p4 $0x0;
	s31 =	sshra.s32 @!p4 s31, $0x2;
	p1 =	por !p1, !p2  }
0x28c: {  	p5 =	por p5, !p2;
	s8 =	simm.s32 @!p1 $0x10;
	p1 =	por p6, !p2  }
0x28d: {  	s4 =	sadd.s32 @!p4 $0x28, s31;
	s13 =	sshll.u32 @!p5 s21, $0x6;
	s10 =	sand.u32 @!p1 $0x7FFF8, s0  }
0x28e: {  	s13 =	sshra.s32 @!p5 s13, $0x2;
	s0 =	sand.u32 @!p1 $0x7, s0;
	s10 =	sadd.s32 @!p1 s3, s10;
	[tilespmem:s31+$0x28] =	vst.add.f32.msk @!p4 $0xf, v1  }
0x28f: {  	[hbm4b:s10+s0] =	stream.linear.scatter @!p1 [tilespmem:s4], [sflag:$0xC], $0x4, $0x38;
	[tilespmem:$0x1F0F8] =	vst v63  }
0x290: {  	s1 =	rddreg [dreg:$0x4];
	s0 =	sadd.s32 @!p5 $0x28, s13;
	s4 =	simm.s32 @!p5 $0x1  }
0x291: {  	[spmem:s1] =	stream.linear.scatter @!p5 [tilespmem:s0], [sflag:$0x1], $0x4, $0x38;
	[tilespmem:$0x1F0F8] =	vst v63  }
0x292: {  	s2 =	sadd.s32 @p2 $0x1, s21;
	_ =	swait.ge @!p5 [sflag:s4], $0x4  }
0x293: {  	s5 =	sshrl.u32 @p2 s2, $0x4;
	[sflag:s4] =	ssyncset.done @!p5 $0x0  }
0x294: {  	s24 =	sadd.s32 $0x80, s24;
	s5 =	smulhi.u32 @p2 $0x97B425F, s5;
	[sflag:s4] =	ssyncadd.s32 @!p5 $0xFFFFFFFC  }
0x295: {  	s28 =	sadd.s32 $0x1, s28;
	v1 =	vld.msk @p2 [tilespmem:s24+$0x0], $0xf  }
0x296: {  	p3 =	seq.s32 s28, $0x0;
	s5 =	smul.u32 @p2 $0x1B0, s5  }
.Ltmp16:
0x297: {  	_ = 	snop;
	(pc) =	sbr.rel @!p3 .LBB2_16-.Ltmp16, $4  }
0x298: {  	s2 =	ssub.s32 @p2 s2, s5  }
0x299: {  	s8 =	sadd.s32 @!p4 s8, s29;
	s5 =	sshll.u32 @p2 s2, $0x4  }
0x29a: {  	s9 =	sadd.s32 @p2 $0x1, s25;
	s8 =	smov.u32 @p4 s29;
	[tilespmem:s5+$0x28] =	vst.msk @p2 $0xf, v1  }
0x29b: {  	s25 =	smov.u32 @p2 s9;
	s21 =	smov.u32 @p2 s2;
	s29 =	smov.u32 @p2 s8;
	v1 =	vld.msk @!p2 [tilespmem:s24+$0x0], $0xf  }
.LBB2_17:
.Ltmp17:
0x29c: {  	_ = 	snop;
	(pc) =	sbr.rel .LBB2_19-.Ltmp17, $3  }
0x29d: {  	s1 =	sld [smem:$0x7FD];
	_ =	sdelay $0x1  }
0x29e: {  	s0 =	sshrl.u32 s29, $0x2;
	s28 =	smov.u32 s26  }
0x29f: {  	s4 =	smov.u32 s6;
	s6 =	rddreg [dreg:$0x6];
	p4 =	seq.s32 s1, $0x1;
	[tilespmem:s30+$0x28] =	vst.add.f32.msk @!p2 $0xf, v1  }
.LBB2_21:
0x2a0: {  	_ =	sfence.sel $0x180000  }
0x2a1: {  	s0 =	simm.s32 $0x9;
	[bflag:$0x0] =	sbarrier.arrive $0xFFFF  }
0x2a2: {  	s24 =	simm.s32 $0xA;
	[sflag:s0] =	ssyncpa.u1 $0x1  }
0x2a3: {  	s25 =	simm.s32 $0xB;
	[sflag:s24] =	ssyncpa.u1 $0x1  }
0x2a4: {  	s26 =	simm.s32 $0x2;
	[sflag:s25] =	ssyncpa.u1 $0x1  }
0x2a5: {  	[sflag:s26] =	ssyncpa.u1 $0x1  }
0x2a6: {  	v0 =	vld [tilespmem:$0x3648];
	_ =	sdelay $0x4  }
0x2a7: {  	(v2sf) =	vpush v0, $0x0  }
0x2a8: {  	(v2sf) =	vpush v0, $0x1;
	_ =	sdelay $0x1  }
0x2a9: {  	(v2sf) =	vpush v0, $0x2;
	_ =	sdelay $0xb  }
0x2aa: {  	s0 =	spop (v2sf)  }
0x2ab: {  	s1 =	spop (v2sf)  }
0x2ac: {  	s2 =	smov.u32 s0;
	p0 =	sne.s32 s0, s1  }
0x2ad: {  	s4 =	spop (v2sf);
	s2 =	simm.s32 @!p0 $0xFFFFFFFF  }
0x2ae: {  	v2 =	vimm.s32 $0x1;
	v3 =	vlaneseq.u32;
	p0 =	seq.s32 s4, $0xFFFFFFFF;
	v1 =	vmov s2  }
0x2af: {  	s16 =	stileid.u32;
	v0 =	vperm.xlane v0, v2;
	p1 =	sne.s32 @!p0 s0, s1;
	v1 =	vperm.xlane v1, v3  }
0x2b0: {  	vm0 =	vcmask $0x3F04;
	s6 =	simm.s32 $0x3648;
	s0 =	simm.s32 @!p0 $0x1;
	p1 =	por !p1, p0  }
0x2b1: {  	s2 =	sshll.u32 s16, $0x1;
	s1 =	sshll.u32 @!p0 s4, $0x6;
	s0 =	simm.s32 @p1 $0x0;
	v0 =	vsel vm0, v1, v0  }
0x2b2: {  	s5 =	sor.u32 $0x200, s2;
	s1 =	sshra.s32 @!p0 s1, $0x2;
	s0 =	sor.u32 @!p0 s0, s2;
	[tilespmem:$0x3648] =	vst v0  }
0x2b3: {  	[spmem:s5] =	stream.linear.scatter [tilespmem:s6], [sflag:$0x1], $0x2, $0x38;
	[tilespmem:$0x1F0F8] =	vst v63  }
0x2b4: {  	s1 =	sadd.s32 @!p0 $0x28, s1;
	s0 =	sshll.u32 @!p0 s0, $0x4  }
0x2b5: {  	[spmem:s0] =	stream.linear.scatter @!p0 [tilespmem:s1], [sflag:$0x1], $0x10, $0x38;
	[tilespmem:$0x1F0F8] =	vst v63  }
0x2b6: {  	s0 =	simm.s32 @!p0 $0x12  }
0x2b7: {  	s28 =	simm.s32 $0x1;
	s0 =	simm.s32 @p0 $0x2  }
0x2b8: {  	_ =	swait.ge [sflag:s28], s0  }
0x2b9: {  	s0 =	ssub.s32 $0x0, s0;
	[sflag:s28] =	ssyncset.done $0x0  }
0x2ba: {  	p0 =	sne.s32 s16, $0x0;
	[sflag:s28] =	ssyncadd.s32 s0  }
.Ltmp18:
0x2bb: {  	_ =	sfence.stream.spmem;
	(pc) =	sbr.rel @p0 .LBB2_38-.Ltmp18, $4  }
0x2bc: {  	s29 =	simm.s32 $0x3;
	[bflag:$0x0] =	sbarrier.arrive $0xFFFF  }
0x2bd: {  	s30 =	simm.s32 $0x4;
	[sflag:s29] =	ssyncpa.u1 $0x1  }
0x2be: {  	s31 =	simm.s32 $0x3C;
	[sflag:s30] =	ssyncpa.u1 $0x1  }
0x2bf: {  	s17 =	rddreg [dreg:$0x5];
	[sflag:s31] =	ssyncpa.u1 $0x1  }
0x2c0: {  	_ =	sfence.stream.spmem;
	s0 =	simm.s32 $0x5  }
0x2c1: {  	s1 =	simm.s32 $0x200;
	s2 =	simm.s32 $0x3658;
	[sflag:s0] =	ssyncpa.u1 $0x0  }
0x2c2: {  	[tilespmem:s2], [sflag:$0x5] =	stream.linear.gather [spmem:s1], $0x20, $0x38;
	[tilespmem:$0x1F0F8] =	vst v63  }
0x2c3: {  	s26 =	simm.s32 $0x0;
	s28 =	simm.s32 $0x3678  }
0x2c4: {  	[tilespmem:s28], [sflag:$0x5] =	stream.linear.gather [spmem:s26], $0x200, $0x38;
	[tilespmem:$0x1F0F8] =	vst v63  }
0x2c5: {  	_ =	swait.ge [sflag:s0], $0x220  }
0x2c6: {  	[sflag:s0] =	ssyncset.done $0x0  }
0x2c7: {  	s29 =	simm.s32 $0x0;
	[sflag:s0] =	ssyncadd.s32 $0xFFFFFDE0  }
0x2c8: {  	v0 =	vld.msk [tilespmem:s29+$0x3658], $0x1;
	_ =	sdelay $0x1  }
0x2c9: {  	s30 =	simm.s32 $0x1  }
0x2ca: {  	v1 =	vld.msk [tilespmem:s30+$0x3658], $0x1;
	_ =	sdelay $0x1  }
0x2cb: {  	(v2sf) =	vpush v0, $0x0;
	_ =	sdelay $0x2  }
0x2cc: {  	(v2sf) =	vpush v1, $0x0;
	_ =	sdelay $0x2  }
0x2cd: {  	s31 =	simm.s32 $0x2  }
0x2ce: {  	v0 =	vld.msk [tilespmem:s31+$0x3658], $0x1;
	_ =	sdelay $0x2  }
0x2cf: {  	s6 =	simm.s32 $0xFFFFFFFF;
	s1 =	simm.s32 $0xFFFFFFFF;
	s0 =	simm.s32 $0xC  }
.LBB2_23:
0x2d0: {  	s2 =	smov.u32 s6;
	s4 =	smov.u32 s1  }
0x2d1: {  	s1 =	sshra.s32 s0, $0x2;
	p1 =	sne.s32 s0, $0x7C;
	s0 =	sadd.s32 $0x4, s0;
	(v2sf) =	vpush v0, $0x0  }
0x2d2: {  	v0 =	vld.msk [tilespmem:s1+$0x3658], $0x1  }
.Ltmp19:
0x2d3: {  	(pc) =	sbr.rel @p1 .LBB2_23-.Ltmp19, $4  }
0x2d4: {  	s6 =	spop (v2sf)  }
0x2d5: {  	p2 =	sne.s32 s4, $0xFFFFFFFF;
	s1 =	smov.u32 s6  }
0x2d6: {  	p3 =	seq.s32 s6, $0xFFFFFFFF;
	s1 =	smov.u32 @p2 s4  }
0x2d7: {  	s6 =	smov.u32 @p3 s2;
	s1 =	smov.u32 @p3 s4  }
0x2d8: {  	(v2sf) =	vpush v0, $0x0;
	_ =	sdelay $0x8  }
0x2d9: {  	s0 =	spop (v2sf)  }
0x2da: {  	p1 =	sne.s32 s1, $0xFFFFFFFF;
	s2 =	smov.u32 s0  }
0x2db: {  	s9 =	simm.s32 $0x6;
	p2 =	seq.s32 s0, $0xFFFFFFFF;
	s2 =	smov.u32 @p1 s1  }
0x2dc: {  	s10 =	simm.s32 $0x3638;
	s2 =	smov.u32 @p2 s1;
	s1 =	spop (v2sf)  }
0x2dd: {  	s0 =	smov.u32 @p2 s6;
	p1 =	sne.s32 s2, $0xFFFFFFFF;
	s4 =	smov.u32 s1  }
.Ltmp20:
0x2de: {  	p2 =	seq.s32 s1, $0xFFFFFFFF;
	s4 =	smov.u32 @p1 s2;
	(pc) =	sbr.rel .LBB2_25-.Ltmp20, $4  }
0x2df: {  	s11 =	simm.s32 $0x0;
	s4 =	smov.u32 @p2 s2;
	s7 =	spop (v2sf)  }
0x2e0: {  	[sflag:s9] =	ssyncpa.u1 $0x0;
	p1 =	sne.s32 s4, $0xFFFFFFFF;
	s8 =	smov.u32 s7  }
0x2e1: {  	s1 =	smov.u32 @p2 s0;
	p2 =	seq.s32 s7, $0xFFFFFFFF;
	s8 =	smov.u32 @p1 s4  }
0x2e2: {  	s6 =	simm.s32 $0x0;
	s7 =	smov.u32 @p2 s1;
	s8 =	smov.u32 @p2 s4  }
.LBB2_30:
0x2e3: {  	p1 =	sgt.u32 s12, $0x752FF  }
0x2e4: {  	p2 =	seq.s32 @!p1 s12, s8  }
0x2e5: {  	p1 =	por p1, p2  }
0x2e6: {  	p2 =	sne.s32 @!p1 s12, s7  }
0x2e7: {  	p1 =	por p1, !p2  }
0x2e8: {  	s0 =	sshll.u32 @p1 s11, $0x6  }
0x2e9: {  	s0 =	sand.u32 @!p1 $0x7FFF8, s12  }
0x2ea: {  	s1 =	sand.u32 @!p1 $0x7, s12;
	s0 =	sadd.s32 @!p1 s3, s0  }
0x2eb: {  	[tilespmem:s10], [sflag:$0x6] =	stream.linear.gather @!p1 [hbm4b:s0+s1], $0x4, $0x38;
	[tilespmem:$0x1F0F8] =	vst v63  }
0x2ec: {  	_ =	swait.ge @!p1 [sflag:s9], $0x4  }
0x2ed: {  	[sflag:s9] =	ssyncset.done @!p1 $0x0  }
0x2ee: {  	[sflag:s9] =	ssyncadd.s32 @!p1 $0xFFFFFFFC  }
0x2ef: {  	v1 =	vld @!p1 [tilespmem:$0x3638];
	_ =	sdelay $0x2  }
0x2f0: {  	s0 =	sshll.u32 @!p1 s11, $0x6  }
0x2f1: {  	s1 =	sshrl.u32 @!p1 s0, $0x2  }
0x2f2: {  	[tilespmem:s1+$0x3678] =	vst.add.f32.msk @!p1 $0xffff, v1  }
0x2f3: {  	s0 =	sshrl.u32 s0, $0x2;
	[tilespmem:s6+$0x3658] =	vst.msk $0x1, v0  }
0x2f4: {  	v0 =	vld [tilespmem:s0+$0x3678];
	_ =	sdelay $0x2  }
0x2f5: {  	s31 =	sshll.u32 s6, $0x6  }
0x2f6: {  	s0 =	sshra.s32 s31, $0x2  }
0x2f7: {  	s6 =	sadd.s32 $0x1, s6;
	[tilespmem:s0+$0x3678] =	vst v0  }
.LBB2_32:
0x2f8: {  	s11 =	sadd.s32 $0x1, s11  }
0x2f9: {  	p1 =	sne.s32 s11, $0x20  }
.Ltmp21:
0x2fa: {  	_ = 	snop;
	(pc) =	sbr.rel @!p1 .LBB2_33-.Ltmp21, $1  }
0x2fb: {  	_ =	sdelay $0x3  }
.LBB2_25:
0x2fc: {  	v0 =	vld.msk [tilespmem:s11+$0x3658], $0x1;
	_ =	sdelay $0x4  }
0x2fd: {  	(v2sf) =	vpush v0, $0x0;
	_ =	sdelay $0xe  }
0x2fe: {  	s12 =	spop (v2sf)  }
0x2ff: {  	p1 =	seq.s32 s12, $0xFFFFFFFF  }
.Ltmp22:
0x300: {  	_ = 	snop;
	(pc) =	sbr.rel @p1 .LBB2_32-.Ltmp22, $1  }
0x301: {  	_ =	sdelay $0x3  }
0x302: {  	p1 =	slt.s32 s6, $0x1  }
.Ltmp23:
0x303: {  	_ = 	snop;
	(pc) =	sbr.rel @p1 .LBB2_30-.Ltmp23, $1  }
0x304: {  	_ =	sdelay $0x3  }
0x305: {  	s13 =	simm.s32 $0x3658;
	p1 =	por $0x0, $0x0  }
0x306: {  	v1 =	vld.msk @!p1 [tilespmem:s13+$0x0], $0x1;
	_ =	sdelay $0x4  }
0x307: {  	(v2sf) =	vpush @!p1 v1, $0x0;
	_ =	sdelay $0xd  }
0x308: {  	p3 =	sne.s32 s6, $0x1  }
.Ltmp24:
0x309: {  	s0 =	spop @!p1 (v2sf);
	(pc) =	sbr.rel @!p3 .LBB2_29-.Ltmp24, $4  }
0x30a: {  	p2 =	seq.s32 @!p1 s12, s0  }
0x30b: {  	s14 =	simm.s32 $0x0;
	p2 =	por !p2, p1  }
0x30c: {  	s0 =	simm.s32 $0xFFFFFFFF;
	s14 =	simm.s32 @p2 $0xFFFFFFFF  }
0x30d: {  	s15 =	simm.s32 $0x1;
	s14 =	smov.u32 @p1 s0  }
.LBB2_28:
0x30e: {  	s0 =	smov.u32 s14;
	p1 =	sne.s32 s14, $0xFFFFFFFF  }
0x30f: {  	s13 =	sadd.s32 $0x1, s13;
	s14 =	smov.u32 s15;
	s15 =	sadd.s32 $0x1, s15  }
0x310: {  	p2 =	sne.s32 s6, s15;
	v1 =	vld.msk @!p1 [tilespmem:s13+$0x0], $0x1;
	_ =	sdelay $0x4  }
0x311: {  	(v2sf) =	vpush @!p1 v1, $0x0;
	_ =	sdelay $0xe  }
.Ltmp25:
0x312: {  	s1 =	spop @!p1 (v2sf);
	(pc) =	sbr.rel @p2 .LBB2_28-.Ltmp25, $4  }
0x313: {  	p3 =	seq.s32 @!p1 s12, s1  }
0x314: {  	p3 =	por !p3, p1  }
0x315: {  	s14 =	simm.s32 @p3 $0xFFFFFFFF  }
0x316: {  	s14 =	smov.u32 @p1 s0  }
.LBB2_29:
0x317: {  	p1 =	sne.s32 s14, $0xFFFFFFFF  }
.Ltmp26:
0x318: {  	_ = 	snop;
	(pc) =	sbr.rel @!p1 .LBB2_30-.Ltmp26, $1  }
0x319: {  	_ =	sdelay $0x3  }
0x31a: {  	s0 =	sshll.u32 s11, $0x4  }
0x31b: {  	s0 =	sand.u32 $0x3FFFFFF0, s0  }
0x31c: {  	v0 =	vld [tilespmem:s0+$0x3678]  }
.Ltmp27:
0x31d: {  	_ = 	snop;
	(pc) =	sbr.rel .LBB2_32-.Ltmp27, $4  }
0x31e: {  	_ = 	snop  }
0x31f: {  	s31 =	sshll.u32 s14, $0x6  }
0x320: {  	s0 =	sshra.s32 s31, $0x2  }
0x321: {  	[tilespmem:s0+$0x3678] =	vst.add.f32.msk $0xffff, v0  }
.LBB2_33:
0x322: {  	s0 =	simm.s32 $0x6;
	p1 =	seq.s32 s6, $0x0  }
0x323: {  	[sflag:s0] =	ssyncpa.u1 $0x1;
	v0 =	vimm.s32 @p1 $0xFFFFFFFF  }
0x324: {  	s9 =	sadd.s32 $0xFFFFFFFF, s6;
	[tilespmem:$0x3878] =	vst @p1 v0  }
0x325: {  	v0 =	vld.msk @!p1 [tilespmem:s9+$0x3658], $0x1;
	_ =	sdelay $0x1  }
0x326: {  	v1 =	vld.msk @!p1 [tilespmem:$0x3658], $0x1;
	_ =	sdelay $0x2  }
0x327: {  	p2 =	seq.s32 @!p1 s9, $0x0;
	v0 =	vbroadcast @!p1 v0, $0x0  }
0x328: {  	vm0 =	vmmov @!p1 $0x1;
	p2 =	por !p2, p1  }
0x329: {  	v1 =	vnsel @!p1 vm0, $0xFFFFFFFF, v1;
	vm0 =	vcmask @!p1 $0x308;
	v0 =	vpsel !p2, $0xFFFFFFFF, v0  }
0x32a: {  	p2 =	sne.s32 @!p1 s8, s7;
	v0 =	vsel @!p1 vm0, v1, v0  }
0x32b: {  	s0 =	simm.s32 @!p1 $0x3678;
	s1 =	simm.s32 @!p1 $0x0;
	p3 =	por !p2, p1;
	[tilespmem:$0x3878] =	vst @!p1 v0  }
0x32c: {  	[spmem:s1] =	stream.linear.scatter @!p1 [tilespmem:s0], [sflag:$0x1], $0x10, $0x38;
	[tilespmem:$0x1F0F8] =	vst v63  }
0x32d: {  	s0 =	sshll.u32 @!p3 s9, $0x6  }
0x32e: {  	s0 =	sshra.s32 @!p3 s0, $0x2  }
0x32f: {  	s1 =	simm.s32 @!p3 $0x10;
	s0 =	sadd.s32 @!p3 $0x3678, s0  }
0x330: {  	[spmem:s1] =	stream.linear.scatter @!p3 [tilespmem:s0], [sflag:$0x1], $0x10, $0x38;
	[tilespmem:$0x1F0F8] =	vst v63  }
0x331: {  	s0 =	simm.s32 @!p3 $0x1  }
0x332: {  	_ =	swait.ge @!p3 [sflag:s0], $0x20  }
0x333: {  	p1 =	por p2, p1;
	[sflag:s0] =	ssyncset.done @!p3 $0x0  }
0x334: {  	[sflag:s0] =	ssyncadd.s32 @!p3 $0xFFFFFFE0;
	s0 =	simm.s32 @!p1 $0x1  }
0x335: {  	_ =	swait.ge @!p1 [sflag:s0], $0x10  }
0x336: {  	s29 =	simm.s32 $0x3878;
	[sflag:s0] =	ssyncset.done @!p1 $0x0  }
0x337: {  	s30 =	simm.s32 $0x200;
	s31 =	simm.s32 $0x1;
	[sflag:s0] =	ssyncadd.s32 @!p1 $0xFFFFFFF0  }
0x338: {  	[spmem:s30] =	stream.linear.scatter [tilespmem:s29], [sflag:$0x1], $0x10, $0x38;
	[tilespmem:$0x1F0F8] =	vst v63  }
0x339: {  	_ =	swait.ge [sflag:s31], $0x10  }
0x33a: {  	[sflag:s31] =	ssyncset.done $0x0  }
0x33b: {  	p1 =	seq.s32 s17, $0x0;
	s8 =	rddreg [dreg:$0x1];
	[sflag:s31] =	ssyncadd.s32 $0xFFFFFFF0  }
0x33c: {  	s1 =	sshll.u32 @p1 s8, $0xE;
	s7 =	rddreg [dreg:$0x2]  }
0x33d: {  	s0 =	sadd.s32 @p1 $0x15C3C, s1;
	s1 =	sshll.u32 @p1 s7, $0x11  }
0x33e: {  	_ =	sfence.stream.spmem;
	s0 =	sor.u32 @p1 s1, s0  }
0x33f: {  	[sflag:s0] =	ssyncadd.remote.s32 @p1 $0x1;
	s0 =	simm.s32 @p1 $0x4  }
0x340: {  	s2 =	simm.s32 @!p1 $0x3C;
	s1 =	sand.u32 $0xFFFFFFFE, s8;
	_ =	swait.ge @p1 [sflag:s0], $0x6  }
0x341: {  	s4 =	simm.s32 @!p1 $0x0;
	s1 =	sadd.s32 @!p1 $0x4, s1;
	[sflag:s0] =	ssyncset.done @p1 $0x0  }
0x342: {  	s5 =	simm.s32 @!p1 $0x20;
	[sflag:s0] =	ssyncadd.s32 @p1 $0xFFFFFFFA;
	s0 =	sshll.u32 @!p1 s1, $0x1A  }
0x343: {  	s1 =	sshll.u32 @!p1 s1, $0xD;
	s0 =	sor.u32 @!p1 s0, s7;
	_ =	swait.eq @!p1 [sflag:s2], $0x1  }
0x344: {  	s1 =	sor.u32 @!p1 $0x1C04, s1;
	s2 =	simm.s32 @!p1 $0x1C03;
	s0 =	sor.u32 @!p1 $0x80004000, s0  }
0x345: {  	[spmem:s5], [sflag:s1] =	dma.general @!p1 [spmem:s4], [sflag:s2], length:$0x4, [dreg:$0x0], stride_count:$0x0, ici_dest:s0, dma_misc:DstOpCode:WRITE  }
0x346: {  	p2 =	slt.s32 s9, $0x2;
	s4 =	simm.s32 @!p1 $0x40;
	s5 =	simm.s32 @!p1 $0x42  }
0x347: {  	[spmem:s5], [sflag:s1] =	dma.general @!p1 [spmem:s4], [sflag:s2], length:$0x2, [dreg:$0x0], stride_count:$0x0, ici_dest:s0, dma_misc:DstOpCode:WRITE  }
.Ltmp28:
0x348: {  	s0 =	simm.s32 @!p1 $0x3;
	(pc) =	sbr.rel @p2 .LBB2_37-.Ltmp28, $4  }
0x349: {  	s1 =	sshll.u32 @!p1 s8, $0xE;
	_ =	swait.ge @!p1 [sflag:s0], $0x6  }
0x34a: {  	s2 =	sshll.u32 @!p1 s7, $0x11;
	s1 =	sadd.s32 @!p1 $0x11C3C, s1;
	[sflag:s0] =	ssyncset.done @!p1 $0x0  }
0x34b: {  	[sflag:s0] =	ssyncadd.s32 @!p1 $0xFFFFFFFA;
	s0 =	sor.u32 @!p1 s2, s1  }
0x34c: {  	[sflag:s0] =	ssyncadd.remote.s32 @!p1 $0xFFFFFFFF;
	s0 =	simm.s32 $0x0  }
0x34d: {  	s0 =	simm.s32 $0x3659  }
0x34e: {  	v0 =	vld.msk [tilespmem:s0+$0x0], $0x1;
	_ =	sdelay $0x4  }
0x34f: {  	(v2sf) =	vpush v0, $0x0;
	_ =	sdelay $0xd  }
0x350: {  	s2 =	sadd.s32 $0xFFFFFFFE, s6  }
0x351: {  	s2 =	sadd.s32 $0xFFFFFFFF, s2;
	s0 =	spop (v2sf)  }
0x352: {  	p2 =	sne.s32 s2, $0x0;
	p1 =	sgt.u32 s0, $0x752FF  }
.Ltmp29:
0x353: {  	s4 =	sand.u32 @!p1 $0x7FFF8, s0;
	(pc) =	sbr.rel @!p2 .LBB2_36-.Ltmp29, $4  }
0x354: {  	s1 =	simm.s32 $0x3688;
	s0 =	sand.u32 @!p1 $0x7, s0;
	s4 =	sadd.s32 @!p1 s3, s4  }
0x355: {  	[hbm4b:s4+s0] =	stream.linear.scatter @!p1 [tilespmem:s1], [sflag:$0x5], $0x4, $0x38;
	[tilespmem:$0x1F0F8] =	vst v63  }
0x356: {  	s0 =	simm.s32 $0x0  }
0x357: {  	s6 =	simm.s32 $0x0;
	s7 =	simm.s32 $0x365A;
	s0 =	simm.s32 @!p1 $0x10  }
.LBB2_35:
0x358: {  	v0 =	vld.msk [tilespmem:s7+$0x0], $0x1;
	s2 =	sadd.s32 $0xFFFFFFFF, s2;
	s6 =	sadd.s32 s6, s0  }
0x359: {  	p1 =	sne.s32 s2, $0x0;
	_ =	sdelay $0x3  }
0x35a: {  	(v2sf) =	vpush v0, $0x0;
	_ =	sdelay $0xe  }
.Ltmp30:
0x35b: {  	s4 =	spop (v2sf);
	(pc) =	sbr.rel @p1 .LBB2_35-.Ltmp30, $4  }
0x35c: {  	s0 =	simm.s32 $0x0;
	p2 =	sgt.u32 s4, $0x752FF  }
0x35d: {  	s1 =	sadd.s32 $0x10, s1;
	s0 =	simm.s32 @!p2 $0x10;
	s5 =	sand.u32 @!p2 $0x7FFF8, s4  }
0x35e: {  	s7 =	sadd.s32 $0x1, s7;
	s4 =	sand.u32 @!p2 $0x7, s4;
	s5 =	sadd.s32 @!p2 s3, s5  }
0x35f: {  	[hbm4b:s5+s4] =	stream.linear.scatter @!p2 [tilespmem:s1], [sflag:$0x5], $0x4, $0x38;
	[tilespmem:$0x1F0F8] =	vst v63  }
.LBB2_36:
0x360: {  	s0 =	sadd.s32 s6, s0  }
0x361: {  	s0 =	sshrl.u32 s0, $0x2  }
.LBB2_37:
0x362: {  	s1 =	simm.s32 $0x5  }
0x363: {  	_ =	swait.ge [sflag:s1], s0  }
0x364: {  	s31 =	ssub.s32 $0x0, s0;
	[sflag:s1] =	ssyncset.done $0x0  }
0x365: {  	[sflag:s1] =	ssyncadd.s32 s31  }
0x366: {  	[sflag:s1] =	ssyncpa.u1 $0x1  }
.LBB2_38:
0x367: {  	s0 =	sor.u32 s17, s16  }
0x368: {  	p1 =	sne.s32 s0, $0x0  }
.Ltmp31:
0x369: {  	_ = 	snop;
	(pc) =	sbr.rel @p1 .LBB2_53-.Ltmp31, $3  }
0x36a: {  	_ =	sdelay $0x1  }
0x36b: {  	[bflag:$0x0] =	sbarrier.arrive $0xFFFF  }
0x36c: {  	_ =	sfence  }
0x36d: {  	s0 =	simm.s32 $0x7  }
0x36e: {  	s1 =	simm.s32 $0x200;
	s2 =	simm.s32 $0x3658;
	[sflag:s0] =	ssyncpa.u1 $0x0  }
0x36f: {  	[tilespmem:s2], [sflag:$0x7] =	stream.linear.gather [spmem:s1], $0x20, $0x38;
	[tilespmem:$0x1F0F8] =	vst v63  }
0x370: {  	s30 =	simm.s32 $0x3678;
	s1 =	simm.s32 $0x0  }
0x371: {  	[tilespmem:s30], [sflag:$0x7] =	stream.linear.gather [spmem:s1], $0x200, $0x38;
	[tilespmem:$0x1F0F8] =	vst v63  }
.Ltmp32:
0x372: {  	_ = 	snop;
	(pc) =	sbr.rel .LBB2_40-.Ltmp32, $4  }
0x373: {  	_ =	swait.ge [sflag:s0], $0x220  }
0x374: {  	[sflag:s0] =	ssyncset.done $0x0  }
0x375: {  	s31 =	simm.s32 $0x8;
	[sflag:s0] =	ssyncadd.s32 $0xFFFFFDE0  }
0x376: {  	s2 =	simm.s32 $0x0;
	[sflag:s31] =	ssyncpa.u1 $0x0  }
.LBB2_45:
0x377: {  	p1 =	slt.u32 s4, $0x75300  }
0x378: {  	s0 =	sand.u32 @p1 $0x7FFF8, s4  }
0x379: {  	s4 =	sand.u32 @p1 $0x7, s4;
	s5 =	simm.s32 @p1 $0x3638;
	s0 =	sadd.s32 @p1 s3, s0  }
0x37a: {  	[tilespmem:s5], [sflag:$0x8] =	stream.linear.gather @p1 [hbm4b:s0+s4], $0x4, $0x38;
	[tilespmem:$0x1F0F8] =	vst v63  }
0x37b: {  	s0 =	simm.s32 @p1 $0x8  }
0x37c: {  	_ =	swait.ge @p1 [sflag:s0], $0x4  }
0x37d: {  	[sflag:s0] =	ssyncset.done @p1 $0x0  }
0x37e: {  	[sflag:s0] =	ssyncadd.s32 @p1 $0xFFFFFFFC  }
0x37f: {  	v1 =	vld @p1 [tilespmem:$0x3638];
	_ =	sdelay $0x2  }
0x380: {  	s0 =	sshll.u32 @p1 s2, $0x6  }
0x381: {  	s5 =	sshll.u32 @!p1 s2, $0x6;
	s4 =	sshrl.u32 @p1 s0, $0x2  }
0x382: {  	s5 =	smov.u32 @p1 s0;
	[tilespmem:s4+$0x3678] =	vst.add.f32.msk @p1 $0xffff, v1  }
0x383: {  	s0 =	sshrl.u32 s5, $0x2;
	[tilespmem:s1+$0x3658] =	vst.msk $0x1, v0  }
0x384: {  	v0 =	vld [tilespmem:s0+$0x3678];
	_ =	sdelay $0x2  }
0x385: {  	s31 =	sshll.u32 s1, $0x6  }
0x386: {  	s0 =	sshra.s32 s31, $0x2  }
0x387: {  	s1 =	sadd.s32 $0x1, s1;
	[tilespmem:s0+$0x3678] =	vst v0  }
.LBB2_47:
0x388: {  	s2 =	sadd.s32 $0x1, s2  }
0x389: {  	p1 =	sne.s32 s2, $0x20  }
.Ltmp33:
0x38a: {  	_ = 	snop;
	(pc) =	sbr.rel @!p1 .LBB2_48-.Ltmp33, $1  }
0x38b: {  	_ =	sdelay $0x3  }
.LBB2_40:
0x38c: {  	v0 =	vld.msk [tilespmem:s2+$0x3658], $0x1;
	_ =	sdelay $0x4  }
0x38d: {  	(v2sf) =	vpush v0, $0x0;
	_ =	sdelay $0xe  }
0x38e: {  	s4 =	spop (v2sf)  }
0x38f: {  	p1 =	seq.s32 s4, $0xFFFFFFFF  }
.Ltmp34:
0x390: {  	_ = 	snop;
	(pc) =	sbr.rel @p1 .LBB2_47-.Ltmp34, $1  }
0x391: {  	_ =	sdelay $0x3  }
0x392: {  	p1 =	slt.s32 s1, $0x1  }
.Ltmp35:
0x393: {  	_ = 	snop;
	(pc) =	sbr.rel @p1 .LBB2_45-.Ltmp35, $1  }
0x394: {  	_ =	sdelay $0x3  }
0x395: {  	s5 =	simm.s32 $0x3658;
	p1 =	por $0x0, $0x0  }
0x396: {  	v1 =	vld.msk @!p1 [tilespmem:s5+$0x0], $0x1;
	_ =	sdelay $0x4  }
0x397: {  	(v2sf) =	vpush @!p1 v1, $0x0;
	_ =	sdelay $0xd  }
0x398: {  	p3 =	sne.s32 s1, $0x1  }
.Ltmp36:
0x399: {  	s0 =	spop @!p1 (v2sf);
	(pc) =	sbr.rel @!p3 .LBB2_44-.Ltmp36, $4  }
0x39a: {  	p2 =	seq.s32 @!p1 s4, s0  }
0x39b: {  	s6 =	simm.s32 $0x0;
	p2 =	por !p2, p1  }
0x39c: {  	s0 =	simm.s32 $0xFFFFFFFF;
	s6 =	simm.s32 @p2 $0xFFFFFFFF  }
0x39d: {  	s7 =	simm.s32 $0x1;
	s6 =	smov.u32 @p1 s0  }
.LBB2_43:
0x39e: {  	s0 =	smov.u32 s6;
	p1 =	sne.s32 s6, $0xFFFFFFFF  }
0x39f: {  	s5 =	sadd.s32 $0x1, s5;
	s6 =	smov.u32 s7;
	s7 =	sadd.s32 $0x1, s7  }
0x3a0: {  	p2 =	sne.s32 s1, s7;
	v1 =	vld.msk @!p1 [tilespmem:s5+$0x0], $0x1;
	_ =	sdelay $0x4  }
0x3a1: {  	(v2sf) =	vpush @!p1 v1, $0x0;
	_ =	sdelay $0xe  }
.Ltmp37:
0x3a2: {  	s8 =	spop @!p1 (v2sf);
	(pc) =	sbr.rel @p2 .LBB2_43-.Ltmp37, $4  }
0x3a3: {  	p3 =	seq.s32 @!p1 s4, s8  }
0x3a4: {  	p3 =	por !p3, p1  }
0x3a5: {  	s6 =	simm.s32 @p3 $0xFFFFFFFF  }
0x3a6: {  	s6 =	smov.u32 @p1 s0  }
.LBB2_44:
0x3a7: {  	p1 =	sne.s32 s6, $0xFFFFFFFF  }
.Ltmp38:
0x3a8: {  	_ = 	snop;
	(pc) =	sbr.rel @!p1 .LBB2_45-.Ltmp38, $1  }
0x3a9: {  	_ =	sdelay $0x3  }
0x3aa: {  	s0 =	sshll.u32 s2, $0x4  }
0x3ab: {  	s0 =	sand.u32 $0x3FFFFFF0, s0  }
0x3ac: {  	v0 =	vld [tilespmem:s0+$0x3678]  }
.Ltmp39:
0x3ad: {  	_ = 	snop;
	(pc) =	sbr.rel .LBB2_47-.Ltmp39, $4  }
0x3ae: {  	_ = 	snop  }
0x3af: {  	s31 =	sshll.u32 s6, $0x6  }
0x3b0: {  	s0 =	sshra.s32 s31, $0x2  }
0x3b1: {  	[tilespmem:s0+$0x3678] =	vst.add.f32.msk $0xffff, v0  }
.LBB2_48:
0x3b2: {  	p1 =	slt.s32 s1, $0x1  }
.Ltmp40:
0x3b3: {  	_ = 	snop;
	(pc) =	sbr.rel @p1 .LBB2_52-.Ltmp40, $3  }
0x3b4: {  	_ =	sdelay $0x1  }
0x3b5: {  	s0 =	simm.s32 $0x8  }
0x3b6: {  	s2 =	simm.s32 $0x0;
	[sflag:s0] =	ssyncpa.u1 $0x1  }
0x3b7: {  	s0 =	simm.s32 $0x3658  }
0x3b8: {  	v0 =	vld.msk [tilespmem:s0+$0x0], $0x1;
	_ =	sdelay $0x4  }
0x3b9: {  	(v2sf) =	vpush v0, $0x0;
	_ =	sdelay $0xe  }
0x3ba: {  	s1 =	sadd.s32 $0xFFFFFFFF, s1;
	s0 =	spop (v2sf)  }
0x3bb: {  	p2 =	sne.s32 s1, $0x0;
	p1 =	sgt.u32 s0, $0x752FF  }
.Ltmp41:
0x3bc: {  	s5 =	sand.u32 @!p1 $0x7FFF8, s0;
	(pc) =	sbr.rel @!p2 .LBB2_51-.Ltmp41, $4  }
0x3bd: {  	s4 =	simm.s32 $0x3678;
	s0 =	sand.u32 @!p1 $0x7, s0;
	s5 =	sadd.s32 @!p1 s3, s5  }
0x3be: {  	[hbm4b:s5+s0] =	stream.linear.scatter @!p1 [tilespmem:s4], [sflag:$0x7], $0x4, $0x38;
	[tilespmem:$0x1F0F8] =	vst v63  }
0x3bf: {  	s0 =	simm.s32 $0x0  }
0x3c0: {  	s5 =	simm.s32 $0x3659;
	s0 =	simm.s32 @!p1 $0x10  }
.LBB2_50:
0x3c1: {  	v0 =	vld.msk [tilespmem:s5+$0x0], $0x1;
	s1 =	sadd.s32 $0xFFFFFFFF, s1;
	s2 =	sadd.s32 s2, s0  }
0x3c2: {  	p1 =	sne.s32 s1, $0x0;
	_ =	sdelay $0x3  }
0x3c3: {  	(v2sf) =	vpush v0, $0x0;
	_ =	sdelay $0xe  }
.Ltmp42:
0x3c4: {  	s6 =	spop (v2sf);
	(pc) =	sbr.rel @p1 .LBB2_50-.Ltmp42, $4  }
0x3c5: {  	s0 =	simm.s32 $0x0;
	p2 =	sgt.u32 s6, $0x752FF  }
0x3c6: {  	s4 =	sadd.s32 $0x10, s4;
	s0 =	simm.s32 @!p2 $0x10;
	s7 =	sand.u32 @!p2 $0x7FFF8, s6  }
0x3c7: {  	s5 =	sadd.s32 $0x1, s5;
	s6 =	sand.u32 @!p2 $0x7, s6;
	s7 =	sadd.s32 @!p2 s3, s7  }
0x3c8: {  	[hbm4b:s7+s6] =	stream.linear.scatter @!p2 [tilespmem:s4], [sflag:$0x7], $0x4, $0x38;
	[tilespmem:$0x1F0F8] =	vst v63  }
.LBB2_51:
0x3c9: {  	s0 =	sadd.s32 s2, s0  }
0x3ca: {  	s2 =	sshrl.u32 s0, $0x2  }
.LBB2_52:
0x3cb: {  	s0 =	simm.s32 $0x7  }
0x3cc: {  	_ =	swait.ge [sflag:s0], s2  }
0x3cd: {  	s1 =	ssub.s32 $0x0, s2;
	[sflag:s0] =	ssyncset.done $0x0  }
0x3ce: {  	[sflag:s0] =	ssyncadd.s32 s1  }
0x3cf: {  	[sflag:s0] =	ssyncpa.u1 $0x1  }
.LBB2_53:
0x3d0: {  	_ =	sfence;
	s0 =	simm.s32 $0x1  }
0x3d1: {  	[sflag:s0] =	ssyncpa.u1 $0x1  }
0x3d2: {  	_ =	strace $0x90000053  }
0x3d3: {  	[bflag:$0x2] =	sbarrier.arrive $0xFFFF  }
0x3d4: {  	s0 =	rddreg [dreg:$0x3]  }
0x3d5: {  	s0 =	sadd.s32 @!p0 $0x100000, s0  }
0x3d6: {  	[sflag:s0] =	ssyncadd.tile.s32 @!p0 $0x1;
	_ =	shalt  }
.Lfunc_end2:
_tile_overlayer_lowered:
.L_overlay_start_2:
0x3d7: {  	(tag) =	ssettag $0x2  }
0x3d8: {  	s0 =	rddreg [dreg:$0x0];
	s2 =	stileid.u32  }
0x3d9: {  	s1 =	rddreg [dreg:$0x1];
	p0 =	sne.s32 s2, $0x0  }
0x3da: {  	s3 =	rddreg [dreg:$0x2];
	[bflag:$0x3] =	sbarrier.arrive $0xFFFF;
	s2 =	simm.s32 @!p0 $0x1C01  }
0x3db: {  	[timem:s3], [sflag:s2] =	dma.local @!p0 [hbm:s0], s1  }
0x3dc: {  	s0 =	simm.s32 @!p0 $0x1  }
0x3dd: {  	_ =	swait.ge @!p0 [sflag:s0], s1  }
0x3de: {  	s1 =	ssub.s32 @!p0 $0x0, s1;
	[sflag:s0] =	ssyncset.done @!p0 $0x0  }
0x3df: {  	[sflag:s0] =	ssyncadd.s32 @!p0 s1  }
0x3e0: {  	[bflag:$0x3] =	sbarrier.arrive $0xFFFF  }
0x3e1: {  	_ =	shalt  }

// kernel: scatter_offload_async_start
scs
__scs_entry_jumppad:
0x0: {  	(pc) =	sbr.rel $0x88, $3  }
0x1: {  	(tag) =	ssettag $0x0;
	lr =	simm.s32 $0x1  }
0x2: {  	[smem:$0x3F91] =	sst lr;
	_ =	strace $0xD0000000  }
0x3: {  	_ = 	snop  }
0x4: {  	_ = 	snop  }
0x5: {  	_ = 	snop  }
0x6: {  	_ = 	snop  }
0x7: {  	_ = 	snop  }
__scs_overlays_trampoline_lowered:
0x8: {  	[smem:$0x3FA0] =	sst s0  }
0x9: {  	[smem:$0x3FA1] =	sst s1  }
0xa: {  	[smem:$0x3FA2] =	sst s2  }
0xb: {  	[smem:$0x3FA3] =	sst s3  }
0xc: {  	[smem:$0x3FA4] =	sst s4  }
0xd: {  	[smem:$0x3FA5] =	sst s5  }
0xe: {  	[smem:$0x3FA6] =	sst s6  }
0xf: {  	[smem:$0x3FA7] =	sst s7  }
0x10: {  	[smem:$0x3FA8] =	sst s8  }
0x11: {  	[smem:$0x3FA9] =	sst s9;
	s0 =	simm.s32 @!p0 $0x0  }
0x12: {  	s1 =	sld [smem:$0x3F8F];
	s0 =	simm.s32 @p0 $0x1  }
0x13: {  	[smem:$0x3FAA] =	sst s0;
	s0 =	simm.s32 @!p1 $0x0  }
0x14: {  	s2 =	sld [smem:$0x3F8E];
	s0 =	simm.s32 @p1 $0x1  }
0x15: {  	[smem:$0x3FAB] =	sst s0;
	s0 =	simm.s32 @!p2 $0x0  }
0x16: {  	s3 =	sld [smem:$0x3FDB];
	s0 =	simm.s32 @p2 $0x1  }
0x17: {  	s4 =	simm.s32 $0x1BF5;
	[smem:$0x3FAD] =	sst s0  }
0x18: {  	s0 =	sld [smem:$0x3F90];
	_ =	swait.ge [sflag:s4], $0x0  }
0x19: {  	s7 =	sld [smem:$0x3F91]  }
0x1a: {  	s8 =	sadd.s32 $0xFFFFE003, lr  }
0x1b: {  	s9 =	sadd.s32 $0xFFFFFEF7, lr;
	s5 =	simm.s32 $0xFFFFFFFF;
	p2 =	slt.u32 s8, $0xFFFFF086  }
0x1c: {  	p1 =	slt.u32 s9, $0xF7A;
	s5 =	simm.s32 @!p2 $0x0  }
0x1d: {  	s5 =	simm.s32 @p1 $0x1;
	p0 =	seq.s32 s7, s2  }
0x1e: {  	s7 =	smul.u32 @!p0 $0xF7A, s2;
	p2 =	seq.s32 @!p0 s5, $0x0  }
0x1f: {  	s9 =	smul.u32 $0xF7A, s1;
	s8 =	simm.s32 @!p0 $0x1BF5;
	p2 =	por !p2, p0  }
0x20: {  	[sflag:s8] =	ssyncset.s32 @!p0 $0xFFFFF086;
	s6 =	sadd.s32 @!p0 s3, s7;
	s7 =	simm.s32 @!p0 $0x108  }
0x21: {  	s3 =	sadd.s32 s3, s9;
	s6 =	sadd.s32 @!p0 $0x88, s6;
	s7 =	simm.s32 @p2 $0x1082  }
0x22: {  	[simem:s7], [sflag:s8] =	dma.local @!p0 [hbm:s6], $0xF7A  }
0x23: {  	s9 =	sor.u32 $0xD0000000, s2;
	s6 =	simm.s32 $0x108;
	_ =	swait.ge @!p0 [sflag:s8], $0x0  }
0x24: {  	s3 =	sadd.s32 $0x88, s3;
	s6 =	simm.s32 @!p1 $0x1082;
	[sflag:s4] =	ssyncset.s32 $0xFFFFF086  }
0x25: {  	[simem:s6], [sflag:s4] =	dma.local [hbm:s3], $0xF7A  }
0x26: {  	[smem:$0x3F91] =	sst s1;
	(tag) =	ssettag s2;
	_ =	strace s9  }
0x27: {  	s1 =	sld [smem:$0x3FA1]  }
0x28: {  	s2 =	sld [smem:$0x3FA2]  }
0x29: {  	s4 =	sld [smem:$0x3FA4]  }
0x2a: {  	p0 =	seq.s32 s5, $0x0;
	s5 =	sld [smem:$0x3FA5]  }
0x2b: {  	s6 =	sld [smem:$0x3FA6]  }
0x2c: {  	s7 =	sld [smem:$0x3FA7]  }
0x2d: {  	s3 =	simm.s32 $0x108;
	s8 =	sld [smem:$0x3FA8]  }
0x2e: {  	s3 =	simm.s32 @!p0 $0x1082;
	s9 =	sld [smem:$0x3FA9]  }
0x2f: {  	lr =	sadd.s32 s0, s3;
	s0 =	sld [smem:$0x3FA0]  }
0x30: {  	s3 =	sld [smem:$0x3FA3]  }
0x31: {  	[smem:$0x3FAC] =	sst s10  }
0x32: {  	s10 =	sld [smem:$0x3FAA];
	_ =	sdelay $0x3  }
0x33: {  	p0 =	seq.s32 s10, $0x1;
	s10 =	sld [smem:$0x3FAC];
	_ =	sdelay $0x3  }
0x34: {  	[smem:$0x3FAC] =	sst s10  }
0x35: {  	s10 =	sld [smem:$0x3FAB];
	_ =	sdelay $0x3  }
0x36: {  	p1 =	seq.s32 s10, $0x1;
	s10 =	sld [smem:$0x3FAC];
	_ =	sdelay $0x3  }
0x37: {  	[smem:$0x3FAC] =	sst s10  }
0x38: {  	s10 =	sld [smem:$0x3FAD]  }
0x39: {  	_ = 	snop;
	(pc) =	sbr.ind lr, $3  }
0x3a: {  	_ = 	snop  }
0x3b: {  	_ = 	snop  }
0x3c: {  	p2 =	seq.s32 s10, $0x1;
	s10 =	sld [smem:$0x3FAC]  }
0x3d: {  	_ =	shalt  }
0x3e: {  	_ =	shalt  }
0x3f: {  	_ =	shalt  }
0x40: {  	_ =	shalt  }
0x41: {  	_ =	shalt  }
0x42: {  	_ =	shalt  }
0x43: {  	_ =	shalt  }
0x44: {  	_ =	shalt  }
0x45: {  	_ =	shalt  }
0x46: {  	_ =	shalt  }
0x47: {  	_ =	shalt  }
0x48: {  	_ =	shalt  }
0x49: {  	_ =	shalt  }
0x4a: {  	_ =	shalt  }
0x4b: {  	_ =	shalt  }
0x4c: {  	_ =	shalt  }
0x4d: {  	_ =	shalt  }
0x4e: {  	_ =	shalt  }
0x4f: {  	_ =	shalt  }
0x50: {  	_ =	shalt  }
0x51: {  	_ =	shalt  }
0x52: {  	_ =	shalt  }
0x53: {  	_ =	shalt  }
0x54: {  	_ =	shalt  }
0x55: {  	_ =	shalt  }
0x56: {  	_ =	shalt  }
0x57: {  	_ =	shalt  }
0x58: {  	_ =	shalt  }
0x59: {  	_ =	shalt  }
0x5a: {  	_ =	shalt  }
0x5b: {  	_ =	shalt  }
0x5c: {  	_ =	shalt  }
0x5d: {  	_ =	shalt  }
0x5e: {  	_ =	shalt  }
0x5f: {  	_ =	shalt  }
0x60: {  	_ =	shalt  }
0x61: {  	_ =	shalt  }
0x62: {  	_ =	shalt  }
0x63: {  	_ =	shalt  }
0x64: {  	_ =	shalt  }
0x65: {  	_ =	shalt  }
0x66: {  	_ =	shalt  }
0x67: {  	_ =	shalt  }
0x68: {  	_ =	shalt  }
0x69: {  	_ =	shalt  }
0x6a: {  	_ =	shalt  }
0x6b: {  	_ =	shalt  }
0x6c: {  	_ =	shalt  }
0x6d: {  	_ =	shalt  }
0x6e: {  	_ =	shalt  }
0x6f: {  	_ =	shalt  }
0x70: {  	_ =	shalt  }
0x71: {  	_ =	shalt  }
0x72: {  	_ =	shalt  }
0x73: {  	_ =	shalt  }
0x74: {  	_ =	shalt  }
0x75: {  	_ =	shalt  }
0x76: {  	_ =	shalt  }
0x77: {  	_ =	shalt  }
0x78: {  	_ =	shalt  }
0x79: {  	_ =	shalt  }
0x7a: {  	_ =	shalt  }
0x7b: {  	_ =	shalt  }
0x7c: {  	_ =	shalt  }
0x7d: {  	_ =	shalt  }
0x7e: {  	_ =	shalt  }
0x7f: {  	_ =	shalt  }
0x80: {  	_ =	shalt  }
0x81: {  	_ =	shalt  }
0x82: {  	_ =	shalt  }
0x83: {  	_ =	shalt  }
0x84: {  	_ =	shalt  }
0x85: {  	_ =	shalt  }
0x86: {  	_ =	shalt  }
0x87: {  	_ =	shalt  }
.Lfunc_end0:
.L_simem_size_0:
called_computation_lowered:
.L_overlay_start_0:
0x88: {  	s2 =	sld [smem:$0x3FD9]  }
0x89: {  	s3 =	sld [smem:$0x3FFE];
	_ =	sdelay $0x1  }
0x8a: {  	s1 =	srdreg.scid  }
0x8b: {  	s0 =	sand.u32 $0x1, s1  }
0x8c: {  	s15 =	sshll.u32 s0, $0xA;
	s2 =	sadd.s32 s3, s2  }
0x8d: {  	s2 =	sadd.s32 s2, s15  }
0x8e: {  	[smem:$0x3FB8] =	sst s2  }
0x8f: {  	_ = 	snop  }
0x90: {  	(tm) =	ssettm $0x1  }
0x91: {  	s16 =	sld [smem:$0x3FFB];
	_ =	sdelay $0x3  }
0x92: {  	_ =	strace s16  }
0x93: {  	s2 =	sld [smem:$0x3FFC];
	_ =	sdelay $0x3  }
0x94: {  	_ =	strace s2  }
0x95: {  	s2 =	sld [smem:$0x3FFD];
	_ =	sdelay $0x3  }
0x96: {  	_ =	strace s2  }
0x97: {  	_ =	strace $0x8FFFFFFF  }
0x98: {  	s17 =	sld [smem:$0x3FDB];
	_ =	sdelay $0x1  }
0x99: {  	s18 =	simm.s32 $_scs_section_size  }
0x9a: {  	s4 =	simm.s32 $_size__tile_overlayer_lowered;
	s5 =	simm.s32 $_tile_overlayer_lowered  }
0x9b: {  	s21 =	simm.s32 $0x1BFF;
	s20 =	sshll.u32 s5, $0x1;
	s2 =	sadd.s32 s18, s17  }
0x9c: {  	s6 =	simm.s32 $0x0;
	s19 =	sshll.u32 s4, $0x1;
	s4 =	sadd.s32 s20, s2  }
0x9d: {  	[timem:s6], [sflag:s21] =	dma.local [hbm:s4], s19  }
0x9e: {  	_ =	swait.ge [sflag:s21], s19  }
0x9f: {  	s3 =	ssub.s32 $0x0, s19;
	[sflag:s21] =	ssyncset.done $0x0  }
0xa0: {  	[sflag:s21] =	ssyncadd.s32 s3;
	_ =	sdelay $0x1  }
0xa1: {  	s22 =	simm.s32 $0x1B8B  }
0xa2: {  	_ =	swait.ge [sflag:s22], $0x1  }
0xa3: {  	[sflag:s22] =	ssyncset.done $0x0  }
0xa4: {  	s23 =	sld [smem:$0x3FFE];
	[sflag:s22] =	ssyncadd.s32 $0xFFFFFFFF  }
0xa5: {  	s25 =	simm.s32 $0x1B8E;
	s24 =	sld [smem:$0x0]  }
0xa6: {  	s26 =	simm.s32 $execute0_lowered;
	[smem:$0x3FD2] =	sst s25  }
0xa7: {  	s5 =	sshll.u32 s26, $0x1;
	_ =	strace $0x8000004C;
	[dreg:$0x1] =	wrdreg $0xFFFFFFFF  }
0xa8: {  	s28 =	simm.s32 $_size_execute0_lowered;
	s2 =	sadd.s32 s2, s5;
	[dreg:$0x0] =	wrdreg $0x0  }
0xa9: {  	s5 =	sshll.u32 s28, $0x1;
	[dreg:$0x2] =	wrdreg s2  }
0xaa: {  	[dreg:$0x3] =	wrdreg s5  }
0xab: {  	[dreg:$0x4] =	wrdreg $0xC0  }
0xac: {  	_ =	task [dreg:s6], $0x5FFFF  }
0xad: {  	[dreg:$0x1] =	wrdreg $0xFFFFFFFF  }
0xae: {  	[dreg:$0x0] =	wrdreg $0x60  }
0xaf: {  	[dreg:$0x2] =	wrdreg s23  }
0xb0: {  	[dreg:$0x3] =	wrdreg s1  }
0xb1: {  	[dreg:$0x4] =	wrdreg s24  }
0xb2: {  	[dreg:$0x5] =	wrdreg $0xA  }
0xb3: {  	_ =	task.clear_ibuf [dreg:s6], $0x6FFFF;
	_ =	strace $0x9000004C  }
0xb4: {  	s29 =	simm.s32 $0xA;
	_ =	strace $0x8000004E  }
0xb5: {  	_ =	swait.ge [sflag:s29], $0x1  }
0xb6: {  	[sflag:s29] =	ssyncadd.s32 $0xFFFFFFFF  }
0xb7: {  	_ =	strace $0x9000004E  }
0xb8: {  	_ =	sfence  }
0xb9: {  	s30 =	sld [smem:$0x0];
	_ =	sdelay $0x2  }
0xba: {  	s31 =	sshll.u32 s1, $0xD;
	s1 =	sshrl.u32 s1, $0x2  }
0xbb: {  	s3 =	sand.u32 $0x4000, s31;
	s1 =	sadd.s32 s1, s30  }
0xbc: {  	s0 =	sor.u32 s3, s0;
	s1 =	sshll.u32 s1, $0x11  }
0xbd: {  	s0 =	sor.u32 s1, s0  }
0xbe: {  	s0 =	sadd.s32 $0x8F2B, s0  }
0xbf: {  	[sflag:s0] =	ssyncadd.remote.s32 $0x1  }
0xc0: {  	_ =	sfence.sel $0xFFFF  }
0xc1: {  	[dreg:$0x0] =	wrdreg $0xFFFFFFFF;
	(pc) =	sbr.abs _section_cstart, $3  }
0xc2: {  	[dreg:$0x1] =	wrdreg $0xFFFFFFFF  }
0xc3: {  	_ =	task.clear_ibuf [dreg:s6], $0x2FFFF;
	_ =	strace $0x9FFFFFFF  }
0xc4: {  	(tm) =	ssettm $0x7FFFFFFF  }
0xc5: {  	_ =	shalt  }
tec
execute0_lowered:
.L_overlay_start_1:
0x0: {  	(tag) =	ssettag $0x1  }
0x1: {  	s11 =	rddreg [dreg:$0x0]  }
0x2: {  	s2 =	rddreg [dreg:$0x1];
	_ =	strace $0x8000004D;
	s12 =	simm.s32 $0x1  }
0x3: {  	v0 =	vimm.s32 $0x0;
	[sflag:s12] =	ssyncpa.u1 $0x0  }
0x4: {  	[tilespmem:$0x28] =	vst v0  }
0x5: {  	[tilespmem:$0x38] =	vst v0  }
0x6: {  	[tilespmem:$0x48] =	vst v0  }
0x7: {  	[tilespmem:$0x58] =	vst v0  }
0x8: {  	[tilespmem:$0x68] =	vst v0  }
0x9: {  	[tilespmem:$0x78] =	vst v0  }
0xa: {  	[tilespmem:$0x88] =	vst v0  }
0xb: {  	[tilespmem:$0x98] =	vst v0  }
0xc: {  	[tilespmem:$0xA8] =	vst v0  }
0xd: {  	[tilespmem:$0xB8] =	vst v0  }
0xe: {  	[tilespmem:$0xC8] =	vst v0  }
0xf: {  	[tilespmem:$0xD8] =	vst v0  }
0x10: {  	[tilespmem:$0xE8] =	vst v0  }
0x11: {  	[tilespmem:$0xF8] =	vst v0  }
0x12: {  	[tilespmem:$0x108] =	vst v0  }
0x13: {  	[tilespmem:$0x118] =	vst v0  }
0x14: {  	[tilespmem:$0x128] =	vst v0  }
0x15: {  	[tilespmem:$0x138] =	vst v0  }
0x16: {  	[tilespmem:$0x148] =	vst v0  }
0x17: {  	[tilespmem:$0x158] =	vst v0  }
0x18: {  	[tilespmem:$0x168] =	vst v0  }
0x19: {  	[tilespmem:$0x178] =	vst v0  }
0x1a: {  	[tilespmem:$0x188] =	vst v0  }
0x1b: {  	[tilespmem:$0x198] =	vst v0  }
0x1c: {  	[tilespmem:$0x1A8] =	vst v0  }
0x1d: {  	[tilespmem:$0x1B8] =	vst v0  }
0x1e: {  	[tilespmem:$0x1C8] =	vst v0  }
0x1f: {  	[tilespmem:$0x1D8] =	vst v0  }
0x20: {  	[tilespmem:$0x1E8] =	vst v0  }
0x21: {  	[tilespmem:$0x1F8] =	vst v0  }
0x22: {  	[tilespmem:$0x208] =	vst v0  }
0x23: {  	[tilespmem:$0x218] =	vst v0  }
0x24: {  	[tilespmem:$0x228] =	vst v0  }
0x25: {  	[tilespmem:$0x238] =	vst v0  }
0x26: {  	[tilespmem:$0x248] =	vst v0  }
0x27: {  	[tilespmem:$0x258] =	vst v0  }
0x28: {  	[tilespmem:$0x268] =	vst v0  }
0x29: {  	[tilespmem:$0x278] =	vst v0  }
0x2a: {  	[tilespmem:$0x288] =	vst v0  }
0x2b: {  	[tilespmem:$0x298] =	vst v0  }
0x2c: {  	[tilespmem:$0x2A8] =	vst v0  }
0x2d: {  	[tilespmem:$0x2B8] =	vst v0  }
0x2e: {  	[tilespmem:$0x2C8] =	vst v0  }
0x2f: {  	[tilespmem:$0x2D8] =	vst v0  }
0x30: {  	[tilespmem:$0x2E8] =	vst v0  }
0x31: {  	[tilespmem:$0x2F8] =	vst v0  }
0x32: {  	[tilespmem:$0x308] =	vst v0  }
0x33: {  	[tilespmem:$0x318] =	vst v0  }
0x34: {  	[tilespmem:$0x328] =	vst v0  }
0x35: {  	[tilespmem:$0x338] =	vst v0  }
0x36: {  	[tilespmem:$0x348] =	vst v0  }
0x37: {  	[tilespmem:$0x358] =	vst v0  }
0x38: {  	[tilespmem:$0x368] =	vst v0  }
0x39: {  	[tilespmem:$0x378] =	vst v0  }
0x3a: {  	[tilespmem:$0x388] =	vst v0  }
0x3b: {  	[tilespmem:$0x398] =	vst v0  }
0x3c: {  	[tilespmem:$0x3A8] =	vst v0  }
0x3d: {  	[tilespmem:$0x3B8] =	vst v0  }
0x3e: {  	[tilespmem:$0x3C8] =	vst v0  }
0x3f: {  	[tilespmem:$0x3D8] =	vst v0  }
0x40: {  	[tilespmem:$0x3E8] =	vst v0  }
0x41: {  	[tilespmem:$0x3F8] =	vst v0  }
0x42: {  	[tilespmem:$0x408] =	vst v0  }
0x43: {  	[tilespmem:$0x418] =	vst v0  }
0x44: {  	[tilespmem:$0x428] =	vst v0  }
0x45: {  	[tilespmem:$0x438] =	vst v0  }
0x46: {  	[tilespmem:$0x448] =	vst v0  }
0x47: {  	[tilespmem:$0x458] =	vst v0  }
0x48: {  	[tilespmem:$0x468] =	vst v0  }
0x49: {  	[tilespmem:$0x478] =	vst v0  }
0x4a: {  	[tilespmem:$0x488] =	vst v0  }
0x4b: {  	[tilespmem:$0x498] =	vst v0  }
0x4c: {  	[tilespmem:$0x4A8] =	vst v0  }
0x4d: {  	[tilespmem:$0x4B8] =	vst v0  }
0x4e: {  	[tilespmem:$0x4C8] =	vst v0  }
0x4f: {  	[tilespmem:$0x4D8] =	vst v0  }
0x50: {  	[tilespmem:$0x4E8] =	vst v0  }
0x51: {  	[tilespmem:$0x4F8] =	vst v0  }
0x52: {  	[tilespmem:$0x508] =	vst v0  }
0x53: {  	[tilespmem:$0x518] =	vst v0  }
0x54: {  	[tilespmem:$0x528] =	vst v0  }
0x55: {  	[tilespmem:$0x538] =	vst v0  }
0x56: {  	[tilespmem:$0x548] =	vst v0  }
0x57: {  	[tilespmem:$0x558] =	vst v0  }
0x58: {  	[tilespmem:$0x568] =	vst v0  }
0x59: {  	[tilespmem:$0x578] =	vst v0  }
0x5a: {  	[tilespmem:$0x588] =	vst v0  }
0x5b: {  	[tilespmem:$0x598] =	vst v0  }
0x5c: {  	[tilespmem:$0x5A8] =	vst v0  }
0x5d: {  	[tilespmem:$0x5B8] =	vst v0  }
0x5e: {  	[tilespmem:$0x5C8] =	vst v0  }
0x5f: {  	[tilespmem:$0x5D8] =	vst v0  }
0x60: {  	[tilespmem:$0x5E8] =	vst v0  }
0x61: {  	[tilespmem:$0x5F8] =	vst v0  }
0x62: {  	[tilespmem:$0x608] =	vst v0  }
0x63: {  	[tilespmem:$0x618] =	vst v0  }
0x64: {  	[tilespmem:$0x628] =	vst v0  }
0x65: {  	[tilespmem:$0x638] =	vst v0  }
0x66: {  	[tilespmem:$0x648] =	vst v0  }
0x67: {  	[tilespmem:$0x658] =	vst v0  }
0x68: {  	[tilespmem:$0x668] =	vst v0  }
0x69: {  	[tilespmem:$0x678] =	vst v0  }
0x6a: {  	[tilespmem:$0x688] =	vst v0  }
0x6b: {  	[tilespmem:$0x698] =	vst v0  }
0x6c: {  	[tilespmem:$0x6A8] =	vst v0  }
0x6d: {  	[tilespmem:$0x6B8] =	vst v0  }
0x6e: {  	[tilespmem:$0x6C8] =	vst v0  }
0x6f: {  	[tilespmem:$0x6D8] =	vst v0  }
0x70: {  	[tilespmem:$0x6E8] =	vst v0  }
0x71: {  	[tilespmem:$0x6F8] =	vst v0  }
0x72: {  	[tilespmem:$0x708] =	vst v0  }
0x73: {  	[tilespmem:$0x718] =	vst v0  }
0x74: {  	[tilespmem:$0x728] =	vst v0  }
0x75: {  	[tilespmem:$0x738] =	vst v0  }
0x76: {  	[tilespmem:$0x748] =	vst v0  }
0x77: {  	[tilespmem:$0x758] =	vst v0  }
0x78: {  	[tilespmem:$0x768] =	vst v0  }
0x79: {  	[tilespmem:$0x778] =	vst v0  }
0x7a: {  	[tilespmem:$0x788] =	vst v0  }
0x7b: {  	[tilespmem:$0x798] =	vst v0  }
0x7c: {  	[tilespmem:$0x7A8] =	vst v0  }
0x7d: {  	[tilespmem:$0x7B8] =	vst v0  }
0x7e: {  	[tilespmem:$0x7C8] =	vst v0  }
0x7f: {  	[tilespmem:$0x7D8] =	vst v0  }
0x80: {  	[tilespmem:$0x7E8] =	vst v0  }
0x81: {  	[tilespmem:$0x7F8] =	vst v0  }
0x82: {  	[tilespmem:$0x808] =	vst v0  }
0x83: {  	[tilespmem:$0x818] =	vst v0  }
0x84: {  	[tilespmem:$0x828] =	vst v0  }
0x85: {  	[tilespmem:$0x838] =	vst v0  }
0x86: {  	[tilespmem:$0x848] =	vst v0  }
0x87: {  	[tilespmem:$0x858] =	vst v0  }
0x88: {  	[tilespmem:$0x868] =	vst v0  }
0x89: {  	[tilespmem:$0x878] =	vst v0  }
0x8a: {  	[tilespmem:$0x888] =	vst v0  }
0x8b: {  	[tilespmem:$0x898] =	vst v0  }
0x8c: {  	[tilespmem:$0x8A8] =	vst v0  }
0x8d: {  	[tilespmem:$0x8B8] =	vst v0  }
0x8e: {  	[tilespmem:$0x8C8] =	vst v0  }
0x8f: {  	[tilespmem:$0x8D8] =	vst v0  }
0x90: {  	[tilespmem:$0x8E8] =	vst v0  }
0x91: {  	[tilespmem:$0x8F8] =	vst v0  }
0x92: {  	[tilespmem:$0x908] =	vst v0  }
0x93: {  	[tilespmem:$0x918] =	vst v0  }
0x94: {  	[tilespmem:$0x928] =	vst v0  }
0x95: {  	[tilespmem:$0x938] =	vst v0  }
0x96: {  	[tilespmem:$0x948] =	vst v0  }
0x97: {  	[tilespmem:$0x958] =	vst v0  }
0x98: {  	[tilespmem:$0x968] =	vst v0  }
0x99: {  	[tilespmem:$0x978] =	vst v0  }
0x9a: {  	[tilespmem:$0x988] =	vst v0  }
0x9b: {  	[tilespmem:$0x998] =	vst v0  }
0x9c: {  	[tilespmem:$0x9A8] =	vst v0  }
0x9d: {  	[tilespmem:$0x9B8] =	vst v0  }
0x9e: {  	[tilespmem:$0x9C8] =	vst v0  }
0x9f: {  	[tilespmem:$0x9D8] =	vst v0  }
0xa0: {  	[tilespmem:$0x9E8] =	vst v0  }
0xa1: {  	[tilespmem:$0x9F8] =	vst v0  }
0xa2: {  	[tilespmem:$0xA08] =	vst v0  }
0xa3: {  	[tilespmem:$0xA18] =	vst v0  }
0xa4: {  	[tilespmem:$0xA28] =	vst v0  }
0xa5: {  	[tilespmem:$0xA38] =	vst v0  }
0xa6: {  	[tilespmem:$0xA48] =	vst v0  }
0xa7: {  	[tilespmem:$0xA58] =	vst v0  }
0xa8: {  	[tilespmem:$0xA68] =	vst v0  }
0xa9: {  	[tilespmem:$0xA78] =	vst v0  }
0xaa: {  	[tilespmem:$0xA88] =	vst v0  }
0xab: {  	[tilespmem:$0xA98] =	vst v0  }
0xac: {  	[tilespmem:$0xAA8] =	vst v0  }
0xad: {  	[tilespmem:$0xAB8] =	vst v0  }
0xae: {  	[tilespmem:$0xAC8] =	vst v0  }
0xaf: {  	[tilespmem:$0xAD8] =	vst v0  }
0xb0: {  	[tilespmem:$0xAE8] =	vst v0  }
0xb1: {  	[tilespmem:$0xAF8] =	vst v0  }
0xb2: {  	[tilespmem:$0xB08] =	vst v0  }
0xb3: {  	[tilespmem:$0xB18] =	vst v0  }
0xb4: {  	[tilespmem:$0xB28] =	vst v0  }
0xb5: {  	[tilespmem:$0xB38] =	vst v0  }
0xb6: {  	[tilespmem:$0xB48] =	vst v0  }
0xb7: {  	[tilespmem:$0xB58] =	vst v0  }
0xb8: {  	[tilespmem:$0xB68] =	vst v0  }
0xb9: {  	[tilespmem:$0xB78] =	vst v0  }
0xba: {  	[tilespmem:$0xB88] =	vst v0  }
0xbb: {  	[tilespmem:$0xB98] =	vst v0  }
0xbc: {  	[tilespmem:$0xBA8] =	vst v0  }
0xbd: {  	[tilespmem:$0xBB8] =	vst v0  }
0xbe: {  	[tilespmem:$0xBC8] =	vst v0  }
0xbf: {  	[tilespmem:$0xBD8] =	vst v0  }
0xc0: {  	[tilespmem:$0xBE8] =	vst v0  }
0xc1: {  	[tilespmem:$0xBF8] =	vst v0  }
0xc2: {  	[tilespmem:$0xC08] =	vst v0  }
0xc3: {  	[tilespmem:$0xC18] =	vst v0  }
0xc4: {  	[tilespmem:$0xC28] =	vst v0  }
0xc5: {  	[tilespmem:$0xC38] =	vst v0  }
0xc6: {  	[tilespmem:$0xC48] =	vst v0  }
0xc7: {  	[tilespmem:$0xC58] =	vst v0  }
0xc8: {  	[tilespmem:$0xC68] =	vst v0  }
0xc9: {  	[tilespmem:$0xC78] =	vst v0  }
0xca: {  	[tilespmem:$0xC88] =	vst v0  }
0xcb: {  	[tilespmem:$0xC98] =	vst v0  }
0xcc: {  	[tilespmem:$0xCA8] =	vst v0  }
0xcd: {  	[tilespmem:$0xCB8] =	vst v0  }
0xce: {  	[tilespmem:$0xCC8] =	vst v0  }
0xcf: {  	[tilespmem:$0xCD8] =	vst v0  }
0xd0: {  	[tilespmem:$0xCE8] =	vst v0  }
0xd1: {  	[tilespmem:$0xCF8] =	vst v0  }
0xd2: {  	[tilespmem:$0xD08] =	vst v0  }
0xd3: {  	[tilespmem:$0xD18] =	vst v0  }
0xd4: {  	[tilespmem:$0xD28] =	vst v0  }
0xd5: {  	[tilespmem:$0xD38] =	vst v0  }
0xd6: {  	[tilespmem:$0xD48] =	vst v0  }
0xd7: {  	[tilespmem:$0xD58] =	vst v0  }
0xd8: {  	[tilespmem:$0xD68] =	vst v0  }
0xd9: {  	[tilespmem:$0xD78] =	vst v0  }
0xda: {  	[tilespmem:$0xD88] =	vst v0  }
0xdb: {  	[tilespmem:$0xD98] =	vst v0  }
0xdc: {  	[tilespmem:$0xDA8] =	vst v0  }
0xdd: {  	[tilespmem:$0xDB8] =	vst v0  }
0xde: {  	[tilespmem:$0xDC8] =	vst v0  }
0xdf: {  	[tilespmem:$0xDD8] =	vst v0  }
0xe0: {  	[tilespmem:$0xDE8] =	vst v0  }
0xe1: {  	[tilespmem:$0xDF8] =	vst v0  }
0xe2: {  	[tilespmem:$0xE08] =	vst v0  }
0xe3: {  	[tilespmem:$0xE18] =	vst v0  }
0xe4: {  	[tilespmem:$0xE28] =	vst v0  }
0xe5: {  	[tilespmem:$0xE38] =	vst v0  }
0xe6: {  	[tilespmem:$0xE48] =	vst v0  }
0xe7: {  	[tilespmem:$0xE58] =	vst v0  }
0xe8: {  	[tilespmem:$0xE68] =	vst v0  }
0xe9: {  	[tilespmem:$0xE78] =	vst v0  }
0xea: {  	[tilespmem:$0xE88] =	vst v0  }
0xeb: {  	[tilespmem:$0xE98] =	vst v0  }
0xec: {  	[tilespmem:$0xEA8] =	vst v0  }
0xed: {  	[tilespmem:$0xEB8] =	vst v0  }
0xee: {  	[tilespmem:$0xEC8] =	vst v0  }
0xef: {  	[tilespmem:$0xED8] =	vst v0  }
0xf0: {  	[tilespmem:$0xEE8] =	vst v0  }
0xf1: {  	[tilespmem:$0xEF8] =	vst v0  }
0xf2: {  	[tilespmem:$0xF08] =	vst v0  }
0xf3: {  	[tilespmem:$0xF18] =	vst v0  }
0xf4: {  	[tilespmem:$0xF28] =	vst v0  }
0xf5: {  	[tilespmem:$0xF38] =	vst v0  }
0xf6: {  	[tilespmem:$0xF48] =	vst v0  }
0xf7: {  	[tilespmem:$0xF58] =	vst v0  }
0xf8: {  	[tilespmem:$0xF68] =	vst v0  }
0xf9: {  	[tilespmem:$0xF78] =	vst v0  }
0xfa: {  	[tilespmem:$0xF88] =	vst v0  }
0xfb: {  	[tilespmem:$0xF98] =	vst v0  }
0xfc: {  	[tilespmem:$0xFA8] =	vst v0  }
0xfd: {  	[tilespmem:$0xFB8] =	vst v0  }
0xfe: {  	[tilespmem:$0xFC8] =	vst v0  }
0xff: {  	[tilespmem:$0xFD8] =	vst v0  }
0x100: {  	[tilespmem:$0xFE8] =	vst v0  }
0x101: {  	[tilespmem:$0xFF8] =	vst v0  }
0x102: {  	[tilespmem:$0x1028] =	vst v0  }
0x103: {  	[tilespmem:$0x10E8] =	vst v0  }
0x104: {  	[tilespmem:$0x1048] =	vst v0  }
0x105: {  	[tilespmem:$0x1068] =	vst v0  }
0x106: {  	[tilespmem:$0x1B28] =	vst v0  }
0x107: {  	[tilespmem:$0x1B18] =	vst v0  }
0x108: {  	[tilespmem:$0x1B08] =	vst v0  }
0x109: {  	[tilespmem:$0x1AF8] =	vst v0  }
0x10a: {  	[tilespmem:$0x1AE8] =	vst v0  }
0x10b: {  	[tilespmem:$0x1AD8] =	vst v0  }
0x10c: {  	[tilespmem:$0x1AC8] =	vst v0  }
0x10d: {  	[tilespmem:$0x1AB8] =	vst v0  }
0x10e: {  	[tilespmem:$0x1AA8] =	vst v0  }
0x10f: {  	[tilespmem:$0x1A98] =	vst v0  }
0x110: {  	[tilespmem:$0x1A88] =	vst v0  }
0x111: {  	[tilespmem:$0x1A78] =	vst v0  }
0x112: {  	[tilespmem:$0x1A68] =	vst v0  }
0x113: {  	[tilespmem:$0x1A58] =	vst v0  }
0x114: {  	[tilespmem:$0x1A48] =	vst v0  }
0x115: {  	[tilespmem:$0x1A38] =	vst v0  }
0x116: {  	[tilespmem:$0x1A28] =	vst v0  }
0x117: {  	[tilespmem:$0x1A18] =	vst v0  }
0x118: {  	[tilespmem:$0x1A08] =	vst v0  }
0x119: {  	[tilespmem:$0x19F8] =	vst v0  }
0x11a: {  	[tilespmem:$0x19E8] =	vst v0  }
0x11b: {  	[tilespmem:$0x19D8] =	vst v0  }
0x11c: {  	[tilespmem:$0x19C8] =	vst v0  }
0x11d: {  	[tilespmem:$0x19B8] =	vst v0  }
0x11e: {  	[tilespmem:$0x19A8] =	vst v0  }
0x11f: {  	[tilespmem:$0x1998] =	vst v0  }
0x120: {  	[tilespmem:$0x1988] =	vst v0  }
0x121: {  	[tilespmem:$0x1978] =	vst v0  }
0x122: {  	[tilespmem:$0x1968] =	vst v0  }
0x123: {  	[tilespmem:$0x1958] =	vst v0  }
0x124: {  	[tilespmem:$0x1948] =	vst v0  }
0x125: {  	[tilespmem:$0x1938] =	vst v0  }
0x126: {  	[tilespmem:$0x1928] =	vst v0  }
0x127: {  	[tilespmem:$0x1918] =	vst v0  }
0x128: {  	[tilespmem:$0x1908] =	vst v0  }
0x129: {  	[tilespmem:$0x18F8] =	vst v0  }
0x12a: {  	[tilespmem:$0x18E8] =	vst v0  }
0x12b: {  	[tilespmem:$0x18D8] =	vst v0  }
0x12c: {  	[tilespmem:$0x18C8] =	vst v0  }
0x12d: {  	[tilespmem:$0x18B8] =	vst v0  }
0x12e: {  	[tilespmem:$0x18A8] =	vst v0  }
0x12f: {  	[tilespmem:$0x1898] =	vst v0  }
0x130: {  	[tilespmem:$0x1888] =	vst v0  }
0x131: {  	[tilespmem:$0x1878] =	vst v0  }
0x132: {  	[tilespmem:$0x1868] =	vst v0  }
0x133: {  	[tilespmem:$0x1858] =	vst v0  }
0x134: {  	[tilespmem:$0x1848] =	vst v0  }
0x135: {  	[tilespmem:$0x1838] =	vst v0  }
0x136: {  	[tilespmem:$0x1828] =	vst v0  }
0x137: {  	[tilespmem:$0x1818] =	vst v0  }
0x138: {  	[tilespmem:$0x1808] =	vst v0  }
0x139: {  	[tilespmem:$0x17F8] =	vst v0  }
0x13a: {  	[tilespmem:$0x17E8] =	vst v0  }
0x13b: {  	[tilespmem:$0x17D8] =	vst v0  }
0x13c: {  	[tilespmem:$0x17C8] =	vst v0  }
0x13d: {  	[tilespmem:$0x17B8] =	vst v0  }
0x13e: {  	[tilespmem:$0x17A8] =	vst v0  }
0x13f: {  	[tilespmem:$0x1798] =	vst v0  }
0x140: {  	[tilespmem:$0x1788] =	vst v0  }
0x141: {  	[tilespmem:$0x1778] =	vst v0  }
0x142: {  	[tilespmem:$0x1768] =	vst v0  }
0x143: {  	[tilespmem:$0x1758] =	vst v0  }
0x144: {  	[tilespmem:$0x1748] =	vst v0  }
0x145: {  	[tilespmem:$0x1738] =	vst v0  }
0x146: {  	[tilespmem:$0x1728] =	vst v0  }
0x147: {  	[tilespmem:$0x1718] =	vst v0  }
0x148: {  	[tilespmem:$0x1708] =	vst v0  }
0x149: {  	[tilespmem:$0x16F8] =	vst v0  }
0x14a: {  	[tilespmem:$0x16E8] =	vst v0  }
0x14b: {  	[tilespmem:$0x16D8] =	vst v0  }
0x14c: {  	[tilespmem:$0x16C8] =	vst v0  }
0x14d: {  	[tilespmem:$0x16B8] =	vst v0  }
0x14e: {  	[tilespmem:$0x16A8] =	vst v0  }
0x14f: {  	[tilespmem:$0x1698] =	vst v0  }
0x150: {  	[tilespmem:$0x1688] =	vst v0  }
0x151: {  	[tilespmem:$0x1678] =	vst v0  }
0x152: {  	[tilespmem:$0x1668] =	vst v0  }
0x153: {  	[tilespmem:$0x1658] =	vst v0  }
0x154: {  	[tilespmem:$0x1648] =	vst v0  }
0x155: {  	[tilespmem:$0x1638] =	vst v0  }
0x156: {  	[tilespmem:$0x1628] =	vst v0  }
0x157: {  	[tilespmem:$0x1618] =	vst v0  }
0x158: {  	[tilespmem:$0x1608] =	vst v0  }
0x159: {  	[tilespmem:$0x15F8] =	vst v0  }
0x15a: {  	[tilespmem:$0x15E8] =	vst v0  }
0x15b: {  	[tilespmem:$0x15D8] =	vst v0  }
0x15c: {  	[tilespmem:$0x15C8] =	vst v0  }
0x15d: {  	[tilespmem:$0x15B8] =	vst v0  }
0x15e: {  	[tilespmem:$0x15A8] =	vst v0  }
0x15f: {  	[tilespmem:$0x1598] =	vst v0  }
0x160: {  	[tilespmem:$0x1588] =	vst v0  }
0x161: {  	[tilespmem:$0x1578] =	vst v0  }
0x162: {  	[tilespmem:$0x1568] =	vst v0  }
0x163: {  	[tilespmem:$0x1558] =	vst v0  }
0x164: {  	[tilespmem:$0x1548] =	vst v0  }
0x165: {  	[tilespmem:$0x1538] =	vst v0  }
0x166: {  	[tilespmem:$0x1528] =	vst v0  }
0x167: {  	[tilespmem:$0x1518] =	vst v0  }
0x168: {  	[tilespmem:$0x1508] =	vst v0  }
0x169: {  	[tilespmem:$0x14F8] =	vst v0  }
0x16a: {  	[tilespmem:$0x14E8] =	vst v0  }
0x16b: {  	[tilespmem:$0x14D8] =	vst v0  }
0x16c: {  	[tilespmem:$0x14C8] =	vst v0  }
0x16d: {  	[tilespmem:$0x14B8] =	vst v0  }
0x16e: {  	[tilespmem:$0x14A8] =	vst v0  }
0x16f: {  	[tilespmem:$0x1498] =	vst v0  }
0x170: {  	[tilespmem:$0x1488] =	vst v0  }
0x171: {  	[tilespmem:$0x1478] =	vst v0  }
0x172: {  	[tilespmem:$0x1468] =	vst v0  }
0x173: {  	[tilespmem:$0x1458] =	vst v0  }
0x174: {  	[tilespmem:$0x1448] =	vst v0  }
0x175: {  	[tilespmem:$0x1438] =	vst v0  }
0x176: {  	[tilespmem:$0x1428] =	vst v0  }
0x177: {  	[tilespmem:$0x1418] =	vst v0  }
0x178: {  	[tilespmem:$0x1408] =	vst v0  }
0x179: {  	[tilespmem:$0x13F8] =	vst v0  }
0x17a: {  	[tilespmem:$0x13E8] =	vst v0  }
0x17b: {  	[tilespmem:$0x13D8] =	vst v0  }
0x17c: {  	[tilespmem:$0x13C8] =	vst v0  }
0x17d: {  	[tilespmem:$0x13B8] =	vst v0  }
0x17e: {  	[tilespmem:$0x13A8] =	vst v0  }
0x17f: {  	[tilespmem:$0x1398] =	vst v0  }
0x180: {  	[tilespmem:$0x1388] =	vst v0  }
0x181: {  	[tilespmem:$0x1378] =	vst v0  }
0x182: {  	[tilespmem:$0x1368] =	vst v0  }
0x183: {  	[tilespmem:$0x1358] =	vst v0  }
0x184: {  	[tilespmem:$0x1348] =	vst v0  }
0x185: {  	[tilespmem:$0x1338] =	vst v0  }
0x186: {  	[tilespmem:$0x1328] =	vst v0  }
0x187: {  	[tilespmem:$0x1318] =	vst v0  }
0x188: {  	[tilespmem:$0x1308] =	vst v0  }
0x189: {  	[tilespmem:$0x12F8] =	vst v0  }
0x18a: {  	[tilespmem:$0x12E8] =	vst v0  }
0x18b: {  	[tilespmem:$0x12D8] =	vst v0  }
0x18c: {  	[tilespmem:$0x12C8] =	vst v0  }
0x18d: {  	[tilespmem:$0x12B8] =	vst v0  }
0x18e: {  	[tilespmem:$0x12A8] =	vst v0  }
0x18f: {  	[tilespmem:$0x1298] =	vst v0  }
0x190: {  	[tilespmem:$0x1288] =	vst v0  }
0x191: {  	[tilespmem:$0x1278] =	vst v0  }
0x192: {  	[tilespmem:$0x1268] =	vst v0  }
0x193: {  	[tilespmem:$0x1258] =	vst v0  }
0x194: {  	[tilespmem:$0x1248] =	vst v0  }
0x195: {  	[tilespmem:$0x1238] =	vst v0  }
0x196: {  	[tilespmem:$0x1228] =	vst v0  }
0x197: {  	[tilespmem:$0x1218] =	vst v0  }
0x198: {  	[tilespmem:$0x1208] =	vst v0  }
0x199: {  	[tilespmem:$0x11F8] =	vst v0  }
0x19a: {  	[tilespmem:$0x11E8] =	vst v0  }
0x19b: {  	[tilespmem:$0x11D8] =	vst v0  }
0x19c: {  	[tilespmem:$0x11C8] =	vst v0  }
0x19d: {  	[tilespmem:$0x11B8] =	vst v0  }
0x19e: {  	[tilespmem:$0x11A8] =	vst v0  }
0x19f: {  	[tilespmem:$0x1198] =	vst v0  }
0x1a0: {  	[tilespmem:$0x1188] =	vst v0  }
0x1a1: {  	[tilespmem:$0x1178] =	vst v0  }
0x1a2: {  	[tilespmem:$0x1168] =	vst v0  }
0x1a3: {  	[tilespmem:$0x1158] =	vst v0  }
0x1a4: {  	[tilespmem:$0x1148] =	vst v0  }
0x1a5: {  	[tilespmem:$0x1138] =	vst v0  }
0x1a6: {  	s4 =	stileid.u32;
	[tilespmem:$0x1128] =	vst v0  }
0x1a7: {  	s0 =	smul.u32 $0xB, s4;
	[tilespmem:$0x1118] =	vst v0  }
0x1a8: {  	s1 =	smin.u32 s4, $0xA;
	[tilespmem:$0x1108] =	vst v0  }
0x1a9: {  	[tilespmem:$0x10F8] =	vst v0;
	s0 =	sadd.s32 s1, s0  }
0x1aa: {  	p0 =	slt.u32 s4, $0xA;
	[tilespmem:$0x10C8] =	vst v0;
	s1 =	simm.s32 $0x1440;
	s6 =	smul.u32 $0x1B0, s0  }
0x1ab: {  	s1 =	simm.s32 @!p0 $0x1290;
	[tilespmem:$0x10D8] =	vst v0  }
0x1ac: {  	[tilespmem:$0x10B8] =	vst v0;
	s0 =	sadd.s32 s1, s6  }
0x1ad: {  	s3 =	simm.s32 $0x2;
	[tilespmem:$0x1038] =	vst v0;
	s7 =	smin.u32 s0, $0x13880  }
0x1ae: {  	s8 =	simm.s32 $0x9;
	s10 =	simm.s32 $0xA;
	[tilespmem:$0x10A8] =	vst v0;
	s0 =	ssub.s32 s7, s6  }
0x1af: {  	s30 =	simm.s32 $0xB;
	s16 =	simm.s32 $0x0;
	[tilespmem:$0x1098] =	vst v0;
	p0 =	sgt.s32 s0, $0x0  }
0x1b0: {  	p4 =	por $0x0, $0x0;
	s17 =	simm.s32 $0xC;
	[tilespmem:$0x1088] =	vst v0;
	s0 =	simm.s32 @!p0 $0x0  }
0x1b1: {  	s21 =	simm.s32 $0x0;
	s18 =	simm.s32 $0x0;
	[tilespmem:$0x1078] =	vst v0;
	s29 =	smulhi.u32 $0x4BDA12F7, s0  }
0x1b2: {  	s20 =	simm.s32 $0x0;
	s2 =	sand.u32 $0x1, s2;
	s31 =	sshll.u32 s4, $0x5;
	[tilespmem:$0x1058] =	vst v0  }
0x1b3: {  	[dreg:$0x5] =	wrdreg s2;
	s2 =	smul.u32 $0x2710, s2;
	[tilespmem:$0x1018] =	vst v0;
	s1 =	sshrl.u32 s29, $0x7  }
0x1b4: {  	[tilespmem:$0x1008] =	vst v0;
	[sflag:s3] =	ssyncpa.u1 $0x0;
	v0 =	vimm.s32 $0xFFFFFFFF;
	s3 =	sadd.s32 $0x54B000, s11;
	s5 =	smul.u32 $0x1B0, s1  }
.Ltmp0:
0x1b5: {  	[dreg:$0x4] =	wrdreg s31;
	[tilespmem:$0x3648] =	vst v0;
	[sflag:s8] =	ssyncpa.u1 $0x0;
	(pc) =	sbr.rel .LBB2_1-.Ltmp0, $4  }
0x1b6: {  	s2 =	sadd.s32 s2, s11;
	[sflag:s10] =	ssyncpa.u1 $0x0;
	p0 =	sne.s32 s0, s5  }
0x1b7: {  	s11 =	sadd.s32 $0x2DA000, s11;
	[sflag:s30] =	ssyncpa.u1 $0x0;
	s12 =	simm.s32 @!p0 $0x0  }
0x1b8: {  	s13 =	sadd.s32 $0x33B3000, s2;
	s14 =	sadd.s32 $0x33AE000, s2;
	s12 =	sadd.s32 s12, s1  }
0x1b9: {  	v0 =	vlaneseq.u32;
	s19 =	smov.u32 s6;
	p0 =	por $0x1, $0x1;
	s15 =	sadd.s32 $0x1, s12  }
.LBB2_18:
0x1ba: {  	s0 =	simm.s32 $0x2  }
0x1bb: {  	_ =	swait.ge [sflag:s0], $0x0  }
0x1bc: {  	[sflag:s0] =	ssyncset.done $0x0;
	s0 =	simm.s32 $0x0  }
.LBB2_19:
0x1bd: {  	_ =	swait.ge [sflag:s17], s0  }
0x1be: {  	s31 =	ssub.s32 $0x0, s0;
	v1 =	vmov s23;
	vm0 =	veq.s32 v0, $0x0;
	[sflag:s17] =	ssyncset.done $0x0  }
0x1bf: {  	vm15 =	veq.s32 v0, $0x2;
	v1 =	vsel vm0, s28, v1;
	[sflag:s17] =	ssyncadd.s32 s31  }
0x1c0: {  	v1 =	vsel vm15, s21, v1;
	[sflag:s17] =	ssyncpa.u1 $0x1  }
0x1c1: {  	[tilespmem:$0x3648] =	vst v1  }
.LBB2_20:
0x1c2: {  	s0 =	sadd.s32 $0x1B0, s19  }
0x1c3: {  	s1 =	smov.u32 s6;
	p1 =	slt.s32 s0, s7  }
0x1c4: {  	s1 =	smov.u32 @p1 s0;
	p1 =	sne.s32 s20, s15  }
.Ltmp1:
0x1c5: {  	_ = 	snop;
	(pc) =	sbr.rel @!p1 .LBB2_21-.Ltmp1, $4  }
0x1c6: {  	_ = 	snop  }
0x1c7: {  	s21 =	smov.u32 s18  }
0x1c8: {  	s31 =	sadd.s32 $0x1, s20;
	s18 =	smov.u32 s19;
	p0 =	por !p0, !p0  }
0x1c9: {  	p4 =	por !p4, !p4;
	s20 =	smov.u32 s31;
	s19 =	smov.u32 s1  }
.LBB2_1:
0x1ca: {  	p2 =	sge.u32 s20, s12  }
0x1cb: {  	s0 =	smulhi.u32 @!p2 $0xAAAAAAAB, s20  }
0x1cc: {  	s1 =	smov.u32 s19;
	p3 =	sgt.s32 @!p2 s19, $0x136D0  }
0x1cd: {  	s2 =	sshra.s32 @!p2 s19, $0x1F;
	p3 =	por !p3, p2;
	s0 =	sshrl.u32 @!p2 s0, $0x1  }
0x1ce: {  	s2 =	sand.u32 @!p2 s2, s19;
	s1 =	simm.s32 @p3 $0x136D0;
	s0 =	smul.u32 @!p2 $0x3, s0  }
0x1cf: {  	s1 =	ssub.s32 @!p2 s1, s2  }
0x1d0: {  	s23 =	sadd.s32 $0xFFFFFFFF, s20;
	s1 =	sadd.s32 @!p2 $0xFFFEC930, s1;
	s0 =	ssub.s32 @!p2 s20, s0  }
0x1d1: {  	s2 =	sshll.u32 @!p2 s1, $0x2;
	p3 =	sgt.s32 @!p2 s1, $0x1AF;
	s0 =	smul.u32 @!p2 $0x6C0, s0  }
0x1d2: {  	s5 =	sand.u32 @!p2 $0x7, s19;
	s1 =	ssub.s32 @!p2 $0x6C0, s2;
	p3 =	por !p3, p2  }
0x1d3: {  	s2 =	sshrl.u32 @!p2 s19, $0x3;
	s1 =	sshrl.u32 @!p2 s1, $0x2;
	s0 =	sshrl.u32 @!p2 s0, $0x2  }
0x1d4: {  	s2 =	sadd.s32 @!p2 s2, s13;
	s1 =	simm.s32 @!p3 $0x0;
	s0 =	sadd.s32 @!p2 $0x3888, s0  }
0x1d5: {  	[tilespmem:s0], [sflag:$0xA] =	stream.linear.gather @!p2 [hbm4b:s2+s5], s1, $0x38;
	[tilespmem:$0x1F0F8] =	vst v63  }
0x1d6: {  	p2 =	sge.u32 s23, s12  }
0x1d7: {  	p3 =	sgt.s32 @!p2 s18, $0x136D0  }
0x1d8: {  	s0 =	smov.u32 s18;
	s1 =	sshra.s32 @!p2 s18, $0x1F;
	p3 =	por !p3, p2  }
0x1d9: {  	s1 =	sand.u32 @!p2 s1, s18;
	s0 =	simm.s32 @p3 $0x136D0  }
0x1da: {  	s0 =	ssub.s32 @!p2 s0, s1  }
0x1db: {  	s0 =	sadd.s32 @!p2 $0xFFFEC930, s0  }
0x1dc: {  	s1 =	sshll.u32 @!p2 s0, $0x2  }
0x1dd: {  	p3 =	sgt.s32 @!p2 s0, $0x1AF;
	s0 =	ssub.s32 @!p2 $0x6C0, s1  }
0x1de: {  	s22 =	ssub.s32 @!p2 $0x13880, s18;
	p3 =	por !p3, p2;
	s0 =	sshrl.u32 @!p2 s0, $0x2  }
0x1df: {  	s1 =	sand.u32 @!p2 $0x1, s23;
	s0 =	simm.s32 @!p3 $0x0;
	p3 =	slt.s32 @!p2 s22, $0x1  }
0x1e0: {  	s2 =	simm.s32 @!p2 $0xA;
	s1 =	smul.u32 @!p2 $0x6C0, s1;
	p3 =	por p2, p3  }
.Ltmp2:
0x1e1: {  	_ =	swait.ge @!p2 [sflag:s2], s0;
	(pc) =	sbr.rel @p3 .LBB2_7-.Ltmp2, $4  }
0x1e2: {  	s5 =	ssub.s32 @!p2 $0x0, s0;
	[sflag:s2] =	ssyncset.done @!p2 $0x0  }
0x1e3: {  	s1 =	sshrl.u32 @!p2 s1, $0x2;
	[sflag:s2] =	ssyncadd.s32 @!p2 s5;
	s2 =	sshrl.u32 @!p2 s18, $0x3  }
0x1e4: {  	s1 =	sadd.s32 @!p2 $0x3D98, s1;
	s5 =	sand.u32 @!p2 $0x7, s18;
	s2 =	sadd.s32 @!p2 s2, s14  }
0x1e5: {  	[tilespmem:s1], [sflag:$0xB] =	stream.linear.gather @!p2 [hbm4b:s2+s5], s0, $0x38;
	[tilespmem:$0x1F0F8] =	vst v63  }
0x1e6: {  	s0 =	smulhi.u32 $0xAAAAAAAB, s23;
	_ =	sdelay $0x1  }
0x1e7: {  	s0 =	sshrl.u32 s0, $0x1  }
0x1e8: {  	s0 =	smul.u32 $0x3, s0;
	_ =	sdelay $0x1  }
0x1e9: {  	s0 =	ssub.s32 s23, s0  }
0x1ea: {  	s1 =	simm.s32 $0x1;
	s0 =	smul.u32 $0x6C0, s0  }
.Ltmp3:
0x1eb: {  	s1 =	simm.s32 @!p0 $0x0;
	(pc) =	sbr.rel .LBB2_4-.Ltmp3, $4  }
0x1ec: {  	s1 =	smul.u32 $0x36000, s1  }
0x1ed: {  	p3 =	slt.s32 @!p2 s22, $0x1B0;
	s0 =	sshrl.u32 s0, $0x2  }
0x1ee: {  	p2 =	por !p3, p2;
	s1 =	sshrl.u32 s1, $0x2;
	s0 =	sadd.s32 $0x3888, s0  }
0x1ef: {  	s24 =	simm.s32 $0x0;
	s22 =	simm.s32 @p2 $0x1B0;
	s23 =	sadd.s32 $0x40F8, s1;
	v1 =	vmov s0  }
.LBB2_3:
0x1f0: {  	p2 =	sge.s32 s24, s22  }
.Ltmp4:
0x1f1: {  	_ = 	snop;
	(pc) =	sbr.rel @p2 .LBB2_7-.Ltmp4, $2  }
0x1f2: {  	_ =	sdelay $0x2  }
0x1f3: {  	s23 =	sadd.s32 $0x800, s23  }
.LBB2_4:
0x1f4: {  	p2 =	sle.s32 s22, s24  }
.Ltmp5:
0x1f5: {  	_ = 	snop;
	(pc) =	sbr.rel @p2 .LBB2_3-.Ltmp5, $2  }
0x1f6: {  	_ =	sdelay $0x2  }
0x1f7: {  	s0 =	smov.u32 s24;
	s24 =	sadd.s32 $0x10, s24  }
0x1f8: {  	s1 =	ssub.s32 s22, s0  }
0x1f9: {  	p2 =	slt.s32 s1, $0x10  }
0x1fa: {  	s1 =	simm.s32 @!p2 $0x10  }
0x1fb: {  	v2 =	vmov s1  }
0x1fc: {  	vm0 =	vgt.s32 v2, v0;
	_ =	sdelay $0x5  }
0x1fd: {  	v2 =	vld.idx.msk [tilespmem:v1+s0+$0x0 ss:$0x1], vm0;
	_ =	sdelay $0x2  }
0x1fe: {  	p2 =	slt.s32 s24, s22;
	s1 =	smov.u32 s22  }
0x1ff: {  	s2 =	smov.u32 s23;
	s25 =	simm.s32 $0x0;
	s1 =	smov.u32 @p2 s24  }
.LBB2_6:
0x200: {  	(v2sf) =	vpush v2, s25;
	_ =	sdelay $0xc  }
0x201: {  	s25 =	sadd.s32 $0x1, s25  }
0x202: {  	s31 =	sadd.s32 s25, s0  }
0x203: {  	p2 =	slt.s32 s31, s1;
	s5 =	spop (v2sf)  }
.Ltmp6:
0x204: {  	s5 =	sshll.u32 s5, $0x4;
	(pc) =	sbr.rel @p2 .LBB2_6-.Ltmp6, $4  }
0x205: {  	s5 =	sand.u32 $0x1FFFFFF0, s5  }
0x206: {  	s5 =	sadd.s32 s11, s5  }
0x207: {  	[tilespmem:s2], [sflag:$0x9] =	stream.linear.gather [hbm4b:s5+s16], $0x4, $0x38;
	[tilespmem:$0x1F0F8] =	vst v63  }
0x208: {  	s2 =	sadd.s32 $0x80, s2  }
.Ltmp7:
0x209: {  	_ = 	snop;
	(pc) =	sbr.rel .LBB2_3-.Ltmp7, $1  }
0x20a: {  	_ =	sdelay $0x3  }
.LBB2_7:
0x20b: {  	p2 =	slt.u32 s20, $0x2  }
.Ltmp8:
0x20c: {  	_ = 	snop;
	(pc) =	sbr.rel @p2 .LBB2_20-.Ltmp8, $1  }
0x20d: {  	_ =	sdelay $0x3  }
0x20e: {  	p2 =	sgt.s32 s21, $0x136D0  }
0x20f: {  	s0 =	smov.u32 s21;
	s1 =	sshra.s32 s21, $0x1F;
	s2 =	ssub.s32 $0x13880, s21  }
0x210: {  	s0 =	simm.s32 @!p2 $0x136D0;
	s1 =	sand.u32 s1, s21;
	p2 =	slt.s32 s2, $0x1B0  }
0x211: {  	s0 =	ssub.s32 s0, s1;
	s2 =	simm.s32 @!p2 $0x1B0  }
0x212: {  	s0 =	sadd.s32 $0xFFFEC930, s0;
	s24 =	sshll.u32 s2, $0x2  }
0x213: {  	s28 =	simm.s32 $0x9;
	s25 =	sshll.u32 s0, $0x2;
	s1 =	sand.u32 $0x3FFFFFFC, s24  }
0x214: {  	p2 =	sgt.s32 s0, $0x1AF;
	s26 =	ssub.s32 $0x6C0, s25;
	_ =	swait.ge [sflag:s28], s1  }
0x215: {  	s1 =	ssub.s32 $0x0, s1;
	[sflag:s28] =	ssyncset.done $0x0;
	s0 =	sshrl.u32 s26, $0x2  }
0x216: {  	s30 =	simm.s32 $0xB;
	[sflag:s28] =	ssyncadd.s32 s1;
	s0 =	simm.s32 @p2 $0x0  }
0x217: {  	_ =	swait.ge [sflag:s30], s0  }
0x218: {  	s0 =	ssub.s32 $0x0, s0;
	[sflag:s30] =	ssyncset.done $0x0  }
0x219: {  	[sflag:s30] =	ssyncadd.s32 s0  }
0x21a: {  	v1 =	vld [tilespmem:$0x3648];
	_ =	sdelay $0x4  }
0x21b: {  	(v2sf) =	vpush v1, $0x0  }
0x21c: {  	(v2sf) =	vpush v1, $0x1  }
0x21d: {  	(v2sf) =	vpush v1, $0x2;
	_ =	sdelay $0x3  }
0x21e: {  	s0 =	sadd.s32 $0x1B0, s21  }
0x21f: {  	s1 =	ssub.s32 $0x27100, s21;
	p2 =	slt.s32 s7, s0  }
0x220: {  	s0 =	smov.u32 @p2 s7;
	p2 =	sgt.s32 s1, $0x0  }
0x221: {  	s25 =	ssub.s32 s0, s21;
	s1 =	simm.s32 @!p2 $0x0  }
0x222: {  	p2 =	slt.s32 s1, s25  }
0x223: {  	s25 =	smov.u32 @p2 s1  }
0x224: {  	s24 =	simm.s32 $0x1;
	p2 =	slt.s32 s25, $0x1  }
.Ltmp9:
0x225: {  	s24 =	simm.s32 @!p4 $0x0;
	(pc) =	sbr.rel @p2 .LBB2_12-.Ltmp9, $4  }
0x226: {  	s31 =	smul.u32 $0x6C0, s24  }
0x227: {  	s26 =	spop (v2sf)  }
0x228: {  	s0 =	sshrl.u32 s31, $0x2;
	s29 =	spop (v2sf)  }
0x229: {  	s22 =	sadd.s32 $0x3D98, s0;
	s21 =	spop (v2sf)  }
0x22a: {  	s0 =	smin.u32 s25, $0x10  }
0x22b: {  	v1 =	vmov s0  }
0x22c: {  	p3 =	sgt.s32 s25, $0x10;
	vm1 =	vgt.u32 v1, v0  }
.Ltmp10:
0x22d: {  	_ = 	snop;
	(pc) =	sbr.rel @!p3 .LBB2_11-.Ltmp10, $2  }
0x22e: {  	_ =	sdelay $0x2  }
0x22f: {  	s23 =	simm.s32 $0x10;
	s28 =	sadd.s32 $0xFFFFFFF0, s25;
	s0 =	smov.u32 s22;
	vm0 =	vmmov vm1  }
.LBB2_10:
0x230: {  	s1 =	smin.u32 s28, $0x10;
	s23 =	sadd.s32 $0x10, s23;
	v1 =	vld.msk [tilespmem:s0+$0x0 ss:$0x1], vm1  }
0x231: {  	v2 =	vmov s1;
	p3 =	slt.s32 s23, s25  }
0x232: {  	vm1 =	vgt.u32 v2, v0  }
.Ltmp11:
0x233: {  	(pc) =	sbr.rel @p3 .LBB2_10-.Ltmp11, $3  }
0x234: {  	_ =	sdelay $0x1  }
0x235: {  	v1 =	vshll.u32 v1, $0x4  }
0x236: {  	s28 =	sadd.s32 $0xFFFFFFF0, s28;
	[tilespmem:s0+$0x0] =	vst.msk vm0, v1;
	s0 =	sadd.s32 $0x10, s0;
	vm0 =	vmmov vm1  }
.LBB2_11:
0x237: {  	_ =	sdelay $0x4  }
0x238: {  	v1 =	vld.msk [tilespmem:s0+$0x0 ss:$0x1], vm1;
	_ =	sdelay $0x4  }
0x239: {  	v1 =	vshll.u32 v1, $0x4  }
0x23a: {  	[tilespmem:s0+$0x0] =	vst.msk vm0, v1  }
.LBB2_12:
0x23b: {  	s0 =	sand.u32 $0x1, s20  }
0x23c: {  	s1 =	smul.u32 $0x1B0, s0  }
0x23d: {  	p3 =	sne.s32 s29, $0xFFFFFFFF  }
0x23e: {  	v1 =	vld.msk @!p3 [tilespmem:s1+$0x3D98], $0x1;
	_ =	sdelay $0x4  }
0x23f: {  	(v2sf) =	vpush @!p3 v1, $0x0;
	_ =	sdelay $0x9  }
0x240: {  	s0 =	smul.u32 $0xD800, s0;
	_ =	sdelay $0x1  }
0x241: {  	v1 =	vld.msk @!p3 [tilespmem:s0+$0x40F8], $0xf  }
.Ltmp12:
0x242: {  	_ = 	snop;
	(pc) =	sbr.rel @p2 .LBB2_18-.Ltmp12, $4  }
0x243: {  	_ = 	snop  }
0x244: {  	s28 =	spop @!p3 (v2sf)  }
0x245: {  	s21 =	simm.s32 @!p3 $0x0;
	s0 =	simm.s32 @!p3 $0x28;
	s23 =	smov.u32 s28  }
0x246: {  	[tilespmem:s0+$0x0] =	vst.msk @!p3 $0xf, v1;
	[sflag:s17] =	ssyncpa.u1 $0x0;
	s28 =	smov.u32 @p3 s26;
	s23 =	smov.u32 @p3 s29  }
0x247: {  	v1 =	vld.msk [tilespmem:s22+$0x0], $0x1;
	_ =	sdelay $0x4  }
0x248: {  	(v2sf) =	vpush v1, $0x0;
	_ =	sdelay $0xe  }
0x249: {  	s0 =	simm.s32 @!p4 $0x0;
	s26 =	smul.u32 $0x36000, s24;
	s31 =	spop (v2sf)  }
0x24a: {  	s29 =	ssub.s32 $0x0, s25;
	s0 =	simm.s32 @p4 $0x1;
	p2 =	seq.s32 s28, s31  }
0x24b: {  	s1 =	smov.u32 s28;
	[smem:$0x7FD] =	sst s0;
	p3 =	sgt.s32 @!p2 s28, $0x0  }
0x24c: {  	s0 =	sshrl.u32 s26, $0x2;
	s26 =	sadd.s32 $0x1, s29;
	p3 =	por !p3, p2  }
0x24d: {  	s1 =	simm.s32 @p3 $0x0;
	p3 =	seq.s32 s26, $0x0  }
.Ltmp13:
0x24e: {  	_ = 	snop;
	(pc) =	sbr.rel @p3 .LBB2_15-.Ltmp13, $4  }
0x24f: {  	s25 =	simm.s32 $0x0  }
0x250: {  	s24 =	sadd.s32 $0x40F8, s0;
	s0 =	simm.s32 @!p2 $0x1;
	s2 =	smin.u32 @!p2 s1, $0x752FF  }
0x251: {  	s30 =	sadd.s32 $0x1, s22;
	s0 =	smov.u32 @p2 s25;
	s5 =	sand.u32 @!p2 $0x7FFF8, s2  }
0x252: {  	s1 =	simm.s32 @!p2 $0x1B38;
	s2 =	sand.u32 @!p2 $0x7, s2;
	s5 =	sadd.s32 @!p2 s3, s5  }
.LBB2_14:
0x253: {  	s4 =	smov.u32 s0  }
0x254: {  	[tilespmem:s1], [sflag:$0x2] =	stream.linear.gather @!p2 [hbm4b:s5+s2], $0x4, $0x38;
	[tilespmem:$0x1F0F8] =	vst v63  }
0x255: {  	s26 =	sadd.s32 $0x1, s26;
	s2 =	smov.u32 s31;
	v1 =	vld.msk [tilespmem:s30+$0x0], $0x1  }
0x256: {  	p3 =	seq.s32 s26, $0x0;
	_ =	sdelay $0x3  }
0x257: {  	(v2sf) =	vpush v1, $0x0;
	_ =	sdelay $0xe  }
0x258: {  	s31 =	spop (v2sf)  }
0x259: {  	p2 =	seq.s32 s2, s31  }
0x25a: {  	p4 =	sgt.s32 @!p2 s2, $0x0;
	s1 =	sshll.u32 @!p2 s0, $0x6;
	s0 =	sadd.s32 @!p2 $0x1, s0  }
.Ltmp14:
0x25b: {  	p4 =	por !p4, p2;
	s1 =	sshra.s32 @!p2 s1, $0x2;
	(pc) =	sbr.rel @!p3 .LBB2_14-.Ltmp14, $4  }
0x25c: {  	s0 =	smov.u32 @p2 s4;
	s2 =	simm.s32 @p4 $0x0;
	s1 =	sadd.s32 @!p2 $0x1B38, s1  }
0x25d: {  	s2 =	smin.u32 @!p2 s2, $0x752FF  }
0x25e: {  	s4 =	sand.u32 @!p2 $0x7FFF8, s2;
	s2 =	sand.u32 @!p2 $0x7, s2  }
0x25f: {  	s30 =	sadd.s32 $0x1, s30;
	s5 =	sadd.s32 @!p2 s3, s4  }
.LBB2_15:
0x260: {  	[tilespmem:s1], [sflag:$0x2] =	stream.linear.gather @!p2 [hbm4b:s5+s2], $0x4, $0x38;
	[tilespmem:$0x1F0F8] =	vst v63  }
0x261: {  	s0 =	sshll.u32 s0, $0x2  }
0x262: {  	s31 =	simm.s32 $0x2;
	s0 =	sand.u32 $0x3FFFFFFC, s0  }
0x263: {  	_ =	swait.ge [sflag:s31], s0  }
0x264: {  	s0 =	ssub.s32 $0x0, s0;
	[sflag:s31] =	ssyncset.done $0x0  }
0x265: {  	[sflag:s31] =	ssyncadd.s32 s0  }
0x266: {  	v1 =	vld.msk [tilespmem:s22+$0x0], $0x1;
	_ =	sdelay $0x4  }
0x267: {  	(v2sf) =	vpush v1, $0x0;
	_ =	sdelay $0xe  }
0x268: {  	s26 =	spop (v2sf)  }
0x269: {  	p2 =	sne.s32 s28, s26  }
0x26a: {  	p4 =	sne.s32 @p2 s28, s23  }
0x26b: {  	p3 =	por !p4, !p2  }
0x26c: {  	s0 =	sshll.u32 @!p3 s21, $0x6;
	s1 =	simm.s32 @!p3 $0x0  }
0x26d: {  	s0 =	sshra.s32 @!p3 s0, $0x2;
	v1 =	vld.msk @!p3 [tilespmem:s1+$0x1B38], $0xf  }
0x26e: {  	v2 =	vld.msk @!p3 [tilespmem:s0+$0x28], $0xf;
	_ =	sdelay $0x1  }
0x26f: {  	p5 =	sgt.u32 @!p3 s28, $0x752FF  }
0x270: {  	p6 =	por @p2 p5, !p4  }
0x271: {  	p1 =	por p6, !p2;
	p6 =	por p4, !p2  }
0x272: {  	s2 =	sadd.s32 @!p3 $0x28, s0;
	s1 =	sand.u32 @!p1 $0x7FFF8, s28;
	s4 =	sshll.u32 @!p6 s21, $0x6;
	v1 =	vmax.f32 @!p3 v1, v2  }
0x273: {  	s28 =	sand.u32 @!p1 $0x7, s28;
	s1 =	sadd.s32 @!p1 s3, s1;
	[tilespmem:s0+$0x28] =	vst.msk @!p3 $0xf, v1;
	s0 =	sshra.s32 @!p6 s4, $0x2  }
0x274: {  	[hbm4b:s1+s28] =	stream.linear.scatter @!p1 [tilespmem:s2], [sflag:$0xC], $0x4, $0x38;
	[tilespmem:$0x1F0F8] =	vst v63  }
0x275: {  	s5 =	rddreg [dreg:$0x4];
	s0 =	sadd.s32 @!p6 $0x28, s0;
	s1 =	simm.s32 @!p6 $0x1  }
0x276: {  	[spmem:s5] =	stream.linear.scatter @!p6 [tilespmem:s0], [sflag:$0x1], $0x4, $0x38;
	[tilespmem:$0x1F0F8] =	vst v63  }
0x277: {  	s0 =	sadd.s32 @p2 $0x1, s21;
	_ =	swait.ge @!p6 [sflag:s1], $0x4  }
0x278: {  	s2 =	sshrl.u32 @p2 s0, $0x4;
	[sflag:s1] =	ssyncset.done @!p6 $0x0  }
0x279: {  	s2 =	smulhi.u32 @p2 $0x97B425F, s2;
	[sflag:s1] =	ssyncadd.s32 @!p6 $0xFFFFFFFC  }
0x27a: {  	v1 =	vld.msk @p2 [tilespmem:s24+$0x0], $0xf  }
0x27b: {  	s28 =	sadd.s32 $0x1, s29;
	p1 =	por @p2 !p5, !p4;
	s1 =	smul.u32 @p2 $0x1B0, s2  }
0x27c: {  	p1 =	por !p1, !p2;
	p6 =	seq.s32 s28, $0x0  }
.Ltmp15:
0x27d: {  	s2 =	simm.s32 @!p3 $0x0;
	s1 =	ssub.s32 @p2 s0, s1;
	(pc) =	sbr.rel @p6 .LBB2_17-.Ltmp15, $4  }
0x27e: {  	s2 =	simm.s32 @!p1 $0x10;
	s4 =	sshll.u32 @p2 s1, $0x4  }
0x27f: {  	s29 =	simm.s32 $0x0;
	s0 =	sshll.u32 @!p2 s21, $0x6;
	s2 =	sadd.s32 @!p3 $0x0, s2;
	[tilespmem:s4+$0x28] =	vst.msk @p2 $0xf, v1  }
0x280: {  	s5 =	simm.s32 @p2 $0x1;
	s2 =	smov.u32 @p3 s25;
	s0 =	sshra.s32 @!p2 s0, $0x2;
	v1 =	vld.msk @!p2 [tilespmem:s24+$0x0], $0xf  }
0x281: {  	s29 =	smov.u32 @p2 s5;
	s21 =	smov.u32 @p2 s1;
	s25 =	smov.u32 @p2 s2;
	v2 =	vld.msk @!p2 [tilespmem:s0+$0x28], $0xf  }
.LBB2_16:
0x282: {  	_ =	sdelay $0x3  }
0x283: {  	v1 =	vmax.f32 @!p2 v1, v2  }
0x284: {  	s22 =	sadd.s32 $0x1, s22;
	[tilespmem:s0+$0x28] =	vst.msk @!p2 $0xf, v1  }
0x285: {  	v1 =	vld.msk [tilespmem:s22+$0x0], $0x1;
	_ =	sdelay $0x4  }
0x286: {  	(v2sf) =	vpush v1, $0x0;
	_ =	sdelay $0xe  }
0x287: {  	s30 =	smov.u32 s26;
	s26 =	spop (v2sf)  }
0x288: {  	p2 =	sne.s32 s30, s26  }
0x289: {  	p5 =	sne.s32 @p2 s30, s23  }
0x28a: {  	s0 =	sadd.s32 @p2 $0x1, s21;
	p4 =	por !p5, !p2  }
0x28b: {  	s31 =	sshll.u32 @!p2 s21, $0x6;
	s2 =	sadd.s32 @p2 $0x1, s29;
	s4 =	sshll.u32 @!p4 s29, $0x6  }
0x28c: {  	s1 =	sshrl.u32 @p2 s0, $0x4;
	s5 =	sshll.u32 @!p4 s21, $0x6;
	s4 =	sshra.s32 @!p4 s4, $0x2  }
0x28d: {  	p1 =	sgt.u32 @!p4 s30, $0x752FF;
	s1 =	smulhi.u32 @p2 $0x97B425F, s1;
	s5 =	sshra.s32 @!p4 s5, $0x2;
	v1 =	vld.msk @!p4 [tilespmem:s4+$0x1B38], $0xf  }
0x28e: {  	s8 =	simm.s32 @!p4 $0x0;
	s29 =	smov.u32 @p2 s2;
	p6 =	por @p2 p1, !p5;
	v2 =	vld.msk @!p4 [tilespmem:s5+$0x28], $0xf  }
0x28f: {  	p1 =	por @p2 !p1, !p5;
	p5 =	por p5, !p2;
	s4 =	sadd.s32 @!p4 $0x28, s5  }
0x290: {  	p6 =	por p6, !p2;
	p1 =	por !p1, !p2;
	s1 =	smul.u32 @p2 $0x1B0, s1  }
0x291: {  	s10 =	sshll.u32 @!p5 s21, $0x6;
	s9 =	sand.u32 @!p6 $0x7FFF8, s30;
	s8 =	simm.s32 @!p1 $0x10  }
0x292: {  	s30 =	sand.u32 @!p6 $0x7, s30;
	s9 =	sadd.s32 @!p6 s3, s9;
	s2 =	sadd.s32 @!p4 s8, s25  }
0x293: {  	s8 =	rddreg [dreg:$0x4];
	s0 =	ssub.s32 @p2 s0, s1;
	s2 =	smov.u32 @p4 s25;
	v1 =	vmax.f32 @!p4 v1, v2  }
0x294: {  	s1 =	sshll.u32 @p2 s0, $0x4;
	s25 =	smov.u32 @p2 s2;
	s2 =	sshra.s32 @!p5 s10, $0x2;
	[tilespmem:s5+$0x28] =	vst.msk @!p4 $0xf, v1  }
0x295: {  	[hbm4b:s9+s30] =	stream.linear.scatter @!p6 [tilespmem:s4], [sflag:$0xC], $0x4, $0x38;
	[tilespmem:$0x1F0F8] =	vst v63  }
0x296: {  	s21 =	smov.u32 @p2 s0;
	s0 =	sadd.s32 @!p5 $0x28, s2;
	s2 =	simm.s32 @!p5 $0x1  }
0x297: {  	[spmem:s8] =	stream.linear.scatter @!p5 [tilespmem:s0], [sflag:$0x1], $0x4, $0x38;
	[tilespmem:$0x1F0F8] =	vst v63  }
0x298: {  	_ =	swait.ge @!p5 [sflag:s2], $0x4  }
0x299: {  	[sflag:s2] =	ssyncset.done @!p5 $0x0  }
0x29a: {  	s24 =	sadd.s32 $0x80, s24;
	[sflag:s2] =	ssyncadd.s32 @!p5 $0xFFFFFFFC  }
0x29b: {  	v1 =	vld.msk @p2 [tilespmem:s24+$0x0], $0xf  }
0x29c: {  	s28 =	sadd.s32 $0x1, s28  }
0x29d: {  	p3 =	seq.s32 s28, $0x0  }
.Ltmp16:
0x29e: {  	_ = 	snop;
	(pc) =	sbr.rel @!p3 .LBB2_16-.Ltmp16, $4  }
0x29f: {  	_ = 	snop  }
0x2a0: {  	[tilespmem:s1+$0x28] =	vst.msk @p2 $0xf, v1  }
0x2a1: {  	s0 =	sshra.s32 @!p2 s31, $0x2;
	v1 =	vld.msk @!p2 [tilespmem:s24+$0x0], $0xf  }
0x2a2: {  	v2 =	vld.msk @!p2 [tilespmem:s0+$0x28], $0xf  }
.LBB2_17:
0x2a3: {  	_ = 	snop  }
.Ltmp17:
0x2a4: {  	_ = 	snop;
	(pc) =	sbr.rel .LBB2_19-.Ltmp17, $3  }
0x2a5: {  	s1 =	sld [smem:$0x7FD];
	_ =	sdelay $0x1  }
0x2a6: {  	v1 =	vmax.f32 @!p2 v1, v2  }
0x2a7: {  	s28 =	smov.u32 s26;
	p4 =	seq.s32 s1, $0x1;
	[tilespmem:s0+$0x28] =	vst.msk @!p2 $0xf, v1;
	s0 =	sshrl.u32 s25, $0x2  }
.LBB2_21:
0x2a8: {  	_ =	sfence.sel $0x180000  }
0x2a9: {  	s0 =	simm.s32 $0x9;
	[bflag:$0x0] =	sbarrier.arrive $0xFFFF  }
0x2aa: {  	s24 =	simm.s32 $0xA;
	[sflag:s0] =	ssyncpa.u1 $0x1  }
0x2ab: {  	s25 =	simm.s32 $0xB;
	[sflag:s24] =	ssyncpa.u1 $0x1  }
0x2ac: {  	s26 =	simm.s32 $0x2;
	[sflag:s25] =	ssyncpa.u1 $0x1  }
0x2ad: {  	[sflag:s26] =	ssyncpa.u1 $0x1  }
0x2ae: {  	v0 =	vld [tilespmem:$0x3648];
	_ =	sdelay $0x4  }
0x2af: {  	(v2sf) =	vpush v0, $0x0  }
0x2b0: {  	(v2sf) =	vpush v0, $0x1;
	_ =	sdelay $0x1  }
0x2b1: {  	(v2sf) =	vpush v0, $0x2;
	_ =	sdelay $0xb  }
0x2b2: {  	s0 =	spop (v2sf)  }
0x2b3: {  	s1 =	spop (v2sf)  }
0x2b4: {  	s2 =	smov.u32 s0;
	p0 =	sne.s32 s0, s1  }
0x2b5: {  	s4 =	spop (v2sf);
	s2 =	simm.s32 @!p0 $0xFFFFFFFF  }
0x2b6: {  	v2 =	vimm.s32 $0x1;
	v3 =	vlaneseq.u32;
	p0 =	seq.s32 s4, $0xFFFFFFFF;
	v1 =	vmov s2  }
0x2b7: {  	s16 =	stileid.u32;
	v0 =	vperm.xlane v0, v2;
	p1 =	sne.s32 @!p0 s0, s1;
	v1 =	vperm.xlane v1, v3  }
0x2b8: {  	vm0 =	vcmask $0x3F04;
	s6 =	simm.s32 $0x3648;
	s0 =	simm.s32 @!p0 $0x1;
	p1 =	por !p1, p0  }
0x2b9: {  	s2 =	sshll.u32 s16, $0x1;
	s1 =	sshll.u32 @!p0 s4, $0x6;
	s0 =	simm.s32 @p1 $0x0;
	v0 =	vsel vm0, v1, v0  }
0x2ba: {  	s5 =	sor.u32 $0x200, s2;
	s1 =	sshra.s32 @!p0 s1, $0x2;
	s0 =	sor.u32 @!p0 s0, s2;
	[tilespmem:$0x3648] =	vst v0  }
0x2bb: {  	[spmem:s5] =	stream.linear.scatter [tilespmem:s6], [sflag:$0x1], $0x2, $0x38;
	[tilespmem:$0x1F0F8] =	vst v63  }
0x2bc: {  	s1 =	sadd.s32 @!p0 $0x28, s1;
	s0 =	sshll.u32 @!p0 s0, $0x4  }
0x2bd: {  	[spmem:s0] =	stream.linear.scatter @!p0 [tilespmem:s1], [sflag:$0x1], $0x10, $0x38;
	[tilespmem:$0x1F0F8] =	vst v63  }
0x2be: {  	s0 =	simm.s32 @!p0 $0x12  }
0x2bf: {  	s28 =	simm.s32 $0x1;
	s0 =	simm.s32 @p0 $0x2  }
0x2c0: {  	_ =	swait.ge [sflag:s28], s0  }
0x2c1: {  	s0 =	ssub.s32 $0x0, s0;
	[sflag:s28] =	ssyncset.done $0x0  }
0x2c2: {  	p0 =	sne.s32 s16, $0x0;
	[sflag:s28] =	ssyncadd.s32 s0  }
.Ltmp18:
0x2c3: {  	_ =	sfence.stream.spmem;
	(pc) =	sbr.rel @p0 .LBB2_38-.Ltmp18, $4  }
0x2c4: {  	s29 =	simm.s32 $0x3;
	[bflag:$0x0] =	sbarrier.arrive $0xFFFF  }
0x2c5: {  	s30 =	simm.s32 $0x4;
	[sflag:s29] =	ssyncpa.u1 $0x1  }
0x2c6: {  	s31 =	simm.s32 $0x3C;
	[sflag:s30] =	ssyncpa.u1 $0x1  }
0x2c7: {  	s17 =	rddreg [dreg:$0x5];
	[sflag:s31] =	ssyncpa.u1 $0x1  }
0x2c8: {  	_ =	sfence.stream.spmem;
	s0 =	simm.s32 $0x5  }
0x2c9: {  	s1 =	simm.s32 $0x200;
	s2 =	simm.s32 $0x3658;
	[sflag:s0] =	ssyncpa.u1 $0x0  }
0x2ca: {  	[tilespmem:s2], [sflag:$0x5] =	stream.linear.gather [spmem:s1], $0x20, $0x38;
	[tilespmem:$0x1F0F8] =	vst v63  }
0x2cb: {  	s26 =	simm.s32 $0x0;
	s28 =	simm.s32 $0x3678  }
0x2cc: {  	[tilespmem:s28], [sflag:$0x5] =	stream.linear.gather [spmem:s26], $0x200, $0x38;
	[tilespmem:$0x1F0F8] =	vst v63  }
0x2cd: {  	_ =	swait.ge [sflag:s0], $0x220  }
0x2ce: {  	[sflag:s0] =	ssyncset.done $0x0  }
0x2cf: {  	s29 =	simm.s32 $0x0;
	[sflag:s0] =	ssyncadd.s32 $0xFFFFFDE0  }
0x2d0: {  	v0 =	vld.msk [tilespmem:s29+$0x3658], $0x1;
	_ =	sdelay $0x1  }
0x2d1: {  	s30 =	simm.s32 $0x1  }
0x2d2: {  	v1 =	vld.msk [tilespmem:s30+$0x3658], $0x1;
	_ =	sdelay $0x1  }
0x2d3: {  	(v2sf) =	vpush v0, $0x0;
	_ =	sdelay $0x2  }
0x2d4: {  	(v2sf) =	vpush v1, $0x0;
	_ =	sdelay $0x2  }
0x2d5: {  	s31 =	simm.s32 $0x2  }
0x2d6: {  	v0 =	vld.msk [tilespmem:s31+$0x3658], $0x1;
	_ =	sdelay $0x2  }
0x2d7: {  	s6 =	simm.s32 $0xFFFFFFFF;
	s1 =	simm.s32 $0xFFFFFFFF;
	s0 =	simm.s32 $0xC  }
.LBB2_23:
0x2d8: {  	s2 =	smov.u32 s6;
	s4 =	smov.u32 s1  }
0x2d9: {  	s1 =	sshra.s32 s0, $0x2;
	p1 =	sne.s32 s0, $0x7C;
	s0 =	sadd.s32 $0x4, s0;
	(v2sf) =	vpush v0, $0x0  }
0x2da: {  	v0 =	vld.msk [tilespmem:s1+$0x3658], $0x1  }
.Ltmp19:
0x2db: {  	(pc) =	sbr.rel @p1 .LBB2_23-.Ltmp19, $4  }
0x2dc: {  	s6 =	spop (v2sf)  }
0x2dd: {  	p2 =	sne.s32 s4, $0xFFFFFFFF;
	s1 =	smov.u32 s6  }
0x2de: {  	p3 =	seq.s32 s6, $0xFFFFFFFF;
	s1 =	smov.u32 @p2 s4  }
0x2df: {  	s6 =	smov.u32 @p3 s2;
	s1 =	smov.u32 @p3 s4  }
0x2e0: {  	(v2sf) =	vpush v0, $0x0;
	_ =	sdelay $0x8  }
0x2e1: {  	s0 =	spop (v2sf)  }
0x2e2: {  	p1 =	sne.s32 s1, $0xFFFFFFFF;
	s2 =	smov.u32 s0  }
0x2e3: {  	s9 =	simm.s32 $0x6;
	p2 =	seq.s32 s0, $0xFFFFFFFF;
	s2 =	smov.u32 @p1 s1  }
0x2e4: {  	s10 =	simm.s32 $0x3638;
	s2 =	smov.u32 @p2 s1;
	s1 =	spop (v2sf)  }
0x2e5: {  	s0 =	smov.u32 @p2 s6;
	p1 =	sne.s32 s2, $0xFFFFFFFF;
	s4 =	smov.u32 s1  }
.Ltmp20:
0x2e6: {  	p2 =	seq.s32 s1, $0xFFFFFFFF;
	s4 =	smov.u32 @p1 s2;
	(pc) =	sbr.rel .LBB2_25-.Ltmp20, $4  }
0x2e7: {  	s11 =	simm.s32 $0x0;
	s4 =	smov.u32 @p2 s2;
	s7 =	spop (v2sf)  }
0x2e8: {  	[sflag:s9] =	ssyncpa.u1 $0x0;
	p1 =	sne.s32 s4, $0xFFFFFFFF;
	s8 =	smov.u32 s7  }
0x2e9: {  	s1 =	smov.u32 @p2 s0;
	p2 =	seq.s32 s7, $0xFFFFFFFF;
	s8 =	smov.u32 @p1 s4  }
0x2ea: {  	s6 =	simm.s32 $0x0;
	s7 =	smov.u32 @p2 s1;
	s8 =	smov.u32 @p2 s4  }
.LBB2_30:
0x2eb: {  	p1 =	sgt.u32 s12, $0x752FF  }
0x2ec: {  	p2 =	seq.s32 @!p1 s12, s8  }
0x2ed: {  	p1 =	por p1, p2  }
0x2ee: {  	p2 =	sne.s32 @!p1 s12, s7  }
0x2ef: {  	p1 =	por p1, !p2  }
0x2f0: {  	s0 =	sshll.u32 @p1 s11, $0x6  }
0x2f1: {  	s0 =	sand.u32 @!p1 $0x7FFF8, s12  }
0x2f2: {  	s1 =	sand.u32 @!p1 $0x7, s12;
	s0 =	sadd.s32 @!p1 s3, s0  }
0x2f3: {  	[tilespmem:s10], [sflag:$0x6] =	stream.linear.gather @!p1 [hbm4b:s0+s1], $0x4, $0x38;
	[tilespmem:$0x1F0F8] =	vst v63  }
0x2f4: {  	_ =	swait.ge @!p1 [sflag:s9], $0x4  }
0x2f5: {  	[sflag:s9] =	ssyncset.done @!p1 $0x0  }
0x2f6: {  	s0 =	sshll.u32 @!p1 s11, $0x6;
	[sflag:s9] =	ssyncadd.s32 @!p1 $0xFFFFFFFC  }
0x2f7: {  	s1 =	sshrl.u32 @!p1 s0, $0x2;
	v1 =	vld @!p1 [tilespmem:$0x3638]  }
0x2f8: {  	v2 =	vld @!p1 [tilespmem:s1+$0x3678];
	_ =	sdelay $0x4  }
0x2f9: {  	v1 =	vmax.f32 @!p1 v1, v2  }
0x2fa: {  	[tilespmem:s1+$0x3678] =	vst @!p1 v1  }
0x2fb: {  	s0 =	sshrl.u32 s0, $0x2;
	[tilespmem:s6+$0x3658] =	vst.msk $0x1, v0  }
0x2fc: {  	v0 =	vld [tilespmem:s0+$0x3678];
	_ =	sdelay $0x2  }
0x2fd: {  	s31 =	sshll.u32 s6, $0x6  }
0x2fe: {  	s0 =	sshra.s32 s31, $0x2  }
0x2ff: {  	s6 =	sadd.s32 $0x1, s6;
	[tilespmem:s0+$0x3678] =	vst v0  }
.LBB2_32:
0x300: {  	s11 =	sadd.s32 $0x1, s11  }
0x301: {  	p1 =	sne.s32 s11, $0x20  }
.Ltmp21:
0x302: {  	_ = 	snop;
	(pc) =	sbr.rel @!p1 .LBB2_33-.Ltmp21, $1  }
0x303: {  	_ =	sdelay $0x3  }
.LBB2_25:
0x304: {  	v0 =	vld.msk [tilespmem:s11+$0x3658], $0x1;
	_ =	sdelay $0x4  }
0x305: {  	(v2sf) =	vpush v0, $0x0;
	_ =	sdelay $0xe  }
0x306: {  	s12 =	spop (v2sf)  }
0x307: {  	p1 =	seq.s32 s12, $0xFFFFFFFF  }
.Ltmp22:
0x308: {  	_ = 	snop;
	(pc) =	sbr.rel @p1 .LBB2_32-.Ltmp22, $1  }
0x309: {  	_ =	sdelay $0x3  }
0x30a: {  	p1 =	slt.s32 s6, $0x1  }
.Ltmp23:
0x30b: {  	_ = 	snop;
	(pc) =	sbr.rel @p1 .LBB2_30-.Ltmp23, $1  }
0x30c: {  	_ =	sdelay $0x3  }
0x30d: {  	s13 =	simm.s32 $0x3658;
	p1 =	por $0x0, $0x0  }
0x30e: {  	v1 =	vld.msk @!p1 [tilespmem:s13+$0x0], $0x1;
	_ =	sdelay $0x4  }
0x30f: {  	(v2sf) =	vpush @!p1 v1, $0x0;
	_ =	sdelay $0xd  }
0x310: {  	p3 =	sne.s32 s6, $0x1  }
.Ltmp24:
0x311: {  	s0 =	spop @!p1 (v2sf);
	(pc) =	sbr.rel @!p3 .LBB2_29-.Ltmp24, $4  }
0x312: {  	p2 =	seq.s32 @!p1 s12, s0  }
0x313: {  	s14 =	simm.s32 $0x0;
	p2 =	por !p2, p1  }
0x314: {  	s0 =	simm.s32 $0xFFFFFFFF;
	s14 =	simm.s32 @p2 $0xFFFFFFFF  }
0x315: {  	s15 =	simm.s32 $0x1;
	s14 =	smov.u32 @p1 s0  }
.LBB2_28:
0x316: {  	s0 =	smov.u32 s14;
	p1 =	sne.s32 s14, $0xFFFFFFFF  }
0x317: {  	s13 =	sadd.s32 $0x1, s13;
	s14 =	smov.u32 s15;
	s15 =	sadd.s32 $0x1, s15  }
0x318: {  	p2 =	sne.s32 s6, s15;
	v1 =	vld.msk @!p1 [tilespmem:s13+$0x0], $0x1;
	_ =	sdelay $0x4  }
0x319: {  	(v2sf) =	vpush @!p1 v1, $0x0;
	_ =	sdelay $0xe  }
.Ltmp25:
0x31a: {  	s1 =	spop @!p1 (v2sf);
	(pc) =	sbr.rel @p2 .LBB2_28-.Ltmp25, $4  }
0x31b: {  	p3 =	seq.s32 @!p1 s12, s1  }
0x31c: {  	p3 =	por !p3, p1  }
0x31d: {  	s14 =	simm.s32 @p3 $0xFFFFFFFF  }
0x31e: {  	s14 =	smov.u32 @p1 s0  }
.LBB2_29:
0x31f: {  	p1 =	sne.s32 s14, $0xFFFFFFFF  }
.Ltmp26:
0x320: {  	_ = 	snop;
	(pc) =	sbr.rel @!p1 .LBB2_30-.Ltmp26, $1  }
0x321: {  	_ =	sdelay $0x3  }
0x322: {  	s0 =	sshll.u32 s11, $0x4  }
0x323: {  	s1 =	sshll.u32 s14, $0x6;
	s0 =	sand.u32 $0x3FFFFFF0, s0  }
0x324: {  	s31 =	sshra.s32 s1, $0x2;
	v0 =	vld [tilespmem:s0+$0x3678]  }
0x325: {  	v1 =	vld [tilespmem:s31+$0x3678];
	_ =	sdelay $0x1  }
.Ltmp27:
0x326: {  	_ = 	snop;
	(pc) =	sbr.rel .LBB2_32-.Ltmp27, $3  }
0x327: {  	_ =	sdelay $0x1  }
0x328: {  	v0 =	vmax.f32 v0, v1  }
0x329: {  	[tilespmem:s31+$0x3678] =	vst v0  }
.LBB2_33:
0x32a: {  	s0 =	simm.s32 $0x6;
	p1 =	seq.s32 s6, $0x0  }
0x32b: {  	[sflag:s0] =	ssyncpa.u1 $0x1;
	v0 =	vimm.s32 @p1 $0xFFFFFFFF  }
0x32c: {  	s9 =	sadd.s32 $0xFFFFFFFF, s6;
	[tilespmem:$0x3878] =	vst @p1 v0  }
0x32d: {  	v0 =	vld.msk @!p1 [tilespmem:s9+$0x3658], $0x1;
	_ =	sdelay $0x1  }
0x32e: {  	v1 =	vld.msk @!p1 [tilespmem:$0x3658], $0x1;
	_ =	sdelay $0x2  }
0x32f: {  	p2 =	seq.s32 @!p1 s9, $0x0;
	v0 =	vbroadcast @!p1 v0, $0x0  }
0x330: {  	vm0 =	vmmov @!p1 $0x1;
	p2 =	por !p2, p1  }
0x331: {  	v1 =	vnsel @!p1 vm0, $0xFFFFFFFF, v1;
	vm0 =	vcmask @!p1 $0x308;
	v0 =	vpsel !p2, $0xFFFFFFFF, v0  }
0x332: {  	p2 =	sne.s32 @!p1 s8, s7;
	v0 =	vsel @!p1 vm0, v1, v0  }
0x333: {  	s0 =	simm.s32 @!p1 $0x3678;
	s1 =	simm.s32 @!p1 $0x0;
	p3 =	por !p2, p1;
	[tilespmem:$0x3878] =	vst @!p1 v0  }
0x334: {  	[spmem:s1] =	stream.linear.scatter @!p1 [tilespmem:s0], [sflag:$0x1], $0x10, $0x38;
	[tilespmem:$0x1F0F8] =	vst v63  }
0x335: {  	s0 =	sshll.u32 @!p3 s9, $0x6  }
0x336: {  	s0 =	sshra.s32 @!p3 s0, $0x2  }
0x337: {  	s1 =	simm.s32 @!p3 $0x10;
	s0 =	sadd.s32 @!p3 $0x3678, s0  }
0x338: {  	[spmem:s1] =	stream.linear.scatter @!p3 [tilespmem:s0], [sflag:$0x1], $0x10, $0x38;
	[tilespmem:$0x1F0F8] =	vst v63  }
0x339: {  	s0 =	simm.s32 @!p3 $0x1  }
0x33a: {  	_ =	swait.ge @!p3 [sflag:s0], $0x20  }
0x33b: {  	p1 =	por p2, p1;
	[sflag:s0] =	ssyncset.done @!p3 $0x0  }
0x33c: {  	[sflag:s0] =	ssyncadd.s32 @!p3 $0xFFFFFFE0;
	s0 =	simm.s32 @!p1 $0x1  }
0x33d: {  	_ =	swait.ge @!p1 [sflag:s0], $0x10  }
0x33e: {  	s29 =	simm.s32 $0x3878;
	[sflag:s0] =	ssyncset.done @!p1 $0x0  }
0x33f: {  	s30 =	simm.s32 $0x200;
	s31 =	simm.s32 $0x1;
	[sflag:s0] =	ssyncadd.s32 @!p1 $0xFFFFFFF0  }
0x340: {  	[spmem:s30] =	stream.linear.scatter [tilespmem:s29], [sflag:$0x1], $0x10, $0x38;
	[tilespmem:$0x1F0F8] =	vst v63  }
0x341: {  	_ =	swait.ge [sflag:s31], $0x10  }
0x342: {  	[sflag:s31] =	ssyncset.done $0x0  }
0x343: {  	p1 =	seq.s32 s17, $0x0;
	s8 =	rddreg [dreg:$0x1];
	[sflag:s31] =	ssyncadd.s32 $0xFFFFFFF0  }
0x344: {  	s1 =	sshll.u32 @p1 s8, $0xE;
	s7 =	rddreg [dreg:$0x2]  }
0x345: {  	s0 =	sadd.s32 @p1 $0x15C3C, s1;
	s1 =	sshll.u32 @p1 s7, $0x11  }
0x346: {  	_ =	sfence.stream.spmem;
	s0 =	sor.u32 @p1 s1, s0  }
0x347: {  	[sflag:s0] =	ssyncadd.remote.s32 @p1 $0x1;
	s0 =	simm.s32 @p1 $0x4  }
0x348: {  	s2 =	simm.s32 @!p1 $0x3C;
	s1 =	sand.u32 $0xFFFFFFFE, s8;
	_ =	swait.ge @p1 [sflag:s0], $0x6  }
0x349: {  	s4 =	simm.s32 @!p1 $0x0;
	s1 =	sadd.s32 @!p1 $0x4, s1;
	[sflag:s0] =	ssyncset.done @p1 $0x0  }
0x34a: {  	s5 =	simm.s32 @!p1 $0x20;
	[sflag:s0] =	ssyncadd.s32 @p1 $0xFFFFFFFA;
	s0 =	sshll.u32 @!p1 s1, $0x1A  }
0x34b: {  	s1 =	sshll.u32 @!p1 s1, $0xD;
	s0 =	sor.u32 @!p1 s0, s7;
	_ =	swait.eq @!p1 [sflag:s2], $0x1  }
0x34c: {  	s1 =	sor.u32 @!p1 $0x1C04, s1;
	s2 =	simm.s32 @!p1 $0x1C03;
	s0 =	sor.u32 @!p1 $0x80004000, s0  }
0x34d: {  	[spmem:s5], [sflag:s1] =	dma.general @!p1 [spmem:s4], [sflag:s2], length:$0x4, [dreg:$0x0], stride_count:$0x0, ici_dest:s0, dma_misc:DstOpCode:WRITE  }
0x34e: {  	p2 =	slt.s32 s9, $0x2;
	s4 =	simm.s32 @!p1 $0x40;
	s5 =	simm.s32 @!p1 $0x42  }
0x34f: {  	[spmem:s5], [sflag:s1] =	dma.general @!p1 [spmem:s4], [sflag:s2], length:$0x2, [dreg:$0x0], stride_count:$0x0, ici_dest:s0, dma_misc:DstOpCode:WRITE  }
.Ltmp28:
0x350: {  	s0 =	simm.s32 @!p1 $0x3;
	(pc) =	sbr.rel @p2 .LBB2_37-.Ltmp28, $4  }
0x351: {  	s1 =	sshll.u32 @!p1 s8, $0xE;
	_ =	swait.ge @!p1 [sflag:s0], $0x6  }
0x352: {  	s2 =	sshll.u32 @!p1 s7, $0x11;
	s1 =	sadd.s32 @!p1 $0x11C3C, s1;
	[sflag:s0] =	ssyncset.done @!p1 $0x0  }
0x353: {  	[sflag:s0] =	ssyncadd.s32 @!p1 $0xFFFFFFFA;
	s0 =	sor.u32 @!p1 s2, s1  }
0x354: {  	[sflag:s0] =	ssyncadd.remote.s32 @!p1 $0xFFFFFFFF;
	s0 =	simm.s32 $0x0  }
0x355: {  	s0 =	simm.s32 $0x3659  }
0x356: {  	v0 =	vld.msk [tilespmem:s0+$0x0], $0x1;
	_ =	sdelay $0x4  }
0x357: {  	(v2sf) =	vpush v0, $0x0;
	_ =	sdelay $0xd  }
0x358: {  	s2 =	sadd.s32 $0xFFFFFFFE, s6  }
0x359: {  	s2 =	sadd.s32 $0xFFFFFFFF, s2;
	s0 =	spop (v2sf)  }
0x35a: {  	p2 =	sne.s32 s2, $0x0;
	p1 =	sgt.u32 s0, $0x752FF  }
.Ltmp29:
0x35b: {  	s4 =	sand.u32 @!p1 $0x7FFF8, s0;
	(pc) =	sbr.rel @!p2 .LBB2_36-.Ltmp29, $4  }
0x35c: {  	s1 =	simm.s32 $0x3688;
	s0 =	sand.u32 @!p1 $0x7, s0;
	s4 =	sadd.s32 @!p1 s3, s4  }
0x35d: {  	[hbm4b:s4+s0] =	stream.linear.scatter @!p1 [tilespmem:s1], [sflag:$0x5], $0x4, $0x38;
	[tilespmem:$0x1F0F8] =	vst v63  }
0x35e: {  	s0 =	simm.s32 $0x0  }
0x35f: {  	s6 =	simm.s32 $0x0;
	s7 =	simm.s32 $0x365A;
	s0 =	simm.s32 @!p1 $0x10  }
.LBB2_35:
0x360: {  	v0 =	vld.msk [tilespmem:s7+$0x0], $0x1;
	s2 =	sadd.s32 $0xFFFFFFFF, s2;
	s6 =	sadd.s32 s6, s0  }
0x361: {  	p1 =	sne.s32 s2, $0x0;
	_ =	sdelay $0x3  }
0x362: {  	(v2sf) =	vpush v0, $0x0;
	_ =	sdelay $0xe  }
.Ltmp30:
0x363: {  	s4 =	spop (v2sf);
	(pc) =	sbr.rel @p1 .LBB2_35-.Ltmp30, $4  }
0x364: {  	s0 =	simm.s32 $0x0;
	p2 =	sgt.u32 s4, $0x752FF  }
0x365: {  	s1 =	sadd.s32 $0x10, s1;
	s0 =	simm.s32 @!p2 $0x10;
	s5 =	sand.u32 @!p2 $0x7FFF8, s4  }
0x366: {  	s7 =	sadd.s32 $0x1, s7;
	s4 =	sand.u32 @!p2 $0x7, s4;
	s5 =	sadd.s32 @!p2 s3, s5  }
0x367: {  	[hbm4b:s5+s4] =	stream.linear.scatter @!p2 [tilespmem:s1], [sflag:$0x5], $0x4, $0x38;
	[tilespmem:$0x1F0F8] =	vst v63  }
.LBB2_36:
0x368: {  	s0 =	sadd.s32 s6, s0  }
0x369: {  	s0 =	sshrl.u32 s0, $0x2  }
.LBB2_37:
0x36a: {  	s1 =	simm.s32 $0x5  }
0x36b: {  	_ =	swait.ge [sflag:s1], s0  }
0x36c: {  	s31 =	ssub.s32 $0x0, s0;
	[sflag:s1] =	ssyncset.done $0x0  }
0x36d: {  	[sflag:s1] =	ssyncadd.s32 s31  }
0x36e: {  	[sflag:s1] =	ssyncpa.u1 $0x1  }
.LBB2_38:
0x36f: {  	s0 =	sor.u32 s17, s16  }
0x370: {  	p1 =	sne.s32 s0, $0x0  }
.Ltmp31:
0x371: {  	_ = 	snop;
	(pc) =	sbr.rel @p1 .LBB2_53-.Ltmp31, $3  }
0x372: {  	_ =	sdelay $0x1  }
0x373: {  	[bflag:$0x0] =	sbarrier.arrive $0xFFFF  }
0x374: {  	_ =	sfence  }
0x375: {  	s0 =	simm.s32 $0x7  }
0x376: {  	s1 =	simm.s32 $0x200;
	s2 =	simm.s32 $0x3658;
	[sflag:s0] =	ssyncpa.u1 $0x0  }
0x377: {  	[tilespmem:s2], [sflag:$0x7] =	stream.linear.gather [spmem:s1], $0x20, $0x38;
	[tilespmem:$0x1F0F8] =	vst v63  }
0x378: {  	s30 =	simm.s32 $0x3678;
	s1 =	simm.s32 $0x0  }
0x379: {  	[tilespmem:s30], [sflag:$0x7] =	stream.linear.gather [spmem:s1], $0x200, $0x38;
	[tilespmem:$0x1F0F8] =	vst v63  }
.Ltmp32:
0x37a: {  	_ = 	snop;
	(pc) =	sbr.rel .LBB2_40-.Ltmp32, $4  }
0x37b: {  	_ =	swait.ge [sflag:s0], $0x220  }
0x37c: {  	[sflag:s0] =	ssyncset.done $0x0  }
0x37d: {  	s31 =	simm.s32 $0x8;
	[sflag:s0] =	ssyncadd.s32 $0xFFFFFDE0  }
0x37e: {  	s2 =	simm.s32 $0x0;
	[sflag:s31] =	ssyncpa.u1 $0x0  }
.LBB2_45:
0x37f: {  	p1 =	slt.u32 s4, $0x75300  }
0x380: {  	s0 =	sand.u32 @p1 $0x7FFF8, s4  }
0x381: {  	s4 =	sand.u32 @p1 $0x7, s4;
	s5 =	simm.s32 @p1 $0x3638;
	s0 =	sadd.s32 @p1 s3, s0  }
0x382: {  	[tilespmem:s5], [sflag:$0x8] =	stream.linear.gather @p1 [hbm4b:s0+s4], $0x4, $0x38;
	[tilespmem:$0x1F0F8] =	vst v63  }
0x383: {  	s0 =	simm.s32 @p1 $0x8  }
0x384: {  	_ =	swait.ge @p1 [sflag:s0], $0x4  }
0x385: {  	[sflag:s0] =	ssyncset.done @p1 $0x0  }
0x386: {  	[sflag:s0] =	ssyncadd.s32 @p1 $0xFFFFFFFC;
	s0 =	sshll.u32 @p1 s2, $0x6  }
0x387: {  	v1 =	vld @p1 [tilespmem:$0x3638];
	s4 =	sshrl.u32 @p1 s0, $0x2  }
0x388: {  	v2 =	vld @p1 [tilespmem:s4+$0x3678];
	_ =	sdelay $0x4  }
0x389: {  	s5 =	sshll.u32 @!p1 s2, $0x6;
	v1 =	vmax.f32 @p1 v1, v2  }
0x38a: {  	s5 =	smov.u32 @p1 s0;
	[tilespmem:s4+$0x3678] =	vst @p1 v1  }
0x38b: {  	s0 =	sshrl.u32 s5, $0x2;
	[tilespmem:s1+$0x3658] =	vst.msk $0x1, v0  }
0x38c: {  	v0 =	vld [tilespmem:s0+$0x3678];
	_ =	sdelay $0x2  }
0x38d: {  	s31 =	sshll.u32 s1, $0x6  }
0x38e: {  	s0 =	sshra.s32 s31, $0x2  }
0x38f: {  	s1 =	sadd.s32 $0x1, s1;
	[tilespmem:s0+$0x3678] =	vst v0  }
.LBB2_47:
0x390: {  	s2 =	sadd.s32 $0x1, s2  }
0x391: {  	p1 =	sne.s32 s2, $0x20  }
.Ltmp33:
0x392: {  	_ = 	snop;
	(pc) =	sbr.rel @!p1 .LBB2_48-.Ltmp33, $1  }
0x393: {  	_ =	sdelay $0x3  }
.LBB2_40:
0x394: {  	v0 =	vld.msk [tilespmem:s2+$0x3658], $0x1;
	_ =	sdelay $0x4  }
0x395: {  	(v2sf) =	vpush v0, $0x0;
	_ =	sdelay $0xe  }
0x396: {  	s4 =	spop (v2sf)  }
0x397: {  	p1 =	seq.s32 s4, $0xFFFFFFFF  }
.Ltmp34:
0x398: {  	_ = 	snop;
	(pc) =	sbr.rel @p1 .LBB2_47-.Ltmp34, $1  }
0x399: {  	_ =	sdelay $0x3  }
0x39a: {  	p1 =	slt.s32 s1, $0x1  }
.Ltmp35:
0x39b: {  	_ = 	snop;
	(pc) =	sbr.rel @p1 .LBB2_45-.Ltmp35, $1  }
0x39c: {  	_ =	sdelay $0x3  }
0x39d: {  	s5 =	simm.s32 $0x3658;
	p1 =	por $0x0, $0x0  }
0x39e: {  	v1 =	vld.msk @!p1 [tilespmem:s5+$0x0], $0x1;
	_ =	sdelay $0x4  }
0x39f: {  	(v2sf) =	vpush @!p1 v1, $0x0;
	_ =	sdelay $0xd  }
0x3a0: {  	p3 =	sne.s32 s1, $0x1  }
.Ltmp36:
0x3a1: {  	s0 =	spop @!p1 (v2sf);
	(pc) =	sbr.rel @!p3 .LBB2_44-.Ltmp36, $4  }
0x3a2: {  	p2 =	seq.s32 @!p1 s4, s0  }
0x3a3: {  	s6 =	simm.s32 $0x0;
	p2 =	por !p2, p1  }
0x3a4: {  	s0 =	simm.s32 $0xFFFFFFFF;
	s6 =	simm.s32 @p2 $0xFFFFFFFF  }
0x3a5: {  	s7 =	simm.s32 $0x1;
	s6 =	smov.u32 @p1 s0  }
.LBB2_43:
0x3a6: {  	s0 =	smov.u32 s6;
	p1 =	sne.s32 s6, $0xFFFFFFFF  }
0x3a7: {  	s5 =	sadd.s32 $0x1, s5;
	s6 =	smov.u32 s7;
	s7 =	sadd.s32 $0x1, s7  }
0x3a8: {  	p2 =	sne.s32 s1, s7;
	v1 =	vld.msk @!p1 [tilespmem:s5+$0x0], $0x1;
	_ =	sdelay $0x4  }
0x3a9: {  	(v2sf) =	vpush @!p1 v1, $0x0;
	_ =	sdelay $0xe  }
.Ltmp37:
0x3aa: {  	s8 =	spop @!p1 (v2sf);
	(pc) =	sbr.rel @p2 .LBB2_43-.Ltmp37, $4  }
0x3ab: {  	p3 =	seq.s32 @!p1 s4, s8  }
0x3ac: {  	p3 =	por !p3, p1  }
0x3ad: {  	s6 =	simm.s32 @p3 $0xFFFFFFFF  }
0x3ae: {  	s6 =	smov.u32 @p1 s0  }
.LBB2_44:
0x3af: {  	p1 =	sne.s32 s6, $0xFFFFFFFF  }
.Ltmp38:
0x3b0: {  	_ = 	snop;
	(pc) =	sbr.rel @!p1 .LBB2_45-.Ltmp38, $1  }
0x3b1: {  	_ =	sdelay $0x3  }
0x3b2: {  	s0 =	sshll.u32 s2, $0x4  }
0x3b3: {  	s4 =	sshll.u32 s6, $0x6;
	s0 =	sand.u32 $0x3FFFFFF0, s0  }
0x3b4: {  	s31 =	sshra.s32 s4, $0x2;
	v0 =	vld [tilespmem:s0+$0x3678]  }
0x3b5: {  	v1 =	vld [tilespmem:s31+$0x3678];
	_ =	sdelay $0x1  }
.Ltmp39:
0x3b6: {  	_ = 	snop;
	(pc) =	sbr.rel .LBB2_47-.Ltmp39, $3  }
0x3b7: {  	_ =	sdelay $0x1  }
0x3b8: {  	v0 =	vmax.f32 v0, v1  }
0x3b9: {  	[tilespmem:s31+$0x3678] =	vst v0  }
.LBB2_48:
0x3ba: {  	p1 =	slt.s32 s1, $0x1  }
.Ltmp40:
0x3bb: {  	_ = 	snop;
	(pc) =	sbr.rel @p1 .LBB2_52-.Ltmp40, $3  }
0x3bc: {  	_ =	sdelay $0x1  }
0x3bd: {  	s0 =	simm.s32 $0x8  }
0x3be: {  	s2 =	simm.s32 $0x0;
	[sflag:s0] =	ssyncpa.u1 $0x1  }
0x3bf: {  	s0 =	simm.s32 $0x3658  }
0x3c0: {  	v0 =	vld.msk [tilespmem:s0+$0x0], $0x1;
	_ =	sdelay $0x4  }
0x3c1: {  	(v2sf) =	vpush v0, $0x0;
	_ =	sdelay $0xe  }
0x3c2: {  	s1 =	sadd.s32 $0xFFFFFFFF, s1;
	s0 =	spop (v2sf)  }
0x3c3: {  	p2 =	sne.s32 s1, $0x0;
	p1 =	sgt.u32 s0, $0x752FF  }
.Ltmp41:
0x3c4: {  	s5 =	sand.u32 @!p1 $0x7FFF8, s0;
	(pc) =	sbr.rel @!p2 .LBB2_51-.Ltmp41, $4  }
0x3c5: {  	s4 =	simm.s32 $0x3678;
	s0 =	sand.u32 @!p1 $0x7, s0;
	s5 =	sadd.s32 @!p1 s3, s5  }
0x3c6: {  	[hbm4b:s5+s0] =	stream.linear.scatter @!p1 [tilespmem:s4], [sflag:$0x7], $0x4, $0x38;
	[tilespmem:$0x1F0F8] =	vst v63  }
0x3c7: {  	s0 =	simm.s32 $0x0  }
0x3c8: {  	s5 =	simm.s32 $0x3659;
	s0 =	simm.s32 @!p1 $0x10  }
.LBB2_50:
0x3c9: {  	v0 =	vld.msk [tilespmem:s5+$0x0], $0x1;
	s1 =	sadd.s32 $0xFFFFFFFF, s1;
	s2 =	sadd.s32 s2, s0  }
0x3ca: {  	p1 =	sne.s32 s1, $0x0;
	_ =	sdelay $0x3  }
0x3cb: {  	(v2sf) =	vpush v0, $0x0;
	_ =	sdelay $0xe  }
.Ltmp42:
0x3cc: {  	s6 =	spop (v2sf);
	(pc) =	sbr.rel @p1 .LBB2_50-.Ltmp42, $4  }
0x3cd: {  	s0 =	simm.s32 $0x0;
	p2 =	sgt.u32 s6, $0x752FF  }
0x3ce: {  	s4 =	sadd.s32 $0x10, s4;
	s0 =	simm.s32 @!p2 $0x10;
	s7 =	sand.u32 @!p2 $0x7FFF8, s6  }
0x3cf: {  	s5 =	sadd.s32 $0x1, s5;
	s6 =	sand.u32 @!p2 $0x7, s6;
	s7 =	sadd.s32 @!p2 s3, s7  }
0x3d0: {  	[hbm4b:s7+s6] =	stream.linear.scatter @!p2 [tilespmem:s4], [sflag:$0x7], $0x4, $0x38;
	[tilespmem:$0x1F0F8] =	vst v63  }
.LBB2_51:
0x3d1: {  	s0 =	sadd.s32 s2, s0  }
0x3d2: {  	s2 =	sshrl.u32 s0, $0x2  }
.LBB2_52:
0x3d3: {  	s0 =	simm.s32 $0x7  }
0x3d4: {  	_ =	swait.ge [sflag:s0], s2  }
0x3d5: {  	s1 =	ssub.s32 $0x0, s2;
	[sflag:s0] =	ssyncset.done $0x0  }
0x3d6: {  	[sflag:s0] =	ssyncadd.s32 s1  }
0x3d7: {  	[sflag:s0] =	ssyncpa.u1 $0x1  }
.LBB2_53:
0x3d8: {  	_ =	sfence;
	s0 =	simm.s32 $0x1  }
0x3d9: {  	[sflag:s0] =	ssyncpa.u1 $0x1  }
0x3da: {  	_ =	strace $0x9000004D  }
0x3db: {  	[bflag:$0x2] =	sbarrier.arrive $0xFFFF  }
0x3dc: {  	s0 =	rddreg [dreg:$0x3]  }
0x3dd: {  	s0 =	sadd.s32 @!p0 $0x100000, s0  }
0x3de: {  	[sflag:s0] =	ssyncadd.tile.s32 @!p0 $0x1;
	_ =	shalt  }
.Lfunc_end2:
_tile_overlayer_lowered:
.L_overlay_start_2:
0x3df: {  	(tag) =	ssettag $0x2  }
0x3e0: {  	s0 =	rddreg [dreg:$0x0];
	s2 =	stileid.u32  }
0x3e1: {  	s1 =	rddreg [dreg:$0x1];
	p0 =	sne.s32 s2, $0x0  }
0x3e2: {  	s3 =	rddreg [dreg:$0x2];
	[bflag:$0x3] =	sbarrier.arrive $0xFFFF;
	s2 =	simm.s32 @!p0 $0x1C01  }
0x3e3: {  	[timem:s3], [sflag:s2] =	dma.local @!p0 [hbm:s0], s1  }
0x3e4: {  	s0 =	simm.s32 @!p0 $0x1  }
0x3e5: {  	_ =	swait.ge @!p0 [sflag:s0], s1  }
0x3e6: {  	s1 =	ssub.s32 @!p0 $0x0, s1;
	[sflag:s0] =	ssyncset.done @!p0 $0x0  }
0x3e7: {  	[sflag:s0] =	ssyncadd.s32 @!p0 s1  }
0x3e8: {  	[bflag:$0x3] =	sbarrier.arrive $0xFFFF  }
0x3e9: {  	_ =	shalt  }

</sc_bundles>
